<compile_context>
chip_gen: v7x
topology: tpu7x:2x2x1
jax: 0.10.2.dev20260603
libtpu: 0.0.44.dev20260713+nightly
codegen_flags: <defaults>
</compile_context>

<pallas_src>
import jax
import jax.numpy as jnp
from jax import lax
from jax.experimental import pallas as pl
from jax.experimental.pallas import tpu as pltpu
from jax.experimental.pallas import tpu_sc as plsc

_LANES = 128
_NEG = -1e30

_S = 2048
_H = 768
_E = 8
_BM = 256
_NB = 23
_NPAD = _NB * _BM
_NCHUNK = 32
_CH = 128
_BS1 = 512
_TOK_W = _S // 32


def _router_body(x_ref, rw_ref, rb_ref, i1_ref, i2_ref, p0_ref, hist_ref):
    logits = jnp.dot(x_ref[...], rw_ref[...],
                     preferred_element_type=jnp.float32) + rb_ref[...]
    lane = jax.lax.broadcasted_iota(jnp.int32, logits.shape, 1)
    m1 = jnp.max(logits, axis=1, keepdims=True)
    i1 = jnp.min(jnp.where(logits == m1, lane, _LANES), axis=1, keepdims=True)
    l2 = jnp.where(lane == i1, _NEG, logits)
    m2 = jnp.max(l2, axis=1, keepdims=True)
    i2 = jnp.min(jnp.where(l2 == m2, lane, _LANES), axis=1, keepdims=True)
    p0 = 1.0 / (1.0 + jnp.exp(m2 - m1))
    i1_ref[...] = i1.reshape(i1_ref.shape)
    i2_ref[...] = i2.reshape(i2_ref.shape)
    p0_ref[...] = p0.reshape(p0_ref.shape)
    m1h = (lane == i1).astype(jnp.int32)
    m2h = (lane == i2).astype(jnp.int32)
    rows = [jnp.sum(m1h[s * _CH:(s + 1) * _CH], axis=0) for s in range(4)]
    rows += [jnp.sum(m2h[s * _CH:(s + 1) * _CH], axis=0) for s in range(4)]
    hist_ref[...] = jnp.stack(rows, axis=0)


def _router(xs, rwp, rbp):
    grid = (_S // _BS1,)
    return pl.pallas_call(
        _router_body,
        grid=grid,
        in_specs=[
            pl.BlockSpec((_BS1, _H), lambda t: (t, 0)),
            pl.BlockSpec((_H, _LANES), lambda t: (0, 0)),
            pl.BlockSpec((1, _LANES), lambda t: (0, 0)),
        ],
        out_specs=[
            pl.BlockSpec((_BS1,), lambda t: (t,)),
            pl.BlockSpec((_BS1,), lambda t: (t,)),
            pl.BlockSpec((_BS1,), lambda t: (t,)),
            pl.BlockSpec((8, _LANES), lambda t: (t, 0)),
        ],
        out_shape=[
            jax.ShapeDtypeStruct((_S,), jnp.int32),
            jax.ShapeDtypeStruct((_S,), jnp.int32),
            jax.ShapeDtypeStruct((_S,), jnp.float32),
            jax.ShapeDtypeStruct((_NCHUNK, _LANES), jnp.int32),
        ],
        compiler_params=pltpu.CompilerParams(
            dimension_semantics=("arbitrary",),
        ),
    )(xs, rwp, rbp)


def _dispatch_body(i1_hbm, i2_hbm, hist_hbm, x_hbm,
                   xsort_hbm, pos_hbm, be_hbm,
                   eid_v, eid2_v, hist_v, pos_v, rows_v, be_v, sem, semx):
    wid = lax.axis_index("s") * 2 + lax.axis_index("c")
    slot = (wid % 8) // 4
    t0 = (wid // 8) * _BS1 + (wid % 4) * _CH
    p0off = slot * _S + t0
    lane = lax.iota(jnp.int32, 16)

    cpx = pltpu.async_copy(x_hbm.at[pl.ds(t0, _CH)], rows_v, semx)
    pltpu.sync_copy(i1_hbm.at[pl.ds(t0, _CH)], eid_v)
    pltpu.sync_copy(i2_hbm.at[pl.ds(t0, _CH)], eid2_v)
    pltpu.sync_copy(hist_hbm, hist_v)

    tot = jnp.zeros((16,), jnp.int32)
    run = jnp.zeros((16,), jnp.int32)
    for c in range(_NCHUNK):
        hrow = hist_v[c, pl.ds(0, 16)]
        tot = tot + hrow
        run = run + jnp.where(c < wid, hrow, 0)
    padded = ((tot + (_BM - 1)) >> 8) << 8
    cum = plsc.cumsum(padded)
    start = cum - padded
    base_vec = start + run

    for j in range(_CH // 16):
        ev = jnp.where(slot == 1, eid2_v[pl.ds(j * 16, 16)],
                       eid_v[pl.ds(j * 16, 16)])
        posj = jnp.zeros((16,), jnp.int32)
        for e in range(_E):
            m = ev == e
            csum = plsc.cumsum(m.astype(jnp.int32))
            sp = jnp.sum(jnp.where(lane == e, base_vec, 0))
            posj = jnp.where(m, sp + csum - 1, posj)
            cnts = plsc.all_reduce_population_count(m)
            base_vec = base_vec + jnp.where(lane == e, cnts, 0)
        pos_v[pl.ds(j * 16, 16)] = posj

    pltpu.sync_copy(pos_v, pos_hbm.at[pl.ds(p0off, _CH)])
    cpx.wait()
    pltpu.async_copy(rows_v, xsort_hbm.at[pos_v], sem).wait()

    @pl.when(wid == 0)
    def _():
        for half in range(2):
            bidx = lane + half * 16
            rowstart = bidx * _BM
            val = jnp.full((16,), -1, jnp.int32)
            for e in range(_E):
                s = jnp.sum(jnp.where(lane == e, start, 0))
                p = jnp.sum(jnp.where(lane == e, padded, 0))
                val = jnp.where((rowstart >= s) & (rowstart < s + p), e, val)
            be_v[pl.ds(half * 16, 16)] = val
        pltpu.sync_copy(be_v, be_hbm)


def _dispatch(i1, i2, hist, xs):
    mesh = plsc.VectorSubcoreMesh(core_axis_name="c", subcore_axis_name="s")
    f = pl.kernel(
        _dispatch_body,
        out_type=[
            jax.ShapeDtypeStruct((_NPAD, _H), jnp.float32),
            jax.ShapeDtypeStruct((2 * _S,), jnp.int32),
            jax.ShapeDtypeStruct((_NCHUNK,), jnp.int32),
        ],
        mesh=mesh,
        scratch_types=[
            pltpu.VMEM((_CH,), jnp.int32),
            pltpu.VMEM((_CH,), jnp.int32),
            pltpu.VMEM((_NCHUNK, _LANES), jnp.int32),
            pltpu.VMEM((_CH,), jnp.int32),
            pltpu.VMEM((_CH, _H), jnp.float32),
            pltpu.VMEM((_NCHUNK,), jnp.int32),
            pltpu.SemaphoreType.DMA,
            pltpu.SemaphoreType.DMA,
        ],
        compiler_params=pltpu.CompilerParams(needs_layout_passes=False),
    )
    return f(i1, i2, hist, xs)


def _ffn_body(be_ref, x_ref, w1_ref, b1_ref, w2_ref, b2_ref, out_ref):
    b = pl.program_id(0)
    g = be_ref[b]

    @pl.when(g >= 0)
    def _():
        xb = x_ref[...].astype(jnp.bfloat16)
        h = jax.nn.gelu(
            jnp.dot(xb, w1_ref[g], preferred_element_type=jnp.float32)
            + b1_ref[g])
        out_ref[...] = (jnp.dot(h.astype(jnp.bfloat16), w2_ref[g],
                                preferred_element_type=jnp.float32)
                        + b2_ref[g])


def _ffn(be, xsort, W1b, b1, W2b, b2):
    grid = (_NB,)
    return pl.pallas_call(
        _ffn_body,
        grid=grid,
        in_specs=[
            pl.BlockSpec(memory_space=pltpu.SMEM),
            pl.BlockSpec((_BM, _H), lambda b: (b, 0)),
            pl.BlockSpec((_E, _H, _H), lambda b: (0, 0, 0)),
            pl.BlockSpec((_E, _H), lambda b: (0, 0)),
            pl.BlockSpec((_E, _H, _H), lambda b: (0, 0, 0)),
            pl.BlockSpec((_E, _H), lambda b: (0, 0)),
        ],
        out_specs=pl.BlockSpec((_BM, _H), lambda b: (b, 0)),
        out_shape=jax.ShapeDtypeStruct((_NPAD, _H), jnp.float32),
        compiler_params=pltpu.CompilerParams(
            dimension_semantics=("arbitrary",),
        ),
    )(be, xsort, W1b, b1, W2b, b2)


def _combine_body(osort_hbm, pos_hbm, p0_hbm, out_hbm,
                  idxa_v, idxb_v, p0_v, bufa_v, bufb_v, sema, semb):
    wid = lax.axis_index("s") * 2 + lax.axis_index("c")
    base = wid * _TOK_W
    pltpu.sync_copy(pos_hbm.at[pl.ds(base, _TOK_W)], idxa_v)
    pltpu.sync_copy(pos_hbm.at[pl.ds(_S + base, _TOK_W)], idxb_v)
    pltpu.sync_copy(p0_hbm.at[pl.ds(base, _TOK_W)], p0_v)
    cpa = pltpu.async_copy(osort_hbm.at[idxa_v], bufa_v, sema)
    cpb = pltpu.async_copy(osort_hbm.at[idxb_v], bufb_v, semb)
    cpa.wait()
    cpb.wait()

    @plsc.parallel_loop(0, _TOK_W, 1, unroll=2)
    def _rows(r):
        wsp = plsc.load_gather(p0_v, [jnp.full((16,), r, jnp.int32)])
        for c in range(_H // 16):
            a = bufa_v[r, pl.ds(c * 16, 16)]
            bb = bufb_v[r, pl.ds(c * 16, 16)]
            bufa_v[r, pl.ds(c * 16, 16)] = (a + bb) * wsp
    pltpu.sync_copy(bufa_v, out_hbm.at[pl.ds(base, _TOK_W)])


def _combine(osort, pos, p0):
    mesh = plsc.VectorSubcoreMesh(core_axis_name="c", subcore_axis_name="s")
    f = pl.kernel(
        _combine_body,
        out_type=jax.ShapeDtypeStruct((_S, _H), jnp.float32),
        mesh=mesh,
        scratch_types=[
            pltpu.VMEM((_TOK_W,), jnp.int32),
            pltpu.VMEM((_TOK_W,), jnp.int32),
            pltpu.VMEM((_TOK_W,), jnp.float32),
            pltpu.VMEM((_TOK_W, _H), jnp.float32),
            pltpu.VMEM((_TOK_W, _H), jnp.float32),
            pltpu.SemaphoreType.DMA,
            pltpu.SemaphoreType.DMA,
        ],
        compiler_params=pltpu.CompilerParams(needs_layout_passes=False),
    )
    return f(osort, pos, p0)


def kernel(x, training, router_W, router_b, W1, b1, W2, b2):
    B, S, H = x.shape
    E = router_W.shape[1]
    xs = x.reshape(S, H)
    rwp = jnp.pad(router_W, ((0, 0), (0, _LANES - E)))
    rbp = jnp.concatenate(
        [router_b, jnp.full((_LANES - E,), _NEG, router_b.dtype)]
    ).reshape(1, _LANES)
    W1b = W1.astype(jnp.bfloat16)
    W2b = W2.astype(jnp.bfloat16)

    i1, i2, p0, hist = _router(xs, rwp, rbp)
    xsort, pos, be = _dispatch(i1, i2, hist, xs)
    osort = _ffn(be, xsort, W1b, b1, W2b, b2)
    out = _combine(osort, pos, p0)
    return out.reshape(B, S, H)

# --- scband reference (transcript-rebuilt; emitter-appended) ---
"""Pipeline reference for scband-mo-elayer-6545530159427 (READ-ONLY COPY).

The authoritative reference and input builder live on the scoring server;
editing this copy changes nothing except your own understanding.
"""

import jax, jax.numpy as jnp
import numpy as np

B, S, H = 1, 2048, 768
E, F = 8, 768

def setup_inputs(seed: int = 0) -> dict:
    key = jax.random.key(seed)
    ks = jax.random.split(key, 8)
    x = jax.random.normal(ks[0], (B, S, H), dtype=jnp.float32)
    router_W = jax.random.normal(ks[1], (H, E), dtype=jnp.float32) / np.sqrt(H)
    router_b = jnp.zeros((E,), dtype=jnp.float32)
    W1 = jax.random.normal(ks[2], (E, H, F), dtype=jnp.float32) / np.sqrt(H)
    b1 = jnp.zeros((E, F), dtype=jnp.float32)
    W2 = jax.random.normal(ks[3], (E, F, H), dtype=jnp.float32) / np.sqrt(F)
    b2 = jnp.zeros((E, H), dtype=jnp.float32)
    return {"x": x, "training": False, "router_W": router_W, "router_b": router_b,
            "W1": W1, "b1": b1, "W2": W2, "b2": b2}

def reference(x, training, router_W, router_b, W1, b1, W2, b2):
    # training=False -> Dropout is deterministic identity (faithful to eval-mode module)
    Bx, Sx, Hx = x.shape
    router_logits = jnp.einsum('bsh,he->bse', x, router_W) + router_b
    router_probs = jax.nn.softmax(router_logits, axis=-1)
    k = 2
    top_k_probs, top_k_indices = jax.lax.top_k(router_probs, k)
    top_k_probs = top_k_probs / jnp.sum(top_k_probs, axis=-1, keepdims=True)
    prob0 = top_k_probs[..., 0]  # module combines with top-1 normalized prob for every expert
    combined = jnp.zeros((Bx, Sx, Hx), dtype=x.dtype)
    num_experts = router_W.shape[1]
    for e in range(num_experts):
        mask = jnp.any(top_k_indices == e, axis=-1)  # [B, S]
        h = jax.nn.gelu(jnp.einsum('bsh,hf->bsf', x, W1[e]) + b1[e])
        out = jnp.einsum('bsf,fh->bsh', h, W2[e]) + b2[e]
        update = jnp.where(mask[..., None], out * prob0[..., None], 0.0)
        combined = combined + update
    return combined

if __name__ == "__main__":
    import jax
    _d = setup_inputs()
    print(jax.jit(kernel)(*tuple(_d.values())))

</pallas_src>

<mosaic_0001>
#map = affine_map<(d0, d1) -> (0, 0)>
#map1 = affine_map<(d0, d1) -> (0)>
module attributes {stable_mosaic.version = 14 : i64} {
  func.func @_combine_body(%arg0: i32, %arg1: i32, %arg2: memref<5888x768xf32, #tpu.memory_space<hbm>>, %arg3: memref<4096xi32, #tpu.memory_space<hbm>>, %arg4: memref<2048xf32, #tpu.memory_space<hbm>>, %arg5: memref<2048x768xf32, #tpu.memory_space<hbm>>, %arg6: memref<64xi32, #tpu.memory_space<vmem>>, %arg7: memref<64xi32, #tpu.memory_space<vmem>>, %arg8: memref<64xf32, #tpu.memory_space<vmem>>, %arg9: memref<64x768xf32, #tpu.memory_space<vmem>>, %arg10: memref<64x768xf32, #tpu.memory_space<vmem>>, %arg11: memref<!tpu.dma_semaphore, #tpu.memory_space<semaphore_mem>>, %arg12: memref<!tpu.dma_semaphore, #tpu.memory_space<semaphore_mem>>) attributes {dimension_semantics = [#tpu.dimension_semantics<core_parallel>, #tpu.dimension_semantics<subcore_parallel>], iteration_bounds = array<i64: 2, 16>, scalar_prefetch = 0 : i64, scratch_operands = 7 : i64, tpu.core_type = #tpu.core_type<sc_vector_subcore>, window_params = [{transform_indices = #map}, {transform_indices = #map1}, {transform_indices = #map1}, {transform_indices = #map}]} {
    %mul3A = arith.constant 2 : i32
    %mul3A_0 = arith.muli %arg1, %mul3A : i32
    %add3A = arith.addi %mul3A_0, %arg0 : i32
    %mul3A_1 = arith.constant 64 : i32
    %mul3A_2 = arith.muli %add3A, %mul3A_1 : i32
    "tpu.region"() ({
      %run_scoped3A = tpu.sem_alloc : memref<!tpu.dma_semaphore, #tpu.memory_space<semaphore_mem>>
      %dma_start3A_17 = tpu.memref_slice %arg3[%mul3A_2] : memref<4096xi32, #tpu.memory_space<hbm>> -> memref<64xi32, #tpu.memory_space<hbm>>
      %dma_start3A_18 = tpu.memref_slice %arg3[%mul3A_2] : memref<4096xi32, #tpu.memory_space<hbm>> -> memref<64xi32, #tpu.memory_space<hbm>>
      tpu.enqueue_dma source(%dma_start3A_18 : memref<64xi32, #tpu.memory_space<hbm>>) target(%arg6 : memref<64xi32, #tpu.memory_space<vmem>>) target_semaphore(%run_scoped3A : memref<!tpu.dma_semaphore, #tpu.memory_space<semaphore_mem>>)
      %dma_wait3A_19 = tpu.memref_slice %arg3[%mul3A_2] : memref<4096xi32, #tpu.memory_space<hbm>> -> memref<64xi32, #tpu.memory_space<hbm>>
      %dma_wait3A_20 = tpu.memref_slice %arg3[%mul3A_2] : memref<4096xi32, #tpu.memory_space<hbm>> -> memref<64xi32, #tpu.memory_space<hbm>>
      tpu.wait_dma2 semaphore(%run_scoped3A : memref<!tpu.dma_semaphore, #tpu.memory_space<semaphore_mem>>) src(%dma_wait3A_20 : memref<64xi32, #tpu.memory_space<hbm>>) dst(%arg6 : memref<64xi32, #tpu.memory_space<vmem>>)
      tpu.yield
    }) : () -> ()
    %add3A_3 = arith.constant 2048 : i32
    %add3A_4 = arith.addi %add3A_3, %mul3A_2 : i32
    "tpu.region"() ({
      %run_scoped3A = tpu.sem_alloc : memref<!tpu.dma_semaphore, #tpu.memory_space<semaphore_mem>>
      %dma_start3A_17 = tpu.memref_slice %arg3[%add3A_4] : memref<4096xi32, #tpu.memory_space<hbm>> -> memref<64xi32, #tpu.memory_space<hbm>>
      %dma_start3A_18 = tpu.memref_slice %arg3[%add3A_4] : memref<4096xi32, #tpu.memory_space<hbm>> -> memref<64xi32, #tpu.memory_space<hbm>>
      tpu.enqueue_dma source(%dma_start3A_18 : memref<64xi32, #tpu.memory_space<hbm>>) target(%arg7 : memref<64xi32, #tpu.memory_space<vmem>>) target_semaphore(%run_scoped3A : memref<!tpu.dma_semaphore, #tpu.memory_space<semaphore_mem>>)
      %dma_wait3A_19 = tpu.memref_slice %arg3[%add3A_4] : memref<4096xi32, #tpu.memory_space<hbm>> -> memref<64xi32, #tpu.memory_space<hbm>>
      %dma_wait3A_20 = tpu.memref_slice %arg3[%add3A_4] : memref<4096xi32, #tpu.memory_space<hbm>> -> memref<64xi32, #tpu.memory_space<hbm>>
      tpu.wait_dma2 semaphore(%run_scoped3A : memref<!tpu.dma_semaphore, #tpu.memory_space<semaphore_mem>>) src(%dma_wait3A_20 : memref<64xi32, #tpu.memory_space<hbm>>) dst(%arg7 : memref<64xi32, #tpu.memory_space<vmem>>)
      tpu.yield
    }) : () -> ()
    "tpu.region"() ({
      %run_scoped3A = tpu.sem_alloc : memref<!tpu.dma_semaphore, #tpu.memory_space<semaphore_mem>>
      %dma_start3A_17 = tpu.memref_slice %arg4[%mul3A_2] : memref<2048xf32, #tpu.memory_space<hbm>> -> memref<64xf32, #tpu.memory_space<hbm>>
      %dma_start3A_18 = tpu.memref_slice %arg4[%mul3A_2] : memref<2048xf32, #tpu.memory_space<hbm>> -> memref<64xf32, #tpu.memory_space<hbm>>
      tpu.enqueue_dma source(%dma_start3A_18 : memref<64xf32, #tpu.memory_space<hbm>>) target(%arg8 : memref<64xf32, #tpu.memory_space<vmem>>) target_semaphore(%run_scoped3A : memref<!tpu.dma_semaphore, #tpu.memory_space<semaphore_mem>>)
      %dma_wait3A_19 = tpu.memref_slice %arg4[%mul3A_2] : memref<2048xf32, #tpu.memory_space<hbm>> -> memref<64xf32, #tpu.memory_space<hbm>>
      %dma_wait3A_20 = tpu.memref_slice %arg4[%mul3A_2] : memref<2048xf32, #tpu.memory_space<hbm>> -> memref<64xf32, #tpu.memory_space<hbm>>
      tpu.wait_dma2 semaphore(%run_scoped3A : memref<!tpu.dma_semaphore, #tpu.memory_space<semaphore_mem>>) src(%dma_wait3A_20 : memref<64xf32, #tpu.memory_space<hbm>>) dst(%arg8 : memref<64xf32, #tpu.memory_space<vmem>>)
      tpu.yield
    }) : () -> ()
    %dma_start3A = arith.constant 0 : i32
    %dma_start3A_5 = arith.constant 0 : i32
    %dma_start3A_6 = tpu.memref_slice %arg2[%dma_start3A, %dma_start3A_5] : memref<5888x768xf32, #tpu.memory_space<hbm>> -> memref<5888x768xf32, #tpu.memory_space<hbm>>
    tpu.enqueue_indirect_dma source(%dma_start3A_6 : memref<5888x768xf32, #tpu.memory_space<hbm>>) target(%arg9 : memref<64x768xf32, #tpu.memory_space<vmem>>) offsets(%arg6 : memref<64xi32, #tpu.memory_space<vmem>>) semaphore(%arg11 : memref<!tpu.dma_semaphore, #tpu.memory_space<semaphore_mem>>)
    %dma_start3A_7 = arith.constant 0 : i32
    %dma_start3A_8 = arith.constant 0 : i32
    %dma_start3A_9 = tpu.memref_slice %arg2[%dma_start3A_7, %dma_start3A_8] : memref<5888x768xf32, #tpu.memory_space<hbm>> -> memref<5888x768xf32, #tpu.memory_space<hbm>>
    tpu.enqueue_indirect_dma source(%dma_start3A_9 : memref<5888x768xf32, #tpu.memory_space<hbm>>) target(%arg10 : memref<64x768xf32, #tpu.memory_space<vmem>>) offsets(%arg7 : memref<64xi32, #tpu.memory_space<vmem>>) semaphore(%arg12 : memref<!tpu.dma_semaphore, #tpu.memory_space<semaphore_mem>>)
    %dma_wait3A = arith.constant 0 : i32
    %dma_wait3A_10 = arith.constant 0 : i32
    %dma_wait3A_11 = tpu.memref_slice %arg2[%dma_wait3A, %dma_wait3A_10] : memref<5888x768xf32, #tpu.memory_space<hbm>> -> memref<5888x768xf32, #tpu.memory_space<hbm>>
    tpu.wait_indirect_dma semaphore(%arg11 : memref<!tpu.dma_semaphore, #tpu.memory_space<semaphore_mem>>) src(%dma_wait3A_11 : memref<5888x768xf32, #tpu.memory_space<hbm>>) dst(%arg9 : memref<64x768xf32, #tpu.memory_space<vmem>>)
    %dma_wait3A_12 = arith.constant 0 : i32
    %dma_wait3A_13 = arith.constant 0 : i32
    %dma_wait3A_14 = tpu.memref_slice %arg2[%dma_wait3A_12, %dma_wait3A_13] : memref<5888x768xf32, #tpu.memory_space<hbm>> -> memref<5888x768xf32, #tpu.memory_space<hbm>>
    tpu.wait_indirect_dma semaphore(%arg12 : memref<!tpu.dma_semaphore, #tpu.memory_space<semaphore_mem>>) src(%dma_wait3A_14 : memref<5888x768xf32, #tpu.memory_space<hbm>>) dst(%arg10 : memref<64x768xf32, #tpu.memory_space<vmem>>)
    %parallel_loop3A = arith.constant 0 : i32
    %parallel_loop3A_15 = arith.constant 64 : i32
    %parallel_loop3A_16 = arith.constant 1 : i32
    scf.for %parallel_loop3A_17 = %parallel_loop3A to %parallel_loop3A_15 step %parallel_loop3A_16  : i32 {
      %parallel_loop3A_18 = vector.broadcast %parallel_loop3A_17 : i32 to vector<16xi32>
      %parallel_loop3A_19 = tpu.vector_load_idx %arg8[%parallel_loop3A_18] : memref<64xf32, #tpu.memory_space<vmem>>[vector<16xi32>], vector<16xf32>,
      %parallel_loop3A_20 = arith.index_cast %parallel_loop3A_17 : i32 to index
      %parallel_loop3A_21 = arith.constant 0 : index
      %parallel_loop3A_22 = tpu.vector_load %arg9[%parallel_loop3A_20, %parallel_loop3A_21] {strides = array<i32>} : memref<64x768xf32, #tpu.memory_space<vmem>>, vector<16xf32>,
      %parallel_loop3A_23 = arith.index_cast %parallel_loop3A_17 : i32 to index
      %parallel_loop3A_24 = arith.constant 0 : index
      %parallel_loop3A_25 = tpu.vector_load %arg10[%parallel_loop3A_23, %parallel_loop3A_24] {strides = array<i32>} : memref<64x768xf32, #tpu.memory_space<vmem>>, vector<16xf32>,
      %parallel_loop3A_26 = arith.addf %parallel_loop3A_22, %parallel_loop3A_25 : vector<16xf32>
      %parallel_loop3A_27 = arith.mulf %parallel_loop3A_26, %parallel_loop3A_19 : vector<16xf32>
      %parallel_loop3A_28 = arith.index_cast %parallel_loop3A_17 : i32 to index
      %parallel_loop3A_29 = arith.constant 0 : index
      %parallel_loop3A_30 = tpu.vector_load %arg9[%parallel_loop3A_28, %parallel_loop3A_29] {strides = array<i32>} : memref<64x768xf32, #tpu.memory_space<vmem>>, vector<16xf32>,
      tpu.vector_store %arg9[%parallel_loop3A_28, %parallel_loop3A_29], %parallel_loop3A_27 {strides = array<i32>} : memref<64x768xf32, #tpu.memory_space<vmem>>, vector<16xf32>,
      %parallel_loop3A_31 = arith.index_cast %parallel_loop3A_17 : i32 to index
      %parallel_loop3A_32 = arith.constant 16 : index
      %parallel_loop3A_33 = tpu.vector_load %arg9[%parallel_loop3A_31, %parallel_loop3A_32] {strides = array<i32>} : memref<64x768xf32, #tpu.memory_space<vmem>>, vector<16xf32>,
      %parallel_loop3A_34 = arith.index_cast %parallel_loop3A_17 : i32 to index
      %parallel_loop3A_35 = arith.constant 16 : index
      %parallel_loop3A_36 = tpu.vector_load %arg10[%parallel_loop3A_34, %parallel_loop3A_35] {strides = array<i32>} : memref<64x768xf32, #tpu.memory_space<vmem>>, vector<16xf32>,
      %parallel_loop3A_37 = arith.addf %parallel_loop3A_33, %parallel_loop3A_36 : vector<16xf32>
      %parallel_loop3A_38 = arith.mulf %parallel_loop3A_37, %parallel_loop3A_19 : vector<16xf32>
      %parallel_loop3A_39 = arith.index_cast %parallel_loop3A_17 : i32 to index
      %parallel_loop3A_40 = arith.constant 16 : index
      %parallel_loop3A_41 = tpu.vector_load %arg9[%parallel_loop3A_39, %parallel_loop3A_40] {strides = array<i32>} : memref<64x768xf32, #tpu.memory_space<vmem>>, vector<16xf32>,
      tpu.vector_store %arg9[%parallel_loop3A_39, %parallel_loop3A_40], %parallel_loop3A_38 {strides = array<i32>} : memref<64x768xf32, #tpu.memory_space<vmem>>, vector<16xf32>,
      %parallel_loop3A_42 = arith.index_cast %parallel_loop3A_17 : i32 to index
      %parallel_loop3A_43 = arith.constant 32 : index
      %parallel_loop3A_44 = tpu.vector_load %arg9[%parallel_loop3A_42, %parallel_loop3A_43] {strides = array<i32>} : memref<64x768xf32, #tpu.memory_space<vmem>>, vector<16xf32>,
      %parallel_loop3A_45 = arith.index_cast %parallel_loop3A_17 : i32 to index
      %parallel_loop3A_46 = arith.constant 32 : index
      %parallel_loop3A_47 = tpu.vector_load %arg10[%parallel_loop3A_45, %parallel_loop3A_46] {strides = array<i32>} : memref<64x768xf32, #tpu.memory_space<vmem>>, vector<16xf32>,
      %parallel_loop3A_48 = arith.addf %parallel_loop3A_44, %parallel_loop3A_47 : vector<16xf32>
      %parallel_loop3A_49 = arith.mulf %parallel_loop3A_48, %parallel_loop3A_19 : vector<16xf32>
      %parallel_loop3A_50 = arith.index_cast %parallel_loop3A_17 : i32 to index
      %parallel_loop3A_51 = arith.constant 32 : index
      %parallel_loop3A_52 = tpu.vector_load %arg9[%parallel_loop3A_50, %parallel_loop3A_51] {strides = array<i32>} : memref<64x768xf32, #tpu.memory_space<vmem>>, vector<16xf32>,
      tpu.vector_store %arg9[%parallel_loop3A_50, %parallel_loop3A_51], %parallel_loop3A_49 {strides = array<i32>} : memref<64x768xf32, #tpu.memory_space<vmem>>, vector<16xf32>,
      %parallel_loop3A_53 = arith.index_cast %parallel_loop3A_17 : i32 to index
      %parallel_loop3A_54 = arith.constant 48 : index
      %parallel_loop3A_55 = tpu.vector_load %arg9[%parallel_loop3A_53, %parallel_loop3A_54] {strides = array<i32>} : memref<64x768xf32, #tpu.memory_space<vmem>>, vector<16xf32>,
      %parallel_loop3A_56 = arith.index_cast %parallel_loop3A_17 : i32 to index
      %parallel_loop3A_57 = arith.constant 48 : index
      %parallel_loop3A_58 = tpu.vector_load %arg10[%parallel_loop3A_56, %parallel_loop3A_57] {strides = array<i32>} : memref<64x768xf32, #tpu.memory_space<vmem>>, vector<16xf32>,
      %parallel_loop3A_59 = arith.addf %parallel_loop3A_55, %parallel_loop3A_58 : vector<16xf32>
      %parallel_loop3A_60 = arith.mulf %parallel_loop3A_59, %parallel_loop3A_19 : vector<16xf32>
      %parallel_loop3A_61 = arith.index_cast %parallel_loop3A_17 : i32 to index
      %parallel_loop3A_62 = arith.constant 48 : index
      %parallel_loop3A_63 = tpu.vector_load %arg9[%parallel_loop3A_61, %parallel_loop3A_62] {strides = array<i32>} : memref<64x768xf32, #tpu.memory_space<vmem>>, vector<16xf32>,
      tpu.vector_store %arg9[%parallel_loop3A_61, %parallel_loop3A_62], %parallel_loop3A_60 {strides = array<i32>} : memref<64x768xf32, #tpu.memory_space<vmem>>, vector<16xf32>,
      %parallel_loop3A_64 = arith.index_cast %parallel_loop3A_17 : i32 to index
      %parallel_loop3A_65 = arith.constant 64 : index
      %parallel_loop3A_66 = tpu.vector_load %arg9[%parallel_loop3A_64, %parallel_loop3A_65] {strides = array<i32>} : memref<64x768xf32, #tpu.memory_space<vmem>>, vector<16xf32>,
      %parallel_loop3A_67 = arith.index_cast %parallel_loop3A_17 : i32 to index
      %parallel_loop3A_68 = arith.constant 64 : index
      %parallel_loop3A_69 = tpu.vector_load %arg10[%parallel_loop3A_67, %parallel_loop3A_68] {strides = array<i32>} : memref<64x768xf32, #tpu.memory_space<vmem>>, vector<16xf32>,
      %parallel_loop3A_70 = arith.addf %parallel_loop3A_66, %parallel_loop3A_69 : vector<16xf32>
      %parallel_loop3A_71 = arith.mulf %parallel_loop3A_70, %parallel_loop3A_19 : vector<16xf32>
      %parallel_loop3A_72 = arith.index_cast %parallel_loop3A_17 : i32 to index
      %parallel_loop3A_73 = arith.constant 64 : index
      %parallel_loop3A_74 = tpu.vector_load %arg9[%parallel_loop3A_72, %parallel_loop3A_73] {strides = array<i32>} : memref<64x768xf32, #tpu.memory_space<vmem>>, vector<16xf32>,
      tpu.vector_store %arg9[%parallel_loop3A_72, %parallel_loop3A_73], %parallel_loop3A_71 {strides = array<i32>} : memref<64x768xf32, #tpu.memory_space<vmem>>, vector<16xf32>,
      %parallel_loop3A_75 = arith.index_cast %parallel_loop3A_17 : i32 to index
      %parallel_loop3A_76 = arith.constant 80 : index
      %parallel_loop3A_77 = tpu.vector_load %arg9[%parallel_loop3A_75, %parallel_loop3A_76] {strides = array<i32>} : memref<64x768xf32, #tpu.memory_space<vmem>>, vector<16xf32>,
      %parallel_loop3A_78 = arith.index_cast %parallel_loop3A_17 : i32 to index
      %parallel_loop3A_79 = arith.constant 80 : index
      %parallel_loop3A_80 = tpu.vector_load %arg10[%parallel_loop3A_78, %parallel_loop3A_79] {strides = array<i32>} : memref<64x768xf32, #tpu.memory_space<vmem>>, vector<16xf32>,
      %parallel_loop3A_81 = arith.addf %parallel_loop3A_77, %parallel_loop3A_80 : vector<16xf32>
      %parallel_loop3A_82 = arith.mulf %parallel_loop3A_81, %parallel_loop3A_19 : vector<16xf32>
      %parallel_loop3A_83 = arith.index_cast %parallel_loop3A_17 : i32 to index
      %parallel_loop3A_84 = arith.constant 80 : index
      %parallel_loop3A_85 = tpu.vector_load %arg9[%parallel_loop3A_83, %parallel_loop3A_84] {strides = array<i32>} : memref<64x768xf32, #tpu.memory_space<vmem>>, vector<16xf32>,
      tpu.vector_store %arg9[%parallel_loop3A_83, %parallel_loop3A_84], %parallel_loop3A_82 {strides = array<i32>} : memref<64x768xf32, #tpu.memory_space<vmem>>, vector<16xf32>,
      %parallel_loop3A_86 = arith.index_cast %parallel_loop3A_17 : i32 to index
      %parallel_loop3A_87 = arith.constant 96 : index
      %parallel_loop3A_88 = tpu.vector_load %arg9[%parallel_loop3A_86, %parallel_loop3A_87] {strides = array<i32>} : memref<64x768xf32, #tpu.memory_space<vmem>>, vector<16xf32>,
      %parallel_loop3A_89 = arith.index_cast %parallel_loop3A_17 : i32 to index
      %parallel_loop3A_90 = arith.constant 96 : index
      %parallel_loop3A_91 = tpu.vector_load %arg10[%parallel_loop3A_89, %parallel_loop3A_90] {strides = array<i32>} : memref<64x768xf32, #tpu.memory_space<vmem>>, vector<16xf32>,
      %parallel_loop3A_92 = arith.addf %parallel_loop3A_88, %parallel_loop3A_91 : vector<16xf32>
      %parallel_loop3A_93 = arith.mulf %parallel_loop3A_92, %parallel_loop3A_19 : vector<16xf32>
      %parallel_loop3A_94 = arith.index_cast %parallel_loop3A_17 : i32 to index
      %parallel_loop3A_95 = arith.constant 96 : index
      %parallel_loop3A_96 = tpu.vector_load %arg9[%parallel_loop3A_94, %parallel_loop3A_95] {strides = array<i32>} : memref<64x768xf32, #tpu.memory_space<vmem>>, vector<16xf32>,
      tpu.vector_store %arg9[%parallel_loop3A_94, %parallel_loop3A_95], %parallel_loop3A_93 {strides = array<i32>} : memref<64x768xf32, #tpu.memory_space<vmem>>, vector<16xf32>,
      %parallel_loop3A_97 = arith.index_cast %parallel_loop3A_17 : i32 to index
      %parallel_loop3A_98 = arith.constant 112 : index
      %parallel_loop3A_99 = tpu.vector_load %arg9[%parallel_loop3A_97, %parallel_loop3A_98] {strides = array<i32>} : memref<64x768xf32, #tpu.memory_space<vmem>>, vector<16xf32>,
      %parallel_loop3A_100 = arith.index_cast %parallel_loop3A_17 : i32 to index
      %parallel_loop3A_101 = arith.constant 112 : index
      %parallel_loop3A_102 = tpu.vector_load %arg10[%parallel_loop3A_100, %parallel_loop3A_101] {strides = array<i32>} : memref<64x768xf32, #tpu.memory_space<vmem>>, vector<16xf32>,
      %parallel_loop3A_103 = arith.addf %parallel_loop3A_99, %parallel_loop3A_102 : vector<16xf32>
      %parallel_loop3A_104 = arith.mulf %parallel_loop3A_103, %parallel_loop3A_19 : vector<16xf32>
      %parallel_loop3A_105 = arith.index_cast %parallel_loop3A_17 : i32 to index
      %parallel_loop3A_106 = arith.constant 112 : index
      %parallel_loop3A_107 = tpu.vector_load %arg9[%parallel_loop3A_105, %parallel_loop3A_106] {strides = array<i32>} : memref<64x768xf32, #tpu.memory_space<vmem>>, vector<16xf32>,
      tpu.vector_store %arg9[%parallel_loop3A_105, %parallel_loop3A_106], %parallel_loop3A_104 {strides = array<i32>} : memref<64x768xf32, #tpu.memory_space<vmem>>, vector<16xf32>,
      %parallel_loop3A_108 = arith.index_cast %parallel_loop3A_17 : i32 to index
      %parallel_loop3A_109 = arith.constant 128 : index
      %parallel_loop3A_110 = tpu.vector_load %arg9[%parallel_loop3A_108, %parallel_loop3A_109] {strides = array<i32>} : memref<64x768xf32, #tpu.memory_space<vmem>>, vector<16xf32>,
      %parallel_loop3A_111 = arith.index_cast %parallel_loop3A_17 : i32 to index
      %parallel_loop3A_112 = arith.constant 128 : index
      %parallel_loop3A_113 = tpu.vector_load %arg10[%parallel_loop3A_111, %parallel_loop3A_112] {strides = array<i32>} : memref<64x768xf32, #tpu.memory_space<vmem>>, vector<16xf32>,
      %parallel_loop3A_114 = arith.addf %parallel_loop3A_110, %parallel_loop3A_113 : vector<16xf32>
      %parallel_loop3A_115 = arith.mulf %parallel_loop3A_114, %parallel_loop3A_19 : vector<16xf32>
      %parallel_loop3A_116 = arith.index_cast %parallel_loop3A_17 : i32 to index
      %parallel_loop3A_117 = arith.constant 128 : index
      %parallel_loop3A_118 = tpu.vector_load %arg9[%parallel_loop3A_116, %parallel_loop3A_117] {strides = array<i32>} : memref<64x768xf32, #tpu.memory_space<vmem>>, vector<16xf32>,
      tpu.vector_store %arg9[%parallel_loop3A_116, %parallel_loop3A_117], %parallel_loop3A_115 {strides = array<i32>} : memref<64x768xf32, #tpu.memory_space<vmem>>, vector<16xf32>,
      %parallel_loop3A_119 = arith.index_cast %parallel_loop3A_17 : i32 to index
      %parallel_loop3A_120 = arith.constant 144 : index
      %parallel_loop3A_121 = tpu.vector_load %arg9[%parallel_loop3A_119, %parallel_loop3A_120] {strides = array<i32>} : memref<64x768xf32, #tpu.memory_space<vmem>>, vector<16xf32>,
      %parallel_loop3A_122 = arith.index_cast %parallel_loop3A_17 : i32 to index
      %parallel_loop3A_123 = arith.constant 144 : index
      %parallel_loop3A_124 = tpu.vector_load %arg10[%parallel_loop3A_122, %parallel_loop3A_123] {strides = array<i32>} : memref<64x768xf32, #tpu.memory_space<vmem>>, vector<16xf32>,
      %parallel_loop3A_125 = arith.addf %parallel_loop3A_121, %parallel_loop3A_124 : vector<16xf32>
      %parallel_loop3A_126 = arith.mulf %parallel_loop3A_125, %parallel_loop3A_19 : vector<16xf32>
      %parallel_loop3A_127 = arith.index_cast %parallel_loop3A_17 : i32 to index
      %parallel_loop3A_128 = arith.constant 144 : index
      %parallel_loop3A_129 = tpu.vector_load %arg9[%parallel_loop3A_127, %parallel_loop3A_128] {strides = array<i32>} : memref<64x768xf32, #tpu.memory_space<vmem>>, vector<16xf32>,
      tpu.vector_store %arg9[%parallel_loop3A_127, %parallel_loop3A_128], %parallel_loop3A_126 {strides = array<i32>} : memref<64x768xf32, #tpu.memory_space<vmem>>, vector<16xf32>,
      %parallel_loop3A_130 = arith.index_cast %parallel_loop3A_17 : i32 to index
      %parallel_loop3A_131 = arith.constant 160 : index
      %parallel_loop3A_132 = tpu.vector_load %arg9[%parallel_loop3A_130, %parallel_loop3A_131] {strides = array<i32>} : memref<64x768xf32, #tpu.memory_space<vmem>>, vector<16xf32>,
      %parallel_loop3A_133 = arith.index_cast %parallel_loop3A_17 : i32 to index
      %parallel_loop3A_134 = arith.constant 160 : index
      %parallel_loop3A_135 = tpu.vector_load %arg10[%parallel_loop3A_133, %parallel_loop3A_134] {strides = array<i32>} : memref<64x768xf32, #tpu.memory_space<vmem>>, vector<16xf32>,
      %parallel_loop3A_136 = arith.addf %parallel_loop3A_132, %parallel_loop3A_135 : vector<16xf32>
      %parallel_loop3A_137 = arith.mulf %parallel_loop3A_136, %parallel_loop3A_19 : vector<16xf32>
      %parallel_loop3A_138 = arith.index_cast %parallel_loop3A_17 : i32 to index
      %parallel_loop3A_139 = arith.constant 160 : index
      %parallel_loop3A_140 = tpu.vector_load %arg9[%parallel_loop3A_138, %parallel_loop3A_139] {strides = array<i32>} : memref<64x768xf32, #tpu.memory_space<vmem>>, vector<16xf32>,
      tpu.vector_store %arg9[%parallel_loop3A_138, %parallel_loop3A_139], %parallel_loop3A_137 {strides = array<i32>} : memref<64x768xf32, #tpu.memory_space<vmem>>, vector<16xf32>,
      %parallel_loop3A_141 = arith.index_cast %parallel_loop3A_17 : i32 to index
      %parallel_loop3A_142 = arith.constant 176 : index
      %parallel_loop3A_143 = tpu.vector_load %arg9[%parallel_loop3A_141, %parallel_loop3A_142] {strides = array<i32>} : memref<64x768xf32, #tpu.memory_space<vmem>>, vector<16xf32>,
      %parallel_loop3A_144 = arith.index_cast %parallel_loop3A_17 : i32 to index
      %parallel_loop3A_145 = arith.constant 176 : index
      %parallel_loop3A_146 = tpu.vector_load %arg10[%parallel_loop3A_144, %parallel_loop3A_145] {strides = array<i32>} : memref<64x768xf32, #tpu.memory_space<vmem>>, vector<16xf32>,
      %parallel_loop3A_147 = arith.addf %parallel_loop3A_143, %parallel_loop3A_146 : vector<16xf32>
      %parallel_loop3A_148 = arith.mulf %parallel_loop3A_147, %parallel_loop3A_19 : vector<16xf32>
      %parallel_loop3A_149 = arith.index_cast %parallel_loop3A_17 : i32 to index
      %parallel_loop3A_150 = arith.constant 176 : index
      %parallel_loop3A_151 = tpu.vector_load %arg9[%parallel_loop3A_149, %parallel_loop3A_150] {strides = array<i32>} : memref<64x768xf32, #tpu.memory_space<vmem>>, vector<16xf32>,
      tpu.vector_store %arg9[%parallel_loop3A_149, %parallel_loop3A_150], %parallel_loop3A_148 {strides = array<i32>} : memref<64x768xf32, #tpu.memory_space<vmem>>, vector<16xf32>,
      %parallel_loop3A_152 = arith.index_cast %parallel_loop3A_17 : i32 to index
      %parallel_loop3A_153 = arith.constant 192 : index
      %parallel_loop3A_154 = tpu.vector_load %arg9[%parallel_loop3A_152, %parallel_loop3A_153] {strides = array<i32>} : memref<64x768xf32, #tpu.memory_space<vmem>>, vector<16xf32>,
      %parallel_loop3A_155 = arith.index_cast %parallel_loop3A_17 : i32 to index
      %parallel_loop3A_156 = arith.constant 192 : index
      %parallel_loop3A_157 = tpu.vector_load %arg10[%parallel_loop3A_155, %parallel_loop3A_156] {strides = array<i32>} : memref<64x768xf32, #tpu.memory_space<vmem>>, vector<16xf32>,
      %parallel_loop3A_158 = arith.addf %parallel_loop3A_154, %parallel_loop3A_157 : vector<16xf32>
      %parallel_loop3A_159 = arith.mulf %parallel_loop3A_158, %parallel_loop3A_19 : vector<16xf32>
      %parallel_loop3A_160 = arith.index_cast %parallel_loop3A_17 : i32 to index
      %parallel_loop3A_161 = arith.constant 192 : index
      %parallel_loop3A_162 = tpu.vector_load %arg9[%parallel_loop3A_160, %parallel_loop3A_161] {strides = array<i32>} : memref<64x768xf32, #tpu.memory_space<vmem>>, vector<16xf32>,
      tpu.vector_store %arg9[%parallel_loop3A_160, %parallel_loop3A_161], %parallel_loop3A_159 {strides = array<i32>} : memref<64x768xf32, #tpu.memory_space<vmem>>, vector<16xf32>,
      %parallel_loop3A_163 = arith.index_cast %parallel_loop3A_17 : i32 to index
      %parallel_loop3A_164 = arith.constant 208 : index
      %parallel_loop3A_165 = tpu.vector_load %arg9[%parallel_loop3A_163, %parallel_loop3A_164] {strides = array<i32>} : memref<64x768xf32, #tpu.memory_space<vmem>>, vector<16xf32>,
      %parallel_loop3A_166 = arith.index_cast %parallel_loop3A_17 : i32 to index
      %parallel_loop3A_167 = arith.constant 208 : index
      %parallel_loop3A_168 = tpu.vector_load %arg10[%parallel_loop3A_166, %parallel_loop3A_167] {strides = array<i32>} : memref<64x768xf32, #tpu.memory_space<vmem>>, vector<16xf32>,
      %parallel_loop3A_169 = arith.addf %parallel_loop3A_165, %parallel_loop3A_168 : vector<16xf32>
      %parallel_loop3A_170 = arith.mulf %parallel_loop3A_169, %parallel_loop3A_19 : vector<16xf32>
      %parallel_loop3A_171 = arith.index_cast %parallel_loop3A_17 : i32 to index
      %parallel_loop3A_172 = arith.constant 208 : index
      %parallel_loop3A_173 = tpu.vector_load %arg9[%parallel_loop3A_171, %parallel_loop3A_172] {strides = array<i32>} : memref<64x768xf32, #tpu.memory_space<vmem>>, vector<16xf32>,
      tpu.vector_store %arg9[%parallel_loop3A_171, %parallel_loop3A_172], %parallel_loop3A_170 {strides = array<i32>} : memref<64x768xf32, #tpu.memory_space<vmem>>, vector<16xf32>,
      %parallel_loop3A_174 = arith.index_cast %parallel_loop3A_17 : i32 to index
      %parallel_loop3A_175 = arith.constant 224 : index
      %parallel_loop3A_176 = tpu.vector_load %arg9[%parallel_loop3A_174, %parallel_loop3A_175] {strides = array<i32>} : memref<64x768xf32, #tpu.memory_space<vmem>>, vector<16xf32>,
      %parallel_loop3A_177 = arith.index_cast %parallel_loop3A_17 : i32 to index
      %parallel_loop3A_178 = arith.constant 224 : index
      %parallel_loop3A_179 = tpu.vector_load %arg10[%parallel_loop3A_177, %parallel_loop3A_178] {strides = array<i32>} : memref<64x768xf32, #tpu.memory_space<vmem>>, vector<16xf32>,
      %parallel_loop3A_180 = arith.addf %parallel_loop3A_176, %parallel_loop3A_179 : vector<16xf32>
      %parallel_loop3A_181 = arith.mulf %parallel_loop3A_180, %parallel_loop3A_19 : vector<16xf32>
      %parallel_loop3A_182 = arith.index_cast %parallel_loop3A_17 : i32 to index
      %parallel_loop3A_183 = arith.constant 224 : index
      %parallel_loop3A_184 = tpu.vector_load %arg9[%parallel_loop3A_182, %parallel_loop3A_183] {strides = array<i32>} : memref<64x768xf32, #tpu.memory_space<vmem>>, vector<16xf32>,
      tpu.vector_store %arg9[%parallel_loop3A_182, %parallel_loop3A_183], %parallel_loop3A_181 {strides = array<i32>} : memref<64x768xf32, #tpu.memory_space<vmem>>, vector<16xf32>,
      %parallel_loop3A_185 = arith.index_cast %parallel_loop3A_17 : i32 to index
      %parallel_loop3A_186 = arith.constant 240 : index
      %parallel_loop3A_187 = tpu.vector_load %arg9[%parallel_loop3A_185, %parallel_loop3A_186] {strides = array<i32>} : memref<64x768xf32, #tpu.memory_space<vmem>>, vector<16xf32>,
      %parallel_loop3A_188 = arith.index_cast %parallel_loop3A_17 : i32 to index
      %parallel_loop3A_189 = arith.constant 240 : index
      %parallel_loop3A_190 = tpu.vector_load %arg10[%parallel_loop3A_188, %parallel_loop3A_189] {strides = array<i32>} : memref<64x768xf32, #tpu.memory_space<vmem>>, vector<16xf32>,
      %parallel_loop3A_191 = arith.addf %parallel_loop3A_187, %parallel_loop3A_190 : vector<16xf32>
      %parallel_loop3A_192 = arith.mulf %parallel_loop3A_191, %parallel_loop3A_19 : vector<16xf32>
      %parallel_loop3A_193 = arith.index_cast %parallel_loop3A_17 : i32 to index
      %parallel_loop3A_194 = arith.constant 240 : index
      %parallel_loop3A_195 = tpu.vector_load %arg9[%parallel_loop3A_193, %parallel_loop3A_194] {strides = array<i32>} : memref<64x768xf32, #tpu.memory_space<vmem>>, vector<16xf32>,
      tpu.vector_store %arg9[%parallel_loop3A_193, %parallel_loop3A_194], %parallel_loop3A_192 {strides = array<i32>} : memref<64x768xf32, #tpu.memory_space<vmem>>, vector<16xf32>,
      %parallel_loop3A_196 = arith.index_cast %parallel_loop3A_17 : i32 to index
      %parallel_loop3A_197 = arith.constant 256 : index
      %parallel_loop3A_198 = tpu.vector_load %arg9[%parallel_loop3A_196, %parallel_loop3A_197] {strides = array<i32>} : memref<64x768xf32, #tpu.memory_space<vmem>>, vector<16xf32>,
      %parallel_loop3A_199 = arith.index_cast %parallel_loop3A_17 : i32 to index
      %parallel_loop3A_200 = arith.constant 256 : index
      %parallel_loop3A_201 = tpu.vector_load %arg10[%parallel_loop3A_199, %parallel_loop3A_200] {strides = array<i32>} : memref<64x768xf32, #tpu.memory_space<vmem>>, vector<16xf32>,
      %parallel_loop3A_202 = arith.addf %parallel_loop3A_198, %parallel_loop3A_201 : vector<16xf32>
      %parallel_loop3A_203 = arith.mulf %parallel_loop3A_202, %parallel_loop3A_19 : vector<16xf32>
      %parallel_loop3A_204 = arith.index_cast %parallel_loop3A_17 : i32 to index
      %parallel_loop3A_205 = arith.constant 256 : index
      %parallel_loop3A_206 = tpu.vector_load %arg9[%parallel_loop3A_204, %parallel_loop3A_205] {strides = array<i32>} : memref<64x768xf32, #tpu.memory_space<vmem>>, vector<16xf32>,
      tpu.vector_store %arg9[%parallel_loop3A_204, %parallel_loop3A_205], %parallel_loop3A_203 {strides = array<i32>} : memref<64x768xf32, #tpu.memory_space<vmem>>, vector<16xf32>,
      %parallel_loop3A_207 = arith.index_cast %parallel_loop3A_17 : i32 to index
      %parallel_loop3A_208 = arith.constant 272 : index
      %parallel_loop3A_209 = tpu.vector_load %arg9[%parallel_loop3A_207, %parallel_loop3A_208] {strides = array<i32>} : memref<64x768xf32, #tpu.memory_space<vmem>>, vector<16xf32>,
      %parallel_loop3A_210 = arith.index_cast %parallel_loop3A_17 : i32 to index
      %parallel_loop3A_211 = arith.constant 272 : index
      %parallel_loop3A_212 = tpu.vector_load %arg10[%parallel_loop3A_210, %parallel_loop3A_211] {strides = array<i32>} : memref<64x768xf32, #tpu.memory_space<vmem>>, vector<16xf32>,
      %parallel_loop3A_213 = arith.addf %parallel_loop3A_209, %parallel_loop3A_212 : vector<16xf32>
      %parallel_loop3A_214 = arith.mulf %parallel_loop3A_213, %parallel_loop3A_19 : vector<16xf32>
      %parallel_loop3A_215 = arith.index_cast %parallel_loop3A_17 : i32 to index
      %parallel_loop3A_216 = arith.constant 272 : index
      %parallel_loop3A_217 = tpu.vector_load %arg9[%parallel_loop3A_215, %parallel_loop3A_216] {strides = array<i32>} : memref<64x768xf32, #tpu.memory_space<vmem>>, vector<16xf32>,
      tpu.vector_store %arg9[%parallel_loop3A_215, %parallel_loop3A_216], %parallel_loop3A_214 {strides = array<i32>} : memref<64x768xf32, #tpu.memory_space<vmem>>, vector<16xf32>,
      %parallel_loop3A_218 = arith.index_cast %parallel_loop3A_17 : i32 to index
      %parallel_loop3A_219 = arith.constant 288 : index
      %parallel_loop3A_220 = tpu.vector_load %arg9[%parallel_loop3A_218, %parallel_loop3A_219] {strides = array<i32>} : memref<64x768xf32, #tpu.memory_space<vmem>>, vector<16xf32>,
      %parallel_loop3A_221 = arith.index_cast %parallel_loop3A_17 : i32 to index
      %parallel_loop3A_222 = arith.constant 288 : index
      %parallel_loop3A_223 = tpu.vector_load %arg10[%parallel_loop3A_221, %parallel_loop3A_222] {strides = array<i32>} : memref<64x768xf32, #tpu.memory_space<vmem>>, vector<16xf32>,
      %parallel_loop3A_224 = arith.addf %parallel_loop3A_220, %parallel_loop3A_223 : vector<16xf32>
      %parallel_loop3A_225 = arith.mulf %parallel_loop3A_224, %parallel_loop3A_19 : vector<16xf32>
      %parallel_loop3A_226 = arith.index_cast %parallel_loop3A_17 : i32 to index
      %parallel_loop3A_227 = arith.constant 288 : index
      %parallel_loop3A_228 = tpu.vector_load %arg9[%parallel_loop3A_226, %parallel_loop3A_227] {strides = array<i32>} : memref<64x768xf32, #tpu.memory_space<vmem>>, vector<16xf32>,
      tpu.vector_store %arg9[%parallel_loop3A_226, %parallel_loop3A_227], %parallel_loop3A_225 {strides = array<i32>} : memref<64x768xf32, #tpu.memory_space<vmem>>, vector<16xf32>,
      %parallel_loop3A_229 = arith.index_cast %parallel_loop3A_17 : i32 to index
      %parallel_loop3A_230 = arith.constant 304 : index
      %parallel_loop3A_231 = tpu.vector_load %arg9[%parallel_loop3A_229, %parallel_loop3A_230] {strides = array<i32>} : memref<64x768xf32, #tpu.memory_space<vmem>>, vector<16xf32>,
      %parallel_loop3A_232 = arith.index_cast %parallel_loop3A_17 : i32 to index
      %parallel_loop3A_233 = arith.constant 304 : index
      %parallel_loop3A_234 = tpu.vector_load %arg10[%parallel_loop3A_232, %parallel_loop3A_233] {strides = array<i32>} : memref<64x768xf32, #tpu.memory_space<vmem>>, vector<16xf32>,
      %parallel_loop3A_235 = arith.addf %parallel_loop3A_231, %parallel_loop3A_234 : vector<16xf32>
      %parallel_loop3A_236 = arith.mulf %parallel_loop3A_235, %parallel_loop3A_19 : vector<16xf32>
      %parallel_loop3A_237 = arith.index_cast %parallel_loop3A_17 : i32 to index
      %parallel_loop3A_238 = arith.constant 304 : index
      %parallel_loop3A_239 = tpu.vector_load %arg9[%parallel_loop3A_237, %parallel_loop3A_238] {strides = array<i32>} : memref<64x768xf32, #tpu.memory_space<vmem>>, vector<16xf32>,
      tpu.vector_store %arg9[%parallel_loop3A_237, %parallel_loop3A_238], %parallel_loop3A_236 {strides = array<i32>} : memref<64x768xf32, #tpu.memory_space<vmem>>, vector<16xf32>,
      %parallel_loop3A_240 = arith.index_cast %parallel_loop3A_17 : i32 to index
      %parallel_loop3A_241 = arith.constant 320 : index
      %parallel_loop3A_242 = tpu.vector_load %arg9[%parallel_loop3A_240, %parallel_loop3A_241] {strides = array<i32>} : memref<64x768xf32, #tpu.memory_space<vmem>>, vector<16xf32>,
      %parallel_loop3A_243 = arith.index_cast %parallel_loop3A_17 : i32 to index
      %parallel_loop3A_244 = arith.constant 320 : index
      %parallel_loop3A_245 = tpu.vector_load %arg10[%parallel_loop3A_243, %parallel_loop3A_244] {strides = array<i32>} : memref<64x768xf32, #tpu.memory_space<vmem>>, vector<16xf32>,
      %parallel_loop3A_246 = arith.addf %parallel_loop3A_242, %parallel_loop3A_245 : vector<16xf32>
      %parallel_loop3A_247 = arith.mulf %parallel_loop3A_246, %parallel_loop3A_19 : vector<16xf32>
      %parallel_loop3A_248 = arith.index_cast %parallel_loop3A_17 : i32 to index
      %parallel_loop3A_249 = arith.constant 320 : index
      %parallel_loop3A_250 = tpu.vector_load %arg9[%parallel_loop3A_248, %parallel_loop3A_249] {strides = array<i32>} : memref<64x768xf32, #tpu.memory_space<vmem>>, vector<16xf32>,
      tpu.vector_store %arg9[%parallel_loop3A_248, %parallel_loop3A_249], %parallel_loop3A_247 {strides = array<i32>} : memref<64x768xf32, #tpu.memory_space<vmem>>, vector<16xf32>,
      %parallel_loop3A_251 = arith.index_cast %parallel_loop3A_17 : i32 to index
      %parallel_loop3A_252 = arith.constant 336 : index
      %parallel_loop3A_253 = tpu.vector_load %arg9[%parallel_loop3A_251, %parallel_loop3A_252] {strides = array<i32>} : memref<64x768xf32, #tpu.memory_space<vmem>>, vector<16xf32>,
      %parallel_loop3A_254 = arith.index_cast %parallel_loop3A_17 : i32 to index
      %parallel_loop3A_255 = arith.constant 336 : index
      %parallel_loop3A_256 = tpu.vector_load %arg10[%parallel_loop3A_254, %parallel_loop3A_255] {strides = array<i32>} : memref<64x768xf32, #tpu.memory_space<vmem>>, vector<16xf32>,
      %parallel_loop3A_257 = arith.addf %parallel_loop3A_253, %parallel_loop3A_256 : vector<16xf32>
      %parallel_loop3A_258 = arith.mulf %parallel_loop3A_257, %parallel_loop3A_19 : vector<16xf32>
      %parallel_loop3A_259 = arith.index_cast %parallel_loop3A_17 : i32 to index
      %parallel_loop3A_260 = arith.constant 336 : index
      %parallel_loop3A_261 = tpu.vector_load %arg9[%parallel_loop3A_259, %parallel_loop3A_260] {strides = array<i32>} : memref<64x768xf32, #tpu.memory_space<vmem>>, vector<16xf32>,
      tpu.vector_store %arg9[%parallel_loop3A_259, %parallel_loop3A_260], %parallel_loop3A_258 {strides = array<i32>} : memref<64x768xf32, #tpu.memory_space<vmem>>, vector<16xf32>,
      %parallel_loop3A_262 = arith.index_cast %parallel_loop3A_17 : i32 to index
      %parallel_loop3A_263 = arith.constant 352 : index
      %parallel_loop3A_264 = tpu.vector_load %arg9[%parallel_loop3A_262, %parallel_loop3A_263] {strides = array<i32>} : memref<64x768xf32, #tpu.memory_space<vmem>>, vector<16xf32>,
      %parallel_loop3A_265 = arith.index_cast %parallel_loop3A_17 : i32 to index
      %parallel_loop3A_266 = arith.constant 352 : index
      %parallel_loop3A_267 = tpu.vector_load %arg10[%parallel_loop3A_265, %parallel_loop3A_266] {strides = array<i32>} : memref<64x768xf32, #tpu.memory_space<vmem>>, vector<16xf32>,
      %parallel_loop3A_268 = arith.addf %parallel_loop3A_264, %parallel_loop3A_267 : vector<16xf32>
      %parallel_loop3A_269 = arith.mulf %parallel_loop3A_268, %parallel_loop3A_19 : vector<16xf32>
      %parallel_loop3A_270 = arith.index_cast %parallel_loop3A_17 : i32 to index
      %parallel_loop3A_271 = arith.constant 352 : index
      %parallel_loop3A_272 = tpu.vector_load %arg9[%parallel_loop3A_270, %parallel_loop3A_271] {strides = array<i32>} : memref<64x768xf32, #tpu.memory_space<vmem>>, vector<16xf32>,
      tpu.vector_store %arg9[%parallel_loop3A_270, %parallel_loop3A_271], %parallel_loop3A_269 {strides = array<i32>} : memref<64x768xf32, #tpu.memory_space<vmem>>, vector<16xf32>,
      %parallel_loop3A_273 = arith.index_cast %parallel_loop3A_17 : i32 to index
      %parallel_loop3A_274 = arith.constant 368 : index
      %parallel_loop3A_275 = tpu.vector_load %arg9[%parallel_loop3A_273, %parallel_loop3A_274] {strides = array<i32>} : memref<64x768xf32, #tpu.memory_space<vmem>>, vector<16xf32>,
      %parallel_loop3A_276 = arith.index_cast %parallel_loop3A_17 : i32 to index
      %parallel_loop3A_277 = arith.constant 368 : index
      %parallel_loop3A_278 = tpu.vector_load %arg10[%parallel_loop3A_276, %parallel_loop3A_277] {strides = array<i32>} : memref<64x768xf32, #tpu.memory_space<vmem>>, vector<16xf32>,
      %parallel_loop3A_279 = arith.addf %parallel_loop3A_275, %parallel_loop3A_278 : vector<16xf32>
      %parallel_loop3A_280 = arith.mulf %parallel_loop3A_279, %parallel_loop3A_19 : vector<16xf32>
      %parallel_loop3A_281 = arith.index_cast %parallel_loop3A_17 : i32 to index
      %parallel_loop3A_282 = arith.constant 368 : index
      %parallel_loop3A_283 = tpu.vector_load %arg9[%parallel_loop3A_281, %parallel_loop3A_282] {strides = array<i32>} : memref<64x768xf32, #tpu.memory_space<vmem>>, vector<16xf32>,
      tpu.vector_store %arg9[%parallel_loop3A_281, %parallel_loop3A_282], %parallel_loop3A_280 {strides = array<i32>} : memref<64x768xf32, #tpu.memory_space<vmem>>, vector<16xf32>,
      %parallel_loop3A_284 = arith.index_cast %parallel_loop3A_17 : i32 to index
      %parallel_loop3A_285 = arith.constant 384 : index
      %parallel_loop3A_286 = tpu.vector_load %arg9[%parallel_loop3A_284, %parallel_loop3A_285] {strides = array<i32>} : memref<64x768xf32, #tpu.memory_space<vmem>>, vector<16xf32>,
      %parallel_loop3A_287 = arith.index_cast %parallel_loop3A_17 : i32 to index
      %parallel_loop3A_288 = arith.constant 384 : index
      %parallel_loop3A_289 = tpu.vector_load %arg10[%parallel_loop3A_287, %parallel_loop3A_288] {strides = array<i32>} : memref<64x768xf32, #tpu.memory_space<vmem>>, vector<16xf32>,
      %parallel_loop3A_290 = arith.addf %parallel_loop3A_286, %parallel_loop3A_289 : vector<16xf32>
      %parallel_loop3A_291 = arith.mulf %parallel_loop3A_290, %parallel_loop3A_19 : vector<16xf32>
      %parallel_loop3A_292 = arith.index_cast %parallel_loop3A_17 : i32 to index
      %parallel_loop3A_293 = arith.constant 384 : index
      %parallel_loop3A_294 = tpu.vector_load %arg9[%parallel_loop3A_292, %parallel_loop3A_293] {strides = array<i32>} : memref<64x768xf32, #tpu.memory_space<vmem>>, vector<16xf32>,
      tpu.vector_store %arg9[%parallel_loop3A_292, %parallel_loop3A_293], %parallel_loop3A_291 {strides = array<i32>} : memref<64x768xf32, #tpu.memory_space<vmem>>, vector<16xf32>,
      %parallel_loop3A_295 = arith.index_cast %parallel_loop3A_17 : i32 to index
      %parallel_loop3A_296 = arith.constant 400 : index
      %parallel_loop3A_297 = tpu.vector_load %arg9[%parallel_loop3A_295, %parallel_loop3A_296] {strides = array<i32>} : memref<64x768xf32, #tpu.memory_space<vmem>>, vector<16xf32>,
      %parallel_loop3A_298 = arith.index_cast %parallel_loop3A_17 : i32 to index
      %parallel_loop3A_299 = arith.constant 400 : index
      %parallel_loop3A_300 = tpu.vector_load %arg10[%parallel_loop3A_298, %parallel_loop3A_299] {strides = array<i32>} : memref<64x768xf32, #tpu.memory_space<vmem>>, vector<16xf32>,
      %parallel_loop3A_301 = arith.addf %parallel_loop3A_297, %parallel_loop3A_300 : vector<16xf32>
      %parallel_loop3A_302 = arith.mulf %parallel_loop3A_301, %parallel_loop3A_19 : vector<16xf32>
      %parallel_loop3A_303 = arith.index_cast %parallel_loop3A_17 : i32 to index
      %parallel_loop3A_304 = arith.constant 400 : index
      %parallel_loop3A_305 = tpu.vector_load %arg9[%parallel_loop3A_303, %parallel_loop3A_304] {strides = array<i32>} : memref<64x768xf32, #tpu.memory_space<vmem>>, vector<16xf32>,
      tpu.vector_store %arg9[%parallel_loop3A_303, %parallel_loop3A_304], %parallel_loop3A_302 {strides = array<i32>} : memref<64x768xf32, #tpu.memory_space<vmem>>, vector<16xf32>,
      %parallel_loop3A_306 = arith.index_cast %parallel_loop3A_17 : i32 to index
      %parallel_loop3A_307 = arith.constant 416 : index
      %parallel_loop3A_308 = tpu.vector_load %arg9[%parallel_loop3A_306, %parallel_loop3A_307] {strides = array<i32>} : memref<64x768xf32, #tpu.memory_space<vmem>>, vector<16xf32>,
      %parallel_loop3A_309 = arith.index_cast %parallel_loop3A_17 : i32 to index
      %parallel_loop3A_310 = arith.constant 416 : index
      %parallel_loop3A_311 = tpu.vector_load %arg10[%parallel_loop3A_309, %parallel_loop3A_310] {strides = array<i32>} : memref<64x768xf32, #tpu.memory_space<vmem>>, vector<16xf32>,
      %parallel_loop3A_312 = arith.addf %parallel_loop3A_308, %parallel_loop3A_311 : vector<16xf32>
      %parallel_loop3A_313 = arith.mulf %parallel_loop3A_312, %parallel_loop3A_19 : vector<16xf32>
      %parallel_loop3A_314 = arith.index_cast %parallel_loop3A_17 : i32 to index
      %parallel_loop3A_315 = arith.constant 416 : index
      %parallel_loop3A_316 = tpu.vector_load %arg9[%parallel_loop3A_314, %parallel_loop3A_315] {strides = array<i32>} : memref<64x768xf32, #tpu.memory_space<vmem>>, vector<16xf32>,
      tpu.vector_store %arg9[%parallel_loop3A_314, %parallel_loop3A_315], %parallel_loop3A_313 {strides = array<i32>} : memref<64x768xf32, #tpu.memory_space<vmem>>, vector<16xf32>,
      %parallel_loop3A_317 = arith.index_cast %parallel_loop3A_17 : i32 to index
      %parallel_loop3A_318 = arith.constant 432 : index
      %parallel_loop3A_319 = tpu.vector_load %arg9[%parallel_loop3A_317, %parallel_loop3A_318] {strides = array<i32>} : memref<64x768xf32, #tpu.memory_space<vmem>>, vector<16xf32>,
      %parallel_loop3A_320 = arith.index_cast %parallel_loop3A_17 : i32 to index
      %parallel_loop3A_321 = arith.constant 432 : index
      %parallel_loop3A_322 = tpu.vector_load %arg10[%parallel_loop3A_320, %parallel_loop3A_321] {strides = array<i32>} : memref<64x768xf32, #tpu.memory_space<vmem>>, vector<16xf32>,
      %parallel_loop3A_323 = arith.addf %parallel_loop3A_319, %parallel_loop3A_322 : vector<16xf32>
      %parallel_loop3A_324 = arith.mulf %parallel_loop3A_323, %parallel_loop3A_19 : vector<16xf32>
      %parallel_loop3A_325 = arith.index_cast %parallel_loop3A_17 : i32 to index
      %parallel_loop3A_326 = arith.constant 432 : index
      %parallel_loop3A_327 = tpu.vector_load %arg9[%parallel_loop3A_325, %parallel_loop3A_326] {strides = array<i32>} : memref<64x768xf32, #tpu.memory_space<vmem>>, vector<16xf32>,
      tpu.vector_store %arg9[%parallel_loop3A_325, %parallel_loop3A_326], %parallel_loop3A_324 {strides = array<i32>} : memref<64x768xf32, #tpu.memory_space<vmem>>, vector<16xf32>,
      %parallel_loop3A_328 = arith.index_cast %parallel_loop3A_17 : i32 to index
      %parallel_loop3A_329 = arith.constant 448 : index
      %parallel_loop3A_330 = tpu.vector_load %arg9[%parallel_loop3A_328, %parallel_loop3A_329] {strides = array<i32>} : memref<64x768xf32, #tpu.memory_space<vmem>>, vector<16xf32>,
      %parallel_loop3A_331 = arith.index_cast %parallel_loop3A_17 : i32 to index
      %parallel_loop3A_332 = arith.constant 448 : index
      %parallel_loop3A_333 = tpu.vector_load %arg10[%parallel_loop3A_331, %parallel_loop3A_332] {strides = array<i32>} : memref<64x768xf32, #tpu.memory_space<vmem>>, vector<16xf32>,
      %parallel_loop3A_334 = arith.addf %parallel_loop3A_330, %parallel_loop3A_333 : vector<16xf32>
      %parallel_loop3A_335 = arith.mulf %parallel_loop3A_334, %parallel_loop3A_19 : vector<16xf32>
      %parallel_loop3A_336 = arith.index_cast %parallel_loop3A_17 : i32 to index
      %parallel_loop3A_337 = arith.constant 448 : index
      %parallel_loop3A_338 = tpu.vector_load %arg9[%parallel_loop3A_336, %parallel_loop3A_337] {strides = array<i32>} : memref<64x768xf32, #tpu.memory_space<vmem>>, vector<16xf32>,
      tpu.vector_store %arg9[%parallel_loop3A_336, %parallel_loop3A_337], %parallel_loop3A_335 {strides = array<i32>} : memref<64x768xf32, #tpu.memory_space<vmem>>, vector<16xf32>,
      %parallel_loop3A_339 = arith.index_cast %parallel_loop3A_17 : i32 to index
      %parallel_loop3A_340 = arith.constant 464 : index
      %parallel_loop3A_341 = tpu.vector_load %arg9[%parallel_loop3A_339, %parallel_loop3A_340] {strides = array<i32>} : memref<64x768xf32, #tpu.memory_space<vmem>>, vector<16xf32>,
      %parallel_loop3A_342 = arith.index_cast %parallel_loop3A_17 : i32 to index
      %parallel_loop3A_343 = arith.constant 464 : index
      %parallel_loop3A_344 = tpu.vector_load %arg10[%parallel_loop3A_342, %parallel_loop3A_343] {strides = array<i32>} : memref<64x768xf32, #tpu.memory_space<vmem>>, vector<16xf32>,
      %parallel_loop3A_345 = arith.addf %parallel_loop3A_341, %parallel_loop3A_344 : vector<16xf32>
      %parallel_loop3A_346 = arith.mulf %parallel_loop3A_345, %parallel_loop3A_19 : vector<16xf32>
      %parallel_loop3A_347 = arith.index_cast %parallel_loop3A_17 : i32 to index
      %parallel_loop3A_348 = arith.constant 464 : index
      %parallel_loop3A_349 = tpu.vector_load %arg9[%parallel_loop3A_347, %parallel_loop3A_348] {strides = array<i32>} : memref<64x768xf32, #tpu.memory_space<vmem>>, vector<16xf32>,
      tpu.vector_store %arg9[%parallel_loop3A_347, %parallel_loop3A_348], %parallel_loop3A_346 {strides = array<i32>} : memref<64x768xf32, #tpu.memory_space<vmem>>, vector<16xf32>,
      %parallel_loop3A_350 = arith.index_cast %parallel_loop3A_17 : i32 to index
      %parallel_loop3A_351 = arith.constant 480 : index
      %parallel_loop3A_352 = tpu.vector_load %arg9[%parallel_loop3A_350, %parallel_loop3A_351] {strides = array<i32>} : memref<64x768xf32, #tpu.memory_space<vmem>>, vector<16xf32>,
      %parallel_loop3A_353 = arith.index_cast %parallel_loop3A_17 : i32 to index
      %parallel_loop3A_354 = arith.constant 480 : index
      %parallel_loop3A_355 = tpu.vector_load %arg10[%parallel_loop3A_353, %parallel_loop3A_354] {strides = array<i32>} : memref<64x768xf32, #tpu.memory_space<vmem>>, vector<16xf32>,
      %parallel_loop3A_356 = arith.addf %parallel_loop3A_352, %parallel_loop3A_355 : vector<16xf32>
      %parallel_loop3A_357 = arith.mulf %parallel_loop3A_356, %parallel_loop3A_19 : vector<16xf32>
      %parallel_loop3A_358 = arith.index_cast %parallel_loop3A_17 : i32 to index
      %parallel_loop3A_359 = arith.constant 480 : index
      %parallel_loop3A_360 = tpu.vector_load %arg9[%parallel_loop3A_358, %parallel_loop3A_359] {strides = array<i32>} : memref<64x768xf32, #tpu.memory_space<vmem>>, vector<16xf32>,
      tpu.vector_store %arg9[%parallel_loop3A_358, %parallel_loop3A_359], %parallel_loop3A_357 {strides = array<i32>} : memref<64x768xf32, #tpu.memory_space<vmem>>, vector<16xf32>,
      %parallel_loop3A_361 = arith.index_cast %parallel_loop3A_17 : i32 to index
      %parallel_loop3A_362 = arith.constant 496 : index
      %parallel_loop3A_363 = tpu.vector_load %arg9[%parallel_loop3A_361, %parallel_loop3A_362] {strides = array<i32>} : memref<64x768xf32, #tpu.memory_space<vmem>>, vector<16xf32>,
      %parallel_loop3A_364 = arith.index_cast %parallel_loop3A_17 : i32 to index
      %parallel_loop3A_365 = arith.constant 496 : index
      %parallel_loop3A_366 = tpu.vector_load %arg10[%parallel_loop3A_364, %parallel_loop3A_365] {strides = array<i32>} : memref<64x768xf32, #tpu.memory_space<vmem>>, vector<16xf32>,
      %parallel_loop3A_367 = arith.addf %parallel_loop3A_363, %parallel_loop3A_366 : vector<16xf32>
      %parallel_loop3A_368 = arith.mulf %parallel_loop3A_367, %parallel_loop3A_19 : vector<16xf32>
      %parallel_loop3A_369 = arith.index_cast %parallel_loop3A_17 : i32 to index
      %parallel_loop3A_370 = arith.constant 496 : index
      %parallel_loop3A_371 = tpu.vector_load %arg9[%parallel_loop3A_369, %parallel_loop3A_370] {strides = array<i32>} : memref<64x768xf32, #tpu.memory_space<vmem>>, vector<16xf32>,
      tpu.vector_store %arg9[%parallel_loop3A_369, %parallel_loop3A_370], %parallel_loop3A_368 {strides = array<i32>} : memref<64x768xf32, #tpu.memory_space<vmem>>, vector<16xf32>,
      %parallel_loop3A_372 = arith.index_cast %parallel_loop3A_17 : i32 to index
      %parallel_loop3A_373 = arith.constant 512 : index
      %parallel_loop3A_374 = tpu.vector_load %arg9[%parallel_loop3A_372, %parallel_loop3A_373] {strides = array<i32>} : memref<64x768xf32, #tpu.memory_space<vmem>>, vector<16xf32>,
      %parallel_loop3A_375 = arith.index_cast %parallel_loop3A_17 : i32 to index
      %parallel_loop3A_376 = arith.constant 512 : index
      %parallel_loop3A_377 = tpu.vector_load %arg10[%parallel_loop3A_375, %parallel_loop3A_376] {strides = array<i32>} : memref<64x768xf32, #tpu.memory_space<vmem>>, vector<16xf32>,
      %parallel_loop3A_378 = arith.addf %parallel_loop3A_374, %parallel_loop3A_377 : vector<16xf32>
      %parallel_loop3A_379 = arith.mulf %parallel_loop3A_378, %parallel_loop3A_19 : vector<16xf32>
      %parallel_loop3A_380 = arith.index_cast %parallel_loop3A_17 : i32 to index
      %parallel_loop3A_381 = arith.constant 512 : index
      %parallel_loop3A_382 = tpu.vector_load %arg9[%parallel_loop3A_380, %parallel_loop3A_381] {strides = array<i32>} : memref<64x768xf32, #tpu.memory_space<vmem>>, vector<16xf32>,
      tpu.vector_store %arg9[%parallel_loop3A_380, %parallel_loop3A_381], %parallel_loop3A_379 {strides = array<i32>} : memref<64x768xf32, #tpu.memory_space<vmem>>, vector<16xf32>,
      %parallel_loop3A_383 = arith.index_cast %parallel_loop3A_17 : i32 to index
      %parallel_loop3A_384 = arith.constant 528 : index
      %parallel_loop3A_385 = tpu.vector_load %arg9[%parallel_loop3A_383, %parallel_loop3A_384] {strides = array<i32>} : memref<64x768xf32, #tpu.memory_space<vmem>>, vector<16xf32>,
      %parallel_loop3A_386 = arith.index_cast %parallel_loop3A_17 : i32 to index
      %parallel_loop3A_387 = arith.constant 528 : index
      %parallel_loop3A_388 = tpu.vector_load %arg10[%parallel_loop3A_386, %parallel_loop3A_387] {strides = array<i32>} : memref<64x768xf32, #tpu.memory_space<vmem>>, vector<16xf32>,
      %parallel_loop3A_389 = arith.addf %parallel_loop3A_385, %parallel_loop3A_388 : vector<16xf32>
      %parallel_loop3A_390 = arith.mulf %parallel_loop3A_389, %parallel_loop3A_19 : vector<16xf32>
      %parallel_loop3A_391 = arith.index_cast %parallel_loop3A_17 : i32 to index
      %parallel_loop3A_392 = arith.constant 528 : index
      %parallel_loop3A_393 = tpu.vector_load %arg9[%parallel_loop3A_391, %parallel_loop3A_392] {strides = array<i32>} : memref<64x768xf32, #tpu.memory_space<vmem>>, vector<16xf32>,
      tpu.vector_store %arg9[%parallel_loop3A_391, %parallel_loop3A_392], %parallel_loop3A_390 {strides = array<i32>} : memref<64x768xf32, #tpu.memory_space<vmem>>, vector<16xf32>,
      %parallel_loop3A_394 = arith.index_cast %parallel_loop3A_17 : i32 to index
      %parallel_loop3A_395 = arith.constant 544 : index
      %parallel_loop3A_396 = tpu.vector_load %arg9[%parallel_loop3A_394, %parallel_loop3A_395] {strides = array<i32>} : memref<64x768xf32, #tpu.memory_space<vmem>>, vector<16xf32>,
      %parallel_loop3A_397 = arith.index_cast %parallel_loop3A_17 : i32 to index
      %parallel_loop3A_398 = arith.constant 544 : index
      %parallel_loop3A_399 = tpu.vector_load %arg10[%parallel_loop3A_397, %parallel_loop3A_398] {strides = array<i32>} : memref<64x768xf32, #tpu.memory_space<vmem>>, vector<16xf32>,
      %parallel_loop3A_400 = arith.addf %parallel_loop3A_396, %parallel_loop3A_399 : vector<16xf32>
      %parallel_loop3A_401 = arith.mulf %parallel_loop3A_400, %parallel_loop3A_19 : vector<16xf32>
      %parallel_loop3A_402 = arith.index_cast %parallel_loop3A_17 : i32 to index
      %parallel_loop3A_403 = arith.constant 544 : index
      %parallel_loop3A_404 = tpu.vector_load %arg9[%parallel_loop3A_402, %parallel_loop3A_403] {strides = array<i32>} : memref<64x768xf32, #tpu.memory_space<vmem>>, vector<16xf32>,
      tpu.vector_store %arg9[%parallel_loop3A_402, %parallel_loop3A_403], %parallel_loop3A_401 {strides = array<i32>} : memref<64x768xf32, #tpu.memory_space<vmem>>, vector<16xf32>,
      %parallel_loop3A_405 = arith.index_cast %parallel_loop3A_17 : i32 to index
      %parallel_loop3A_406 = arith.constant 560 : index
      %parallel_loop3A_407 = tpu.vector_load %arg9[%parallel_loop3A_405, %parallel_loop3A_406] {strides = array<i32>} : memref<64x768xf32, #tpu.memory_space<vmem>>, vector<16xf32>,
      %parallel_loop3A_408 = arith.index_cast %parallel_loop3A_17 : i32 to index
      %parallel_loop3A_409 = arith.constant 560 : index
      %parallel_loop3A_410 = tpu.vector_load %arg10[%parallel_loop3A_408, %parallel_loop3A_409] {strides = array<i32>} : memref<64x768xf32, #tpu.memory_space<vmem>>, vector<16xf32>,
      %parallel_loop3A_411 = arith.addf %parallel_loop3A_407, %parallel_loop3A_410 : vector<16xf32>
      %parallel_loop3A_412 = arith.mulf %parallel_loop3A_411, %parallel_loop3A_19 : vector<16xf32>
      %parallel_loop3A_413 = arith.index_cast %parallel_loop3A_17 : i32 to index
      %parallel_loop3A_414 = arith.constant 560 : index
      %parallel_loop3A_415 = tpu.vector_load %arg9[%parallel_loop3A_413, %parallel_loop3A_414] {strides = array<i32>} : memref<64x768xf32, #tpu.memory_space<vmem>>, vector<16xf32>,
      tpu.vector_store %arg9[%parallel_loop3A_413, %parallel_loop3A_414], %parallel_loop3A_412 {strides = array<i32>} : memref<64x768xf32, #tpu.memory_space<vmem>>, vector<16xf32>,
      %parallel_loop3A_416 = arith.index_cast %parallel_loop3A_17 : i32 to index
      %parallel_loop3A_417 = arith.constant 576 : index
      %parallel_loop3A_418 = tpu.vector_load %arg9[%parallel_loop3A_416, %parallel_loop3A_417] {strides = array<i32>} : memref<64x768xf32, #tpu.memory_space<vmem>>, vector<16xf32>,
      %parallel_loop3A_419 = arith.index_cast %parallel_loop3A_17 : i32 to index
      %parallel_loop3A_420 = arith.constant 576 : index
      %parallel_loop3A_421 = tpu.vector_load %arg10[%parallel_loop3A_419, %parallel_loop3A_420] {strides = array<i32>} : memref<64x768xf32, #tpu.memory_space<vmem>>, vector<16xf32>,
      %parallel_loop3A_422 = arith.addf %parallel_loop3A_418, %parallel_loop3A_421 : vector<16xf32>
      %parallel_loop3A_423 = arith.mulf %parallel_loop3A_422, %parallel_loop3A_19 : vector<16xf32>
      %parallel_loop3A_424 = arith.index_cast %parallel_loop3A_17 : i32 to index
      %parallel_loop3A_425 = arith.constant 576 : index
      %parallel_loop3A_426 = tpu.vector_load %arg9[%parallel_loop3A_424, %parallel_loop3A_425] {strides = array<i32>} : memref<64x768xf32, #tpu.memory_space<vmem>>, vector<16xf32>,
      tpu.vector_store %arg9[%parallel_loop3A_424, %parallel_loop3A_425], %parallel_loop3A_423 {strides = array<i32>} : memref<64x768xf32, #tpu.memory_space<vmem>>, vector<16xf32>,
      %parallel_loop3A_427 = arith.index_cast %parallel_loop3A_17 : i32 to index
      %parallel_loop3A_428 = arith.constant 592 : index
      %parallel_loop3A_429 = tpu.vector_load %arg9[%parallel_loop3A_427, %parallel_loop3A_428] {strides = array<i32>} : memref<64x768xf32, #tpu.memory_space<vmem>>, vector<16xf32>,
      %parallel_loop3A_430 = arith.index_cast %parallel_loop3A_17 : i32 to index
      %parallel_loop3A_431 = arith.constant 592 : index
      %parallel_loop3A_432 = tpu.vector_load %arg10[%parallel_loop3A_430, %parallel_loop3A_431] {strides = array<i32>} : memref<64x768xf32, #tpu.memory_space<vmem>>, vector<16xf32>,
      %parallel_loop3A_433 = arith.addf %parallel_loop3A_429, %parallel_loop3A_432 : vector<16xf32>
      %parallel_loop3A_434 = arith.mulf %parallel_loop3A_433, %parallel_loop3A_19 : vector<16xf32>
      %parallel_loop3A_435 = arith.index_cast %parallel_loop3A_17 : i32 to index
      %parallel_loop3A_436 = arith.constant 592 : index
      %parallel_loop3A_437 = tpu.vector_load %arg9[%parallel_loop3A_435, %parallel_loop3A_436] {strides = array<i32>} : memref<64x768xf32, #tpu.memory_space<vmem>>, vector<16xf32>,
      tpu.vector_store %arg9[%parallel_loop3A_435, %parallel_loop3A_436], %parallel_loop3A_434 {strides = array<i32>} : memref<64x768xf32, #tpu.memory_space<vmem>>, vector<16xf32>,
      %parallel_loop3A_438 = arith.index_cast %parallel_loop3A_17 : i32 to index
      %parallel_loop3A_439 = arith.constant 608 : index
      %parallel_loop3A_440 = tpu.vector_load %arg9[%parallel_loop3A_438, %parallel_loop3A_439] {strides = array<i32>} : memref<64x768xf32, #tpu.memory_space<vmem>>, vector<16xf32>,
      %parallel_loop3A_441 = arith.index_cast %parallel_loop3A_17 : i32 to index
      %parallel_loop3A_442 = arith.constant 608 : index
      %parallel_loop3A_443 = tpu.vector_load %arg10[%parallel_loop3A_441, %parallel_loop3A_442] {strides = array<i32>} : memref<64x768xf32, #tpu.memory_space<vmem>>, vector<16xf32>,
      %parallel_loop3A_444 = arith.addf %parallel_loop3A_440, %parallel_loop3A_443 : vector<16xf32>
      %parallel_loop3A_445 = arith.mulf %parallel_loop3A_444, %parallel_loop3A_19 : vector<16xf32>
      %parallel_loop3A_446 = arith.index_cast %parallel_loop3A_17 : i32 to index
      %parallel_loop3A_447 = arith.constant 608 : index
      %parallel_loop3A_448 = tpu.vector_load %arg9[%parallel_loop3A_446, %parallel_loop3A_447] {strides = array<i32>} : memref<64x768xf32, #tpu.memory_space<vmem>>, vector<16xf32>,
      tpu.vector_store %arg9[%parallel_loop3A_446, %parallel_loop3A_447], %parallel_loop3A_445 {strides = array<i32>} : memref<64x768xf32, #tpu.memory_space<vmem>>, vector<16xf32>,
      %parallel_loop3A_449 = arith.index_cast %parallel_loop3A_17 : i32 to index
      %parallel_loop3A_450 = arith.constant 624 : index
      %parallel_loop3A_451 = tpu.vector_load %arg9[%parallel_loop3A_449, %parallel_loop3A_450] {strides = array<i32>} : memref<64x768xf32, #tpu.memory_space<vmem>>, vector<16xf32>,
      %parallel_loop3A_452 = arith.index_cast %parallel_loop3A_17 : i32 to index
      %parallel_loop3A_453 = arith.constant 624 : index
      %parallel_loop3A_454 = tpu.vector_load %arg10[%parallel_loop3A_452, %parallel_loop3A_453] {strides = array<i32>} : memref<64x768xf32, #tpu.memory_space<vmem>>, vector<16xf32>,
      %parallel_loop3A_455 = arith.addf %parallel_loop3A_451, %parallel_loop3A_454 : vector<16xf32>
      %parallel_loop3A_456 = arith.mulf %parallel_loop3A_455, %parallel_loop3A_19 : vector<16xf32>
      %parallel_loop3A_457 = arith.index_cast %parallel_loop3A_17 : i32 to index
      %parallel_loop3A_458 = arith.constant 624 : index
      %parallel_loop3A_459 = tpu.vector_load %arg9[%parallel_loop3A_457, %parallel_loop3A_458] {strides = array<i32>} : memref<64x768xf32, #tpu.memory_space<vmem>>, vector<16xf32>,
      tpu.vector_store %arg9[%parallel_loop3A_457, %parallel_loop3A_458], %parallel_loop3A_456 {strides = array<i32>} : memref<64x768xf32, #tpu.memory_space<vmem>>, vector<16xf32>,
      %parallel_loop3A_460 = arith.index_cast %parallel_loop3A_17 : i32 to index
      %parallel_loop3A_461 = arith.constant 640 : index
      %parallel_loop3A_462 = tpu.vector_load %arg9[%parallel_loop3A_460, %parallel_loop3A_461] {strides = array<i32>} : memref<64x768xf32, #tpu.memory_space<vmem>>, vector<16xf32>,
      %parallel_loop3A_463 = arith.index_cast %parallel_loop3A_17 : i32 to index
      %parallel_loop3A_464 = arith.constant 640 : index
      %parallel_loop3A_465 = tpu.vector_load %arg10[%parallel_loop3A_463, %parallel_loop3A_464] {strides = array<i32>} : memref<64x768xf32, #tpu.memory_space<vmem>>, vector<16xf32>,
      %parallel_loop3A_466 = arith.addf %parallel_loop3A_462, %parallel_loop3A_465 : vector<16xf32>
      %parallel_loop3A_467 = arith.mulf %parallel_loop3A_466, %parallel_loop3A_19 : vector<16xf32>
      %parallel_loop3A_468 = arith.index_cast %parallel_loop3A_17 : i32 to index
      %parallel_loop3A_469 = arith.constant 640 : index
      %parallel_loop3A_470 = tpu.vector_load %arg9[%parallel_loop3A_468, %parallel_loop3A_469] {strides = array<i32>} : memref<64x768xf32, #tpu.memory_space<vmem>>, vector<16xf32>,
      tpu.vector_store %arg9[%parallel_loop3A_468, %parallel_loop3A_469], %parallel_loop3A_467 {strides = array<i32>} : memref<64x768xf32, #tpu.memory_space<vmem>>, vector<16xf32>,
      %parallel_loop3A_471 = arith.index_cast %parallel_loop3A_17 : i32 to index
      %parallel_loop3A_472 = arith.constant 656 : index
      %parallel_loop3A_473 = tpu.vector_load %arg9[%parallel_loop3A_471, %parallel_loop3A_472] {strides = array<i32>} : memref<64x768xf32, #tpu.memory_space<vmem>>, vector<16xf32>,
      %parallel_loop3A_474 = arith.index_cast %parallel_loop3A_17 : i32 to index
      %parallel_loop3A_475 = arith.constant 656 : index
      %parallel_loop3A_476 = tpu.vector_load %arg10[%parallel_loop3A_474, %parallel_loop3A_475] {strides = array<i32>} : memref<64x768xf32, #tpu.memory_space<vmem>>, vector<16xf32>,
      %parallel_loop3A_477 = arith.addf %parallel_loop3A_473, %parallel_loop3A_476 : vector<16xf32>
      %parallel_loop3A_478 = arith.mulf %parallel_loop3A_477, %parallel_loop3A_19 : vector<16xf32>
      %parallel_loop3A_479 = arith.index_cast %parallel_loop3A_17 : i32 to index
      %parallel_loop3A_480 = arith.constant 656 : index
      %parallel_loop3A_481 = tpu.vector_load %arg9[%parallel_loop3A_479, %parallel_loop3A_480] {strides = array<i32>} : memref<64x768xf32, #tpu.memory_space<vmem>>, vector<16xf32>,
      tpu.vector_store %arg9[%parallel_loop3A_479, %parallel_loop3A_480], %parallel_loop3A_478 {strides = array<i32>} : memref<64x768xf32, #tpu.memory_space<vmem>>, vector<16xf32>,
      %parallel_loop3A_482 = arith.index_cast %parallel_loop3A_17 : i32 to index
      %parallel_loop3A_483 = arith.constant 672 : index
      %parallel_loop3A_484 = tpu.vector_load %arg9[%parallel_loop3A_482, %parallel_loop3A_483] {strides = array<i32>} : memref<64x768xf32, #tpu.memory_space<vmem>>, vector<16xf32>,
      %parallel_loop3A_485 = arith.index_cast %parallel_loop3A_17 : i32 to index
      %parallel_loop3A_486 = arith.constant 672 : index
      %parallel_loop3A_487 = tpu.vector_load %arg10[%parallel_loop3A_485, %parallel_loop3A_486] {strides = array<i32>} : memref<64x768xf32, #tpu.memory_space<vmem>>, vector<16xf32>,
      %parallel_loop3A_488 = arith.addf %parallel_loop3A_484, %parallel_loop3A_487 : vector<16xf32>
      %parallel_loop3A_489 = arith.mulf %parallel_loop3A_488, %parallel_loop3A_19 : vector<16xf32>
      %parallel_loop3A_490 = arith.index_cast %parallel_loop3A_17 : i32 to index
      %parallel_loop3A_491 = arith.constant 672 : index
      %parallel_loop3A_492 = tpu.vector_load %arg9[%parallel_loop3A_490, %parallel_loop3A_491] {strides = array<i32>} : memref<64x768xf32, #tpu.memory_space<vmem>>, vector<16xf32>,
      tpu.vector_store %arg9[%parallel_loop3A_490, %parallel_loop3A_491], %parallel_loop3A_489 {strides = array<i32>} : memref<64x768xf32, #tpu.memory_space<vmem>>, vector<16xf32>,
      %parallel_loop3A_493 = arith.index_cast %parallel_loop3A_17 : i32 to index
      %parallel_loop3A_494 = arith.constant 688 : index
      %parallel_loop3A_495 = tpu.vector_load %arg9[%parallel_loop3A_493, %parallel_loop3A_494] {strides = array<i32>} : memref<64x768xf32, #tpu.memory_space<vmem>>, vector<16xf32>,
      %parallel_loop3A_496 = arith.index_cast %parallel_loop3A_17 : i32 to index
      %parallel_loop3A_497 = arith.constant 688 : index
      %parallel_loop3A_498 = tpu.vector_load %arg10[%parallel_loop3A_496, %parallel_loop3A_497] {strides = array<i32>} : memref<64x768xf32, #tpu.memory_space<vmem>>, vector<16xf32>,
      %parallel_loop3A_499 = arith.addf %parallel_loop3A_495, %parallel_loop3A_498 : vector<16xf32>
      %parallel_loop3A_500 = arith.mulf %parallel_loop3A_499, %parallel_loop3A_19 : vector<16xf32>
      %parallel_loop3A_501 = arith.index_cast %parallel_loop3A_17 : i32 to index
      %parallel_loop3A_502 = arith.constant 688 : index
      %parallel_loop3A_503 = tpu.vector_load %arg9[%parallel_loop3A_501, %parallel_loop3A_502] {strides = array<i32>} : memref<64x768xf32, #tpu.memory_space<vmem>>, vector<16xf32>,
      tpu.vector_store %arg9[%parallel_loop3A_501, %parallel_loop3A_502], %parallel_loop3A_500 {strides = array<i32>} : memref<64x768xf32, #tpu.memory_space<vmem>>, vector<16xf32>,
      %parallel_loop3A_504 = arith.index_cast %parallel_loop3A_17 : i32 to index
      %parallel_loop3A_505 = arith.constant 704 : index
      %parallel_loop3A_506 = tpu.vector_load %arg9[%parallel_loop3A_504, %parallel_loop3A_505] {strides = array<i32>} : memref<64x768xf32, #tpu.memory_space<vmem>>, vector<16xf32>,
      %parallel_loop3A_507 = arith.index_cast %parallel_loop3A_17 : i32 to index
      %parallel_loop3A_508 = arith.constant 704 : index
      %parallel_loop3A_509 = tpu.vector_load %arg10[%parallel_loop3A_507, %parallel_loop3A_508] {strides = array<i32>} : memref<64x768xf32, #tpu.memory_space<vmem>>, vector<16xf32>,
      %parallel_loop3A_510 = arith.addf %parallel_loop3A_506, %parallel_loop3A_509 : vector<16xf32>
      %parallel_loop3A_511 = arith.mulf %parallel_loop3A_510, %parallel_loop3A_19 : vector<16xf32>
      %parallel_loop3A_512 = arith.index_cast %parallel_loop3A_17 : i32 to index
      %parallel_loop3A_513 = arith.constant 704 : index
      %parallel_loop3A_514 = tpu.vector_load %arg9[%parallel_loop3A_512, %parallel_loop3A_513] {strides = array<i32>} : memref<64x768xf32, #tpu.memory_space<vmem>>, vector<16xf32>,
      tpu.vector_store %arg9[%parallel_loop3A_512, %parallel_loop3A_513], %parallel_loop3A_511 {strides = array<i32>} : memref<64x768xf32, #tpu.memory_space<vmem>>, vector<16xf32>,
      %parallel_loop3A_515 = arith.index_cast %parallel_loop3A_17 : i32 to index
      %parallel_loop3A_516 = arith.constant 720 : index
      %parallel_loop3A_517 = tpu.vector_load %arg9[%parallel_loop3A_515, %parallel_loop3A_516] {strides = array<i32>} : memref<64x768xf32, #tpu.memory_space<vmem>>, vector<16xf32>,
      %parallel_loop3A_518 = arith.index_cast %parallel_loop3A_17 : i32 to index
      %parallel_loop3A_519 = arith.constant 720 : index
      %parallel_loop3A_520 = tpu.vector_load %arg10[%parallel_loop3A_518, %parallel_loop3A_519] {strides = array<i32>} : memref<64x768xf32, #tpu.memory_space<vmem>>, vector<16xf32>,
      %parallel_loop3A_521 = arith.addf %parallel_loop3A_517, %parallel_loop3A_520 : vector<16xf32>
      %parallel_loop3A_522 = arith.mulf %parallel_loop3A_521, %parallel_loop3A_19 : vector<16xf32>
      %parallel_loop3A_523 = arith.index_cast %parallel_loop3A_17 : i32 to index
      %parallel_loop3A_524 = arith.constant 720 : index
      %parallel_loop3A_525 = tpu.vector_load %arg9[%parallel_loop3A_523, %parallel_loop3A_524] {strides = array<i32>} : memref<64x768xf32, #tpu.memory_space<vmem>>, vector<16xf32>,
      tpu.vector_store %arg9[%parallel_loop3A_523, %parallel_loop3A_524], %parallel_loop3A_522 {strides = array<i32>} : memref<64x768xf32, #tpu.memory_space<vmem>>, vector<16xf32>,
      %parallel_loop3A_526 = arith.index_cast %parallel_loop3A_17 : i32 to index
      %parallel_loop3A_527 = arith.constant 736 : index
      %parallel_loop3A_528 = tpu.vector_load %arg9[%parallel_loop3A_526, %parallel_loop3A_527] {strides = array<i32>} : memref<64x768xf32, #tpu.memory_space<vmem>>, vector<16xf32>,
      %parallel_loop3A_529 = arith.index_cast %parallel_loop3A_17 : i32 to index
      %parallel_loop3A_530 = arith.constant 736 : index
      %parallel_loop3A_531 = tpu.vector_load %arg10[%parallel_loop3A_529, %parallel_loop3A_530] {strides = array<i32>} : memref<64x768xf32, #tpu.memory_space<vmem>>, vector<16xf32>,
      %parallel_loop3A_532 = arith.addf %parallel_loop3A_528, %parallel_loop3A_531 : vector<16xf32>
      %parallel_loop3A_533 = arith.mulf %parallel_loop3A_532, %parallel_loop3A_19 : vector<16xf32>
      %parallel_loop3A_534 = arith.index_cast %parallel_loop3A_17 : i32 to index
      %parallel_loop3A_535 = arith.constant 736 : index
      %parallel_loop3A_536 = tpu.vector_load %arg9[%parallel_loop3A_534, %parallel_loop3A_535] {strides = array<i32>} : memref<64x768xf32, #tpu.memory_space<vmem>>, vector<16xf32>,
      tpu.vector_store %arg9[%parallel_loop3A_534, %parallel_loop3A_535], %parallel_loop3A_533 {strides = array<i32>} : memref<64x768xf32, #tpu.memory_space<vmem>>, vector<16xf32>,
      %parallel_loop3A_537 = arith.index_cast %parallel_loop3A_17 : i32 to index
      %parallel_loop3A_538 = arith.constant 752 : index
      %parallel_loop3A_539 = tpu.vector_load %arg9[%parallel_loop3A_537, %parallel_loop3A_538] {strides = array<i32>} : memref<64x768xf32, #tpu.memory_space<vmem>>, vector<16xf32>,
      %parallel_loop3A_540 = arith.index_cast %parallel_loop3A_17 : i32 to index
      %parallel_loop3A_541 = arith.constant 752 : index
      %parallel_loop3A_542 = tpu.vector_load %arg10[%parallel_loop3A_540, %parallel_loop3A_541] {strides = array<i32>} : memref<64x768xf32, #tpu.memory_space<vmem>>, vector<16xf32>,
      %parallel_loop3A_543 = arith.addf %parallel_loop3A_539, %parallel_loop3A_542 : vector<16xf32>
      %parallel_loop3A_544 = arith.mulf %parallel_loop3A_543, %parallel_loop3A_19 : vector<16xf32>
      %parallel_loop3A_545 = arith.index_cast %parallel_loop3A_17 : i32 to index
      %parallel_loop3A_546 = arith.constant 752 : index
      %parallel_loop3A_547 = tpu.vector_load %arg9[%parallel_loop3A_545, %parallel_loop3A_546] {strides = array<i32>} : memref<64x768xf32, #tpu.memory_space<vmem>>, vector<16xf32>,
      tpu.vector_store %arg9[%parallel_loop3A_545, %parallel_loop3A_546], %parallel_loop3A_544 {strides = array<i32>} : memref<64x768xf32, #tpu.memory_space<vmem>>, vector<16xf32>,
    } {sc.loop_unroll_factor = 2 : i64, sc.parallel_access}
    "tpu.region"() ({
      %run_scoped3A = tpu.sem_alloc : memref<!tpu.dma_semaphore, #tpu.memory_space<semaphore_mem>>
      %dma_start3A_17 = arith.constant 0 : i32
      %dma_start3A_18 = tpu.memref_slice %arg5[%mul3A_2, %dma_start3A_17] : memref<2048x768xf32, #tpu.memory_space<hbm>> -> memref<64x768xf32, #tpu.memory_space<hbm>>
      %dma_start3A_19 = arith.constant 0 : i32
      %dma_start3A_20 = tpu.memref_slice %arg5[%mul3A_2, %dma_start3A_19] : memref<2048x768xf32, #tpu.memory_space<hbm>> -> memref<64x768xf32, #tpu.memory_space<hbm>>
      tpu.enqueue_dma source(%arg9 : memref<64x768xf32, #tpu.memory_space<vmem>>) target(%dma_start3A_20 : memref<64x768xf32, #tpu.memory_space<hbm>>) target_semaphore(%run_scoped3A : memref<!tpu.dma_semaphore, #tpu.memory_space<semaphore_mem>>)
      %dma_wait3A_21 = arith.constant 0 : i32
      %dma_wait3A_22 = tpu.memref_slice %arg5[%mul3A_2, %dma_wait3A_21] : memref<2048x768xf32, #tpu.memory_space<hbm>> -> memref<64x768xf32, #tpu.memory_space<hbm>>
      %dma_wait3A_23 = arith.constant 0 : i32
      %dma_wait3A_24 = tpu.memref_slice %arg5[%mul3A_2, %dma_wait3A_23] : memref<2048x768xf32, #tpu.memory_space<hbm>> -> memref<64x768xf32, #tpu.memory_space<hbm>>
      tpu.wait_dma2 semaphore(%run_scoped3A : memref<!tpu.dma_semaphore, #tpu.memory_space<semaphore_mem>>) src(%arg9 : memref<64x768xf32, #tpu.memory_space<vmem>>) dst(%dma_wait3A_24 : memref<64x768xf32, #tpu.memory_space<hbm>>)
      tpu.yield
    }) : () -> ()
    return
  }
}

#map = affine_map<(d0, d1) -> (0)>
#map1 = affine_map<(d0, d1) -> (0, 0)>
module attributes {stable_mosaic.version = 14 : i64} {
  func.func @_dispatch_body(%arg0: i32, %arg1: i32, %arg2: memref<2048xi32, #tpu.memory_space<hbm>>, %arg3: memref<2048xi32, #tpu.memory_space<hbm>>, %arg4: memref<32x128xi32, #tpu.memory_space<hbm>>, %arg5: memref<2048x768xf32, #tpu.memory_space<hbm>>, %arg6: memref<5888x768xf32, #tpu.memory_space<hbm>>, %arg7: memref<4096xi32, #tpu.memory_space<hbm>>, %arg8: memref<32xi32, #tpu.memory_space<hbm>>, %arg9: memref<128xi32, #tpu.memory_space<vmem>>, %arg10: memref<128xi32, #tpu.memory_space<vmem>>, %arg11: memref<32x128xi32, #tpu.memory_space<vmem>>, %arg12: memref<128xi32, #tpu.memory_space<vmem>>, %arg13: memref<128x768xf32, #tpu.memory_space<vmem>>, %arg14: memref<32xi32, #tpu.memory_space<vmem>>, %arg15: memref<!tpu.dma_semaphore, #tpu.memory_space<semaphore_mem>>, %arg16: memref<!tpu.dma_semaphore, #tpu.memory_space<semaphore_mem>>) attributes {dimension_semantics = [#tpu.dimension_semantics<core_parallel>, #tpu.dimension_semantics<subcore_parallel>], iteration_bounds = array<i64: 2, 16>, scalar_prefetch = 0 : i64, scratch_operands = 8 : i64, tpu.core_type = #tpu.core_type<sc_vector_subcore>, window_params = [{transform_indices = #map}, {transform_indices = #map}, {transform_indices = #map1}, {transform_indices = #map1}, {transform_indices = #map1}, {transform_indices = #map}, {transform_indices = #map}]} {
    %mul3A = arith.constant 2 : i32
    %mul3A_0 = arith.muli %arg1, %mul3A : i32
    %add3A = arith.addi %mul3A_0, %arg0 : i32
    %jit3A = arith.constant 8 : i32
    %eq3A = arith.constant 0 : i32
    %eq3A_1 = arith.cmpi eq, %jit3A, %eq3A : i32
    %jit3A_2 = arith.constant 1 : i32
    %select_n3A = arith.select %eq3A_1, %jit3A_2, %jit3A : i32
    %rem3A = arith.remsi %add3A, %select_n3A : i32
    %ne3A = arith.constant 0 : i32
    %ne3A_3 = arith.cmpi ne, %rem3A, %ne3A : i32
    %lt3A = arith.constant 0 : i32
    %lt3A_4 = arith.cmpi slt, %rem3A, %lt3A : i32
    %lt3A_5 = arith.constant 0 : i32
    %lt3A_6 = arith.cmpi slt, %select_n3A, %lt3A_5 : i32
    %ne3A_7 = arith.xori %lt3A_4, %lt3A_6 : i1
    %and3A = arith.andi %ne3A_7, %ne3A_3 : i1
    %add3A_8 = arith.addi %rem3A, %select_n3A : i32
    %select_n3A_9 = arith.select %and3A, %add3A_8, %rem3A : i32
    %jit3A_10 = arith.constant 4 : i32
    %div3A = arith.divsi %select_n3A_9, %jit3A_10 : i32
    %sign3A = arith.constant 0 : i32
    %sign3A_11 = arith.cmpi sgt, %select_n3A_9, %sign3A : i32
    %sign3A_12 = arith.extui %sign3A_11 : i1 to i32
    %sign3A_13 = arith.constant 0 : i32
    %sign3A_14 = arith.cmpi slt, %select_n3A_9, %sign3A_13 : i32
    %sign3A_15 = arith.extui %sign3A_14 : i1 to i32
    %sign3A_16 = arith.subi %sign3A_12, %sign3A_15 : i32
    %sign3A_17 = arith.constant 0 : i32
    %sign3A_18 = arith.cmpi sgt, %jit3A_10, %sign3A_17 : i32
    %sign3A_19 = arith.extui %sign3A_18 : i1 to i32
    %sign3A_20 = arith.constant 0 : i32
    %sign3A_21 = arith.cmpi slt, %jit3A_10, %sign3A_20 : i32
    %sign3A_22 = arith.extui %sign3A_21 : i1 to i32
    %sign3A_23 = arith.subi %sign3A_19, %sign3A_22 : i32
    %ne3A_24 = arith.cmpi ne, %sign3A_16, %sign3A_23 : i32
    %rem3A_25 = arith.remsi %select_n3A_9, %jit3A_10 : i32
    %ne3A_26 = arith.constant 0 : i32
    %ne3A_27 = arith.cmpi ne, %rem3A_25, %ne3A_26 : i32
    %and3A_28 = arith.andi %ne3A_24, %ne3A_27 : i1
    %sub3A = arith.constant 1 : i32
    %sub3A_29 = arith.subi %div3A, %sub3A : i32
    %select_n3A_30 = arith.select %and3A_28, %sub3A_29, %div3A : i32
    %jit3A_31 = arith.constant 8 : i32
    %div3A_32 = arith.divsi %add3A, %jit3A_31 : i32
    %sign3A_33 = arith.constant 0 : i32
    %sign3A_34 = arith.cmpi sgt, %add3A, %sign3A_33 : i32
    %sign3A_35 = arith.extui %sign3A_34 : i1 to i32
    %sign3A_36 = arith.constant 0 : i32
    %sign3A_37 = arith.cmpi slt, %add3A, %sign3A_36 : i32
    %sign3A_38 = arith.extui %sign3A_37 : i1 to i32
    %sign3A_39 = arith.subi %sign3A_35, %sign3A_38 : i32
    %sign3A_40 = arith.constant 0 : i32
    %sign3A_41 = arith.cmpi sgt, %jit3A_31, %sign3A_40 : i32
    %sign3A_42 = arith.extui %sign3A_41 : i1 to i32
    %sign3A_43 = arith.constant 0 : i32
    %sign3A_44 = arith.cmpi slt, %jit3A_31, %sign3A_43 : i32
    %sign3A_45 = arith.extui %sign3A_44 : i1 to i32
    %sign3A_46 = arith.subi %sign3A_42, %sign3A_45 : i32
    %ne3A_47 = arith.cmpi ne, %sign3A_39, %sign3A_46 : i32
    %rem3A_48 = arith.remsi %add3A, %jit3A_31 : i32
    %ne3A_49 = arith.constant 0 : i32
    %ne3A_50 = arith.cmpi ne, %rem3A_48, %ne3A_49 : i32
    %and3A_51 = arith.andi %ne3A_47, %ne3A_50 : i1
    %sub3A_52 = arith.constant 1 : i32
    %sub3A_53 = arith.subi %div3A_32, %sub3A_52 : i32
    %select_n3A_54 = arith.select %and3A_51, %sub3A_53, %div3A_32 : i32
    %mul3A_55 = arith.constant 512 : i32
    %mul3A_56 = arith.muli %select_n3A_54, %mul3A_55 : i32
    %jit3A_57 = arith.constant 4 : i32
    %eq3A_58 = arith.constant 0 : i32
    %eq3A_59 = arith.cmpi eq, %jit3A_57, %eq3A_58 : i32
    %jit3A_60 = arith.constant 1 : i32
    %select_n3A_61 = arith.select %eq3A_59, %jit3A_60, %jit3A_57 : i32
    %rem3A_62 = arith.remsi %add3A, %select_n3A_61 : i32
    %ne3A_63 = arith.constant 0 : i32
    %ne3A_64 = arith.cmpi ne, %rem3A_62, %ne3A_63 : i32
    %lt3A_65 = arith.constant 0 : i32
    %lt3A_66 = arith.cmpi slt, %rem3A_62, %lt3A_65 : i32
    %lt3A_67 = arith.constant 0 : i32
    %lt3A_68 = arith.cmpi slt, %select_n3A_61, %lt3A_67 : i32
    %ne3A_69 = arith.xori %lt3A_66, %lt3A_68 : i1
    %and3A_70 = arith.andi %ne3A_69, %ne3A_64 : i1
    %add3A_71 = arith.addi %rem3A_62, %select_n3A_61 : i32
    %select_n3A_72 = arith.select %and3A_70, %add3A_71, %rem3A_62 : i32
    %mul3A_73 = arith.constant 128 : i32
    %mul3A_74 = arith.muli %select_n3A_72, %mul3A_73 : i32
    %add3A_75 = arith.addi %mul3A_56, %mul3A_74 : i32
    %mul3A_76 = arith.constant 2048 : i32
    %mul3A_77 = arith.muli %select_n3A_30, %mul3A_76 : i32
    %add3A_78 = arith.addi %mul3A_77, %add3A_75 : i32
    %iota3A = tpu.iota {dimensions = array<i32: 0>} : vector<16xi32>
    %dma_start3A = arith.constant 0 : i32
    %dma_start3A_79 = tpu.memref_slice %arg5[%add3A_75, %dma_start3A] : memref<2048x768xf32, #tpu.memory_space<hbm>> -> memref<128x768xf32, #tpu.memory_space<hbm>>
    %dma_start3A_80 = arith.constant 0 : i32
    %dma_start3A_81 = tpu.memref_slice %arg5[%add3A_75, %dma_start3A_80] : memref<2048x768xf32, #tpu.memory_space<hbm>> -> memref<128x768xf32, #tpu.memory_space<hbm>>
    tpu.enqueue_dma source(%dma_start3A_81 : memref<128x768xf32, #tpu.memory_space<hbm>>) target(%arg13 : memref<128x768xf32, #tpu.memory_space<vmem>>) target_semaphore(%arg16 : memref<!tpu.dma_semaphore, #tpu.memory_space<semaphore_mem>>)
    "tpu.region"() ({
      %run_scoped3A = tpu.sem_alloc : memref<!tpu.dma_semaphore, #tpu.memory_space<semaphore_mem>>
      %dma_start3A_2527 = tpu.memref_slice %arg2[%add3A_75] : memref<2048xi32, #tpu.memory_space<hbm>> -> memref<128xi32, #tpu.memory_space<hbm>>
      %dma_start3A_2528 = tpu.memref_slice %arg2[%add3A_75] : memref<2048xi32, #tpu.memory_space<hbm>> -> memref<128xi32, #tpu.memory_space<hbm>>
      tpu.enqueue_dma source(%dma_start3A_2528 : memref<128xi32, #tpu.memory_space<hbm>>) target(%arg9 : memref<128xi32, #tpu.memory_space<vmem>>) target_semaphore(%run_scoped3A : memref<!tpu.dma_semaphore, #tpu.memory_space<semaphore_mem>>)
      %dma_wait3A_2529 = tpu.memref_slice %arg2[%add3A_75] : memref<2048xi32, #tpu.memory_space<hbm>> -> memref<128xi32, #tpu.memory_space<hbm>>
      %dma_wait3A_2530 = tpu.memref_slice %arg2[%add3A_75] : memref<2048xi32, #tpu.memory_space<hbm>> -> memref<128xi32, #tpu.memory_space<hbm>>
      tpu.wait_dma2 semaphore(%run_scoped3A : memref<!tpu.dma_semaphore, #tpu.memory_space<semaphore_mem>>) src(%dma_wait3A_2530 : memref<128xi32, #tpu.memory_space<hbm>>) dst(%arg9 : memref<128xi32, #tpu.memory_space<vmem>>)
      tpu.yield
    }) : () -> ()
    "tpu.region"() ({
      %run_scoped3A = tpu.sem_alloc : memref<!tpu.dma_semaphore, #tpu.memory_space<semaphore_mem>>
      %dma_start3A_2527 = tpu.memref_slice %arg3[%add3A_75] : memref<2048xi32, #tpu.memory_space<hbm>> -> memref<128xi32, #tpu.memory_space<hbm>>
      %dma_start3A_2528 = tpu.memref_slice %arg3[%add3A_75] : memref<2048xi32, #tpu.memory_space<hbm>> -> memref<128xi32, #tpu.memory_space<hbm>>
      tpu.enqueue_dma source(%dma_start3A_2528 : memref<128xi32, #tpu.memory_space<hbm>>) target(%arg10 : memref<128xi32, #tpu.memory_space<vmem>>) target_semaphore(%run_scoped3A : memref<!tpu.dma_semaphore, #tpu.memory_space<semaphore_mem>>)
      %dma_wait3A_2529 = tpu.memref_slice %arg3[%add3A_75] : memref<2048xi32, #tpu.memory_space<hbm>> -> memref<128xi32, #tpu.memory_space<hbm>>
      %dma_wait3A_2530 = tpu.memref_slice %arg3[%add3A_75] : memref<2048xi32, #tpu.memory_space<hbm>> -> memref<128xi32, #tpu.memory_space<hbm>>
      tpu.wait_dma2 semaphore(%run_scoped3A : memref<!tpu.dma_semaphore, #tpu.memory_space<semaphore_mem>>) src(%dma_wait3A_2530 : memref<128xi32, #tpu.memory_space<hbm>>) dst(%arg10 : memref<128xi32, #tpu.memory_space<vmem>>)
      tpu.yield
    }) : () -> ()
    "tpu.region"() ({
      %run_scoped3A = tpu.sem_alloc : memref<!tpu.dma_semaphore, #tpu.memory_space<semaphore_mem>>
      tpu.enqueue_dma source(%arg4 : memref<32x128xi32, #tpu.memory_space<hbm>>) target(%arg11 : memref<32x128xi32, #tpu.memory_space<vmem>>) target_semaphore(%run_scoped3A : memref<!tpu.dma_semaphore, #tpu.memory_space<semaphore_mem>>)
      tpu.wait_dma2 semaphore(%run_scoped3A : memref<!tpu.dma_semaphore, #tpu.memory_space<semaphore_mem>>) src(%arg4 : memref<32x128xi32, #tpu.memory_space<hbm>>) dst(%arg11 : memref<32x128xi32, #tpu.memory_space<vmem>>)
      tpu.yield
    }) : () -> ()
    %broadcast_in_dim3A = arith.constant 0 : i32
    %broadcast_in_dim3A_82 = vector.broadcast %broadcast_in_dim3A : i32 to vector<16xi32>
    %broadcast_in_dim3A_83 = arith.constant 0 : i32
    %broadcast_in_dim3A_84 = vector.broadcast %broadcast_in_dim3A_83 : i32 to vector<16xi32>
    %get3A = arith.constant 0 : i32
    %get3A_85 = arith.index_cast %get3A : i32 to index
    %get3A_86 = arith.constant 0 : index
    %get3A_87 = tpu.vector_load %arg11[%get3A_85, %get3A_86] {strides = array<i32>} : memref<32x128xi32, #tpu.memory_space<vmem>>, vector<16xi32>,
    %add3A_88 = arith.addi %broadcast_in_dim3A_82, %get3A_87 : vector<16xi32>
    %gt3A = arith.constant 0 : i32
    %gt3A_89 = arith.cmpi sgt, %add3A, %gt3A : i32
    %jit3A_90 = arith.constant 0 : i32
    %broadcast_in_dim3A_91 = vector.broadcast %jit3A_90 : i32 to vector<16xi32>
    %select_n3A_92 = arith.select %gt3A_89, %get3A_87, %broadcast_in_dim3A_91 : vector<16xi32>
    %add3A_93 = arith.addi %broadcast_in_dim3A_84, %select_n3A_92 : vector<16xi32>
    %get3A_94 = arith.constant 1 : i32
    %get3A_95 = arith.index_cast %get3A_94 : i32 to index
    %get3A_96 = arith.constant 0 : index
    %get3A_97 = tpu.vector_load %arg11[%get3A_95, %get3A_96] {strides = array<i32>} : memref<32x128xi32, #tpu.memory_space<vmem>>, vector<16xi32>,
    %add3A_98 = arith.addi %add3A_88, %get3A_97 : vector<16xi32>
    %gt3A_99 = arith.constant 1 : i32
    %gt3A_100 = arith.cmpi sgt, %add3A, %gt3A_99 : i32
    %jit3A_101 = arith.constant 0 : i32
    %broadcast_in_dim3A_102 = vector.broadcast %jit3A_101 : i32 to vector<16xi32>
    %select_n3A_103 = arith.select %gt3A_100, %get3A_97, %broadcast_in_dim3A_102 : vector<16xi32>
    %add3A_104 = arith.addi %add3A_93, %select_n3A_103 : vector<16xi32>
    %get3A_105 = arith.constant 2 : i32
    %get3A_106 = arith.index_cast %get3A_105 : i32 to index
    %get3A_107 = arith.constant 0 : index
    %get3A_108 = tpu.vector_load %arg11[%get3A_106, %get3A_107] {strides = array<i32>} : memref<32x128xi32, #tpu.memory_space<vmem>>, vector<16xi32>,
    %add3A_109 = arith.addi %add3A_98, %get3A_108 : vector<16xi32>
    %gt3A_110 = arith.constant 2 : i32
    %gt3A_111 = arith.cmpi sgt, %add3A, %gt3A_110 : i32
    %jit3A_112 = arith.constant 0 : i32
    %broadcast_in_dim3A_113 = vector.broadcast %jit3A_112 : i32 to vector<16xi32>
    %select_n3A_114 = arith.select %gt3A_111, %get3A_108, %broadcast_in_dim3A_113 : vector<16xi32>
    %add3A_115 = arith.addi %add3A_104, %select_n3A_114 : vector<16xi32>
    %get3A_116 = arith.constant 3 : i32
    %get3A_117 = arith.index_cast %get3A_116 : i32 to index
    %get3A_118 = arith.constant 0 : index
    %get3A_119 = tpu.vector_load %arg11[%get3A_117, %get3A_118] {strides = array<i32>} : memref<32x128xi32, #tpu.memory_space<vmem>>, vector<16xi32>,
    %add3A_120 = arith.addi %add3A_109, %get3A_119 : vector<16xi32>
    %gt3A_121 = arith.constant 3 : i32
    %gt3A_122 = arith.cmpi sgt, %add3A, %gt3A_121 : i32
    %jit3A_123 = arith.constant 0 : i32
    %broadcast_in_dim3A_124 = vector.broadcast %jit3A_123 : i32 to vector<16xi32>
    %select_n3A_125 = arith.select %gt3A_122, %get3A_119, %broadcast_in_dim3A_124 : vector<16xi32>
    %add3A_126 = arith.addi %add3A_115, %select_n3A_125 : vector<16xi32>
    %get3A_127 = arith.constant 4 : i32
    %get3A_128 = arith.index_cast %get3A_127 : i32 to index
    %get3A_129 = arith.constant 0 : index
    %get3A_130 = tpu.vector_load %arg11[%get3A_128, %get3A_129] {strides = array<i32>} : memref<32x128xi32, #tpu.memory_space<vmem>>, vector<16xi32>,
    %add3A_131 = arith.addi %add3A_120, %get3A_130 : vector<16xi32>
    %gt3A_132 = arith.constant 4 : i32
    %gt3A_133 = arith.cmpi sgt, %add3A, %gt3A_132 : i32
    %jit3A_134 = arith.constant 0 : i32
    %broadcast_in_dim3A_135 = vector.broadcast %jit3A_134 : i32 to vector<16xi32>
    %select_n3A_136 = arith.select %gt3A_133, %get3A_130, %broadcast_in_dim3A_135 : vector<16xi32>
    %add3A_137 = arith.addi %add3A_126, %select_n3A_136 : vector<16xi32>
    %get3A_138 = arith.constant 5 : i32
    %get3A_139 = arith.index_cast %get3A_138 : i32 to index
    %get3A_140 = arith.constant 0 : index
    %get3A_141 = tpu.vector_load %arg11[%get3A_139, %get3A_140] {strides = array<i32>} : memref<32x128xi32, #tpu.memory_space<vmem>>, vector<16xi32>,
    %add3A_142 = arith.addi %add3A_131, %get3A_141 : vector<16xi32>
    %gt3A_143 = arith.constant 5 : i32
    %gt3A_144 = arith.cmpi sgt, %add3A, %gt3A_143 : i32
    %jit3A_145 = arith.constant 0 : i32
    %broadcast_in_dim3A_146 = vector.broadcast %jit3A_145 : i32 to vector<16xi32>
    %select_n3A_147 = arith.select %gt3A_144, %get3A_141, %broadcast_in_dim3A_146 : vector<16xi32>
    %add3A_148 = arith.addi %add3A_137, %select_n3A_147 : vector<16xi32>
    %get3A_149 = arith.constant 6 : i32
    %get3A_150 = arith.index_cast %get3A_149 : i32 to index
    %get3A_151 = arith.constant 0 : index
    %get3A_152 = tpu.vector_load %arg11[%get3A_150, %get3A_151] {strides = array<i32>} : memref<32x128xi32, #tpu.memory_space<vmem>>, vector<16xi32>,
    %add3A_153 = arith.addi %add3A_142, %get3A_152 : vector<16xi32>
    %gt3A_154 = arith.constant 6 : i32
    %gt3A_155 = arith.cmpi sgt, %add3A, %gt3A_154 : i32
    %jit3A_156 = arith.constant 0 : i32
    %broadcast_in_dim3A_157 = vector.broadcast %jit3A_156 : i32 to vector<16xi32>
    %select_n3A_158 = arith.select %gt3A_155, %get3A_152, %broadcast_in_dim3A_157 : vector<16xi32>
    %add3A_159 = arith.addi %add3A_148, %select_n3A_158 : vector<16xi32>
    %get3A_160 = arith.constant 7 : i32
    %get3A_161 = arith.index_cast %get3A_160 : i32 to index
    %get3A_162 = arith.constant 0 : index
    %get3A_163 = tpu.vector_load %arg11[%get3A_161, %get3A_162] {strides = array<i32>} : memref<32x128xi32, #tpu.memory_space<vmem>>, vector<16xi32>,
    %add3A_164 = arith.addi %add3A_153, %get3A_163 : vector<16xi32>
    %gt3A_165 = arith.constant 7 : i32
    %gt3A_166 = arith.cmpi sgt, %add3A, %gt3A_165 : i32
    %jit3A_167 = arith.constant 0 : i32
    %broadcast_in_dim3A_168 = vector.broadcast %jit3A_167 : i32 to vector<16xi32>
    %select_n3A_169 = arith.select %gt3A_166, %get3A_163, %broadcast_in_dim3A_168 : vector<16xi32>
    %add3A_170 = arith.addi %add3A_159, %select_n3A_169 : vector<16xi32>
    %get3A_171 = arith.constant 8 : i32
    %get3A_172 = arith.index_cast %get3A_171 : i32 to index
    %get3A_173 = arith.constant 0 : index
    %get3A_174 = tpu.vector_load %arg11[%get3A_172, %get3A_173] {strides = array<i32>} : memref<32x128xi32, #tpu.memory_space<vmem>>, vector<16xi32>,
    %add3A_175 = arith.addi %add3A_164, %get3A_174 : vector<16xi32>
    %gt3A_176 = arith.constant 8 : i32
    %gt3A_177 = arith.cmpi sgt, %add3A, %gt3A_176 : i32
    %jit3A_178 = arith.constant 0 : i32
    %broadcast_in_dim3A_179 = vector.broadcast %jit3A_178 : i32 to vector<16xi32>
    %select_n3A_180 = arith.select %gt3A_177, %get3A_174, %broadcast_in_dim3A_179 : vector<16xi32>
    %add3A_181 = arith.addi %add3A_170, %select_n3A_180 : vector<16xi32>
    %get3A_182 = arith.constant 9 : i32
    %get3A_183 = arith.index_cast %get3A_182 : i32 to index
    %get3A_184 = arith.constant 0 : index
    %get3A_185 = tpu.vector_load %arg11[%get3A_183, %get3A_184] {strides = array<i32>} : memref<32x128xi32, #tpu.memory_space<vmem>>, vector<16xi32>,
    %add3A_186 = arith.addi %add3A_175, %get3A_185 : vector<16xi32>
    %gt3A_187 = arith.constant 9 : i32
    %gt3A_188 = arith.cmpi sgt, %add3A, %gt3A_187 : i32
    %jit3A_189 = arith.constant 0 : i32
    %broadcast_in_dim3A_190 = vector.broadcast %jit3A_189 : i32 to vector<16xi32>
    %select_n3A_191 = arith.select %gt3A_188, %get3A_185, %broadcast_in_dim3A_190 : vector<16xi32>
    %add3A_192 = arith.addi %add3A_181, %select_n3A_191 : vector<16xi32>
    %get3A_193 = arith.constant 10 : i32
    %get3A_194 = arith.index_cast %get3A_193 : i32 to index
    %get3A_195 = arith.constant 0 : index
    %get3A_196 = tpu.vector_load %arg11[%get3A_194, %get3A_195] {strides = array<i32>} : memref<32x128xi32, #tpu.memory_space<vmem>>, vector<16xi32>,
    %add3A_197 = arith.addi %add3A_186, %get3A_196 : vector<16xi32>
    %gt3A_198 = arith.constant 10 : i32
    %gt3A_199 = arith.cmpi sgt, %add3A, %gt3A_198 : i32
    %jit3A_200 = arith.constant 0 : i32
    %broadcast_in_dim3A_201 = vector.broadcast %jit3A_200 : i32 to vector<16xi32>
    %select_n3A_202 = arith.select %gt3A_199, %get3A_196, %broadcast_in_dim3A_201 : vector<16xi32>
    %add3A_203 = arith.addi %add3A_192, %select_n3A_202 : vector<16xi32>
    %get3A_204 = arith.constant 11 : i32
    %get3A_205 = arith.index_cast %get3A_204 : i32 to index
    %get3A_206 = arith.constant 0 : index
    %get3A_207 = tpu.vector_load %arg11[%get3A_205, %get3A_206] {strides = array<i32>} : memref<32x128xi32, #tpu.memory_space<vmem>>, vector<16xi32>,
    %add3A_208 = arith.addi %add3A_197, %get3A_207 : vector<16xi32>
    %gt3A_209 = arith.constant 11 : i32
    %gt3A_210 = arith.cmpi sgt, %add3A, %gt3A_209 : i32
    %jit3A_211 = arith.constant 0 : i32
    %broadcast_in_dim3A_212 = vector.broadcast %jit3A_211 : i32 to vector<16xi32>
    %select_n3A_213 = arith.select %gt3A_210, %get3A_207, %broadcast_in_dim3A_212 : vector<16xi32>
    %add3A_214 = arith.addi %add3A_203, %select_n3A_213 : vector<16xi32>
    %get3A_215 = arith.constant 12 : i32
    %get3A_216 = arith.index_cast %get3A_215 : i32 to index
    %get3A_217 = arith.constant 0 : index
    %get3A_218 = tpu.vector_load %arg11[%get3A_216, %get3A_217] {strides = array<i32>} : memref<32x128xi32, #tpu.memory_space<vmem>>, vector<16xi32>,
    %add3A_219 = arith.addi %add3A_208, %get3A_218 : vector<16xi32>
    %gt3A_220 = arith.constant 12 : i32
    %gt3A_221 = arith.cmpi sgt, %add3A, %gt3A_220 : i32
    %jit3A_222 = arith.constant 0 : i32
    %broadcast_in_dim3A_223 = vector.broadcast %jit3A_222 : i32 to vector<16xi32>
    %select_n3A_224 = arith.select %gt3A_221, %get3A_218, %broadcast_in_dim3A_223 : vector<16xi32>
    %add3A_225 = arith.addi %add3A_214, %select_n3A_224 : vector<16xi32>
    %get3A_226 = arith.constant 13 : i32
    %get3A_227 = arith.index_cast %get3A_226 : i32 to index
    %get3A_228 = arith.constant 0 : index
    %get3A_229 = tpu.vector_load %arg11[%get3A_227, %get3A_228] {strides = array<i32>} : memref<32x128xi32, #tpu.memory_space<vmem>>, vector<16xi32>,
    %add3A_230 = arith.addi %add3A_219, %get3A_229 : vector<16xi32>
    %gt3A_231 = arith.constant 13 : i32
    %gt3A_232 = arith.cmpi sgt, %add3A, %gt3A_231 : i32
    %jit3A_233 = arith.constant 0 : i32
    %broadcast_in_dim3A_234 = vector.broadcast %jit3A_233 : i32 to vector<16xi32>
    %select_n3A_235 = arith.select %gt3A_232, %get3A_229, %broadcast_in_dim3A_234 : vector<16xi32>
    %add3A_236 = arith.addi %add3A_225, %select_n3A_235 : vector<16xi32>
    %get3A_237 = arith.constant 14 : i32
    %get3A_238 = arith.index_cast %get3A_237 : i32 to index
    %get3A_239 = arith.constant 0 : index
    %get3A_240 = tpu.vector_load %arg11[%get3A_238, %get3A_239] {strides = array<i32>} : memref<32x128xi32, #tpu.memory_space<vmem>>, vector<16xi32>,
    %add3A_241 = arith.addi %add3A_230, %get3A_240 : vector<16xi32>
    %gt3A_242 = arith.constant 14 : i32
    %gt3A_243 = arith.cmpi sgt, %add3A, %gt3A_242 : i32
    %jit3A_244 = arith.constant 0 : i32
    %broadcast_in_dim3A_245 = vector.broadcast %jit3A_244 : i32 to vector<16xi32>
    %select_n3A_246 = arith.select %gt3A_243, %get3A_240, %broadcast_in_dim3A_245 : vector<16xi32>
    %add3A_247 = arith.addi %add3A_236, %select_n3A_246 : vector<16xi32>
    %get3A_248 = arith.constant 15 : i32
    %get3A_249 = arith.index_cast %get3A_248 : i32 to index
    %get3A_250 = arith.constant 0 : index
    %get3A_251 = tpu.vector_load %arg11[%get3A_249, %get3A_250] {strides = array<i32>} : memref<32x128xi32, #tpu.memory_space<vmem>>, vector<16xi32>,
    %add3A_252 = arith.addi %add3A_241, %get3A_251 : vector<16xi32>
    %gt3A_253 = arith.constant 15 : i32
    %gt3A_254 = arith.cmpi sgt, %add3A, %gt3A_253 : i32
    %jit3A_255 = arith.constant 0 : i32
    %broadcast_in_dim3A_256 = vector.broadcast %jit3A_255 : i32 to vector<16xi32>
    %select_n3A_257 = arith.select %gt3A_254, %get3A_251, %broadcast_in_dim3A_256 : vector<16xi32>
    %add3A_258 = arith.addi %add3A_247, %select_n3A_257 : vector<16xi32>
    %get3A_259 = arith.constant 16 : i32
    %get3A_260 = arith.index_cast %get3A_259 : i32 to index
    %get3A_261 = arith.constant 0 : index
    %get3A_262 = tpu.vector_load %arg11[%get3A_260, %get3A_261] {strides = array<i32>} : memref<32x128xi32, #tpu.memory_space<vmem>>, vector<16xi32>,
    %add3A_263 = arith.addi %add3A_252, %get3A_262 : vector<16xi32>
    %gt3A_264 = arith.constant 16 : i32
    %gt3A_265 = arith.cmpi sgt, %add3A, %gt3A_264 : i32
    %jit3A_266 = arith.constant 0 : i32
    %broadcast_in_dim3A_267 = vector.broadcast %jit3A_266 : i32 to vector<16xi32>
    %select_n3A_268 = arith.select %gt3A_265, %get3A_262, %broadcast_in_dim3A_267 : vector<16xi32>
    %add3A_269 = arith.addi %add3A_258, %select_n3A_268 : vector<16xi32>
    %get3A_270 = arith.constant 17 : i32
    %get3A_271 = arith.index_cast %get3A_270 : i32 to index
    %get3A_272 = arith.constant 0 : index
    %get3A_273 = tpu.vector_load %arg11[%get3A_271, %get3A_272] {strides = array<i32>} : memref<32x128xi32, #tpu.memory_space<vmem>>, vector<16xi32>,
    %add3A_274 = arith.addi %add3A_263, %get3A_273 : vector<16xi32>
    %gt3A_275 = arith.constant 17 : i32
    %gt3A_276 = arith.cmpi sgt, %add3A, %gt3A_275 : i32
    %jit3A_277 = arith.constant 0 : i32
    %broadcast_in_dim3A_278 = vector.broadcast %jit3A_277 : i32 to vector<16xi32>
    %select_n3A_279 = arith.select %gt3A_276, %get3A_273, %broadcast_in_dim3A_278 : vector<16xi32>
    %add3A_280 = arith.addi %add3A_269, %select_n3A_279 : vector<16xi32>
    %get3A_281 = arith.constant 18 : i32
    %get3A_282 = arith.index_cast %get3A_281 : i32 to index
    %get3A_283 = arith.constant 0 : index
    %get3A_284 = tpu.vector_load %arg11[%get3A_282, %get3A_283] {strides = array<i32>} : memref<32x128xi32, #tpu.memory_space<vmem>>, vector<16xi32>,
    %add3A_285 = arith.addi %add3A_274, %get3A_284 : vector<16xi32>
    %gt3A_286 = arith.constant 18 : i32
    %gt3A_287 = arith.cmpi sgt, %add3A, %gt3A_286 : i32
    %jit3A_288 = arith.constant 0 : i32
    %broadcast_in_dim3A_289 = vector.broadcast %jit3A_288 : i32 to vector<16xi32>
    %select_n3A_290 = arith.select %gt3A_287, %get3A_284, %broadcast_in_dim3A_289 : vector<16xi32>
    %add3A_291 = arith.addi %add3A_280, %select_n3A_290 : vector<16xi32>
    %get3A_292 = arith.constant 19 : i32
    %get3A_293 = arith.index_cast %get3A_292 : i32 to index
    %get3A_294 = arith.constant 0 : index
    %get3A_295 = tpu.vector_load %arg11[%get3A_293, %get3A_294] {strides = array<i32>} : memref<32x128xi32, #tpu.memory_space<vmem>>, vector<16xi32>,
    %add3A_296 = arith.addi %add3A_285, %get3A_295 : vector<16xi32>
    %gt3A_297 = arith.constant 19 : i32
    %gt3A_298 = arith.cmpi sgt, %add3A, %gt3A_297 : i32
    %jit3A_299 = arith.constant 0 : i32
    %broadcast_in_dim3A_300 = vector.broadcast %jit3A_299 : i32 to vector<16xi32>
    %select_n3A_301 = arith.select %gt3A_298, %get3A_295, %broadcast_in_dim3A_300 : vector<16xi32>
    %add3A_302 = arith.addi %add3A_291, %select_n3A_301 : vector<16xi32>
    %get3A_303 = arith.constant 20 : i32
    %get3A_304 = arith.index_cast %get3A_303 : i32 to index
    %get3A_305 = arith.constant 0 : index
    %get3A_306 = tpu.vector_load %arg11[%get3A_304, %get3A_305] {strides = array<i32>} : memref<32x128xi32, #tpu.memory_space<vmem>>, vector<16xi32>,
    %add3A_307 = arith.addi %add3A_296, %get3A_306 : vector<16xi32>
    %gt3A_308 = arith.constant 20 : i32
    %gt3A_309 = arith.cmpi sgt, %add3A, %gt3A_308 : i32
    %jit3A_310 = arith.constant 0 : i32
    %broadcast_in_dim3A_311 = vector.broadcast %jit3A_310 : i32 to vector<16xi32>
    %select_n3A_312 = arith.select %gt3A_309, %get3A_306, %broadcast_in_dim3A_311 : vector<16xi32>
    %add3A_313 = arith.addi %add3A_302, %select_n3A_312 : vector<16xi32>
    %get3A_314 = arith.constant 21 : i32
    %get3A_315 = arith.index_cast %get3A_314 : i32 to index
    %get3A_316 = arith.constant 0 : index
    %get3A_317 = tpu.vector_load %arg11[%get3A_315, %get3A_316] {strides = array<i32>} : memref<32x128xi32, #tpu.memory_space<vmem>>, vector<16xi32>,
    %add3A_318 = arith.addi %add3A_307, %get3A_317 : vector<16xi32>
    %gt3A_319 = arith.constant 21 : i32
    %gt3A_320 = arith.cmpi sgt, %add3A, %gt3A_319 : i32
    %jit3A_321 = arith.constant 0 : i32
    %broadcast_in_dim3A_322 = vector.broadcast %jit3A_321 : i32 to vector<16xi32>
    %select_n3A_323 = arith.select %gt3A_320, %get3A_317, %broadcast_in_dim3A_322 : vector<16xi32>
    %add3A_324 = arith.addi %add3A_313, %select_n3A_323 : vector<16xi32>
    %get3A_325 = arith.constant 22 : i32
    %get3A_326 = arith.index_cast %get3A_325 : i32 to index
    %get3A_327 = arith.constant 0 : index
    %get3A_328 = tpu.vector_load %arg11[%get3A_326, %get3A_327] {strides = array<i32>} : memref<32x128xi32, #tpu.memory_space<vmem>>, vector<16xi32>,
    %add3A_329 = arith.addi %add3A_318, %get3A_328 : vector<16xi32>
    %gt3A_330 = arith.constant 22 : i32
    %gt3A_331 = arith.cmpi sgt, %add3A, %gt3A_330 : i32
    %jit3A_332 = arith.constant 0 : i32
    %broadcast_in_dim3A_333 = vector.broadcast %jit3A_332 : i32 to vector<16xi32>
    %select_n3A_334 = arith.select %gt3A_331, %get3A_328, %broadcast_in_dim3A_333 : vector<16xi32>
    %add3A_335 = arith.addi %add3A_324, %select_n3A_334 : vector<16xi32>
    %get3A_336 = arith.constant 23 : i32
    %get3A_337 = arith.index_cast %get3A_336 : i32 to index
    %get3A_338 = arith.constant 0 : index
    %get3A_339 = tpu.vector_load %arg11[%get3A_337, %get3A_338] {strides = array<i32>} : memref<32x128xi32, #tpu.memory_space<vmem>>, vector<16xi32>,
    %add3A_340 = arith.addi %add3A_329, %get3A_339 : vector<16xi32>
    %gt3A_341 = arith.constant 23 : i32
    %gt3A_342 = arith.cmpi sgt, %add3A, %gt3A_341 : i32
    %jit3A_343 = arith.constant 0 : i32
    %broadcast_in_dim3A_344 = vector.broadcast %jit3A_343 : i32 to vector<16xi32>
    %select_n3A_345 = arith.select %gt3A_342, %get3A_339, %broadcast_in_dim3A_344 : vector<16xi32>
    %add3A_346 = arith.addi %add3A_335, %select_n3A_345 : vector<16xi32>
    %get3A_347 = arith.constant 24 : i32
    %get3A_348 = arith.index_cast %get3A_347 : i32 to index
    %get3A_349 = arith.constant 0 : index
    %get3A_350 = tpu.vector_load %arg11[%get3A_348, %get3A_349] {strides = array<i32>} : memref<32x128xi32, #tpu.memory_space<vmem>>, vector<16xi32>,
    %add3A_351 = arith.addi %add3A_340, %get3A_350 : vector<16xi32>
    %gt3A_352 = arith.constant 24 : i32
    %gt3A_353 = arith.cmpi sgt, %add3A, %gt3A_352 : i32
    %jit3A_354 = arith.constant 0 : i32
    %broadcast_in_dim3A_355 = vector.broadcast %jit3A_354 : i32 to vector<16xi32>
    %select_n3A_356 = arith.select %gt3A_353, %get3A_350, %broadcast_in_dim3A_355 : vector<16xi32>
    %add3A_357 = arith.addi %add3A_346, %select_n3A_356 : vector<16xi32>
    %get3A_358 = arith.constant 25 : i32
    %get3A_359 = arith.index_cast %get3A_358 : i32 to index
    %get3A_360 = arith.constant 0 : index
    %get3A_361 = tpu.vector_load %arg11[%get3A_359, %get3A_360] {strides = array<i32>} : memref<32x128xi32, #tpu.memory_space<vmem>>, vector<16xi32>,
    %add3A_362 = arith.addi %add3A_351, %get3A_361 : vector<16xi32>
    %gt3A_363 = arith.constant 25 : i32
    %gt3A_364 = arith.cmpi sgt, %add3A, %gt3A_363 : i32
    %jit3A_365 = arith.constant 0 : i32
    %broadcast_in_dim3A_366 = vector.broadcast %jit3A_365 : i32 to vector<16xi32>
    %select_n3A_367 = arith.select %gt3A_364, %get3A_361, %broadcast_in_dim3A_366 : vector<16xi32>
    %add3A_368 = arith.addi %add3A_357, %select_n3A_367 : vector<16xi32>
    %get3A_369 = arith.constant 26 : i32
    %get3A_370 = arith.index_cast %get3A_369 : i32 to index
    %get3A_371 = arith.constant 0 : index
    %get3A_372 = tpu.vector_load %arg11[%get3A_370, %get3A_371] {strides = array<i32>} : memref<32x128xi32, #tpu.memory_space<vmem>>, vector<16xi32>,
    %add3A_373 = arith.addi %add3A_362, %get3A_372 : vector<16xi32>
    %gt3A_374 = arith.constant 26 : i32
    %gt3A_375 = arith.cmpi sgt, %add3A, %gt3A_374 : i32
    %jit3A_376 = arith.constant 0 : i32
    %broadcast_in_dim3A_377 = vector.broadcast %jit3A_376 : i32 to vector<16xi32>
    %select_n3A_378 = arith.select %gt3A_375, %get3A_372, %broadcast_in_dim3A_377 : vector<16xi32>
    %add3A_379 = arith.addi %add3A_368, %select_n3A_378 : vector<16xi32>
    %get3A_380 = arith.constant 27 : i32
    %get3A_381 = arith.index_cast %get3A_380 : i32 to index
    %get3A_382 = arith.constant 0 : index
    %get3A_383 = tpu.vector_load %arg11[%get3A_381, %get3A_382] {strides = array<i32>} : memref<32x128xi32, #tpu.memory_space<vmem>>, vector<16xi32>,
    %add3A_384 = arith.addi %add3A_373, %get3A_383 : vector<16xi32>
    %gt3A_385 = arith.constant 27 : i32
    %gt3A_386 = arith.cmpi sgt, %add3A, %gt3A_385 : i32
    %jit3A_387 = arith.constant 0 : i32
    %broadcast_in_dim3A_388 = vector.broadcast %jit3A_387 : i32 to vector<16xi32>
    %select_n3A_389 = arith.select %gt3A_386, %get3A_383, %broadcast_in_dim3A_388 : vector<16xi32>
    %add3A_390 = arith.addi %add3A_379, %select_n3A_389 : vector<16xi32>
    %get3A_391 = arith.constant 28 : i32
    %get3A_392 = arith.index_cast %get3A_391 : i32 to index
    %get3A_393 = arith.constant 0 : index
    %get3A_394 = tpu.vector_load %arg11[%get3A_392, %get3A_393] {strides = array<i32>} : memref<32x128xi32, #tpu.memory_space<vmem>>, vector<16xi32>,
    %add3A_395 = arith.addi %add3A_384, %get3A_394 : vector<16xi32>
    %gt3A_396 = arith.constant 28 : i32
    %gt3A_397 = arith.cmpi sgt, %add3A, %gt3A_396 : i32
    %jit3A_398 = arith.constant 0 : i32
    %broadcast_in_dim3A_399 = vector.broadcast %jit3A_398 : i32 to vector<16xi32>
    %select_n3A_400 = arith.select %gt3A_397, %get3A_394, %broadcast_in_dim3A_399 : vector<16xi32>
    %add3A_401 = arith.addi %add3A_390, %select_n3A_400 : vector<16xi32>
    %get3A_402 = arith.constant 29 : i32
    %get3A_403 = arith.index_cast %get3A_402 : i32 to index
    %get3A_404 = arith.constant 0 : index
    %get3A_405 = tpu.vector_load %arg11[%get3A_403, %get3A_404] {strides = array<i32>} : memref<32x128xi32, #tpu.memory_space<vmem>>, vector<16xi32>,
    %add3A_406 = arith.addi %add3A_395, %get3A_405 : vector<16xi32>
    %gt3A_407 = arith.constant 29 : i32
    %gt3A_408 = arith.cmpi sgt, %add3A, %gt3A_407 : i32
    %jit3A_409 = arith.constant 0 : i32
    %broadcast_in_dim3A_410 = vector.broadcast %jit3A_409 : i32 to vector<16xi32>
    %select_n3A_411 = arith.select %gt3A_408, %get3A_405, %broadcast_in_dim3A_410 : vector<16xi32>
    %add3A_412 = arith.addi %add3A_401, %select_n3A_411 : vector<16xi32>
    %get3A_413 = arith.constant 30 : i32
    %get3A_414 = arith.index_cast %get3A_413 : i32 to index
    %get3A_415 = arith.constant 0 : index
    %get3A_416 = tpu.vector_load %arg11[%get3A_414, %get3A_415] {strides = array<i32>} : memref<32x128xi32, #tpu.memory_space<vmem>>, vector<16xi32>,
    %add3A_417 = arith.addi %add3A_406, %get3A_416 : vector<16xi32>
    %gt3A_418 = arith.constant 30 : i32
    %gt3A_419 = arith.cmpi sgt, %add3A, %gt3A_418 : i32
    %jit3A_420 = arith.constant 0 : i32
    %broadcast_in_dim3A_421 = vector.broadcast %jit3A_420 : i32 to vector<16xi32>
    %select_n3A_422 = arith.select %gt3A_419, %get3A_416, %broadcast_in_dim3A_421 : vector<16xi32>
    %add3A_423 = arith.addi %add3A_412, %select_n3A_422 : vector<16xi32>
    %get3A_424 = arith.constant 31 : i32
    %get3A_425 = arith.index_cast %get3A_424 : i32 to index
    %get3A_426 = arith.constant 0 : index
    %get3A_427 = tpu.vector_load %arg11[%get3A_425, %get3A_426] {strides = array<i32>} : memref<32x128xi32, #tpu.memory_space<vmem>>, vector<16xi32>,
    %add3A_428 = arith.addi %add3A_417, %get3A_427 : vector<16xi32>
    %gt3A_429 = arith.constant 31 : i32
    %gt3A_430 = arith.cmpi sgt, %add3A, %gt3A_429 : i32
    %jit3A_431 = arith.constant 0 : i32
    %broadcast_in_dim3A_432 = vector.broadcast %jit3A_431 : i32 to vector<16xi32>
    %select_n3A_433 = arith.select %gt3A_430, %get3A_427, %broadcast_in_dim3A_432 : vector<16xi32>
    %add3A_434 = arith.addi %add3A_423, %select_n3A_433 : vector<16xi32>
    %add3A_435 = arith.constant 255 : i32
    %add3A_436 = vector.broadcast %add3A_435 : i32 to vector<16xi32>
    %add3A_437 = arith.addi %add3A_428, %add3A_436 : vector<16xi32>
    %shift_right_arithmetic3A = arith.constant 8 : i32
    %shift_right_arithmetic3A_438 = vector.broadcast %shift_right_arithmetic3A : i32 to vector<16xi32>
    %shift_right_arithmetic3A_439 = arith.shrsi %add3A_437, %shift_right_arithmetic3A_438 : vector<16xi32>
    %shift_left3A = arith.constant 8 : i32
    %shift_left3A_440 = vector.broadcast %shift_left3A : i32 to vector<16xi32>
    %shift_left3A_441 = arith.shli %shift_right_arithmetic3A_439, %shift_left3A_440 : vector<16xi32>
    %broadcast_in_dim3A_442 = arith.constant true
    %broadcast_in_dim3A_443 = vector.broadcast %broadcast_in_dim3A_442 : i1 to vector<16xi1>
    %masked_cumsum3A = tpu.scan <sum>, %shift_left3A_441 masked %broadcast_in_dim3A_443 : vector<16xi32>, vector<16xi1> -> vector<16xi32>
    %sub3A_444 = arith.subi %masked_cumsum3A, %shift_left3A_441 : vector<16xi32>
    %add3A_445 = arith.addi %sub3A_444, %add3A_434 : vector<16xi32>
    %eq3A_446 = arith.constant 1 : i32
    %eq3A_447 = arith.cmpi eq, %select_n3A_30, %eq3A_446 : i32
    %get3A_448 = arith.constant 0 : index
    %get3A_449 = tpu.vector_load %arg10[%get3A_448] {strides = array<i32>} : memref<128xi32, #tpu.memory_space<vmem>>, vector<16xi32>,
    %get3A_450 = arith.constant 0 : index
    %get3A_451 = tpu.vector_load %arg9[%get3A_450] {strides = array<i32>} : memref<128xi32, #tpu.memory_space<vmem>>, vector<16xi32>,
    %select_n3A_452 = arith.select %eq3A_447, %get3A_449, %get3A_451 : vector<16xi32>
    %broadcast_in_dim3A_453 = arith.constant 0 : i32
    %broadcast_in_dim3A_454 = vector.broadcast %broadcast_in_dim3A_453 : i32 to vector<16xi32>
    %eq3A_455 = arith.constant 0 : i32
    %eq3A_456 = vector.broadcast %eq3A_455 : i32 to vector<16xi32>
    %eq3A_457 = arith.cmpi eq, %select_n3A_452, %eq3A_456 : vector<16xi32>
    %convert_element_type3A = arith.extui %eq3A_457 : vector<16xi1> to vector<16xi32>
    %broadcast_in_dim3A_458 = arith.constant true
    %broadcast_in_dim3A_459 = vector.broadcast %broadcast_in_dim3A_458 : i1 to vector<16xi1>
    %masked_cumsum3A_460 = tpu.scan <sum>, %convert_element_type3A masked %broadcast_in_dim3A_459 : vector<16xi32>, vector<16xi1> -> vector<16xi32>
    %eq3A_461 = arith.constant 0 : i32
    %eq3A_462 = vector.broadcast %eq3A_461 : i32 to vector<16xi32>
    %eq3A_463 = arith.cmpi eq, %iota3A, %eq3A_462 : vector<16xi32>
    %jit3A_464 = arith.constant 0 : i32
    %broadcast_in_dim3A_465 = vector.broadcast %jit3A_464 : i32 to vector<16xi32>
    %select_n3A_466 = arith.select %eq3A_463, %add3A_445, %broadcast_in_dim3A_465 : vector<16xi1>, vector<16xi32>
    %reduce_sum3A = arith.constant true
    %reduce_sum3A_467 = vector.broadcast %reduce_sum3A : i1 to vector<16xi1>
    %reduce_sum3A_468 = tpu.scan <sum>, %select_n3A_466 masked %reduce_sum3A_467 : vector<16xi32>, vector<16xi1> -> vector<16xi32>
    %reduce_sum3A_469 = vector.extract %reduce_sum3A_468[15] : i32 from vector<16xi32>
    %add3A_470 = vector.broadcast %reduce_sum3A_469 : i32 to vector<16xi32>
    %add3A_471 = arith.addi %add3A_470, %masked_cumsum3A_460 : vector<16xi32>
    %sub3A_472 = arith.constant 1 : i32
    %sub3A_473 = vector.broadcast %sub3A_472 : i32 to vector<16xi32>
    %sub3A_474 = arith.subi %add3A_471, %sub3A_473 : vector<16xi32>
    %select_n3A_475 = arith.select %eq3A_457, %sub3A_474, %broadcast_in_dim3A_454 : vector<16xi1>, vector<16xi32>
    %all_reduce_population_count3A = tpu.all_reduce %eq3A_457 {dim = 0 : i64, kind = #tpu.reduction_kind<sum>} : vector<16xi1> -> vector<16xi32>
    %eq3A_476 = arith.constant 0 : i32
    %eq3A_477 = vector.broadcast %eq3A_476 : i32 to vector<16xi32>
    %eq3A_478 = arith.cmpi eq, %iota3A, %eq3A_477 : vector<16xi32>
    %jit3A_479 = arith.constant 0 : i32
    %broadcast_in_dim3A_480 = vector.broadcast %jit3A_479 : i32 to vector<16xi32>
    %select_n3A_481 = arith.select %eq3A_478, %all_reduce_population_count3A, %broadcast_in_dim3A_480 : vector<16xi1>, vector<16xi32>
    %add3A_482 = arith.addi %add3A_445, %select_n3A_481 : vector<16xi32>
    %eq3A_483 = arith.constant 1 : i32
    %eq3A_484 = vector.broadcast %eq3A_483 : i32 to vector<16xi32>
    %eq3A_485 = arith.cmpi eq, %select_n3A_452, %eq3A_484 : vector<16xi32>
    %convert_element_type3A_486 = arith.extui %eq3A_485 : vector<16xi1> to vector<16xi32>
    %broadcast_in_dim3A_487 = arith.constant true
    %broadcast_in_dim3A_488 = vector.broadcast %broadcast_in_dim3A_487 : i1 to vector<16xi1>
    %masked_cumsum3A_489 = tpu.scan <sum>, %convert_element_type3A_486 masked %broadcast_in_dim3A_488 : vector<16xi32>, vector<16xi1> -> vector<16xi32>
    %eq3A_490 = arith.constant 1 : i32
    %eq3A_491 = vector.broadcast %eq3A_490 : i32 to vector<16xi32>
    %eq3A_492 = arith.cmpi eq, %iota3A, %eq3A_491 : vector<16xi32>
    %jit3A_493 = arith.constant 0 : i32
    %broadcast_in_dim3A_494 = vector.broadcast %jit3A_493 : i32 to vector<16xi32>
    %select_n3A_495 = arith.select %eq3A_492, %add3A_482, %broadcast_in_dim3A_494 : vector<16xi1>, vector<16xi32>
    %reduce_sum3A_496 = arith.constant true
    %reduce_sum3A_497 = vector.broadcast %reduce_sum3A_496 : i1 to vector<16xi1>
    %reduce_sum3A_498 = tpu.scan <sum>, %select_n3A_495 masked %reduce_sum3A_497 : vector<16xi32>, vector<16xi1> -> vector<16xi32>
    %reduce_sum3A_499 = vector.extract %reduce_sum3A_498[15] : i32 from vector<16xi32>
    %add3A_500 = vector.broadcast %reduce_sum3A_499 : i32 to vector<16xi32>
    %add3A_501 = arith.addi %add3A_500, %masked_cumsum3A_489 : vector<16xi32>
    %sub3A_502 = arith.constant 1 : i32
    %sub3A_503 = vector.broadcast %sub3A_502 : i32 to vector<16xi32>
    %sub3A_504 = arith.subi %add3A_501, %sub3A_503 : vector<16xi32>
    %select_n3A_505 = arith.select %eq3A_485, %sub3A_504, %select_n3A_475 : vector<16xi1>, vector<16xi32>
    %all_reduce_population_count3A_506 = tpu.all_reduce %eq3A_485 {dim = 0 : i64, kind = #tpu.reduction_kind<sum>} : vector<16xi1> -> vector<16xi32>
    %eq3A_507 = arith.constant 1 : i32
    %eq3A_508 = vector.broadcast %eq3A_507 : i32 to vector<16xi32>
    %eq3A_509 = arith.cmpi eq, %iota3A, %eq3A_508 : vector<16xi32>
    %jit3A_510 = arith.constant 0 : i32
    %broadcast_in_dim3A_511 = vector.broadcast %jit3A_510 : i32 to vector<16xi32>
    %select_n3A_512 = arith.select %eq3A_509, %all_reduce_population_count3A_506, %broadcast_in_dim3A_511 : vector<16xi1>, vector<16xi32>
    %add3A_513 = arith.addi %add3A_482, %select_n3A_512 : vector<16xi32>
    %eq3A_514 = arith.constant 2 : i32
    %eq3A_515 = vector.broadcast %eq3A_514 : i32 to vector<16xi32>
    %eq3A_516 = arith.cmpi eq, %select_n3A_452, %eq3A_515 : vector<16xi32>
    %convert_element_type3A_517 = arith.extui %eq3A_516 : vector<16xi1> to vector<16xi32>
    %broadcast_in_dim3A_518 = arith.constant true
    %broadcast_in_dim3A_519 = vector.broadcast %broadcast_in_dim3A_518 : i1 to vector<16xi1>
    %masked_cumsum3A_520 = tpu.scan <sum>, %convert_element_type3A_517 masked %broadcast_in_dim3A_519 : vector<16xi32>, vector<16xi1> -> vector<16xi32>
    %eq3A_521 = arith.constant 2 : i32
    %eq3A_522 = vector.broadcast %eq3A_521 : i32 to vector<16xi32>
    %eq3A_523 = arith.cmpi eq, %iota3A, %eq3A_522 : vector<16xi32>
    %jit3A_524 = arith.constant 0 : i32
    %broadcast_in_dim3A_525 = vector.broadcast %jit3A_524 : i32 to vector<16xi32>
    %select_n3A_526 = arith.select %eq3A_523, %add3A_513, %broadcast_in_dim3A_525 : vector<16xi1>, vector<16xi32>
    %reduce_sum3A_527 = arith.constant true
    %reduce_sum3A_528 = vector.broadcast %reduce_sum3A_527 : i1 to vector<16xi1>
    %reduce_sum3A_529 = tpu.scan <sum>, %select_n3A_526 masked %reduce_sum3A_528 : vector<16xi32>, vector<16xi1> -> vector<16xi32>
    %reduce_sum3A_530 = vector.extract %reduce_sum3A_529[15] : i32 from vector<16xi32>
    %add3A_531 = vector.broadcast %reduce_sum3A_530 : i32 to vector<16xi32>
    %add3A_532 = arith.addi %add3A_531, %masked_cumsum3A_520 : vector<16xi32>
    %sub3A_533 = arith.constant 1 : i32
    %sub3A_534 = vector.broadcast %sub3A_533 : i32 to vector<16xi32>
    %sub3A_535 = arith.subi %add3A_532, %sub3A_534 : vector<16xi32>
    %select_n3A_536 = arith.select %eq3A_516, %sub3A_535, %select_n3A_505 : vector<16xi1>, vector<16xi32>
    %all_reduce_population_count3A_537 = tpu.all_reduce %eq3A_516 {dim = 0 : i64, kind = #tpu.reduction_kind<sum>} : vector<16xi1> -> vector<16xi32>
    %eq3A_538 = arith.constant 2 : i32
    %eq3A_539 = vector.broadcast %eq3A_538 : i32 to vector<16xi32>
    %eq3A_540 = arith.cmpi eq, %iota3A, %eq3A_539 : vector<16xi32>
    %jit3A_541 = arith.constant 0 : i32
    %broadcast_in_dim3A_542 = vector.broadcast %jit3A_541 : i32 to vector<16xi32>
    %select_n3A_543 = arith.select %eq3A_540, %all_reduce_population_count3A_537, %broadcast_in_dim3A_542 : vector<16xi1>, vector<16xi32>
    %add3A_544 = arith.addi %add3A_513, %select_n3A_543 : vector<16xi32>
    %eq3A_545 = arith.constant 3 : i32
    %eq3A_546 = vector.broadcast %eq3A_545 : i32 to vector<16xi32>
    %eq3A_547 = arith.cmpi eq, %select_n3A_452, %eq3A_546 : vector<16xi32>
    %convert_element_type3A_548 = arith.extui %eq3A_547 : vector<16xi1> to vector<16xi32>
    %broadcast_in_dim3A_549 = arith.constant true
    %broadcast_in_dim3A_550 = vector.broadcast %broadcast_in_dim3A_549 : i1 to vector<16xi1>
    %masked_cumsum3A_551 = tpu.scan <sum>, %convert_element_type3A_548 masked %broadcast_in_dim3A_550 : vector<16xi32>, vector<16xi1> -> vector<16xi32>
    %eq3A_552 = arith.constant 3 : i32
    %eq3A_553 = vector.broadcast %eq3A_552 : i32 to vector<16xi32>
    %eq3A_554 = arith.cmpi eq, %iota3A, %eq3A_553 : vector<16xi32>
    %jit3A_555 = arith.constant 0 : i32
    %broadcast_in_dim3A_556 = vector.broadcast %jit3A_555 : i32 to vector<16xi32>
    %select_n3A_557 = arith.select %eq3A_554, %add3A_544, %broadcast_in_dim3A_556 : vector<16xi1>, vector<16xi32>
    %reduce_sum3A_558 = arith.constant true
    %reduce_sum3A_559 = vector.broadcast %reduce_sum3A_558 : i1 to vector<16xi1>
    %reduce_sum3A_560 = tpu.scan <sum>, %select_n3A_557 masked %reduce_sum3A_559 : vector<16xi32>, vector<16xi1> -> vector<16xi32>
    %reduce_sum3A_561 = vector.extract %reduce_sum3A_560[15] : i32 from vector<16xi32>
    %add3A_562 = vector.broadcast %reduce_sum3A_561 : i32 to vector<16xi32>
    %add3A_563 = arith.addi %add3A_562, %masked_cumsum3A_551 : vector<16xi32>
    %sub3A_564 = arith.constant 1 : i32
    %sub3A_565 = vector.broadcast %sub3A_564 : i32 to vector<16xi32>
    %sub3A_566 = arith.subi %add3A_563, %sub3A_565 : vector<16xi32>
    %select_n3A_567 = arith.select %eq3A_547, %sub3A_566, %select_n3A_536 : vector<16xi1>, vector<16xi32>
    %all_reduce_population_count3A_568 = tpu.all_reduce %eq3A_547 {dim = 0 : i64, kind = #tpu.reduction_kind<sum>} : vector<16xi1> -> vector<16xi32>
    %eq3A_569 = arith.constant 3 : i32
    %eq3A_570 = vector.broadcast %eq3A_569 : i32 to vector<16xi32>
    %eq3A_571 = arith.cmpi eq, %iota3A, %eq3A_570 : vector<16xi32>
    %jit3A_572 = arith.constant 0 : i32
    %broadcast_in_dim3A_573 = vector.broadcast %jit3A_572 : i32 to vector<16xi32>
    %select_n3A_574 = arith.select %eq3A_571, %all_reduce_population_count3A_568, %broadcast_in_dim3A_573 : vector<16xi1>, vector<16xi32>
    %add3A_575 = arith.addi %add3A_544, %select_n3A_574 : vector<16xi32>
    %eq3A_576 = arith.constant 4 : i32
    %eq3A_577 = vector.broadcast %eq3A_576 : i32 to vector<16xi32>
    %eq3A_578 = arith.cmpi eq, %select_n3A_452, %eq3A_577 : vector<16xi32>
    %convert_element_type3A_579 = arith.extui %eq3A_578 : vector<16xi1> to vector<16xi32>
    %broadcast_in_dim3A_580 = arith.constant true
    %broadcast_in_dim3A_581 = vector.broadcast %broadcast_in_dim3A_580 : i1 to vector<16xi1>
    %masked_cumsum3A_582 = tpu.scan <sum>, %convert_element_type3A_579 masked %broadcast_in_dim3A_581 : vector<16xi32>, vector<16xi1> -> vector<16xi32>
    %eq3A_583 = arith.constant 4 : i32
    %eq3A_584 = vector.broadcast %eq3A_583 : i32 to vector<16xi32>
    %eq3A_585 = arith.cmpi eq, %iota3A, %eq3A_584 : vector<16xi32>
    %jit3A_586 = arith.constant 0 : i32
    %broadcast_in_dim3A_587 = vector.broadcast %jit3A_586 : i32 to vector<16xi32>
    %select_n3A_588 = arith.select %eq3A_585, %add3A_575, %broadcast_in_dim3A_587 : vector<16xi1>, vector<16xi32>
    %reduce_sum3A_589 = arith.constant true
    %reduce_sum3A_590 = vector.broadcast %reduce_sum3A_589 : i1 to vector<16xi1>
    %reduce_sum3A_591 = tpu.scan <sum>, %select_n3A_588 masked %reduce_sum3A_590 : vector<16xi32>, vector<16xi1> -> vector<16xi32>
    %reduce_sum3A_592 = vector.extract %reduce_sum3A_591[15] : i32 from vector<16xi32>
    %add3A_593 = vector.broadcast %reduce_sum3A_592 : i32 to vector<16xi32>
    %add3A_594 = arith.addi %add3A_593, %masked_cumsum3A_582 : vector<16xi32>
    %sub3A_595 = arith.constant 1 : i32
    %sub3A_596 = vector.broadcast %sub3A_595 : i32 to vector<16xi32>
    %sub3A_597 = arith.subi %add3A_594, %sub3A_596 : vector<16xi32>
    %select_n3A_598 = arith.select %eq3A_578, %sub3A_597, %select_n3A_567 : vector<16xi1>, vector<16xi32>
    %all_reduce_population_count3A_599 = tpu.all_reduce %eq3A_578 {dim = 0 : i64, kind = #tpu.reduction_kind<sum>} : vector<16xi1> -> vector<16xi32>
    %eq3A_600 = arith.constant 4 : i32
    %eq3A_601 = vector.broadcast %eq3A_600 : i32 to vector<16xi32>
    %eq3A_602 = arith.cmpi eq, %iota3A, %eq3A_601 : vector<16xi32>
    %jit3A_603 = arith.constant 0 : i32
    %broadcast_in_dim3A_604 = vector.broadcast %jit3A_603 : i32 to vector<16xi32>
    %select_n3A_605 = arith.select %eq3A_602, %all_reduce_population_count3A_599, %broadcast_in_dim3A_604 : vector<16xi1>, vector<16xi32>
    %add3A_606 = arith.addi %add3A_575, %select_n3A_605 : vector<16xi32>
    %eq3A_607 = arith.constant 5 : i32
    %eq3A_608 = vector.broadcast %eq3A_607 : i32 to vector<16xi32>
    %eq3A_609 = arith.cmpi eq, %select_n3A_452, %eq3A_608 : vector<16xi32>
    %convert_element_type3A_610 = arith.extui %eq3A_609 : vector<16xi1> to vector<16xi32>
    %broadcast_in_dim3A_611 = arith.constant true
    %broadcast_in_dim3A_612 = vector.broadcast %broadcast_in_dim3A_611 : i1 to vector<16xi1>
    %masked_cumsum3A_613 = tpu.scan <sum>, %convert_element_type3A_610 masked %broadcast_in_dim3A_612 : vector<16xi32>, vector<16xi1> -> vector<16xi32>
    %eq3A_614 = arith.constant 5 : i32
    %eq3A_615 = vector.broadcast %eq3A_614 : i32 to vector<16xi32>
    %eq3A_616 = arith.cmpi eq, %iota3A, %eq3A_615 : vector<16xi32>
    %jit3A_617 = arith.constant 0 : i32
    %broadcast_in_dim3A_618 = vector.broadcast %jit3A_617 : i32 to vector<16xi32>
    %select_n3A_619 = arith.select %eq3A_616, %add3A_606, %broadcast_in_dim3A_618 : vector<16xi1>, vector<16xi32>
    %reduce_sum3A_620 = arith.constant true
    %reduce_sum3A_621 = vector.broadcast %reduce_sum3A_620 : i1 to vector<16xi1>
    %reduce_sum3A_622 = tpu.scan <sum>, %select_n3A_619 masked %reduce_sum3A_621 : vector<16xi32>, vector<16xi1> -> vector<16xi32>
    %reduce_sum3A_623 = vector.extract %reduce_sum3A_622[15] : i32 from vector<16xi32>
    %add3A_624 = vector.broadcast %reduce_sum3A_623 : i32 to vector<16xi32>
    %add3A_625 = arith.addi %add3A_624, %masked_cumsum3A_613 : vector<16xi32>
    %sub3A_626 = arith.constant 1 : i32
    %sub3A_627 = vector.broadcast %sub3A_626 : i32 to vector<16xi32>
    %sub3A_628 = arith.subi %add3A_625, %sub3A_627 : vector<16xi32>
    %select_n3A_629 = arith.select %eq3A_609, %sub3A_628, %select_n3A_598 : vector<16xi1>, vector<16xi32>
    %all_reduce_population_count3A_630 = tpu.all_reduce %eq3A_609 {dim = 0 : i64, kind = #tpu.reduction_kind<sum>} : vector<16xi1> -> vector<16xi32>
    %eq3A_631 = arith.constant 5 : i32
    %eq3A_632 = vector.broadcast %eq3A_631 : i32 to vector<16xi32>
    %eq3A_633 = arith.cmpi eq, %iota3A, %eq3A_632 : vector<16xi32>
    %jit3A_634 = arith.constant 0 : i32
    %broadcast_in_dim3A_635 = vector.broadcast %jit3A_634 : i32 to vector<16xi32>
    %select_n3A_636 = arith.select %eq3A_633, %all_reduce_population_count3A_630, %broadcast_in_dim3A_635 : vector<16xi1>, vector<16xi32>
    %add3A_637 = arith.addi %add3A_606, %select_n3A_636 : vector<16xi32>
    %eq3A_638 = arith.constant 6 : i32
    %eq3A_639 = vector.broadcast %eq3A_638 : i32 to vector<16xi32>
    %eq3A_640 = arith.cmpi eq, %select_n3A_452, %eq3A_639 : vector<16xi32>
    %convert_element_type3A_641 = arith.extui %eq3A_640 : vector<16xi1> to vector<16xi32>
    %broadcast_in_dim3A_642 = arith.constant true
    %broadcast_in_dim3A_643 = vector.broadcast %broadcast_in_dim3A_642 : i1 to vector<16xi1>
    %masked_cumsum3A_644 = tpu.scan <sum>, %convert_element_type3A_641 masked %broadcast_in_dim3A_643 : vector<16xi32>, vector<16xi1> -> vector<16xi32>
    %eq3A_645 = arith.constant 6 : i32
    %eq3A_646 = vector.broadcast %eq3A_645 : i32 to vector<16xi32>
    %eq3A_647 = arith.cmpi eq, %iota3A, %eq3A_646 : vector<16xi32>
    %jit3A_648 = arith.constant 0 : i32
    %broadcast_in_dim3A_649 = vector.broadcast %jit3A_648 : i32 to vector<16xi32>
    %select_n3A_650 = arith.select %eq3A_647, %add3A_637, %broadcast_in_dim3A_649 : vector<16xi1>, vector<16xi32>
    %reduce_sum3A_651 = arith.constant true
    %reduce_sum3A_652 = vector.broadcast %reduce_sum3A_651 : i1 to vector<16xi1>
    %reduce_sum3A_653 = tpu.scan <sum>, %select_n3A_650 masked %reduce_sum3A_652 : vector<16xi32>, vector<16xi1> -> vector<16xi32>
    %reduce_sum3A_654 = vector.extract %reduce_sum3A_653[15] : i32 from vector<16xi32>
    %add3A_655 = vector.broadcast %reduce_sum3A_654 : i32 to vector<16xi32>
    %add3A_656 = arith.addi %add3A_655, %masked_cumsum3A_644 : vector<16xi32>
    %sub3A_657 = arith.constant 1 : i32
    %sub3A_658 = vector.broadcast %sub3A_657 : i32 to vector<16xi32>
    %sub3A_659 = arith.subi %add3A_656, %sub3A_658 : vector<16xi32>
    %select_n3A_660 = arith.select %eq3A_640, %sub3A_659, %select_n3A_629 : vector<16xi1>, vector<16xi32>
    %all_reduce_population_count3A_661 = tpu.all_reduce %eq3A_640 {dim = 0 : i64, kind = #tpu.reduction_kind<sum>} : vector<16xi1> -> vector<16xi32>
    %eq3A_662 = arith.constant 6 : i32
    %eq3A_663 = vector.broadcast %eq3A_662 : i32 to vector<16xi32>
    %eq3A_664 = arith.cmpi eq, %iota3A, %eq3A_663 : vector<16xi32>
    %jit3A_665 = arith.constant 0 : i32
    %broadcast_in_dim3A_666 = vector.broadcast %jit3A_665 : i32 to vector<16xi32>
    %select_n3A_667 = arith.select %eq3A_664, %all_reduce_population_count3A_661, %broadcast_in_dim3A_666 : vector<16xi1>, vector<16xi32>
    %add3A_668 = arith.addi %add3A_637, %select_n3A_667 : vector<16xi32>
    %eq3A_669 = arith.constant 7 : i32
    %eq3A_670 = vector.broadcast %eq3A_669 : i32 to vector<16xi32>
    %eq3A_671 = arith.cmpi eq, %select_n3A_452, %eq3A_670 : vector<16xi32>
    %convert_element_type3A_672 = arith.extui %eq3A_671 : vector<16xi1> to vector<16xi32>
    %broadcast_in_dim3A_673 = arith.constant true
    %broadcast_in_dim3A_674 = vector.broadcast %broadcast_in_dim3A_673 : i1 to vector<16xi1>
    %masked_cumsum3A_675 = tpu.scan <sum>, %convert_element_type3A_672 masked %broadcast_in_dim3A_674 : vector<16xi32>, vector<16xi1> -> vector<16xi32>
    %eq3A_676 = arith.constant 7 : i32
    %eq3A_677 = vector.broadcast %eq3A_676 : i32 to vector<16xi32>
    %eq3A_678 = arith.cmpi eq, %iota3A, %eq3A_677 : vector<16xi32>
    %jit3A_679 = arith.constant 0 : i32
    %broadcast_in_dim3A_680 = vector.broadcast %jit3A_679 : i32 to vector<16xi32>
    %select_n3A_681 = arith.select %eq3A_678, %add3A_668, %broadcast_in_dim3A_680 : vector<16xi1>, vector<16xi32>
    %reduce_sum3A_682 = arith.constant true
    %reduce_sum3A_683 = vector.broadcast %reduce_sum3A_682 : i1 to vector<16xi1>
    %reduce_sum3A_684 = tpu.scan <sum>, %select_n3A_681 masked %reduce_sum3A_683 : vector<16xi32>, vector<16xi1> -> vector<16xi32>
    %reduce_sum3A_685 = vector.extract %reduce_sum3A_684[15] : i32 from vector<16xi32>
    %add3A_686 = vector.broadcast %reduce_sum3A_685 : i32 to vector<16xi32>
    %add3A_687 = arith.addi %add3A_686, %masked_cumsum3A_675 : vector<16xi32>
    %sub3A_688 = arith.constant 1 : i32
    %sub3A_689 = vector.broadcast %sub3A_688 : i32 to vector<16xi32>
    %sub3A_690 = arith.subi %add3A_687, %sub3A_689 : vector<16xi32>
    %select_n3A_691 = arith.select %eq3A_671, %sub3A_690, %select_n3A_660 : vector<16xi1>, vector<16xi32>
    %all_reduce_population_count3A_692 = tpu.all_reduce %eq3A_671 {dim = 0 : i64, kind = #tpu.reduction_kind<sum>} : vector<16xi1> -> vector<16xi32>
    %eq3A_693 = arith.constant 7 : i32
    %eq3A_694 = vector.broadcast %eq3A_693 : i32 to vector<16xi32>
    %eq3A_695 = arith.cmpi eq, %iota3A, %eq3A_694 : vector<16xi32>
    %jit3A_696 = arith.constant 0 : i32
    %broadcast_in_dim3A_697 = vector.broadcast %jit3A_696 : i32 to vector<16xi32>
    %select_n3A_698 = arith.select %eq3A_695, %all_reduce_population_count3A_692, %broadcast_in_dim3A_697 : vector<16xi1>, vector<16xi32>
    %add3A_699 = arith.addi %add3A_668, %select_n3A_698 : vector<16xi32>
    %swap3A = arith.constant 0 : index
    %swap3A_700 = tpu.vector_load %arg12[%swap3A] {strides = array<i32>} : memref<128xi32, #tpu.memory_space<vmem>>, vector<16xi32>,
    tpu.vector_store %arg12[%swap3A], %select_n3A_691 {strides = array<i32>} : memref<128xi32, #tpu.memory_space<vmem>>, vector<16xi32>,
    %eq3A_701 = arith.constant 1 : i32
    %eq3A_702 = arith.cmpi eq, %select_n3A_30, %eq3A_701 : i32
    %get3A_703 = arith.constant 16 : index
    %get3A_704 = tpu.vector_load %arg10[%get3A_703] {strides = array<i32>} : memref<128xi32, #tpu.memory_space<vmem>>, vector<16xi32>,
    %get3A_705 = arith.constant 16 : index
    %get3A_706 = tpu.vector_load %arg9[%get3A_705] {strides = array<i32>} : memref<128xi32, #tpu.memory_space<vmem>>, vector<16xi32>,
    %select_n3A_707 = arith.select %eq3A_702, %get3A_704, %get3A_706 : vector<16xi32>
    %broadcast_in_dim3A_708 = arith.constant 0 : i32
    %broadcast_in_dim3A_709 = vector.broadcast %broadcast_in_dim3A_708 : i32 to vector<16xi32>
    %eq3A_710 = arith.constant 0 : i32
    %eq3A_711 = vector.broadcast %eq3A_710 : i32 to vector<16xi32>
    %eq3A_712 = arith.cmpi eq, %select_n3A_707, %eq3A_711 : vector<16xi32>
    %convert_element_type3A_713 = arith.extui %eq3A_712 : vector<16xi1> to vector<16xi32>
    %broadcast_in_dim3A_714 = arith.constant true
    %broadcast_in_dim3A_715 = vector.broadcast %broadcast_in_dim3A_714 : i1 to vector<16xi1>
    %masked_cumsum3A_716 = tpu.scan <sum>, %convert_element_type3A_713 masked %broadcast_in_dim3A_715 : vector<16xi32>, vector<16xi1> -> vector<16xi32>
    %eq3A_717 = arith.constant 0 : i32
    %eq3A_718 = vector.broadcast %eq3A_717 : i32 to vector<16xi32>
    %eq3A_719 = arith.cmpi eq, %iota3A, %eq3A_718 : vector<16xi32>
    %jit3A_720 = arith.constant 0 : i32
    %broadcast_in_dim3A_721 = vector.broadcast %jit3A_720 : i32 to vector<16xi32>
    %select_n3A_722 = arith.select %eq3A_719, %add3A_699, %broadcast_in_dim3A_721 : vector<16xi1>, vector<16xi32>
    %reduce_sum3A_723 = arith.constant true
    %reduce_sum3A_724 = vector.broadcast %reduce_sum3A_723 : i1 to vector<16xi1>
    %reduce_sum3A_725 = tpu.scan <sum>, %select_n3A_722 masked %reduce_sum3A_724 : vector<16xi32>, vector<16xi1> -> vector<16xi32>
    %reduce_sum3A_726 = vector.extract %reduce_sum3A_725[15] : i32 from vector<16xi32>
    %add3A_727 = vector.broadcast %reduce_sum3A_726 : i32 to vector<16xi32>
    %add3A_728 = arith.addi %add3A_727, %masked_cumsum3A_716 : vector<16xi32>
    %sub3A_729 = arith.constant 1 : i32
    %sub3A_730 = vector.broadcast %sub3A_729 : i32 to vector<16xi32>
    %sub3A_731 = arith.subi %add3A_728, %sub3A_730 : vector<16xi32>
    %select_n3A_732 = arith.select %eq3A_712, %sub3A_731, %broadcast_in_dim3A_709 : vector<16xi1>, vector<16xi32>
    %all_reduce_population_count3A_733 = tpu.all_reduce %eq3A_712 {dim = 0 : i64, kind = #tpu.reduction_kind<sum>} : vector<16xi1> -> vector<16xi32>
    %eq3A_734 = arith.constant 0 : i32
    %eq3A_735 = vector.broadcast %eq3A_734 : i32 to vector<16xi32>
    %eq3A_736 = arith.cmpi eq, %iota3A, %eq3A_735 : vector<16xi32>
    %jit3A_737 = arith.constant 0 : i32
    %broadcast_in_dim3A_738 = vector.broadcast %jit3A_737 : i32 to vector<16xi32>
    %select_n3A_739 = arith.select %eq3A_736, %all_reduce_population_count3A_733, %broadcast_in_dim3A_738 : vector<16xi1>, vector<16xi32>
    %add3A_740 = arith.addi %add3A_699, %select_n3A_739 : vector<16xi32>
    %eq3A_741 = arith.constant 1 : i32
    %eq3A_742 = vector.broadcast %eq3A_741 : i32 to vector<16xi32>
    %eq3A_743 = arith.cmpi eq, %select_n3A_707, %eq3A_742 : vector<16xi32>
    %convert_element_type3A_744 = arith.extui %eq3A_743 : vector<16xi1> to vector<16xi32>
    %broadcast_in_dim3A_745 = arith.constant true
    %broadcast_in_dim3A_746 = vector.broadcast %broadcast_in_dim3A_745 : i1 to vector<16xi1>
    %masked_cumsum3A_747 = tpu.scan <sum>, %convert_element_type3A_744 masked %broadcast_in_dim3A_746 : vector<16xi32>, vector<16xi1> -> vector<16xi32>
    %eq3A_748 = arith.constant 1 : i32
    %eq3A_749 = vector.broadcast %eq3A_748 : i32 to vector<16xi32>
    %eq3A_750 = arith.cmpi eq, %iota3A, %eq3A_749 : vector<16xi32>
    %jit3A_751 = arith.constant 0 : i32
    %broadcast_in_dim3A_752 = vector.broadcast %jit3A_751 : i32 to vector<16xi32>
    %select_n3A_753 = arith.select %eq3A_750, %add3A_740, %broadcast_in_dim3A_752 : vector<16xi1>, vector<16xi32>
    %reduce_sum3A_754 = arith.constant true
    %reduce_sum3A_755 = vector.broadcast %reduce_sum3A_754 : i1 to vector<16xi1>
    %reduce_sum3A_756 = tpu.scan <sum>, %select_n3A_753 masked %reduce_sum3A_755 : vector<16xi32>, vector<16xi1> -> vector<16xi32>
    %reduce_sum3A_757 = vector.extract %reduce_sum3A_756[15] : i32 from vector<16xi32>
    %add3A_758 = vector.broadcast %reduce_sum3A_757 : i32 to vector<16xi32>
    %add3A_759 = arith.addi %add3A_758, %masked_cumsum3A_747 : vector<16xi32>
    %sub3A_760 = arith.constant 1 : i32
    %sub3A_761 = vector.broadcast %sub3A_760 : i32 to vector<16xi32>
    %sub3A_762 = arith.subi %add3A_759, %sub3A_761 : vector<16xi32>
    %select_n3A_763 = arith.select %eq3A_743, %sub3A_762, %select_n3A_732 : vector<16xi1>, vector<16xi32>
    %all_reduce_population_count3A_764 = tpu.all_reduce %eq3A_743 {dim = 0 : i64, kind = #tpu.reduction_kind<sum>} : vector<16xi1> -> vector<16xi32>
    %eq3A_765 = arith.constant 1 : i32
    %eq3A_766 = vector.broadcast %eq3A_765 : i32 to vector<16xi32>
    %eq3A_767 = arith.cmpi eq, %iota3A, %eq3A_766 : vector<16xi32>
    %jit3A_768 = arith.constant 0 : i32
    %broadcast_in_dim3A_769 = vector.broadcast %jit3A_768 : i32 to vector<16xi32>
    %select_n3A_770 = arith.select %eq3A_767, %all_reduce_population_count3A_764, %broadcast_in_dim3A_769 : vector<16xi1>, vector<16xi32>
    %add3A_771 = arith.addi %add3A_740, %select_n3A_770 : vector<16xi32>
    %eq3A_772 = arith.constant 2 : i32
    %eq3A_773 = vector.broadcast %eq3A_772 : i32 to vector<16xi32>
    %eq3A_774 = arith.cmpi eq, %select_n3A_707, %eq3A_773 : vector<16xi32>
    %convert_element_type3A_775 = arith.extui %eq3A_774 : vector<16xi1> to vector<16xi32>
    %broadcast_in_dim3A_776 = arith.constant true
    %broadcast_in_dim3A_777 = vector.broadcast %broadcast_in_dim3A_776 : i1 to vector<16xi1>
    %masked_cumsum3A_778 = tpu.scan <sum>, %convert_element_type3A_775 masked %broadcast_in_dim3A_777 : vector<16xi32>, vector<16xi1> -> vector<16xi32>
    %eq3A_779 = arith.constant 2 : i32
    %eq3A_780 = vector.broadcast %eq3A_779 : i32 to vector<16xi32>
    %eq3A_781 = arith.cmpi eq, %iota3A, %eq3A_780 : vector<16xi32>
    %jit3A_782 = arith.constant 0 : i32
    %broadcast_in_dim3A_783 = vector.broadcast %jit3A_782 : i32 to vector<16xi32>
    %select_n3A_784 = arith.select %eq3A_781, %add3A_771, %broadcast_in_dim3A_783 : vector<16xi1>, vector<16xi32>
    %reduce_sum3A_785 = arith.constant true
    %reduce_sum3A_786 = vector.broadcast %reduce_sum3A_785 : i1 to vector<16xi1>
    %reduce_sum3A_787 = tpu.scan <sum>, %select_n3A_784 masked %reduce_sum3A_786 : vector<16xi32>, vector<16xi1> -> vector<16xi32>
    %reduce_sum3A_788 = vector.extract %reduce_sum3A_787[15] : i32 from vector<16xi32>
    %add3A_789 = vector.broadcast %reduce_sum3A_788 : i32 to vector<16xi32>
    %add3A_790 = arith.addi %add3A_789, %masked_cumsum3A_778 : vector<16xi32>
    %sub3A_791 = arith.constant 1 : i32
    %sub3A_792 = vector.broadcast %sub3A_791 : i32 to vector<16xi32>
    %sub3A_793 = arith.subi %add3A_790, %sub3A_792 : vector<16xi32>
    %select_n3A_794 = arith.select %eq3A_774, %sub3A_793, %select_n3A_763 : vector<16xi1>, vector<16xi32>
    %all_reduce_population_count3A_795 = tpu.all_reduce %eq3A_774 {dim = 0 : i64, kind = #tpu.reduction_kind<sum>} : vector<16xi1> -> vector<16xi32>
    %eq3A_796 = arith.constant 2 : i32
    %eq3A_797 = vector.broadcast %eq3A_796 : i32 to vector<16xi32>
    %eq3A_798 = arith.cmpi eq, %iota3A, %eq3A_797 : vector<16xi32>
    %jit3A_799 = arith.constant 0 : i32
    %broadcast_in_dim3A_800 = vector.broadcast %jit3A_799 : i32 to vector<16xi32>
    %select_n3A_801 = arith.select %eq3A_798, %all_reduce_population_count3A_795, %broadcast_in_dim3A_800 : vector<16xi1>, vector<16xi32>
    %add3A_802 = arith.addi %add3A_771, %select_n3A_801 : vector<16xi32>
    %eq3A_803 = arith.constant 3 : i32
    %eq3A_804 = vector.broadcast %eq3A_803 : i32 to vector<16xi32>
    %eq3A_805 = arith.cmpi eq, %select_n3A_707, %eq3A_804 : vector<16xi32>
    %convert_element_type3A_806 = arith.extui %eq3A_805 : vector<16xi1> to vector<16xi32>
    %broadcast_in_dim3A_807 = arith.constant true
    %broadcast_in_dim3A_808 = vector.broadcast %broadcast_in_dim3A_807 : i1 to vector<16xi1>
    %masked_cumsum3A_809 = tpu.scan <sum>, %convert_element_type3A_806 masked %broadcast_in_dim3A_808 : vector<16xi32>, vector<16xi1> -> vector<16xi32>
    %eq3A_810 = arith.constant 3 : i32
    %eq3A_811 = vector.broadcast %eq3A_810 : i32 to vector<16xi32>
    %eq3A_812 = arith.cmpi eq, %iota3A, %eq3A_811 : vector<16xi32>
    %jit3A_813 = arith.constant 0 : i32
    %broadcast_in_dim3A_814 = vector.broadcast %jit3A_813 : i32 to vector<16xi32>
    %select_n3A_815 = arith.select %eq3A_812, %add3A_802, %broadcast_in_dim3A_814 : vector<16xi1>, vector<16xi32>
    %reduce_sum3A_816 = arith.constant true
    %reduce_sum3A_817 = vector.broadcast %reduce_sum3A_816 : i1 to vector<16xi1>
    %reduce_sum3A_818 = tpu.scan <sum>, %select_n3A_815 masked %reduce_sum3A_817 : vector<16xi32>, vector<16xi1> -> vector<16xi32>
    %reduce_sum3A_819 = vector.extract %reduce_sum3A_818[15] : i32 from vector<16xi32>
    %add3A_820 = vector.broadcast %reduce_sum3A_819 : i32 to vector<16xi32>
    %add3A_821 = arith.addi %add3A_820, %masked_cumsum3A_809 : vector<16xi32>
    %sub3A_822 = arith.constant 1 : i32
    %sub3A_823 = vector.broadcast %sub3A_822 : i32 to vector<16xi32>
    %sub3A_824 = arith.subi %add3A_821, %sub3A_823 : vector<16xi32>
    %select_n3A_825 = arith.select %eq3A_805, %sub3A_824, %select_n3A_794 : vector<16xi1>, vector<16xi32>
    %all_reduce_population_count3A_826 = tpu.all_reduce %eq3A_805 {dim = 0 : i64, kind = #tpu.reduction_kind<sum>} : vector<16xi1> -> vector<16xi32>
    %eq3A_827 = arith.constant 3 : i32
    %eq3A_828 = vector.broadcast %eq3A_827 : i32 to vector<16xi32>
    %eq3A_829 = arith.cmpi eq, %iota3A, %eq3A_828 : vector<16xi32>
    %jit3A_830 = arith.constant 0 : i32
    %broadcast_in_dim3A_831 = vector.broadcast %jit3A_830 : i32 to vector<16xi32>
    %select_n3A_832 = arith.select %eq3A_829, %all_reduce_population_count3A_826, %broadcast_in_dim3A_831 : vector<16xi1>, vector<16xi32>
    %add3A_833 = arith.addi %add3A_802, %select_n3A_832 : vector<16xi32>
    %eq3A_834 = arith.constant 4 : i32
    %eq3A_835 = vector.broadcast %eq3A_834 : i32 to vector<16xi32>
    %eq3A_836 = arith.cmpi eq, %select_n3A_707, %eq3A_835 : vector<16xi32>
    %convert_element_type3A_837 = arith.extui %eq3A_836 : vector<16xi1> to vector<16xi32>
    %broadcast_in_dim3A_838 = arith.constant true
    %broadcast_in_dim3A_839 = vector.broadcast %broadcast_in_dim3A_838 : i1 to vector<16xi1>
    %masked_cumsum3A_840 = tpu.scan <sum>, %convert_element_type3A_837 masked %broadcast_in_dim3A_839 : vector<16xi32>, vector<16xi1> -> vector<16xi32>
    %eq3A_841 = arith.constant 4 : i32
    %eq3A_842 = vector.broadcast %eq3A_841 : i32 to vector<16xi32>
    %eq3A_843 = arith.cmpi eq, %iota3A, %eq3A_842 : vector<16xi32>
    %jit3A_844 = arith.constant 0 : i32
    %broadcast_in_dim3A_845 = vector.broadcast %jit3A_844 : i32 to vector<16xi32>
    %select_n3A_846 = arith.select %eq3A_843, %add3A_833, %broadcast_in_dim3A_845 : vector<16xi1>, vector<16xi32>
    %reduce_sum3A_847 = arith.constant true
    %reduce_sum3A_848 = vector.broadcast %reduce_sum3A_847 : i1 to vector<16xi1>
    %reduce_sum3A_849 = tpu.scan <sum>, %select_n3A_846 masked %reduce_sum3A_848 : vector<16xi32>, vector<16xi1> -> vector<16xi32>
    %reduce_sum3A_850 = vector.extract %reduce_sum3A_849[15] : i32 from vector<16xi32>
    %add3A_851 = vector.broadcast %reduce_sum3A_850 : i32 to vector<16xi32>
    %add3A_852 = arith.addi %add3A_851, %masked_cumsum3A_840 : vector<16xi32>
    %sub3A_853 = arith.constant 1 : i32
    %sub3A_854 = vector.broadcast %sub3A_853 : i32 to vector<16xi32>
    %sub3A_855 = arith.subi %add3A_852, %sub3A_854 : vector<16xi32>
    %select_n3A_856 = arith.select %eq3A_836, %sub3A_855, %select_n3A_825 : vector<16xi1>, vector<16xi32>
    %all_reduce_population_count3A_857 = tpu.all_reduce %eq3A_836 {dim = 0 : i64, kind = #tpu.reduction_kind<sum>} : vector<16xi1> -> vector<16xi32>
    %eq3A_858 = arith.constant 4 : i32
    %eq3A_859 = vector.broadcast %eq3A_858 : i32 to vector<16xi32>
    %eq3A_860 = arith.cmpi eq, %iota3A, %eq3A_859 : vector<16xi32>
    %jit3A_861 = arith.constant 0 : i32
    %broadcast_in_dim3A_862 = vector.broadcast %jit3A_861 : i32 to vector<16xi32>
    %select_n3A_863 = arith.select %eq3A_860, %all_reduce_population_count3A_857, %broadcast_in_dim3A_862 : vector<16xi1>, vector<16xi32>
    %add3A_864 = arith.addi %add3A_833, %select_n3A_863 : vector<16xi32>
    %eq3A_865 = arith.constant 5 : i32
    %eq3A_866 = vector.broadcast %eq3A_865 : i32 to vector<16xi32>
    %eq3A_867 = arith.cmpi eq, %select_n3A_707, %eq3A_866 : vector<16xi32>
    %convert_element_type3A_868 = arith.extui %eq3A_867 : vector<16xi1> to vector<16xi32>
    %broadcast_in_dim3A_869 = arith.constant true
    %broadcast_in_dim3A_870 = vector.broadcast %broadcast_in_dim3A_869 : i1 to vector<16xi1>
    %masked_cumsum3A_871 = tpu.scan <sum>, %convert_element_type3A_868 masked %broadcast_in_dim3A_870 : vector<16xi32>, vector<16xi1> -> vector<16xi32>
    %eq3A_872 = arith.constant 5 : i32
    %eq3A_873 = vector.broadcast %eq3A_872 : i32 to vector<16xi32>
    %eq3A_874 = arith.cmpi eq, %iota3A, %eq3A_873 : vector<16xi32>
    %jit3A_875 = arith.constant 0 : i32
    %broadcast_in_dim3A_876 = vector.broadcast %jit3A_875 : i32 to vector<16xi32>
    %select_n3A_877 = arith.select %eq3A_874, %add3A_864, %broadcast_in_dim3A_876 : vector<16xi1>, vector<16xi32>
    %reduce_sum3A_878 = arith.constant true
    %reduce_sum3A_879 = vector.broadcast %reduce_sum3A_878 : i1 to vector<16xi1>
    %reduce_sum3A_880 = tpu.scan <sum>, %select_n3A_877 masked %reduce_sum3A_879 : vector<16xi32>, vector<16xi1> -> vector<16xi32>
    %reduce_sum3A_881 = vector.extract %reduce_sum3A_880[15] : i32 from vector<16xi32>
    %add3A_882 = vector.broadcast %reduce_sum3A_881 : i32 to vector<16xi32>
    %add3A_883 = arith.addi %add3A_882, %masked_cumsum3A_871 : vector<16xi32>
    %sub3A_884 = arith.constant 1 : i32
    %sub3A_885 = vector.broadcast %sub3A_884 : i32 to vector<16xi32>
    %sub3A_886 = arith.subi %add3A_883, %sub3A_885 : vector<16xi32>
    %select_n3A_887 = arith.select %eq3A_867, %sub3A_886, %select_n3A_856 : vector<16xi1>, vector<16xi32>
    %all_reduce_population_count3A_888 = tpu.all_reduce %eq3A_867 {dim = 0 : i64, kind = #tpu.reduction_kind<sum>} : vector<16xi1> -> vector<16xi32>
    %eq3A_889 = arith.constant 5 : i32
    %eq3A_890 = vector.broadcast %eq3A_889 : i32 to vector<16xi32>
    %eq3A_891 = arith.cmpi eq, %iota3A, %eq3A_890 : vector<16xi32>
    %jit3A_892 = arith.constant 0 : i32
    %broadcast_in_dim3A_893 = vector.broadcast %jit3A_892 : i32 to vector<16xi32>
    %select_n3A_894 = arith.select %eq3A_891, %all_reduce_population_count3A_888, %broadcast_in_dim3A_893 : vector<16xi1>, vector<16xi32>
    %add3A_895 = arith.addi %add3A_864, %select_n3A_894 : vector<16xi32>
    %eq3A_896 = arith.constant 6 : i32
    %eq3A_897 = vector.broadcast %eq3A_896 : i32 to vector<16xi32>
    %eq3A_898 = arith.cmpi eq, %select_n3A_707, %eq3A_897 : vector<16xi32>
    %convert_element_type3A_899 = arith.extui %eq3A_898 : vector<16xi1> to vector<16xi32>
    %broadcast_in_dim3A_900 = arith.constant true
    %broadcast_in_dim3A_901 = vector.broadcast %broadcast_in_dim3A_900 : i1 to vector<16xi1>
    %masked_cumsum3A_902 = tpu.scan <sum>, %convert_element_type3A_899 masked %broadcast_in_dim3A_901 : vector<16xi32>, vector<16xi1> -> vector<16xi32>
    %eq3A_903 = arith.constant 6 : i32
    %eq3A_904 = vector.broadcast %eq3A_903 : i32 to vector<16xi32>
    %eq3A_905 = arith.cmpi eq, %iota3A, %eq3A_904 : vector<16xi32>
    %jit3A_906 = arith.constant 0 : i32
    %broadcast_in_dim3A_907 = vector.broadcast %jit3A_906 : i32 to vector<16xi32>
    %select_n3A_908 = arith.select %eq3A_905, %add3A_895, %broadcast_in_dim3A_907 : vector<16xi1>, vector<16xi32>
    %reduce_sum3A_909 = arith.constant true
    %reduce_sum3A_910 = vector.broadcast %reduce_sum3A_909 : i1 to vector<16xi1>
    %reduce_sum3A_911 = tpu.scan <sum>, %select_n3A_908 masked %reduce_sum3A_910 : vector<16xi32>, vector<16xi1> -> vector<16xi32>
    %reduce_sum3A_912 = vector.extract %reduce_sum3A_911[15] : i32 from vector<16xi32>
    %add3A_913 = vector.broadcast %reduce_sum3A_912 : i32 to vector<16xi32>
    %add3A_914 = arith.addi %add3A_913, %masked_cumsum3A_902 : vector<16xi32>
    %sub3A_915 = arith.constant 1 : i32
    %sub3A_916 = vector.broadcast %sub3A_915 : i32 to vector<16xi32>
    %sub3A_917 = arith.subi %add3A_914, %sub3A_916 : vector<16xi32>
    %select_n3A_918 = arith.select %eq3A_898, %sub3A_917, %select_n3A_887 : vector<16xi1>, vector<16xi32>
    %all_reduce_population_count3A_919 = tpu.all_reduce %eq3A_898 {dim = 0 : i64, kind = #tpu.reduction_kind<sum>} : vector<16xi1> -> vector<16xi32>
    %eq3A_920 = arith.constant 6 : i32
    %eq3A_921 = vector.broadcast %eq3A_920 : i32 to vector<16xi32>
    %eq3A_922 = arith.cmpi eq, %iota3A, %eq3A_921 : vector<16xi32>
    %jit3A_923 = arith.constant 0 : i32
    %broadcast_in_dim3A_924 = vector.broadcast %jit3A_923 : i32 to vector<16xi32>
    %select_n3A_925 = arith.select %eq3A_922, %all_reduce_population_count3A_919, %broadcast_in_dim3A_924 : vector<16xi1>, vector<16xi32>
    %add3A_926 = arith.addi %add3A_895, %select_n3A_925 : vector<16xi32>
    %eq3A_927 = arith.constant 7 : i32
    %eq3A_928 = vector.broadcast %eq3A_927 : i32 to vector<16xi32>
    %eq3A_929 = arith.cmpi eq, %select_n3A_707, %eq3A_928 : vector<16xi32>
    %convert_element_type3A_930 = arith.extui %eq3A_929 : vector<16xi1> to vector<16xi32>
    %broadcast_in_dim3A_931 = arith.constant true
    %broadcast_in_dim3A_932 = vector.broadcast %broadcast_in_dim3A_931 : i1 to vector<16xi1>
    %masked_cumsum3A_933 = tpu.scan <sum>, %convert_element_type3A_930 masked %broadcast_in_dim3A_932 : vector<16xi32>, vector<16xi1> -> vector<16xi32>
    %eq3A_934 = arith.constant 7 : i32
    %eq3A_935 = vector.broadcast %eq3A_934 : i32 to vector<16xi32>
    %eq3A_936 = arith.cmpi eq, %iota3A, %eq3A_935 : vector<16xi32>
    %jit3A_937 = arith.constant 0 : i32
    %broadcast_in_dim3A_938 = vector.broadcast %jit3A_937 : i32 to vector<16xi32>
    %select_n3A_939 = arith.select %eq3A_936, %add3A_926, %broadcast_in_dim3A_938 : vector<16xi1>, vector<16xi32>
    %reduce_sum3A_940 = arith.constant true
    %reduce_sum3A_941 = vector.broadcast %reduce_sum3A_940 : i1 to vector<16xi1>
    %reduce_sum3A_942 = tpu.scan <sum>, %select_n3A_939 masked %reduce_sum3A_941 : vector<16xi32>, vector<16xi1> -> vector<16xi32>
    %reduce_sum3A_943 = vector.extract %reduce_sum3A_942[15] : i32 from vector<16xi32>
    %add3A_944 = vector.broadcast %reduce_sum3A_943 : i32 to vector<16xi32>
    %add3A_945 = arith.addi %add3A_944, %masked_cumsum3A_933 : vector<16xi32>
    %sub3A_946 = arith.constant 1 : i32
    %sub3A_947 = vector.broadcast %sub3A_946 : i32 to vector<16xi32>
    %sub3A_948 = arith.subi %add3A_945, %sub3A_947 : vector<16xi32>
    %select_n3A_949 = arith.select %eq3A_929, %sub3A_948, %select_n3A_918 : vector<16xi1>, vector<16xi32>
    %all_reduce_population_count3A_950 = tpu.all_reduce %eq3A_929 {dim = 0 : i64, kind = #tpu.reduction_kind<sum>} : vector<16xi1> -> vector<16xi32>
    %eq3A_951 = arith.constant 7 : i32
    %eq3A_952 = vector.broadcast %eq3A_951 : i32 to vector<16xi32>
    %eq3A_953 = arith.cmpi eq, %iota3A, %eq3A_952 : vector<16xi32>
    %jit3A_954 = arith.constant 0 : i32
    %broadcast_in_dim3A_955 = vector.broadcast %jit3A_954 : i32 to vector<16xi32>
    %select_n3A_956 = arith.select %eq3A_953, %all_reduce_population_count3A_950, %broadcast_in_dim3A_955 : vector<16xi1>, vector<16xi32>
    %add3A_957 = arith.addi %add3A_926, %select_n3A_956 : vector<16xi32>
    %swap3A_958 = arith.constant 16 : index
    %swap3A_959 = tpu.vector_load %arg12[%swap3A_958] {strides = array<i32>} : memref<128xi32, #tpu.memory_space<vmem>>, vector<16xi32>,
    tpu.vector_store %arg12[%swap3A_958], %select_n3A_949 {strides = array<i32>} : memref<128xi32, #tpu.memory_space<vmem>>, vector<16xi32>,
    %eq3A_960 = arith.constant 1 : i32
    %eq3A_961 = arith.cmpi eq, %select_n3A_30, %eq3A_960 : i32
    %get3A_962 = arith.constant 32 : index
    %get3A_963 = tpu.vector_load %arg10[%get3A_962] {strides = array<i32>} : memref<128xi32, #tpu.memory_space<vmem>>, vector<16xi32>,
    %get3A_964 = arith.constant 32 : index
    %get3A_965 = tpu.vector_load %arg9[%get3A_964] {strides = array<i32>} : memref<128xi32, #tpu.memory_space<vmem>>, vector<16xi32>,
    %select_n3A_966 = arith.select %eq3A_961, %get3A_963, %get3A_965 : vector<16xi32>
    %broadcast_in_dim3A_967 = arith.constant 0 : i32
    %broadcast_in_dim3A_968 = vector.broadcast %broadcast_in_dim3A_967 : i32 to vector<16xi32>
    %eq3A_969 = arith.constant 0 : i32
    %eq3A_970 = vector.broadcast %eq3A_969 : i32 to vector<16xi32>
    %eq3A_971 = arith.cmpi eq, %select_n3A_966, %eq3A_970 : vector<16xi32>
    %convert_element_type3A_972 = arith.extui %eq3A_971 : vector<16xi1> to vector<16xi32>
    %broadcast_in_dim3A_973 = arith.constant true
    %broadcast_in_dim3A_974 = vector.broadcast %broadcast_in_dim3A_973 : i1 to vector<16xi1>
    %masked_cumsum3A_975 = tpu.scan <sum>, %convert_element_type3A_972 masked %broadcast_in_dim3A_974 : vector<16xi32>, vector<16xi1> -> vector<16xi32>
    %eq3A_976 = arith.constant 0 : i32
    %eq3A_977 = vector.broadcast %eq3A_976 : i32 to vector<16xi32>
    %eq3A_978 = arith.cmpi eq, %iota3A, %eq3A_977 : vector<16xi32>
    %jit3A_979 = arith.constant 0 : i32
    %broadcast_in_dim3A_980 = vector.broadcast %jit3A_979 : i32 to vector<16xi32>
    %select_n3A_981 = arith.select %eq3A_978, %add3A_957, %broadcast_in_dim3A_980 : vector<16xi1>, vector<16xi32>
    %reduce_sum3A_982 = arith.constant true
    %reduce_sum3A_983 = vector.broadcast %reduce_sum3A_982 : i1 to vector<16xi1>
    %reduce_sum3A_984 = tpu.scan <sum>, %select_n3A_981 masked %reduce_sum3A_983 : vector<16xi32>, vector<16xi1> -> vector<16xi32>
    %reduce_sum3A_985 = vector.extract %reduce_sum3A_984[15] : i32 from vector<16xi32>
    %add3A_986 = vector.broadcast %reduce_sum3A_985 : i32 to vector<16xi32>
    %add3A_987 = arith.addi %add3A_986, %masked_cumsum3A_975 : vector<16xi32>
    %sub3A_988 = arith.constant 1 : i32
    %sub3A_989 = vector.broadcast %sub3A_988 : i32 to vector<16xi32>
    %sub3A_990 = arith.subi %add3A_987, %sub3A_989 : vector<16xi32>
    %select_n3A_991 = arith.select %eq3A_971, %sub3A_990, %broadcast_in_dim3A_968 : vector<16xi1>, vector<16xi32>
    %all_reduce_population_count3A_992 = tpu.all_reduce %eq3A_971 {dim = 0 : i64, kind = #tpu.reduction_kind<sum>} : vector<16xi1> -> vector<16xi32>
    %eq3A_993 = arith.constant 0 : i32
    %eq3A_994 = vector.broadcast %eq3A_993 : i32 to vector<16xi32>
    %eq3A_995 = arith.cmpi eq, %iota3A, %eq3A_994 : vector<16xi32>
    %jit3A_996 = arith.constant 0 : i32
    %broadcast_in_dim3A_997 = vector.broadcast %jit3A_996 : i32 to vector<16xi32>
    %select_n3A_998 = arith.select %eq3A_995, %all_reduce_population_count3A_992, %broadcast_in_dim3A_997 : vector<16xi1>, vector<16xi32>
    %add3A_999 = arith.addi %add3A_957, %select_n3A_998 : vector<16xi32>
    %eq3A_1000 = arith.constant 1 : i32
    %eq3A_1001 = vector.broadcast %eq3A_1000 : i32 to vector<16xi32>
    %eq3A_1002 = arith.cmpi eq, %select_n3A_966, %eq3A_1001 : vector<16xi32>
    %convert_element_type3A_1003 = arith.extui %eq3A_1002 : vector<16xi1> to vector<16xi32>
    %broadcast_in_dim3A_1004 = arith.constant true
    %broadcast_in_dim3A_1005 = vector.broadcast %broadcast_in_dim3A_1004 : i1 to vector<16xi1>
    %masked_cumsum3A_1006 = tpu.scan <sum>, %convert_element_type3A_1003 masked %broadcast_in_dim3A_1005 : vector<16xi32>, vector<16xi1> -> vector<16xi32>
    %eq3A_1007 = arith.constant 1 : i32
    %eq3A_1008 = vector.broadcast %eq3A_1007 : i32 to vector<16xi32>
    %eq3A_1009 = arith.cmpi eq, %iota3A, %eq3A_1008 : vector<16xi32>
    %jit3A_1010 = arith.constant 0 : i32
    %broadcast_in_dim3A_1011 = vector.broadcast %jit3A_1010 : i32 to vector<16xi32>
    %select_n3A_1012 = arith.select %eq3A_1009, %add3A_999, %broadcast_in_dim3A_1011 : vector<16xi1>, vector<16xi32>
    %reduce_sum3A_1013 = arith.constant true
    %reduce_sum3A_1014 = vector.broadcast %reduce_sum3A_1013 : i1 to vector<16xi1>
    %reduce_sum3A_1015 = tpu.scan <sum>, %select_n3A_1012 masked %reduce_sum3A_1014 : vector<16xi32>, vector<16xi1> -> vector<16xi32>
    %reduce_sum3A_1016 = vector.extract %reduce_sum3A_1015[15] : i32 from vector<16xi32>
    %add3A_1017 = vector.broadcast %reduce_sum3A_1016 : i32 to vector<16xi32>
    %add3A_1018 = arith.addi %add3A_1017, %masked_cumsum3A_1006 : vector<16xi32>
    %sub3A_1019 = arith.constant 1 : i32
    %sub3A_1020 = vector.broadcast %sub3A_1019 : i32 to vector<16xi32>
    %sub3A_1021 = arith.subi %add3A_1018, %sub3A_1020 : vector<16xi32>
    %select_n3A_1022 = arith.select %eq3A_1002, %sub3A_1021, %select_n3A_991 : vector<16xi1>, vector<16xi32>
    %all_reduce_population_count3A_1023 = tpu.all_reduce %eq3A_1002 {dim = 0 : i64, kind = #tpu.reduction_kind<sum>} : vector<16xi1> -> vector<16xi32>
    %eq3A_1024 = arith.constant 1 : i32
    %eq3A_1025 = vector.broadcast %eq3A_1024 : i32 to vector<16xi32>
    %eq3A_1026 = arith.cmpi eq, %iota3A, %eq3A_1025 : vector<16xi32>
    %jit3A_1027 = arith.constant 0 : i32
    %broadcast_in_dim3A_1028 = vector.broadcast %jit3A_1027 : i32 to vector<16xi32>
    %select_n3A_1029 = arith.select %eq3A_1026, %all_reduce_population_count3A_1023, %broadcast_in_dim3A_1028 : vector<16xi1>, vector<16xi32>
    %add3A_1030 = arith.addi %add3A_999, %select_n3A_1029 : vector<16xi32>
    %eq3A_1031 = arith.constant 2 : i32
    %eq3A_1032 = vector.broadcast %eq3A_1031 : i32 to vector<16xi32>
    %eq3A_1033 = arith.cmpi eq, %select_n3A_966, %eq3A_1032 : vector<16xi32>
    %convert_element_type3A_1034 = arith.extui %eq3A_1033 : vector<16xi1> to vector<16xi32>
    %broadcast_in_dim3A_1035 = arith.constant true
    %broadcast_in_dim3A_1036 = vector.broadcast %broadcast_in_dim3A_1035 : i1 to vector<16xi1>
    %masked_cumsum3A_1037 = tpu.scan <sum>, %convert_element_type3A_1034 masked %broadcast_in_dim3A_1036 : vector<16xi32>, vector<16xi1> -> vector<16xi32>
    %eq3A_1038 = arith.constant 2 : i32
    %eq3A_1039 = vector.broadcast %eq3A_1038 : i32 to vector<16xi32>
    %eq3A_1040 = arith.cmpi eq, %iota3A, %eq3A_1039 : vector<16xi32>
    %jit3A_1041 = arith.constant 0 : i32
    %broadcast_in_dim3A_1042 = vector.broadcast %jit3A_1041 : i32 to vector<16xi32>
    %select_n3A_1043 = arith.select %eq3A_1040, %add3A_1030, %broadcast_in_dim3A_1042 : vector<16xi1>, vector<16xi32>
    %reduce_sum3A_1044 = arith.constant true
    %reduce_sum3A_1045 = vector.broadcast %reduce_sum3A_1044 : i1 to vector<16xi1>
    %reduce_sum3A_1046 = tpu.scan <sum>, %select_n3A_1043 masked %reduce_sum3A_1045 : vector<16xi32>, vector<16xi1> -> vector<16xi32>
    %reduce_sum3A_1047 = vector.extract %reduce_sum3A_1046[15] : i32 from vector<16xi32>
    %add3A_1048 = vector.broadcast %reduce_sum3A_1047 : i32 to vector<16xi32>
    %add3A_1049 = arith.addi %add3A_1048, %masked_cumsum3A_1037 : vector<16xi32>
    %sub3A_1050 = arith.constant 1 : i32
    %sub3A_1051 = vector.broadcast %sub3A_1050 : i32 to vector<16xi32>
    %sub3A_1052 = arith.subi %add3A_1049, %sub3A_1051 : vector<16xi32>
    %select_n3A_1053 = arith.select %eq3A_1033, %sub3A_1052, %select_n3A_1022 : vector<16xi1>, vector<16xi32>
    %all_reduce_population_count3A_1054 = tpu.all_reduce %eq3A_1033 {dim = 0 : i64, kind = #tpu.reduction_kind<sum>} : vector<16xi1> -> vector<16xi32>
    %eq3A_1055 = arith.constant 2 : i32
    %eq3A_1056 = vector.broadcast %eq3A_1055 : i32 to vector<16xi32>
    %eq3A_1057 = arith.cmpi eq, %iota3A, %eq3A_1056 : vector<16xi32>
    %jit3A_1058 = arith.constant 0 : i32
    %broadcast_in_dim3A_1059 = vector.broadcast %jit3A_1058 : i32 to vector<16xi32>
    %select_n3A_1060 = arith.select %eq3A_1057, %all_reduce_population_count3A_1054, %broadcast_in_dim3A_1059 : vector<16xi1>, vector<16xi32>
    %add3A_1061 = arith.addi %add3A_1030, %select_n3A_1060 : vector<16xi32>
    %eq3A_1062 = arith.constant 3 : i32
    %eq3A_1063 = vector.broadcast %eq3A_1062 : i32 to vector<16xi32>
    %eq3A_1064 = arith.cmpi eq, %select_n3A_966, %eq3A_1063 : vector<16xi32>
    %convert_element_type3A_1065 = arith.extui %eq3A_1064 : vector<16xi1> to vector<16xi32>
    %broadcast_in_dim3A_1066 = arith.constant true
    %broadcast_in_dim3A_1067 = vector.broadcast %broadcast_in_dim3A_1066 : i1 to vector<16xi1>
    %masked_cumsum3A_1068 = tpu.scan <sum>, %convert_element_type3A_1065 masked %broadcast_in_dim3A_1067 : vector<16xi32>, vector<16xi1> -> vector<16xi32>
    %eq3A_1069 = arith.constant 3 : i32
    %eq3A_1070 = vector.broadcast %eq3A_1069 : i32 to vector<16xi32>
    %eq3A_1071 = arith.cmpi eq, %iota3A, %eq3A_1070 : vector<16xi32>
    %jit3A_1072 = arith.constant 0 : i32
    %broadcast_in_dim3A_1073 = vector.broadcast %jit3A_1072 : i32 to vector<16xi32>
    %select_n3A_1074 = arith.select %eq3A_1071, %add3A_1061, %broadcast_in_dim3A_1073 : vector<16xi1>, vector<16xi32>
    %reduce_sum3A_1075 = arith.constant true
    %reduce_sum3A_1076 = vector.broadcast %reduce_sum3A_1075 : i1 to vector<16xi1>
    %reduce_sum3A_1077 = tpu.scan <sum>, %select_n3A_1074 masked %reduce_sum3A_1076 : vector<16xi32>, vector<16xi1> -> vector<16xi32>
    %reduce_sum3A_1078 = vector.extract %reduce_sum3A_1077[15] : i32 from vector<16xi32>
    %add3A_1079 = vector.broadcast %reduce_sum3A_1078 : i32 to vector<16xi32>
    %add3A_1080 = arith.addi %add3A_1079, %masked_cumsum3A_1068 : vector<16xi32>
    %sub3A_1081 = arith.constant 1 : i32
    %sub3A_1082 = vector.broadcast %sub3A_1081 : i32 to vector<16xi32>
    %sub3A_1083 = arith.subi %add3A_1080, %sub3A_1082 : vector<16xi32>
    %select_n3A_1084 = arith.select %eq3A_1064, %sub3A_1083, %select_n3A_1053 : vector<16xi1>, vector<16xi32>
    %all_reduce_population_count3A_1085 = tpu.all_reduce %eq3A_1064 {dim = 0 : i64, kind = #tpu.reduction_kind<sum>} : vector<16xi1> -> vector<16xi32>
    %eq3A_1086 = arith.constant 3 : i32
    %eq3A_1087 = vector.broadcast %eq3A_1086 : i32 to vector<16xi32>
    %eq3A_1088 = arith.cmpi eq, %iota3A, %eq3A_1087 : vector<16xi32>
    %jit3A_1089 = arith.constant 0 : i32
    %broadcast_in_dim3A_1090 = vector.broadcast %jit3A_1089 : i32 to vector<16xi32>
    %select_n3A_1091 = arith.select %eq3A_1088, %all_reduce_population_count3A_1085, %broadcast_in_dim3A_1090 : vector<16xi1>, vector<16xi32>
    %add3A_1092 = arith.addi %add3A_1061, %select_n3A_1091 : vector<16xi32>
    %eq3A_1093 = arith.constant 4 : i32
    %eq3A_1094 = vector.broadcast %eq3A_1093 : i32 to vector<16xi32>
    %eq3A_1095 = arith.cmpi eq, %select_n3A_966, %eq3A_1094 : vector<16xi32>
    %convert_element_type3A_1096 = arith.extui %eq3A_1095 : vector<16xi1> to vector<16xi32>
    %broadcast_in_dim3A_1097 = arith.constant true
    %broadcast_in_dim3A_1098 = vector.broadcast %broadcast_in_dim3A_1097 : i1 to vector<16xi1>
    %masked_cumsum3A_1099 = tpu.scan <sum>, %convert_element_type3A_1096 masked %broadcast_in_dim3A_1098 : vector<16xi32>, vector<16xi1> -> vector<16xi32>
    %eq3A_1100 = arith.constant 4 : i32
    %eq3A_1101 = vector.broadcast %eq3A_1100 : i32 to vector<16xi32>
    %eq3A_1102 = arith.cmpi eq, %iota3A, %eq3A_1101 : vector<16xi32>
    %jit3A_1103 = arith.constant 0 : i32
    %broadcast_in_dim3A_1104 = vector.broadcast %jit3A_1103 : i32 to vector<16xi32>
    %select_n3A_1105 = arith.select %eq3A_1102, %add3A_1092, %broadcast_in_dim3A_1104 : vector<16xi1>, vector<16xi32>
    %reduce_sum3A_1106 = arith.constant true
    %reduce_sum3A_1107 = vector.broadcast %reduce_sum3A_1106 : i1 to vector<16xi1>
    %reduce_sum3A_1108 = tpu.scan <sum>, %select_n3A_1105 masked %reduce_sum3A_1107 : vector<16xi32>, vector<16xi1> -> vector<16xi32>
    %reduce_sum3A_1109 = vector.extract %reduce_sum3A_1108[15] : i32 from vector<16xi32>
    %add3A_1110 = vector.broadcast %reduce_sum3A_1109 : i32 to vector<16xi32>
    %add3A_1111 = arith.addi %add3A_1110, %masked_cumsum3A_1099 : vector<16xi32>
    %sub3A_1112 = arith.constant 1 : i32
    %sub3A_1113 = vector.broadcast %sub3A_1112 : i32 to vector<16xi32>
    %sub3A_1114 = arith.subi %add3A_1111, %sub3A_1113 : vector<16xi32>
    %select_n3A_1115 = arith.select %eq3A_1095, %sub3A_1114, %select_n3A_1084 : vector<16xi1>, vector<16xi32>
    %all_reduce_population_count3A_1116 = tpu.all_reduce %eq3A_1095 {dim = 0 : i64, kind = #tpu.reduction_kind<sum>} : vector<16xi1> -> vector<16xi32>
    %eq3A_1117 = arith.constant 4 : i32
    %eq3A_1118 = vector.broadcast %eq3A_1117 : i32 to vector<16xi32>
    %eq3A_1119 = arith.cmpi eq, %iota3A, %eq3A_1118 : vector<16xi32>
    %jit3A_1120 = arith.constant 0 : i32
    %broadcast_in_dim3A_1121 = vector.broadcast %jit3A_1120 : i32 to vector<16xi32>
    %select_n3A_1122 = arith.select %eq3A_1119, %all_reduce_population_count3A_1116, %broadcast_in_dim3A_1121 : vector<16xi1>, vector<16xi32>
    %add3A_1123 = arith.addi %add3A_1092, %select_n3A_1122 : vector<16xi32>
    %eq3A_1124 = arith.constant 5 : i32
    %eq3A_1125 = vector.broadcast %eq3A_1124 : i32 to vector<16xi32>
    %eq3A_1126 = arith.cmpi eq, %select_n3A_966, %eq3A_1125 : vector<16xi32>
    %convert_element_type3A_1127 = arith.extui %eq3A_1126 : vector<16xi1> to vector<16xi32>
    %broadcast_in_dim3A_1128 = arith.constant true
    %broadcast_in_dim3A_1129 = vector.broadcast %broadcast_in_dim3A_1128 : i1 to vector<16xi1>
    %masked_cumsum3A_1130 = tpu.scan <sum>, %convert_element_type3A_1127 masked %broadcast_in_dim3A_1129 : vector<16xi32>, vector<16xi1> -> vector<16xi32>
    %eq3A_1131 = arith.constant 5 : i32
    %eq3A_1132 = vector.broadcast %eq3A_1131 : i32 to vector<16xi32>
    %eq3A_1133 = arith.cmpi eq, %iota3A, %eq3A_1132 : vector<16xi32>
    %jit3A_1134 = arith.constant 0 : i32
    %broadcast_in_dim3A_1135 = vector.broadcast %jit3A_1134 : i32 to vector<16xi32>
    %select_n3A_1136 = arith.select %eq3A_1133, %add3A_1123, %broadcast_in_dim3A_1135 : vector<16xi1>, vector<16xi32>
    %reduce_sum3A_1137 = arith.constant true
    %reduce_sum3A_1138 = vector.broadcast %reduce_sum3A_1137 : i1 to vector<16xi1>
    %reduce_sum3A_1139 = tpu.scan <sum>, %select_n3A_1136 masked %reduce_sum3A_1138 : vector<16xi32>, vector<16xi1> -> vector<16xi32>
    %reduce_sum3A_1140 = vector.extract %reduce_sum3A_1139[15] : i32 from vector<16xi32>
    %add3A_1141 = vector.broadcast %reduce_sum3A_1140 : i32 to vector<16xi32>
    %add3A_1142 = arith.addi %add3A_1141, %masked_cumsum3A_1130 : vector<16xi32>
    %sub3A_1143 = arith.constant 1 : i32
    %sub3A_1144 = vector.broadcast %sub3A_1143 : i32 to vector<16xi32>
    %sub3A_1145 = arith.subi %add3A_1142, %sub3A_1144 : vector<16xi32>
    %select_n3A_1146 = arith.select %eq3A_1126, %sub3A_1145, %select_n3A_1115 : vector<16xi1>, vector<16xi32>
    %all_reduce_population_count3A_1147 = tpu.all_reduce %eq3A_1126 {dim = 0 : i64, kind = #tpu.reduction_kind<sum>} : vector<16xi1> -> vector<16xi32>
    %eq3A_1148 = arith.constant 5 : i32
    %eq3A_1149 = vector.broadcast %eq3A_1148 : i32 to vector<16xi32>
    %eq3A_1150 = arith.cmpi eq, %iota3A, %eq3A_1149 : vector<16xi32>
    %jit3A_1151 = arith.constant 0 : i32
    %broadcast_in_dim3A_1152 = vector.broadcast %jit3A_1151 : i32 to vector<16xi32>
    %select_n3A_1153 = arith.select %eq3A_1150, %all_reduce_population_count3A_1147, %broadcast_in_dim3A_1152 : vector<16xi1>, vector<16xi32>
    %add3A_1154 = arith.addi %add3A_1123, %select_n3A_1153 : vector<16xi32>
    %eq3A_1155 = arith.constant 6 : i32
    %eq3A_1156 = vector.broadcast %eq3A_1155 : i32 to vector<16xi32>
    %eq3A_1157 = arith.cmpi eq, %select_n3A_966, %eq3A_1156 : vector<16xi32>
    %convert_element_type3A_1158 = arith.extui %eq3A_1157 : vector<16xi1> to vector<16xi32>
    %broadcast_in_dim3A_1159 = arith.constant true
    %broadcast_in_dim3A_1160 = vector.broadcast %broadcast_in_dim3A_1159 : i1 to vector<16xi1>
    %masked_cumsum3A_1161 = tpu.scan <sum>, %convert_element_type3A_1158 masked %broadcast_in_dim3A_1160 : vector<16xi32>, vector<16xi1> -> vector<16xi32>
    %eq3A_1162 = arith.constant 6 : i32
    %eq3A_1163 = vector.broadcast %eq3A_1162 : i32 to vector<16xi32>
    %eq3A_1164 = arith.cmpi eq, %iota3A, %eq3A_1163 : vector<16xi32>
    %jit3A_1165 = arith.constant 0 : i32
    %broadcast_in_dim3A_1166 = vector.broadcast %jit3A_1165 : i32 to vector<16xi32>
    %select_n3A_1167 = arith.select %eq3A_1164, %add3A_1154, %broadcast_in_dim3A_1166 : vector<16xi1>, vector<16xi32>
    %reduce_sum3A_1168 = arith.constant true
    %reduce_sum3A_1169 = vector.broadcast %reduce_sum3A_1168 : i1 to vector<16xi1>
    %reduce_sum3A_1170 = tpu.scan <sum>, %select_n3A_1167 masked %reduce_sum3A_1169 : vector<16xi32>, vector<16xi1> -> vector<16xi32>
    %reduce_sum3A_1171 = vector.extract %reduce_sum3A_1170[15] : i32 from vector<16xi32>
    %add3A_1172 = vector.broadcast %reduce_sum3A_1171 : i32 to vector<16xi32>
    %add3A_1173 = arith.addi %add3A_1172, %masked_cumsum3A_1161 : vector<16xi32>
    %sub3A_1174 = arith.constant 1 : i32
    %sub3A_1175 = vector.broadcast %sub3A_1174 : i32 to vector<16xi32>
    %sub3A_1176 = arith.subi %add3A_1173, %sub3A_1175 : vector<16xi32>
    %select_n3A_1177 = arith.select %eq3A_1157, %sub3A_1176, %select_n3A_1146 : vector<16xi1>, vector<16xi32>
    %all_reduce_population_count3A_1178 = tpu.all_reduce %eq3A_1157 {dim = 0 : i64, kind = #tpu.reduction_kind<sum>} : vector<16xi1> -> vector<16xi32>
    %eq3A_1179 = arith.constant 6 : i32
    %eq3A_1180 = vector.broadcast %eq3A_1179 : i32 to vector<16xi32>
    %eq3A_1181 = arith.cmpi eq, %iota3A, %eq3A_1180 : vector<16xi32>
    %jit3A_1182 = arith.constant 0 : i32
    %broadcast_in_dim3A_1183 = vector.broadcast %jit3A_1182 : i32 to vector<16xi32>
    %select_n3A_1184 = arith.select %eq3A_1181, %all_reduce_population_count3A_1178, %broadcast_in_dim3A_1183 : vector<16xi1>, vector<16xi32>
    %add3A_1185 = arith.addi %add3A_1154, %select_n3A_1184 : vector<16xi32>
    %eq3A_1186 = arith.constant 7 : i32
    %eq3A_1187 = vector.broadcast %eq3A_1186 : i32 to vector<16xi32>
    %eq3A_1188 = arith.cmpi eq, %select_n3A_966, %eq3A_1187 : vector<16xi32>
    %convert_element_type3A_1189 = arith.extui %eq3A_1188 : vector<16xi1> to vector<16xi32>
    %broadcast_in_dim3A_1190 = arith.constant true
    %broadcast_in_dim3A_1191 = vector.broadcast %broadcast_in_dim3A_1190 : i1 to vector<16xi1>
    %masked_cumsum3A_1192 = tpu.scan <sum>, %convert_element_type3A_1189 masked %broadcast_in_dim3A_1191 : vector<16xi32>, vector<16xi1> -> vector<16xi32>
    %eq3A_1193 = arith.constant 7 : i32
    %eq3A_1194 = vector.broadcast %eq3A_1193 : i32 to vector<16xi32>
    %eq3A_1195 = arith.cmpi eq, %iota3A, %eq3A_1194 : vector<16xi32>
    %jit3A_1196 = arith.constant 0 : i32
    %broadcast_in_dim3A_1197 = vector.broadcast %jit3A_1196 : i32 to vector<16xi32>
    %select_n3A_1198 = arith.select %eq3A_1195, %add3A_1185, %broadcast_in_dim3A_1197 : vector<16xi1>, vector<16xi32>
    %reduce_sum3A_1199 = arith.constant true
    %reduce_sum3A_1200 = vector.broadcast %reduce_sum3A_1199 : i1 to vector<16xi1>
    %reduce_sum3A_1201 = tpu.scan <sum>, %select_n3A_1198 masked %reduce_sum3A_1200 : vector<16xi32>, vector<16xi1> -> vector<16xi32>
    %reduce_sum3A_1202 = vector.extract %reduce_sum3A_1201[15] : i32 from vector<16xi32>
    %add3A_1203 = vector.broadcast %reduce_sum3A_1202 : i32 to vector<16xi32>
    %add3A_1204 = arith.addi %add3A_1203, %masked_cumsum3A_1192 : vector<16xi32>
    %sub3A_1205 = arith.constant 1 : i32
    %sub3A_1206 = vector.broadcast %sub3A_1205 : i32 to vector<16xi32>
    %sub3A_1207 = arith.subi %add3A_1204, %sub3A_1206 : vector<16xi32>
    %select_n3A_1208 = arith.select %eq3A_1188, %sub3A_1207, %select_n3A_1177 : vector<16xi1>, vector<16xi32>
    %all_reduce_population_count3A_1209 = tpu.all_reduce %eq3A_1188 {dim = 0 : i64, kind = #tpu.reduction_kind<sum>} : vector<16xi1> -> vector<16xi32>
    %eq3A_1210 = arith.constant 7 : i32
    %eq3A_1211 = vector.broadcast %eq3A_1210 : i32 to vector<16xi32>
    %eq3A_1212 = arith.cmpi eq, %iota3A, %eq3A_1211 : vector<16xi32>
    %jit3A_1213 = arith.constant 0 : i32
    %broadcast_in_dim3A_1214 = vector.broadcast %jit3A_1213 : i32 to vector<16xi32>
    %select_n3A_1215 = arith.select %eq3A_1212, %all_reduce_population_count3A_1209, %broadcast_in_dim3A_1214 : vector<16xi1>, vector<16xi32>
    %add3A_1216 = arith.addi %add3A_1185, %select_n3A_1215 : vector<16xi32>
    %swap3A_1217 = arith.constant 32 : index
    %swap3A_1218 = tpu.vector_load %arg12[%swap3A_1217] {strides = array<i32>} : memref<128xi32, #tpu.memory_space<vmem>>, vector<16xi32>,
    tpu.vector_store %arg12[%swap3A_1217], %select_n3A_1208 {strides = array<i32>} : memref<128xi32, #tpu.memory_space<vmem>>, vector<16xi32>,
    %eq3A_1219 = arith.constant 1 : i32
    %eq3A_1220 = arith.cmpi eq, %select_n3A_30, %eq3A_1219 : i32
    %get3A_1221 = arith.constant 48 : index
    %get3A_1222 = tpu.vector_load %arg10[%get3A_1221] {strides = array<i32>} : memref<128xi32, #tpu.memory_space<vmem>>, vector<16xi32>,
    %get3A_1223 = arith.constant 48 : index
    %get3A_1224 = tpu.vector_load %arg9[%get3A_1223] {strides = array<i32>} : memref<128xi32, #tpu.memory_space<vmem>>, vector<16xi32>,
    %select_n3A_1225 = arith.select %eq3A_1220, %get3A_1222, %get3A_1224 : vector<16xi32>
    %broadcast_in_dim3A_1226 = arith.constant 0 : i32
    %broadcast_in_dim3A_1227 = vector.broadcast %broadcast_in_dim3A_1226 : i32 to vector<16xi32>
    %eq3A_1228 = arith.constant 0 : i32
    %eq3A_1229 = vector.broadcast %eq3A_1228 : i32 to vector<16xi32>
    %eq3A_1230 = arith.cmpi eq, %select_n3A_1225, %eq3A_1229 : vector<16xi32>
    %convert_element_type3A_1231 = arith.extui %eq3A_1230 : vector<16xi1> to vector<16xi32>
    %broadcast_in_dim3A_1232 = arith.constant true
    %broadcast_in_dim3A_1233 = vector.broadcast %broadcast_in_dim3A_1232 : i1 to vector<16xi1>
    %masked_cumsum3A_1234 = tpu.scan <sum>, %convert_element_type3A_1231 masked %broadcast_in_dim3A_1233 : vector<16xi32>, vector<16xi1> -> vector<16xi32>
    %eq3A_1235 = arith.constant 0 : i32
    %eq3A_1236 = vector.broadcast %eq3A_1235 : i32 to vector<16xi32>
    %eq3A_1237 = arith.cmpi eq, %iota3A, %eq3A_1236 : vector<16xi32>
    %jit3A_1238 = arith.constant 0 : i32
    %broadcast_in_dim3A_1239 = vector.broadcast %jit3A_1238 : i32 to vector<16xi32>
    %select_n3A_1240 = arith.select %eq3A_1237, %add3A_1216, %broadcast_in_dim3A_1239 : vector<16xi1>, vector<16xi32>
    %reduce_sum3A_1241 = arith.constant true
    %reduce_sum3A_1242 = vector.broadcast %reduce_sum3A_1241 : i1 to vector<16xi1>
    %reduce_sum3A_1243 = tpu.scan <sum>, %select_n3A_1240 masked %reduce_sum3A_1242 : vector<16xi32>, vector<16xi1> -> vector<16xi32>
    %reduce_sum3A_1244 = vector.extract %reduce_sum3A_1243[15] : i32 from vector<16xi32>
    %add3A_1245 = vector.broadcast %reduce_sum3A_1244 : i32 to vector<16xi32>
    %add3A_1246 = arith.addi %add3A_1245, %masked_cumsum3A_1234 : vector<16xi32>
    %sub3A_1247 = arith.constant 1 : i32
    %sub3A_1248 = vector.broadcast %sub3A_1247 : i32 to vector<16xi32>
    %sub3A_1249 = arith.subi %add3A_1246, %sub3A_1248 : vector<16xi32>
    %select_n3A_1250 = arith.select %eq3A_1230, %sub3A_1249, %broadcast_in_dim3A_1227 : vector<16xi1>, vector<16xi32>
    %all_reduce_population_count3A_1251 = tpu.all_reduce %eq3A_1230 {dim = 0 : i64, kind = #tpu.reduction_kind<sum>} : vector<16xi1> -> vector<16xi32>
    %eq3A_1252 = arith.constant 0 : i32
    %eq3A_1253 = vector.broadcast %eq3A_1252 : i32 to vector<16xi32>
    %eq3A_1254 = arith.cmpi eq, %iota3A, %eq3A_1253 : vector<16xi32>
    %jit3A_1255 = arith.constant 0 : i32
    %broadcast_in_dim3A_1256 = vector.broadcast %jit3A_1255 : i32 to vector<16xi32>
    %select_n3A_1257 = arith.select %eq3A_1254, %all_reduce_population_count3A_1251, %broadcast_in_dim3A_1256 : vector<16xi1>, vector<16xi32>
    %add3A_1258 = arith.addi %add3A_1216, %select_n3A_1257 : vector<16xi32>
    %eq3A_1259 = arith.constant 1 : i32
    %eq3A_1260 = vector.broadcast %eq3A_1259 : i32 to vector<16xi32>
    %eq3A_1261 = arith.cmpi eq, %select_n3A_1225, %eq3A_1260 : vector<16xi32>
    %convert_element_type3A_1262 = arith.extui %eq3A_1261 : vector<16xi1> to vector<16xi32>
    %broadcast_in_dim3A_1263 = arith.constant true
    %broadcast_in_dim3A_1264 = vector.broadcast %broadcast_in_dim3A_1263 : i1 to vector<16xi1>
    %masked_cumsum3A_1265 = tpu.scan <sum>, %convert_element_type3A_1262 masked %broadcast_in_dim3A_1264 : vector<16xi32>, vector<16xi1> -> vector<16xi32>
    %eq3A_1266 = arith.constant 1 : i32
    %eq3A_1267 = vector.broadcast %eq3A_1266 : i32 to vector<16xi32>
    %eq3A_1268 = arith.cmpi eq, %iota3A, %eq3A_1267 : vector<16xi32>
    %jit3A_1269 = arith.constant 0 : i32
    %broadcast_in_dim3A_1270 = vector.broadcast %jit3A_1269 : i32 to vector<16xi32>
    %select_n3A_1271 = arith.select %eq3A_1268, %add3A_1258, %broadcast_in_dim3A_1270 : vector<16xi1>, vector<16xi32>
    %reduce_sum3A_1272 = arith.constant true
    %reduce_sum3A_1273 = vector.broadcast %reduce_sum3A_1272 : i1 to vector<16xi1>
    %reduce_sum3A_1274 = tpu.scan <sum>, %select_n3A_1271 masked %reduce_sum3A_1273 : vector<16xi32>, vector<16xi1> -> vector<16xi32>
    %reduce_sum3A_1275 = vector.extract %reduce_sum3A_1274[15] : i32 from vector<16xi32>
    %add3A_1276 = vector.broadcast %reduce_sum3A_1275 : i32 to vector<16xi32>
    %add3A_1277 = arith.addi %add3A_1276, %masked_cumsum3A_1265 : vector<16xi32>
    %sub3A_1278 = arith.constant 1 : i32
    %sub3A_1279 = vector.broadcast %sub3A_1278 : i32 to vector<16xi32>
    %sub3A_1280 = arith.subi %add3A_1277, %sub3A_1279 : vector<16xi32>
    %select_n3A_1281 = arith.select %eq3A_1261, %sub3A_1280, %select_n3A_1250 : vector<16xi1>, vector<16xi32>
    %all_reduce_population_count3A_1282 = tpu.all_reduce %eq3A_1261 {dim = 0 : i64, kind = #tpu.reduction_kind<sum>} : vector<16xi1> -> vector<16xi32>
    %eq3A_1283 = arith.constant 1 : i32
    %eq3A_1284 = vector.broadcast %eq3A_1283 : i32 to vector<16xi32>
    %eq3A_1285 = arith.cmpi eq, %iota3A, %eq3A_1284 : vector<16xi32>
    %jit3A_1286 = arith.constant 0 : i32
    %broadcast_in_dim3A_1287 = vector.broadcast %jit3A_1286 : i32 to vector<16xi32>
    %select_n3A_1288 = arith.select %eq3A_1285, %all_reduce_population_count3A_1282, %broadcast_in_dim3A_1287 : vector<16xi1>, vector<16xi32>
    %add3A_1289 = arith.addi %add3A_1258, %select_n3A_1288 : vector<16xi32>
    %eq3A_1290 = arith.constant 2 : i32
    %eq3A_1291 = vector.broadcast %eq3A_1290 : i32 to vector<16xi32>
    %eq3A_1292 = arith.cmpi eq, %select_n3A_1225, %eq3A_1291 : vector<16xi32>
    %convert_element_type3A_1293 = arith.extui %eq3A_1292 : vector<16xi1> to vector<16xi32>
    %broadcast_in_dim3A_1294 = arith.constant true
    %broadcast_in_dim3A_1295 = vector.broadcast %broadcast_in_dim3A_1294 : i1 to vector<16xi1>
    %masked_cumsum3A_1296 = tpu.scan <sum>, %convert_element_type3A_1293 masked %broadcast_in_dim3A_1295 : vector<16xi32>, vector<16xi1> -> vector<16xi32>
    %eq3A_1297 = arith.constant 2 : i32
    %eq3A_1298 = vector.broadcast %eq3A_1297 : i32 to vector<16xi32>
    %eq3A_1299 = arith.cmpi eq, %iota3A, %eq3A_1298 : vector<16xi32>
    %jit3A_1300 = arith.constant 0 : i32
    %broadcast_in_dim3A_1301 = vector.broadcast %jit3A_1300 : i32 to vector<16xi32>
    %select_n3A_1302 = arith.select %eq3A_1299, %add3A_1289, %broadcast_in_dim3A_1301 : vector<16xi1>, vector<16xi32>
    %reduce_sum3A_1303 = arith.constant true
    %reduce_sum3A_1304 = vector.broadcast %reduce_sum3A_1303 : i1 to vector<16xi1>
    %reduce_sum3A_1305 = tpu.scan <sum>, %select_n3A_1302 masked %reduce_sum3A_1304 : vector<16xi32>, vector<16xi1> -> vector<16xi32>
    %reduce_sum3A_1306 = vector.extract %reduce_sum3A_1305[15] : i32 from vector<16xi32>
    %add3A_1307 = vector.broadcast %reduce_sum3A_1306 : i32 to vector<16xi32>
    %add3A_1308 = arith.addi %add3A_1307, %masked_cumsum3A_1296 : vector<16xi32>
    %sub3A_1309 = arith.constant 1 : i32
    %sub3A_1310 = vector.broadcast %sub3A_1309 : i32 to vector<16xi32>
    %sub3A_1311 = arith.subi %add3A_1308, %sub3A_1310 : vector<16xi32>
    %select_n3A_1312 = arith.select %eq3A_1292, %sub3A_1311, %select_n3A_1281 : vector<16xi1>, vector<16xi32>
    %all_reduce_population_count3A_1313 = tpu.all_reduce %eq3A_1292 {dim = 0 : i64, kind = #tpu.reduction_kind<sum>} : vector<16xi1> -> vector<16xi32>
    %eq3A_1314 = arith.constant 2 : i32
    %eq3A_1315 = vector.broadcast %eq3A_1314 : i32 to vector<16xi32>
    %eq3A_1316 = arith.cmpi eq, %iota3A, %eq3A_1315 : vector<16xi32>
    %jit3A_1317 = arith.constant 0 : i32
    %broadcast_in_dim3A_1318 = vector.broadcast %jit3A_1317 : i32 to vector<16xi32>
    %select_n3A_1319 = arith.select %eq3A_1316, %all_reduce_population_count3A_1313, %broadcast_in_dim3A_1318 : vector<16xi1>, vector<16xi32>
    %add3A_1320 = arith.addi %add3A_1289, %select_n3A_1319 : vector<16xi32>
    %eq3A_1321 = arith.constant 3 : i32
    %eq3A_1322 = vector.broadcast %eq3A_1321 : i32 to vector<16xi32>
    %eq3A_1323 = arith.cmpi eq, %select_n3A_1225, %eq3A_1322 : vector<16xi32>
    %convert_element_type3A_1324 = arith.extui %eq3A_1323 : vector<16xi1> to vector<16xi32>
    %broadcast_in_dim3A_1325 = arith.constant true
    %broadcast_in_dim3A_1326 = vector.broadcast %broadcast_in_dim3A_1325 : i1 to vector<16xi1>
    %masked_cumsum3A_1327 = tpu.scan <sum>, %convert_element_type3A_1324 masked %broadcast_in_dim3A_1326 : vector<16xi32>, vector<16xi1> -> vector<16xi32>
    %eq3A_1328 = arith.constant 3 : i32
    %eq3A_1329 = vector.broadcast %eq3A_1328 : i32 to vector<16xi32>
    %eq3A_1330 = arith.cmpi eq, %iota3A, %eq3A_1329 : vector<16xi32>
    %jit3A_1331 = arith.constant 0 : i32
    %broadcast_in_dim3A_1332 = vector.broadcast %jit3A_1331 : i32 to vector<16xi32>
    %select_n3A_1333 = arith.select %eq3A_1330, %add3A_1320, %broadcast_in_dim3A_1332 : vector<16xi1>, vector<16xi32>
    %reduce_sum3A_1334 = arith.constant true
    %reduce_sum3A_1335 = vector.broadcast %reduce_sum3A_1334 : i1 to vector<16xi1>
    %reduce_sum3A_1336 = tpu.scan <sum>, %select_n3A_1333 masked %reduce_sum3A_1335 : vector<16xi32>, vector<16xi1> -> vector<16xi32>
    %reduce_sum3A_1337 = vector.extract %reduce_sum3A_1336[15] : i32 from vector<16xi32>
    %add3A_1338 = vector.broadcast %reduce_sum3A_1337 : i32 to vector<16xi32>
    %add3A_1339 = arith.addi %add3A_1338, %masked_cumsum3A_1327 : vector<16xi32>
    %sub3A_1340 = arith.constant 1 : i32
    %sub3A_1341 = vector.broadcast %sub3A_1340 : i32 to vector<16xi32>
    %sub3A_1342 = arith.subi %add3A_1339, %sub3A_1341 : vector<16xi32>
    %select_n3A_1343 = arith.select %eq3A_1323, %sub3A_1342, %select_n3A_1312 : vector<16xi1>, vector<16xi32>
    %all_reduce_population_count3A_1344 = tpu.all_reduce %eq3A_1323 {dim = 0 : i64, kind = #tpu.reduction_kind<sum>} : vector<16xi1> -> vector<16xi32>
    %eq3A_1345 = arith.constant 3 : i32
    %eq3A_1346 = vector.broadcast %eq3A_1345 : i32 to vector<16xi32>
    %eq3A_1347 = arith.cmpi eq, %iota3A, %eq3A_1346 : vector<16xi32>
    %jit3A_1348 = arith.constant 0 : i32
    %broadcast_in_dim3A_1349 = vector.broadcast %jit3A_1348 : i32 to vector<16xi32>
    %select_n3A_1350 = arith.select %eq3A_1347, %all_reduce_population_count3A_1344, %broadcast_in_dim3A_1349 : vector<16xi1>, vector<16xi32>
    %add3A_1351 = arith.addi %add3A_1320, %select_n3A_1350 : vector<16xi32>
    %eq3A_1352 = arith.constant 4 : i32
    %eq3A_1353 = vector.broadcast %eq3A_1352 : i32 to vector<16xi32>
    %eq3A_1354 = arith.cmpi eq, %select_n3A_1225, %eq3A_1353 : vector<16xi32>
    %convert_element_type3A_1355 = arith.extui %eq3A_1354 : vector<16xi1> to vector<16xi32>
    %broadcast_in_dim3A_1356 = arith.constant true
    %broadcast_in_dim3A_1357 = vector.broadcast %broadcast_in_dim3A_1356 : i1 to vector<16xi1>
    %masked_cumsum3A_1358 = tpu.scan <sum>, %convert_element_type3A_1355 masked %broadcast_in_dim3A_1357 : vector<16xi32>, vector<16xi1> -> vector<16xi32>
    %eq3A_1359 = arith.constant 4 : i32
    %eq3A_1360 = vector.broadcast %eq3A_1359 : i32 to vector<16xi32>
    %eq3A_1361 = arith.cmpi eq, %iota3A, %eq3A_1360 : vector<16xi32>
    %jit3A_1362 = arith.constant 0 : i32
    %broadcast_in_dim3A_1363 = vector.broadcast %jit3A_1362 : i32 to vector<16xi32>
    %select_n3A_1364 = arith.select %eq3A_1361, %add3A_1351, %broadcast_in_dim3A_1363 : vector<16xi1>, vector<16xi32>
    %reduce_sum3A_1365 = arith.constant true
    %reduce_sum3A_1366 = vector.broadcast %reduce_sum3A_1365 : i1 to vector<16xi1>
    %reduce_sum3A_1367 = tpu.scan <sum>, %select_n3A_1364 masked %reduce_sum3A_1366 : vector<16xi32>, vector<16xi1> -> vector<16xi32>
    %reduce_sum3A_1368 = vector.extract %reduce_sum3A_1367[15] : i32 from vector<16xi32>
    %add3A_1369 = vector.broadcast %reduce_sum3A_1368 : i32 to vector<16xi32>
    %add3A_1370 = arith.addi %add3A_1369, %masked_cumsum3A_1358 : vector<16xi32>
    %sub3A_1371 = arith.constant 1 : i32
    %sub3A_1372 = vector.broadcast %sub3A_1371 : i32 to vector<16xi32>
    %sub3A_1373 = arith.subi %add3A_1370, %sub3A_1372 : vector<16xi32>
    %select_n3A_1374 = arith.select %eq3A_1354, %sub3A_1373, %select_n3A_1343 : vector<16xi1>, vector<16xi32>
    %all_reduce_population_count3A_1375 = tpu.all_reduce %eq3A_1354 {dim = 0 : i64, kind = #tpu.reduction_kind<sum>} : vector<16xi1> -> vector<16xi32>
    %eq3A_1376 = arith.constant 4 : i32
    %eq3A_1377 = vector.broadcast %eq3A_1376 : i32 to vector<16xi32>
    %eq3A_1378 = arith.cmpi eq, %iota3A, %eq3A_1377 : vector<16xi32>
    %jit3A_1379 = arith.constant 0 : i32
    %broadcast_in_dim3A_1380 = vector.broadcast %jit3A_1379 : i32 to vector<16xi32>
    %select_n3A_1381 = arith.select %eq3A_1378, %all_reduce_population_count3A_1375, %broadcast_in_dim3A_1380 : vector<16xi1>, vector<16xi32>
    %add3A_1382 = arith.addi %add3A_1351, %select_n3A_1381 : vector<16xi32>
    %eq3A_1383 = arith.constant 5 : i32
    %eq3A_1384 = vector.broadcast %eq3A_1383 : i32 to vector<16xi32>
    %eq3A_1385 = arith.cmpi eq, %select_n3A_1225, %eq3A_1384 : vector<16xi32>
    %convert_element_type3A_1386 = arith.extui %eq3A_1385 : vector<16xi1> to vector<16xi32>
    %broadcast_in_dim3A_1387 = arith.constant true
    %broadcast_in_dim3A_1388 = vector.broadcast %broadcast_in_dim3A_1387 : i1 to vector<16xi1>
    %masked_cumsum3A_1389 = tpu.scan <sum>, %convert_element_type3A_1386 masked %broadcast_in_dim3A_1388 : vector<16xi32>, vector<16xi1> -> vector<16xi32>
    %eq3A_1390 = arith.constant 5 : i32
    %eq3A_1391 = vector.broadcast %eq3A_1390 : i32 to vector<16xi32>
    %eq3A_1392 = arith.cmpi eq, %iota3A, %eq3A_1391 : vector<16xi32>
    %jit3A_1393 = arith.constant 0 : i32
    %broadcast_in_dim3A_1394 = vector.broadcast %jit3A_1393 : i32 to vector<16xi32>
    %select_n3A_1395 = arith.select %eq3A_1392, %add3A_1382, %broadcast_in_dim3A_1394 : vector<16xi1>, vector<16xi32>
    %reduce_sum3A_1396 = arith.constant true
    %reduce_sum3A_1397 = vector.broadcast %reduce_sum3A_1396 : i1 to vector<16xi1>
    %reduce_sum3A_1398 = tpu.scan <sum>, %select_n3A_1395 masked %reduce_sum3A_1397 : vector<16xi32>, vector<16xi1> -> vector<16xi32>
    %reduce_sum3A_1399 = vector.extract %reduce_sum3A_1398[15] : i32 from vector<16xi32>
    %add3A_1400 = vector.broadcast %reduce_sum3A_1399 : i32 to vector<16xi32>
    %add3A_1401 = arith.addi %add3A_1400, %masked_cumsum3A_1389 : vector<16xi32>
    %sub3A_1402 = arith.constant 1 : i32
    %sub3A_1403 = vector.broadcast %sub3A_1402 : i32 to vector<16xi32>
    %sub3A_1404 = arith.subi %add3A_1401, %sub3A_1403 : vector<16xi32>
    %select_n3A_1405 = arith.select %eq3A_1385, %sub3A_1404, %select_n3A_1374 : vector<16xi1>, vector<16xi32>
    %all_reduce_population_count3A_1406 = tpu.all_reduce %eq3A_1385 {dim = 0 : i64, kind = #tpu.reduction_kind<sum>} : vector<16xi1> -> vector<16xi32>
    %eq3A_1407 = arith.constant 5 : i32
    %eq3A_1408 = vector.broadcast %eq3A_1407 : i32 to vector<16xi32>
    %eq3A_1409 = arith.cmpi eq, %iota3A, %eq3A_1408 : vector<16xi32>
    %jit3A_1410 = arith.constant 0 : i32
    %broadcast_in_dim3A_1411 = vector.broadcast %jit3A_1410 : i32 to vector<16xi32>
    %select_n3A_1412 = arith.select %eq3A_1409, %all_reduce_population_count3A_1406, %broadcast_in_dim3A_1411 : vector<16xi1>, vector<16xi32>
    %add3A_1413 = arith.addi %add3A_1382, %select_n3A_1412 : vector<16xi32>
    %eq3A_1414 = arith.constant 6 : i32
    %eq3A_1415 = vector.broadcast %eq3A_1414 : i32 to vector<16xi32>
    %eq3A_1416 = arith.cmpi eq, %select_n3A_1225, %eq3A_1415 : vector<16xi32>
    %convert_element_type3A_1417 = arith.extui %eq3A_1416 : vector<16xi1> to vector<16xi32>
    %broadcast_in_dim3A_1418 = arith.constant true
    %broadcast_in_dim3A_1419 = vector.broadcast %broadcast_in_dim3A_1418 : i1 to vector<16xi1>
    %masked_cumsum3A_1420 = tpu.scan <sum>, %convert_element_type3A_1417 masked %broadcast_in_dim3A_1419 : vector<16xi32>, vector<16xi1> -> vector<16xi32>
    %eq3A_1421 = arith.constant 6 : i32
    %eq3A_1422 = vector.broadcast %eq3A_1421 : i32 to vector<16xi32>
    %eq3A_1423 = arith.cmpi eq, %iota3A, %eq3A_1422 : vector<16xi32>
    %jit3A_1424 = arith.constant 0 : i32
    %broadcast_in_dim3A_1425 = vector.broadcast %jit3A_1424 : i32 to vector<16xi32>
    %select_n3A_1426 = arith.select %eq3A_1423, %add3A_1413, %broadcast_in_dim3A_1425 : vector<16xi1>, vector<16xi32>
    %reduce_sum3A_1427 = arith.constant true
    %reduce_sum3A_1428 = vector.broadcast %reduce_sum3A_1427 : i1 to vector<16xi1>
    %reduce_sum3A_1429 = tpu.scan <sum>, %select_n3A_1426 masked %reduce_sum3A_1428 : vector<16xi32>, vector<16xi1> -> vector<16xi32>
    %reduce_sum3A_1430 = vector.extract %reduce_sum3A_1429[15] : i32 from vector<16xi32>
    %add3A_1431 = vector.broadcast %reduce_sum3A_1430 : i32 to vector<16xi32>
    %add3A_1432 = arith.addi %add3A_1431, %masked_cumsum3A_1420 : vector<16xi32>
    %sub3A_1433 = arith.constant 1 : i32
    %sub3A_1434 = vector.broadcast %sub3A_1433 : i32 to vector<16xi32>
    %sub3A_1435 = arith.subi %add3A_1432, %sub3A_1434 : vector<16xi32>
    %select_n3A_1436 = arith.select %eq3A_1416, %sub3A_1435, %select_n3A_1405 : vector<16xi1>, vector<16xi32>
    %all_reduce_population_count3A_1437 = tpu.all_reduce %eq3A_1416 {dim = 0 : i64, kind = #tpu.reduction_kind<sum>} : vector<16xi1> -> vector<16xi32>
    %eq3A_1438 = arith.constant 6 : i32
    %eq3A_1439 = vector.broadcast %eq3A_1438 : i32 to vector<16xi32>
    %eq3A_1440 = arith.cmpi eq, %iota3A, %eq3A_1439 : vector<16xi32>
    %jit3A_1441 = arith.constant 0 : i32
    %broadcast_in_dim3A_1442 = vector.broadcast %jit3A_1441 : i32 to vector<16xi32>
    %select_n3A_1443 = arith.select %eq3A_1440, %all_reduce_population_count3A_1437, %broadcast_in_dim3A_1442 : vector<16xi1>, vector<16xi32>
    %add3A_1444 = arith.addi %add3A_1413, %select_n3A_1443 : vector<16xi32>
    %eq3A_1445 = arith.constant 7 : i32
    %eq3A_1446 = vector.broadcast %eq3A_1445 : i32 to vector<16xi32>
    %eq3A_1447 = arith.cmpi eq, %select_n3A_1225, %eq3A_1446 : vector<16xi32>
    %convert_element_type3A_1448 = arith.extui %eq3A_1447 : vector<16xi1> to vector<16xi32>
    %broadcast_in_dim3A_1449 = arith.constant true
    %broadcast_in_dim3A_1450 = vector.broadcast %broadcast_in_dim3A_1449 : i1 to vector<16xi1>
    %masked_cumsum3A_1451 = tpu.scan <sum>, %convert_element_type3A_1448 masked %broadcast_in_dim3A_1450 : vector<16xi32>, vector<16xi1> -> vector<16xi32>
    %eq3A_1452 = arith.constant 7 : i32
    %eq3A_1453 = vector.broadcast %eq3A_1452 : i32 to vector<16xi32>
    %eq3A_1454 = arith.cmpi eq, %iota3A, %eq3A_1453 : vector<16xi32>
    %jit3A_1455 = arith.constant 0 : i32
    %broadcast_in_dim3A_1456 = vector.broadcast %jit3A_1455 : i32 to vector<16xi32>
    %select_n3A_1457 = arith.select %eq3A_1454, %add3A_1444, %broadcast_in_dim3A_1456 : vector<16xi1>, vector<16xi32>
    %reduce_sum3A_1458 = arith.constant true
    %reduce_sum3A_1459 = vector.broadcast %reduce_sum3A_1458 : i1 to vector<16xi1>
    %reduce_sum3A_1460 = tpu.scan <sum>, %select_n3A_1457 masked %reduce_sum3A_1459 : vector<16xi32>, vector<16xi1> -> vector<16xi32>
    %reduce_sum3A_1461 = vector.extract %reduce_sum3A_1460[15] : i32 from vector<16xi32>
    %add3A_1462 = vector.broadcast %reduce_sum3A_1461 : i32 to vector<16xi32>
    %add3A_1463 = arith.addi %add3A_1462, %masked_cumsum3A_1451 : vector<16xi32>
    %sub3A_1464 = arith.constant 1 : i32
    %sub3A_1465 = vector.broadcast %sub3A_1464 : i32 to vector<16xi32>
    %sub3A_1466 = arith.subi %add3A_1463, %sub3A_1465 : vector<16xi32>
    %select_n3A_1467 = arith.select %eq3A_1447, %sub3A_1466, %select_n3A_1436 : vector<16xi1>, vector<16xi32>
    %all_reduce_population_count3A_1468 = tpu.all_reduce %eq3A_1447 {dim = 0 : i64, kind = #tpu.reduction_kind<sum>} : vector<16xi1> -> vector<16xi32>
    %eq3A_1469 = arith.constant 7 : i32
    %eq3A_1470 = vector.broadcast %eq3A_1469 : i32 to vector<16xi32>
    %eq3A_1471 = arith.cmpi eq, %iota3A, %eq3A_1470 : vector<16xi32>
    %jit3A_1472 = arith.constant 0 : i32
    %broadcast_in_dim3A_1473 = vector.broadcast %jit3A_1472 : i32 to vector<16xi32>
    %select_n3A_1474 = arith.select %eq3A_1471, %all_reduce_population_count3A_1468, %broadcast_in_dim3A_1473 : vector<16xi1>, vector<16xi32>
    %add3A_1475 = arith.addi %add3A_1444, %select_n3A_1474 : vector<16xi32>
    %swap3A_1476 = arith.constant 48 : index
    %swap3A_1477 = tpu.vector_load %arg12[%swap3A_1476] {strides = array<i32>} : memref<128xi32, #tpu.memory_space<vmem>>, vector<16xi32>,
    tpu.vector_store %arg12[%swap3A_1476], %select_n3A_1467 {strides = array<i32>} : memref<128xi32, #tpu.memory_space<vmem>>, vector<16xi32>,
    %eq3A_1478 = arith.constant 1 : i32
    %eq3A_1479 = arith.cmpi eq, %select_n3A_30, %eq3A_1478 : i32
    %get3A_1480 = arith.constant 64 : index
    %get3A_1481 = tpu.vector_load %arg10[%get3A_1480] {strides = array<i32>} : memref<128xi32, #tpu.memory_space<vmem>>, vector<16xi32>,
    %get3A_1482 = arith.constant 64 : index
    %get3A_1483 = tpu.vector_load %arg9[%get3A_1482] {strides = array<i32>} : memref<128xi32, #tpu.memory_space<vmem>>, vector<16xi32>,
    %select_n3A_1484 = arith.select %eq3A_1479, %get3A_1481, %get3A_1483 : vector<16xi32>
    %broadcast_in_dim3A_1485 = arith.constant 0 : i32
    %broadcast_in_dim3A_1486 = vector.broadcast %broadcast_in_dim3A_1485 : i32 to vector<16xi32>
    %eq3A_1487 = arith.constant 0 : i32
    %eq3A_1488 = vector.broadcast %eq3A_1487 : i32 to vector<16xi32>
    %eq3A_1489 = arith.cmpi eq, %select_n3A_1484, %eq3A_1488 : vector<16xi32>
    %convert_element_type3A_1490 = arith.extui %eq3A_1489 : vector<16xi1> to vector<16xi32>
    %broadcast_in_dim3A_1491 = arith.constant true
    %broadcast_in_dim3A_1492 = vector.broadcast %broadcast_in_dim3A_1491 : i1 to vector<16xi1>
    %masked_cumsum3A_1493 = tpu.scan <sum>, %convert_element_type3A_1490 masked %broadcast_in_dim3A_1492 : vector<16xi32>, vector<16xi1> -> vector<16xi32>
    %eq3A_1494 = arith.constant 0 : i32
    %eq3A_1495 = vector.broadcast %eq3A_1494 : i32 to vector<16xi32>
    %eq3A_1496 = arith.cmpi eq, %iota3A, %eq3A_1495 : vector<16xi32>
    %jit3A_1497 = arith.constant 0 : i32
    %broadcast_in_dim3A_1498 = vector.broadcast %jit3A_1497 : i32 to vector<16xi32>
    %select_n3A_1499 = arith.select %eq3A_1496, %add3A_1475, %broadcast_in_dim3A_1498 : vector<16xi1>, vector<16xi32>
    %reduce_sum3A_1500 = arith.constant true
    %reduce_sum3A_1501 = vector.broadcast %reduce_sum3A_1500 : i1 to vector<16xi1>
    %reduce_sum3A_1502 = tpu.scan <sum>, %select_n3A_1499 masked %reduce_sum3A_1501 : vector<16xi32>, vector<16xi1> -> vector<16xi32>
    %reduce_sum3A_1503 = vector.extract %reduce_sum3A_1502[15] : i32 from vector<16xi32>
    %add3A_1504 = vector.broadcast %reduce_sum3A_1503 : i32 to vector<16xi32>
    %add3A_1505 = arith.addi %add3A_1504, %masked_cumsum3A_1493 : vector<16xi32>
    %sub3A_1506 = arith.constant 1 : i32
    %sub3A_1507 = vector.broadcast %sub3A_1506 : i32 to vector<16xi32>
    %sub3A_1508 = arith.subi %add3A_1505, %sub3A_1507 : vector<16xi32>
    %select_n3A_1509 = arith.select %eq3A_1489, %sub3A_1508, %broadcast_in_dim3A_1486 : vector<16xi1>, vector<16xi32>
    %all_reduce_population_count3A_1510 = tpu.all_reduce %eq3A_1489 {dim = 0 : i64, kind = #tpu.reduction_kind<sum>} : vector<16xi1> -> vector<16xi32>
    %eq3A_1511 = arith.constant 0 : i32
    %eq3A_1512 = vector.broadcast %eq3A_1511 : i32 to vector<16xi32>
    %eq3A_1513 = arith.cmpi eq, %iota3A, %eq3A_1512 : vector<16xi32>
    %jit3A_1514 = arith.constant 0 : i32
    %broadcast_in_dim3A_1515 = vector.broadcast %jit3A_1514 : i32 to vector<16xi32>
    %select_n3A_1516 = arith.select %eq3A_1513, %all_reduce_population_count3A_1510, %broadcast_in_dim3A_1515 : vector<16xi1>, vector<16xi32>
    %add3A_1517 = arith.addi %add3A_1475, %select_n3A_1516 : vector<16xi32>
    %eq3A_1518 = arith.constant 1 : i32
    %eq3A_1519 = vector.broadcast %eq3A_1518 : i32 to vector<16xi32>
    %eq3A_1520 = arith.cmpi eq, %select_n3A_1484, %eq3A_1519 : vector<16xi32>
    %convert_element_type3A_1521 = arith.extui %eq3A_1520 : vector<16xi1> to vector<16xi32>
    %broadcast_in_dim3A_1522 = arith.constant true
    %broadcast_in_dim3A_1523 = vector.broadcast %broadcast_in_dim3A_1522 : i1 to vector<16xi1>
    %masked_cumsum3A_1524 = tpu.scan <sum>, %convert_element_type3A_1521 masked %broadcast_in_dim3A_1523 : vector<16xi32>, vector<16xi1> -> vector<16xi32>
    %eq3A_1525 = arith.constant 1 : i32
    %eq3A_1526 = vector.broadcast %eq3A_1525 : i32 to vector<16xi32>
    %eq3A_1527 = arith.cmpi eq, %iota3A, %eq3A_1526 : vector<16xi32>
    %jit3A_1528 = arith.constant 0 : i32
    %broadcast_in_dim3A_1529 = vector.broadcast %jit3A_1528 : i32 to vector<16xi32>
    %select_n3A_1530 = arith.select %eq3A_1527, %add3A_1517, %broadcast_in_dim3A_1529 : vector<16xi1>, vector<16xi32>
    %reduce_sum3A_1531 = arith.constant true
    %reduce_sum3A_1532 = vector.broadcast %reduce_sum3A_1531 : i1 to vector<16xi1>
    %reduce_sum3A_1533 = tpu.scan <sum>, %select_n3A_1530 masked %reduce_sum3A_1532 : vector<16xi32>, vector<16xi1> -> vector<16xi32>
    %reduce_sum3A_1534 = vector.extract %reduce_sum3A_1533[15] : i32 from vector<16xi32>
    %add3A_1535 = vector.broadcast %reduce_sum3A_1534 : i32 to vector<16xi32>
    %add3A_1536 = arith.addi %add3A_1535, %masked_cumsum3A_1524 : vector<16xi32>
    %sub3A_1537 = arith.constant 1 : i32
    %sub3A_1538 = vector.broadcast %sub3A_1537 : i32 to vector<16xi32>
    %sub3A_1539 = arith.subi %add3A_1536, %sub3A_1538 : vector<16xi32>
    %select_n3A_1540 = arith.select %eq3A_1520, %sub3A_1539, %select_n3A_1509 : vector<16xi1>, vector<16xi32>
    %all_reduce_population_count3A_1541 = tpu.all_reduce %eq3A_1520 {dim = 0 : i64, kind = #tpu.reduction_kind<sum>} : vector<16xi1> -> vector<16xi32>
    %eq3A_1542 = arith.constant 1 : i32
    %eq3A_1543 = vector.broadcast %eq3A_1542 : i32 to vector<16xi32>
    %eq3A_1544 = arith.cmpi eq, %iota3A, %eq3A_1543 : vector<16xi32>
    %jit3A_1545 = arith.constant 0 : i32
    %broadcast_in_dim3A_1546 = vector.broadcast %jit3A_1545 : i32 to vector<16xi32>
    %select_n3A_1547 = arith.select %eq3A_1544, %all_reduce_population_count3A_1541, %broadcast_in_dim3A_1546 : vector<16xi1>, vector<16xi32>
    %add3A_1548 = arith.addi %add3A_1517, %select_n3A_1547 : vector<16xi32>
    %eq3A_1549 = arith.constant 2 : i32
    %eq3A_1550 = vector.broadcast %eq3A_1549 : i32 to vector<16xi32>
    %eq3A_1551 = arith.cmpi eq, %select_n3A_1484, %eq3A_1550 : vector<16xi32>
    %convert_element_type3A_1552 = arith.extui %eq3A_1551 : vector<16xi1> to vector<16xi32>
    %broadcast_in_dim3A_1553 = arith.constant true
    %broadcast_in_dim3A_1554 = vector.broadcast %broadcast_in_dim3A_1553 : i1 to vector<16xi1>
    %masked_cumsum3A_1555 = tpu.scan <sum>, %convert_element_type3A_1552 masked %broadcast_in_dim3A_1554 : vector<16xi32>, vector<16xi1> -> vector<16xi32>
    %eq3A_1556 = arith.constant 2 : i32
    %eq3A_1557 = vector.broadcast %eq3A_1556 : i32 to vector<16xi32>
    %eq3A_1558 = arith.cmpi eq, %iota3A, %eq3A_1557 : vector<16xi32>
    %jit3A_1559 = arith.constant 0 : i32
    %broadcast_in_dim3A_1560 = vector.broadcast %jit3A_1559 : i32 to vector<16xi32>
    %select_n3A_1561 = arith.select %eq3A_1558, %add3A_1548, %broadcast_in_dim3A_1560 : vector<16xi1>, vector<16xi32>
    %reduce_sum3A_1562 = arith.constant true
    %reduce_sum3A_1563 = vector.broadcast %reduce_sum3A_1562 : i1 to vector<16xi1>
    %reduce_sum3A_1564 = tpu.scan <sum>, %select_n3A_1561 masked %reduce_sum3A_1563 : vector<16xi32>, vector<16xi1> -> vector<16xi32>
    %reduce_sum3A_1565 = vector.extract %reduce_sum3A_1564[15] : i32 from vector<16xi32>
    %add3A_1566 = vector.broadcast %reduce_sum3A_1565 : i32 to vector<16xi32>
    %add3A_1567 = arith.addi %add3A_1566, %masked_cumsum3A_1555 : vector<16xi32>
    %sub3A_1568 = arith.constant 1 : i32
    %sub3A_1569 = vector.broadcast %sub3A_1568 : i32 to vector<16xi32>
    %sub3A_1570 = arith.subi %add3A_1567, %sub3A_1569 : vector<16xi32>
    %select_n3A_1571 = arith.select %eq3A_1551, %sub3A_1570, %select_n3A_1540 : vector<16xi1>, vector<16xi32>
    %all_reduce_population_count3A_1572 = tpu.all_reduce %eq3A_1551 {dim = 0 : i64, kind = #tpu.reduction_kind<sum>} : vector<16xi1> -> vector<16xi32>
    %eq3A_1573 = arith.constant 2 : i32
    %eq3A_1574 = vector.broadcast %eq3A_1573 : i32 to vector<16xi32>
    %eq3A_1575 = arith.cmpi eq, %iota3A, %eq3A_1574 : vector<16xi32>
    %jit3A_1576 = arith.constant 0 : i32
    %broadcast_in_dim3A_1577 = vector.broadcast %jit3A_1576 : i32 to vector<16xi32>
    %select_n3A_1578 = arith.select %eq3A_1575, %all_reduce_population_count3A_1572, %broadcast_in_dim3A_1577 : vector<16xi1>, vector<16xi32>
    %add3A_1579 = arith.addi %add3A_1548, %select_n3A_1578 : vector<16xi32>
    %eq3A_1580 = arith.constant 3 : i32
    %eq3A_1581 = vector.broadcast %eq3A_1580 : i32 to vector<16xi32>
    %eq3A_1582 = arith.cmpi eq, %select_n3A_1484, %eq3A_1581 : vector<16xi32>
    %convert_element_type3A_1583 = arith.extui %eq3A_1582 : vector<16xi1> to vector<16xi32>
    %broadcast_in_dim3A_1584 = arith.constant true
    %broadcast_in_dim3A_1585 = vector.broadcast %broadcast_in_dim3A_1584 : i1 to vector<16xi1>
    %masked_cumsum3A_1586 = tpu.scan <sum>, %convert_element_type3A_1583 masked %broadcast_in_dim3A_1585 : vector<16xi32>, vector<16xi1> -> vector<16xi32>
    %eq3A_1587 = arith.constant 3 : i32
    %eq3A_1588 = vector.broadcast %eq3A_1587 : i32 to vector<16xi32>
    %eq3A_1589 = arith.cmpi eq, %iota3A, %eq3A_1588 : vector<16xi32>
    %jit3A_1590 = arith.constant 0 : i32
    %broadcast_in_dim3A_1591 = vector.broadcast %jit3A_1590 : i32 to vector<16xi32>
    %select_n3A_1592 = arith.select %eq3A_1589, %add3A_1579, %broadcast_in_dim3A_1591 : vector<16xi1>, vector<16xi32>
    %reduce_sum3A_1593 = arith.constant true
    %reduce_sum3A_1594 = vector.broadcast %reduce_sum3A_1593 : i1 to vector<16xi1>
    %reduce_sum3A_1595 = tpu.scan <sum>, %select_n3A_1592 masked %reduce_sum3A_1594 : vector<16xi32>, vector<16xi1> -> vector<16xi32>
    %reduce_sum3A_1596 = vector.extract %reduce_sum3A_1595[15] : i32 from vector<16xi32>
    %add3A_1597 = vector.broadcast %reduce_sum3A_1596 : i32 to vector<16xi32>
    %add3A_1598 = arith.addi %add3A_1597, %masked_cumsum3A_1586 : vector<16xi32>
    %sub3A_1599 = arith.constant 1 : i32
    %sub3A_1600 = vector.broadcast %sub3A_1599 : i32 to vector<16xi32>
    %sub3A_1601 = arith.subi %add3A_1598, %sub3A_1600 : vector<16xi32>
    %select_n3A_1602 = arith.select %eq3A_1582, %sub3A_1601, %select_n3A_1571 : vector<16xi1>, vector<16xi32>
    %all_reduce_population_count3A_1603 = tpu.all_reduce %eq3A_1582 {dim = 0 : i64, kind = #tpu.reduction_kind<sum>} : vector<16xi1> -> vector<16xi32>
    %eq3A_1604 = arith.constant 3 : i32
    %eq3A_1605 = vector.broadcast %eq3A_1604 : i32 to vector<16xi32>
    %eq3A_1606 = arith.cmpi eq, %iota3A, %eq3A_1605 : vector<16xi32>
    %jit3A_1607 = arith.constant 0 : i32
    %broadcast_in_dim3A_1608 = vector.broadcast %jit3A_1607 : i32 to vector<16xi32>
    %select_n3A_1609 = arith.select %eq3A_1606, %all_reduce_population_count3A_1603, %broadcast_in_dim3A_1608 : vector<16xi1>, vector<16xi32>
    %add3A_1610 = arith.addi %add3A_1579, %select_n3A_1609 : vector<16xi32>
    %eq3A_1611 = arith.constant 4 : i32
    %eq3A_1612 = vector.broadcast %eq3A_1611 : i32 to vector<16xi32>
    %eq3A_1613 = arith.cmpi eq, %select_n3A_1484, %eq3A_1612 : vector<16xi32>
    %convert_element_type3A_1614 = arith.extui %eq3A_1613 : vector<16xi1> to vector<16xi32>
    %broadcast_in_dim3A_1615 = arith.constant true
    %broadcast_in_dim3A_1616 = vector.broadcast %broadcast_in_dim3A_1615 : i1 to vector<16xi1>
    %masked_cumsum3A_1617 = tpu.scan <sum>, %convert_element_type3A_1614 masked %broadcast_in_dim3A_1616 : vector<16xi32>, vector<16xi1> -> vector<16xi32>
    %eq3A_1618 = arith.constant 4 : i32
    %eq3A_1619 = vector.broadcast %eq3A_1618 : i32 to vector<16xi32>
    %eq3A_1620 = arith.cmpi eq, %iota3A, %eq3A_1619 : vector<16xi32>
    %jit3A_1621 = arith.constant 0 : i32
    %broadcast_in_dim3A_1622 = vector.broadcast %jit3A_1621 : i32 to vector<16xi32>
    %select_n3A_1623 = arith.select %eq3A_1620, %add3A_1610, %broadcast_in_dim3A_1622 : vector<16xi1>, vector<16xi32>
    %reduce_sum3A_1624 = arith.constant true
    %reduce_sum3A_1625 = vector.broadcast %reduce_sum3A_1624 : i1 to vector<16xi1>
    %reduce_sum3A_1626 = tpu.scan <sum>, %select_n3A_1623 masked %reduce_sum3A_1625 : vector<16xi32>, vector<16xi1> -> vector<16xi32>
    %reduce_sum3A_1627 = vector.extract %reduce_sum3A_1626[15] : i32 from vector<16xi32>
    %add3A_1628 = vector.broadcast %reduce_sum3A_1627 : i32 to vector<16xi32>
    %add3A_1629 = arith.addi %add3A_1628, %masked_cumsum3A_1617 : vector<16xi32>
    %sub3A_1630 = arith.constant 1 : i32
    %sub3A_1631 = vector.broadcast %sub3A_1630 : i32 to vector<16xi32>
    %sub3A_1632 = arith.subi %add3A_1629, %sub3A_1631 : vector<16xi32>
    %select_n3A_1633 = arith.select %eq3A_1613, %sub3A_1632, %select_n3A_1602 : vector<16xi1>, vector<16xi32>
    %all_reduce_population_count3A_1634 = tpu.all_reduce %eq3A_1613 {dim = 0 : i64, kind = #tpu.reduction_kind<sum>} : vector<16xi1> -> vector<16xi32>
    %eq3A_1635 = arith.constant 4 : i32
    %eq3A_1636 = vector.broadcast %eq3A_1635 : i32 to vector<16xi32>
    %eq3A_1637 = arith.cmpi eq, %iota3A, %eq3A_1636 : vector<16xi32>
    %jit3A_1638 = arith.constant 0 : i32
    %broadcast_in_dim3A_1639 = vector.broadcast %jit3A_1638 : i32 to vector<16xi32>
    %select_n3A_1640 = arith.select %eq3A_1637, %all_reduce_population_count3A_1634, %broadcast_in_dim3A_1639 : vector<16xi1>, vector<16xi32>
    %add3A_1641 = arith.addi %add3A_1610, %select_n3A_1640 : vector<16xi32>
    %eq3A_1642 = arith.constant 5 : i32
    %eq3A_1643 = vector.broadcast %eq3A_1642 : i32 to vector<16xi32>
    %eq3A_1644 = arith.cmpi eq, %select_n3A_1484, %eq3A_1643 : vector<16xi32>
    %convert_element_type3A_1645 = arith.extui %eq3A_1644 : vector<16xi1> to vector<16xi32>
    %broadcast_in_dim3A_1646 = arith.constant true
    %broadcast_in_dim3A_1647 = vector.broadcast %broadcast_in_dim3A_1646 : i1 to vector<16xi1>
    %masked_cumsum3A_1648 = tpu.scan <sum>, %convert_element_type3A_1645 masked %broadcast_in_dim3A_1647 : vector<16xi32>, vector<16xi1> -> vector<16xi32>
    %eq3A_1649 = arith.constant 5 : i32
    %eq3A_1650 = vector.broadcast %eq3A_1649 : i32 to vector<16xi32>
    %eq3A_1651 = arith.cmpi eq, %iota3A, %eq3A_1650 : vector<16xi32>
    %jit3A_1652 = arith.constant 0 : i32
    %broadcast_in_dim3A_1653 = vector.broadcast %jit3A_1652 : i32 to vector<16xi32>
    %select_n3A_1654 = arith.select %eq3A_1651, %add3A_1641, %broadcast_in_dim3A_1653 : vector<16xi1>, vector<16xi32>
    %reduce_sum3A_1655 = arith.constant true
    %reduce_sum3A_1656 = vector.broadcast %reduce_sum3A_1655 : i1 to vector<16xi1>
    %reduce_sum3A_1657 = tpu.scan <sum>, %select_n3A_1654 masked %reduce_sum3A_1656 : vector<16xi32>, vector<16xi1> -> vector<16xi32>
    %reduce_sum3A_1658 = vector.extract %reduce_sum3A_1657[15] : i32 from vector<16xi32>
    %add3A_1659 = vector.broadcast %reduce_sum3A_1658 : i32 to vector<16xi32>
    %add3A_1660 = arith.addi %add3A_1659, %masked_cumsum3A_1648 : vector<16xi32>
    %sub3A_1661 = arith.constant 1 : i32
    %sub3A_1662 = vector.broadcast %sub3A_1661 : i32 to vector<16xi32>
    %sub3A_1663 = arith.subi %add3A_1660, %sub3A_1662 : vector<16xi32>
    %select_n3A_1664 = arith.select %eq3A_1644, %sub3A_1663, %select_n3A_1633 : vector<16xi1>, vector<16xi32>
    %all_reduce_population_count3A_1665 = tpu.all_reduce %eq3A_1644 {dim = 0 : i64, kind = #tpu.reduction_kind<sum>} : vector<16xi1> -> vector<16xi32>
    %eq3A_1666 = arith.constant 5 : i32
    %eq3A_1667 = vector.broadcast %eq3A_1666 : i32 to vector<16xi32>
    %eq3A_1668 = arith.cmpi eq, %iota3A, %eq3A_1667 : vector<16xi32>
    %jit3A_1669 = arith.constant 0 : i32
    %broadcast_in_dim3A_1670 = vector.broadcast %jit3A_1669 : i32 to vector<16xi32>
    %select_n3A_1671 = arith.select %eq3A_1668, %all_reduce_population_count3A_1665, %broadcast_in_dim3A_1670 : vector<16xi1>, vector<16xi32>
    %add3A_1672 = arith.addi %add3A_1641, %select_n3A_1671 : vector<16xi32>
    %eq3A_1673 = arith.constant 6 : i32
    %eq3A_1674 = vector.broadcast %eq3A_1673 : i32 to vector<16xi32>
    %eq3A_1675 = arith.cmpi eq, %select_n3A_1484, %eq3A_1674 : vector<16xi32>
    %convert_element_type3A_1676 = arith.extui %eq3A_1675 : vector<16xi1> to vector<16xi32>
    %broadcast_in_dim3A_1677 = arith.constant true
    %broadcast_in_dim3A_1678 = vector.broadcast %broadcast_in_dim3A_1677 : i1 to vector<16xi1>
    %masked_cumsum3A_1679 = tpu.scan <sum>, %convert_element_type3A_1676 masked %broadcast_in_dim3A_1678 : vector<16xi32>, vector<16xi1> -> vector<16xi32>
    %eq3A_1680 = arith.constant 6 : i32
    %eq3A_1681 = vector.broadcast %eq3A_1680 : i32 to vector<16xi32>
    %eq3A_1682 = arith.cmpi eq, %iota3A, %eq3A_1681 : vector<16xi32>
    %jit3A_1683 = arith.constant 0 : i32
    %broadcast_in_dim3A_1684 = vector.broadcast %jit3A_1683 : i32 to vector<16xi32>
    %select_n3A_1685 = arith.select %eq3A_1682, %add3A_1672, %broadcast_in_dim3A_1684 : vector<16xi1>, vector<16xi32>
    %reduce_sum3A_1686 = arith.constant true
    %reduce_sum3A_1687 = vector.broadcast %reduce_sum3A_1686 : i1 to vector<16xi1>
    %reduce_sum3A_1688 = tpu.scan <sum>, %select_n3A_1685 masked %reduce_sum3A_1687 : vector<16xi32>, vector<16xi1> -> vector<16xi32>
    %reduce_sum3A_1689 = vector.extract %reduce_sum3A_1688[15] : i32 from vector<16xi32>
    %add3A_1690 = vector.broadcast %reduce_sum3A_1689 : i32 to vector<16xi32>
    %add3A_1691 = arith.addi %add3A_1690, %masked_cumsum3A_1679 : vector<16xi32>
    %sub3A_1692 = arith.constant 1 : i32
    %sub3A_1693 = vector.broadcast %sub3A_1692 : i32 to vector<16xi32>
    %sub3A_1694 = arith.subi %add3A_1691, %sub3A_1693 : vector<16xi32>
    %select_n3A_1695 = arith.select %eq3A_1675, %sub3A_1694, %select_n3A_1664 : vector<16xi1>, vector<16xi32>
    %all_reduce_population_count3A_1696 = tpu.all_reduce %eq3A_1675 {dim = 0 : i64, kind = #tpu.reduction_kind<sum>} : vector<16xi1> -> vector<16xi32>
    %eq3A_1697 = arith.constant 6 : i32
    %eq3A_1698 = vector.broadcast %eq3A_1697 : i32 to vector<16xi32>
    %eq3A_1699 = arith.cmpi eq, %iota3A, %eq3A_1698 : vector<16xi32>
    %jit3A_1700 = arith.constant 0 : i32
    %broadcast_in_dim3A_1701 = vector.broadcast %jit3A_1700 : i32 to vector<16xi32>
    %select_n3A_1702 = arith.select %eq3A_1699, %all_reduce_population_count3A_1696, %broadcast_in_dim3A_1701 : vector<16xi1>, vector<16xi32>
    %add3A_1703 = arith.addi %add3A_1672, %select_n3A_1702 : vector<16xi32>
    %eq3A_1704 = arith.constant 7 : i32
    %eq3A_1705 = vector.broadcast %eq3A_1704 : i32 to vector<16xi32>
    %eq3A_1706 = arith.cmpi eq, %select_n3A_1484, %eq3A_1705 : vector<16xi32>
    %convert_element_type3A_1707 = arith.extui %eq3A_1706 : vector<16xi1> to vector<16xi32>
    %broadcast_in_dim3A_1708 = arith.constant true
    %broadcast_in_dim3A_1709 = vector.broadcast %broadcast_in_dim3A_1708 : i1 to vector<16xi1>
    %masked_cumsum3A_1710 = tpu.scan <sum>, %convert_element_type3A_1707 masked %broadcast_in_dim3A_1709 : vector<16xi32>, vector<16xi1> -> vector<16xi32>
    %eq3A_1711 = arith.constant 7 : i32
    %eq3A_1712 = vector.broadcast %eq3A_1711 : i32 to vector<16xi32>
    %eq3A_1713 = arith.cmpi eq, %iota3A, %eq3A_1712 : vector<16xi32>
    %jit3A_1714 = arith.constant 0 : i32
    %broadcast_in_dim3A_1715 = vector.broadcast %jit3A_1714 : i32 to vector<16xi32>
    %select_n3A_1716 = arith.select %eq3A_1713, %add3A_1703, %broadcast_in_dim3A_1715 : vector<16xi1>, vector<16xi32>
    %reduce_sum3A_1717 = arith.constant true
    %reduce_sum3A_1718 = vector.broadcast %reduce_sum3A_1717 : i1 to vector<16xi1>
    %reduce_sum3A_1719 = tpu.scan <sum>, %select_n3A_1716 masked %reduce_sum3A_1718 : vector<16xi32>, vector<16xi1> -> vector<16xi32>
    %reduce_sum3A_1720 = vector.extract %reduce_sum3A_1719[15] : i32 from vector<16xi32>
    %add3A_1721 = vector.broadcast %reduce_sum3A_1720 : i32 to vector<16xi32>
    %add3A_1722 = arith.addi %add3A_1721, %masked_cumsum3A_1710 : vector<16xi32>
    %sub3A_1723 = arith.constant 1 : i32
    %sub3A_1724 = vector.broadcast %sub3A_1723 : i32 to vector<16xi32>
    %sub3A_1725 = arith.subi %add3A_1722, %sub3A_1724 : vector<16xi32>
    %select_n3A_1726 = arith.select %eq3A_1706, %sub3A_1725, %select_n3A_1695 : vector<16xi1>, vector<16xi32>
    %all_reduce_population_count3A_1727 = tpu.all_reduce %eq3A_1706 {dim = 0 : i64, kind = #tpu.reduction_kind<sum>} : vector<16xi1> -> vector<16xi32>
    %eq3A_1728 = arith.constant 7 : i32
    %eq3A_1729 = vector.broadcast %eq3A_1728 : i32 to vector<16xi32>
    %eq3A_1730 = arith.cmpi eq, %iota3A, %eq3A_1729 : vector<16xi32>
    %jit3A_1731 = arith.constant 0 : i32
    %broadcast_in_dim3A_1732 = vector.broadcast %jit3A_1731 : i32 to vector<16xi32>
    %select_n3A_1733 = arith.select %eq3A_1730, %all_reduce_population_count3A_1727, %broadcast_in_dim3A_1732 : vector<16xi1>, vector<16xi32>
    %add3A_1734 = arith.addi %add3A_1703, %select_n3A_1733 : vector<16xi32>
    %swap3A_1735 = arith.constant 64 : index
    %swap3A_1736 = tpu.vector_load %arg12[%swap3A_1735] {strides = array<i32>} : memref<128xi32, #tpu.memory_space<vmem>>, vector<16xi32>,
    tpu.vector_store %arg12[%swap3A_1735], %select_n3A_1726 {strides = array<i32>} : memref<128xi32, #tpu.memory_space<vmem>>, vector<16xi32>,
    %eq3A_1737 = arith.constant 1 : i32
    %eq3A_1738 = arith.cmpi eq, %select_n3A_30, %eq3A_1737 : i32
    %get3A_1739 = arith.constant 80 : index
    %get3A_1740 = tpu.vector_load %arg10[%get3A_1739] {strides = array<i32>} : memref<128xi32, #tpu.memory_space<vmem>>, vector<16xi32>,
    %get3A_1741 = arith.constant 80 : index
    %get3A_1742 = tpu.vector_load %arg9[%get3A_1741] {strides = array<i32>} : memref<128xi32, #tpu.memory_space<vmem>>, vector<16xi32>,
    %select_n3A_1743 = arith.select %eq3A_1738, %get3A_1740, %get3A_1742 : vector<16xi32>
    %broadcast_in_dim3A_1744 = arith.constant 0 : i32
    %broadcast_in_dim3A_1745 = vector.broadcast %broadcast_in_dim3A_1744 : i32 to vector<16xi32>
    %eq3A_1746 = arith.constant 0 : i32
    %eq3A_1747 = vector.broadcast %eq3A_1746 : i32 to vector<16xi32>
    %eq3A_1748 = arith.cmpi eq, %select_n3A_1743, %eq3A_1747 : vector<16xi32>
    %convert_element_type3A_1749 = arith.extui %eq3A_1748 : vector<16xi1> to vector<16xi32>
    %broadcast_in_dim3A_1750 = arith.constant true
    %broadcast_in_dim3A_1751 = vector.broadcast %broadcast_in_dim3A_1750 : i1 to vector<16xi1>
    %masked_cumsum3A_1752 = tpu.scan <sum>, %convert_element_type3A_1749 masked %broadcast_in_dim3A_1751 : vector<16xi32>, vector<16xi1> -> vector<16xi32>
    %eq3A_1753 = arith.constant 0 : i32
    %eq3A_1754 = vector.broadcast %eq3A_1753 : i32 to vector<16xi32>
    %eq3A_1755 = arith.cmpi eq, %iota3A, %eq3A_1754 : vector<16xi32>
    %jit3A_1756 = arith.constant 0 : i32
    %broadcast_in_dim3A_1757 = vector.broadcast %jit3A_1756 : i32 to vector<16xi32>
    %select_n3A_1758 = arith.select %eq3A_1755, %add3A_1734, %broadcast_in_dim3A_1757 : vector<16xi1>, vector<16xi32>
    %reduce_sum3A_1759 = arith.constant true
    %reduce_sum3A_1760 = vector.broadcast %reduce_sum3A_1759 : i1 to vector<16xi1>
    %reduce_sum3A_1761 = tpu.scan <sum>, %select_n3A_1758 masked %reduce_sum3A_1760 : vector<16xi32>, vector<16xi1> -> vector<16xi32>
    %reduce_sum3A_1762 = vector.extract %reduce_sum3A_1761[15] : i32 from vector<16xi32>
    %add3A_1763 = vector.broadcast %reduce_sum3A_1762 : i32 to vector<16xi32>
    %add3A_1764 = arith.addi %add3A_1763, %masked_cumsum3A_1752 : vector<16xi32>
    %sub3A_1765 = arith.constant 1 : i32
    %sub3A_1766 = vector.broadcast %sub3A_1765 : i32 to vector<16xi32>
    %sub3A_1767 = arith.subi %add3A_1764, %sub3A_1766 : vector<16xi32>
    %select_n3A_1768 = arith.select %eq3A_1748, %sub3A_1767, %broadcast_in_dim3A_1745 : vector<16xi1>, vector<16xi32>
    %all_reduce_population_count3A_1769 = tpu.all_reduce %eq3A_1748 {dim = 0 : i64, kind = #tpu.reduction_kind<sum>} : vector<16xi1> -> vector<16xi32>
    %eq3A_1770 = arith.constant 0 : i32
    %eq3A_1771 = vector.broadcast %eq3A_1770 : i32 to vector<16xi32>
    %eq3A_1772 = arith.cmpi eq, %iota3A, %eq3A_1771 : vector<16xi32>
    %jit3A_1773 = arith.constant 0 : i32
    %broadcast_in_dim3A_1774 = vector.broadcast %jit3A_1773 : i32 to vector<16xi32>
    %select_n3A_1775 = arith.select %eq3A_1772, %all_reduce_population_count3A_1769, %broadcast_in_dim3A_1774 : vector<16xi1>, vector<16xi32>
    %add3A_1776 = arith.addi %add3A_1734, %select_n3A_1775 : vector<16xi32>
    %eq3A_1777 = arith.constant 1 : i32
    %eq3A_1778 = vector.broadcast %eq3A_1777 : i32 to vector<16xi32>
    %eq3A_1779 = arith.cmpi eq, %select_n3A_1743, %eq3A_1778 : vector<16xi32>
    %convert_element_type3A_1780 = arith.extui %eq3A_1779 : vector<16xi1> to vector<16xi32>
    %broadcast_in_dim3A_1781 = arith.constant true
    %broadcast_in_dim3A_1782 = vector.broadcast %broadcast_in_dim3A_1781 : i1 to vector<16xi1>
    %masked_cumsum3A_1783 = tpu.scan <sum>, %convert_element_type3A_1780 masked %broadcast_in_dim3A_1782 : vector<16xi32>, vector<16xi1> -> vector<16xi32>
    %eq3A_1784 = arith.constant 1 : i32
    %eq3A_1785 = vector.broadcast %eq3A_1784 : i32 to vector<16xi32>
    %eq3A_1786 = arith.cmpi eq, %iota3A, %eq3A_1785 : vector<16xi32>
    %jit3A_1787 = arith.constant 0 : i32
    %broadcast_in_dim3A_1788 = vector.broadcast %jit3A_1787 : i32 to vector<16xi32>
    %select_n3A_1789 = arith.select %eq3A_1786, %add3A_1776, %broadcast_in_dim3A_1788 : vector<16xi1>, vector<16xi32>
    %reduce_sum3A_1790 = arith.constant true
    %reduce_sum3A_1791 = vector.broadcast %reduce_sum3A_1790 : i1 to vector<16xi1>
    %reduce_sum3A_1792 = tpu.scan <sum>, %select_n3A_1789 masked %reduce_sum3A_1791 : vector<16xi32>, vector<16xi1> -> vector<16xi32>
    %reduce_sum3A_1793 = vector.extract %reduce_sum3A_1792[15] : i32 from vector<16xi32>
    %add3A_1794 = vector.broadcast %reduce_sum3A_1793 : i32 to vector<16xi32>
    %add3A_1795 = arith.addi %add3A_1794, %masked_cumsum3A_1783 : vector<16xi32>
    %sub3A_1796 = arith.constant 1 : i32
    %sub3A_1797 = vector.broadcast %sub3A_1796 : i32 to vector<16xi32>
    %sub3A_1798 = arith.subi %add3A_1795, %sub3A_1797 : vector<16xi32>
    %select_n3A_1799 = arith.select %eq3A_1779, %sub3A_1798, %select_n3A_1768 : vector<16xi1>, vector<16xi32>
    %all_reduce_population_count3A_1800 = tpu.all_reduce %eq3A_1779 {dim = 0 : i64, kind = #tpu.reduction_kind<sum>} : vector<16xi1> -> vector<16xi32>
    %eq3A_1801 = arith.constant 1 : i32
    %eq3A_1802 = vector.broadcast %eq3A_1801 : i32 to vector<16xi32>
    %eq3A_1803 = arith.cmpi eq, %iota3A, %eq3A_1802 : vector<16xi32>
    %jit3A_1804 = arith.constant 0 : i32
    %broadcast_in_dim3A_1805 = vector.broadcast %jit3A_1804 : i32 to vector<16xi32>
    %select_n3A_1806 = arith.select %eq3A_1803, %all_reduce_population_count3A_1800, %broadcast_in_dim3A_1805 : vector<16xi1>, vector<16xi32>
    %add3A_1807 = arith.addi %add3A_1776, %select_n3A_1806 : vector<16xi32>
    %eq3A_1808 = arith.constant 2 : i32
    %eq3A_1809 = vector.broadcast %eq3A_1808 : i32 to vector<16xi32>
    %eq3A_1810 = arith.cmpi eq, %select_n3A_1743, %eq3A_1809 : vector<16xi32>
    %convert_element_type3A_1811 = arith.extui %eq3A_1810 : vector<16xi1> to vector<16xi32>
    %broadcast_in_dim3A_1812 = arith.constant true
    %broadcast_in_dim3A_1813 = vector.broadcast %broadcast_in_dim3A_1812 : i1 to vector<16xi1>
    %masked_cumsum3A_1814 = tpu.scan <sum>, %convert_element_type3A_1811 masked %broadcast_in_dim3A_1813 : vector<16xi32>, vector<16xi1> -> vector<16xi32>
    %eq3A_1815 = arith.constant 2 : i32
    %eq3A_1816 = vector.broadcast %eq3A_1815 : i32 to vector<16xi32>
    %eq3A_1817 = arith.cmpi eq, %iota3A, %eq3A_1816 : vector<16xi32>
    %jit3A_1818 = arith.constant 0 : i32
    %broadcast_in_dim3A_1819 = vector.broadcast %jit3A_1818 : i32 to vector<16xi32>
    %select_n3A_1820 = arith.select %eq3A_1817, %add3A_1807, %broadcast_in_dim3A_1819 : vector<16xi1>, vector<16xi32>
    %reduce_sum3A_1821 = arith.constant true
    %reduce_sum3A_1822 = vector.broadcast %reduce_sum3A_1821 : i1 to vector<16xi1>
    %reduce_sum3A_1823 = tpu.scan <sum>, %select_n3A_1820 masked %reduce_sum3A_1822 : vector<16xi32>, vector<16xi1> -> vector<16xi32>
    %reduce_sum3A_1824 = vector.extract %reduce_sum3A_1823[15] : i32 from vector<16xi32>
    %add3A_1825 = vector.broadcast %reduce_sum3A_1824 : i32 to vector<16xi32>
    %add3A_1826 = arith.addi %add3A_1825, %masked_cumsum3A_1814 : vector<16xi32>
    %sub3A_1827 = arith.constant 1 : i32
    %sub3A_1828 = vector.broadcast %sub3A_1827 : i32 to vector<16xi32>
    %sub3A_1829 = arith.subi %add3A_1826, %sub3A_1828 : vector<16xi32>
    %select_n3A_1830 = arith.select %eq3A_1810, %sub3A_1829, %select_n3A_1799 : vector<16xi1>, vector<16xi32>
    %all_reduce_population_count3A_1831 = tpu.all_reduce %eq3A_1810 {dim = 0 : i64, kind = #tpu.reduction_kind<sum>} : vector<16xi1> -> vector<16xi32>
    %eq3A_1832 = arith.constant 2 : i32
    %eq3A_1833 = vector.broadcast %eq3A_1832 : i32 to vector<16xi32>
    %eq3A_1834 = arith.cmpi eq, %iota3A, %eq3A_1833 : vector<16xi32>
    %jit3A_1835 = arith.constant 0 : i32
    %broadcast_in_dim3A_1836 = vector.broadcast %jit3A_1835 : i32 to vector<16xi32>
    %select_n3A_1837 = arith.select %eq3A_1834, %all_reduce_population_count3A_1831, %broadcast_in_dim3A_1836 : vector<16xi1>, vector<16xi32>
    %add3A_1838 = arith.addi %add3A_1807, %select_n3A_1837 : vector<16xi32>
    %eq3A_1839 = arith.constant 3 : i32
    %eq3A_1840 = vector.broadcast %eq3A_1839 : i32 to vector<16xi32>
    %eq3A_1841 = arith.cmpi eq, %select_n3A_1743, %eq3A_1840 : vector<16xi32>
    %convert_element_type3A_1842 = arith.extui %eq3A_1841 : vector<16xi1> to vector<16xi32>
    %broadcast_in_dim3A_1843 = arith.constant true
    %broadcast_in_dim3A_1844 = vector.broadcast %broadcast_in_dim3A_1843 : i1 to vector<16xi1>
    %masked_cumsum3A_1845 = tpu.scan <sum>, %convert_element_type3A_1842 masked %broadcast_in_dim3A_1844 : vector<16xi32>, vector<16xi1> -> vector<16xi32>
    %eq3A_1846 = arith.constant 3 : i32
    %eq3A_1847 = vector.broadcast %eq3A_1846 : i32 to vector<16xi32>
    %eq3A_1848 = arith.cmpi eq, %iota3A, %eq3A_1847 : vector<16xi32>
    %jit3A_1849 = arith.constant 0 : i32
    %broadcast_in_dim3A_1850 = vector.broadcast %jit3A_1849 : i32 to vector<16xi32>
    %select_n3A_1851 = arith.select %eq3A_1848, %add3A_1838, %broadcast_in_dim3A_1850 : vector<16xi1>, vector<16xi32>
    %reduce_sum3A_1852 = arith.constant true
    %reduce_sum3A_1853 = vector.broadcast %reduce_sum3A_1852 : i1 to vector<16xi1>
    %reduce_sum3A_1854 = tpu.scan <sum>, %select_n3A_1851 masked %reduce_sum3A_1853 : vector<16xi32>, vector<16xi1> -> vector<16xi32>
    %reduce_sum3A_1855 = vector.extract %reduce_sum3A_1854[15] : i32 from vector<16xi32>
    %add3A_1856 = vector.broadcast %reduce_sum3A_1855 : i32 to vector<16xi32>
    %add3A_1857 = arith.addi %add3A_1856, %masked_cumsum3A_1845 : vector<16xi32>
    %sub3A_1858 = arith.constant 1 : i32
    %sub3A_1859 = vector.broadcast %sub3A_1858 : i32 to vector<16xi32>
    %sub3A_1860 = arith.subi %add3A_1857, %sub3A_1859 : vector<16xi32>
    %select_n3A_1861 = arith.select %eq3A_1841, %sub3A_1860, %select_n3A_1830 : vector<16xi1>, vector<16xi32>
    %all_reduce_population_count3A_1862 = tpu.all_reduce %eq3A_1841 {dim = 0 : i64, kind = #tpu.reduction_kind<sum>} : vector<16xi1> -> vector<16xi32>
    %eq3A_1863 = arith.constant 3 : i32
    %eq3A_1864 = vector.broadcast %eq3A_1863 : i32 to vector<16xi32>
    %eq3A_1865 = arith.cmpi eq, %iota3A, %eq3A_1864 : vector<16xi32>
    %jit3A_1866 = arith.constant 0 : i32
    %broadcast_in_dim3A_1867 = vector.broadcast %jit3A_1866 : i32 to vector<16xi32>
    %select_n3A_1868 = arith.select %eq3A_1865, %all_reduce_population_count3A_1862, %broadcast_in_dim3A_1867 : vector<16xi1>, vector<16xi32>
    %add3A_1869 = arith.addi %add3A_1838, %select_n3A_1868 : vector<16xi32>
    %eq3A_1870 = arith.constant 4 : i32
    %eq3A_1871 = vector.broadcast %eq3A_1870 : i32 to vector<16xi32>
    %eq3A_1872 = arith.cmpi eq, %select_n3A_1743, %eq3A_1871 : vector<16xi32>
    %convert_element_type3A_1873 = arith.extui %eq3A_1872 : vector<16xi1> to vector<16xi32>
    %broadcast_in_dim3A_1874 = arith.constant true
    %broadcast_in_dim3A_1875 = vector.broadcast %broadcast_in_dim3A_1874 : i1 to vector<16xi1>
    %masked_cumsum3A_1876 = tpu.scan <sum>, %convert_element_type3A_1873 masked %broadcast_in_dim3A_1875 : vector<16xi32>, vector<16xi1> -> vector<16xi32>
    %eq3A_1877 = arith.constant 4 : i32
    %eq3A_1878 = vector.broadcast %eq3A_1877 : i32 to vector<16xi32>
    %eq3A_1879 = arith.cmpi eq, %iota3A, %eq3A_1878 : vector<16xi32>
    %jit3A_1880 = arith.constant 0 : i32
    %broadcast_in_dim3A_1881 = vector.broadcast %jit3A_1880 : i32 to vector<16xi32>
    %select_n3A_1882 = arith.select %eq3A_1879, %add3A_1869, %broadcast_in_dim3A_1881 : vector<16xi1>, vector<16xi32>
    %reduce_sum3A_1883 = arith.constant true
    %reduce_sum3A_1884 = vector.broadcast %reduce_sum3A_1883 : i1 to vector<16xi1>
    %reduce_sum3A_1885 = tpu.scan <sum>, %select_n3A_1882 masked %reduce_sum3A_1884 : vector<16xi32>, vector<16xi1> -> vector<16xi32>
    %reduce_sum3A_1886 = vector.extract %reduce_sum3A_1885[15] : i32 from vector<16xi32>
    %add3A_1887 = vector.broadcast %reduce_sum3A_1886 : i32 to vector<16xi32>
    %add3A_1888 = arith.addi %add3A_1887, %masked_cumsum3A_1876 : vector<16xi32>
    %sub3A_1889 = arith.constant 1 : i32
    %sub3A_1890 = vector.broadcast %sub3A_1889 : i32 to vector<16xi32>
    %sub3A_1891 = arith.subi %add3A_1888, %sub3A_1890 : vector<16xi32>
    %select_n3A_1892 = arith.select %eq3A_1872, %sub3A_1891, %select_n3A_1861 : vector<16xi1>, vector<16xi32>
    %all_reduce_population_count3A_1893 = tpu.all_reduce %eq3A_1872 {dim = 0 : i64, kind = #tpu.reduction_kind<sum>} : vector<16xi1> -> vector<16xi32>
    %eq3A_1894 = arith.constant 4 : i32
    %eq3A_1895 = vector.broadcast %eq3A_1894 : i32 to vector<16xi32>
    %eq3A_1896 = arith.cmpi eq, %iota3A, %eq3A_1895 : vector<16xi32>
    %jit3A_1897 = arith.constant 0 : i32
    %broadcast_in_dim3A_1898 = vector.broadcast %jit3A_1897 : i32 to vector<16xi32>
    %select_n3A_1899 = arith.select %eq3A_1896, %all_reduce_population_count3A_1893, %broadcast_in_dim3A_1898 : vector<16xi1>, vector<16xi32>
    %add3A_1900 = arith.addi %add3A_1869, %select_n3A_1899 : vector<16xi32>
    %eq3A_1901 = arith.constant 5 : i32
    %eq3A_1902 = vector.broadcast %eq3A_1901 : i32 to vector<16xi32>
    %eq3A_1903 = arith.cmpi eq, %select_n3A_1743, %eq3A_1902 : vector<16xi32>
    %convert_element_type3A_1904 = arith.extui %eq3A_1903 : vector<16xi1> to vector<16xi32>
    %broadcast_in_dim3A_1905 = arith.constant true
    %broadcast_in_dim3A_1906 = vector.broadcast %broadcast_in_dim3A_1905 : i1 to vector<16xi1>
    %masked_cumsum3A_1907 = tpu.scan <sum>, %convert_element_type3A_1904 masked %broadcast_in_dim3A_1906 : vector<16xi32>, vector<16xi1> -> vector<16xi32>
    %eq3A_1908 = arith.constant 5 : i32
    %eq3A_1909 = vector.broadcast %eq3A_1908 : i32 to vector<16xi32>
    %eq3A_1910 = arith.cmpi eq, %iota3A, %eq3A_1909 : vector<16xi32>
    %jit3A_1911 = arith.constant 0 : i32
    %broadcast_in_dim3A_1912 = vector.broadcast %jit3A_1911 : i32 to vector<16xi32>
    %select_n3A_1913 = arith.select %eq3A_1910, %add3A_1900, %broadcast_in_dim3A_1912 : vector<16xi1>, vector<16xi32>
    %reduce_sum3A_1914 = arith.constant true
    %reduce_sum3A_1915 = vector.broadcast %reduce_sum3A_1914 : i1 to vector<16xi1>
    %reduce_sum3A_1916 = tpu.scan <sum>, %select_n3A_1913 masked %reduce_sum3A_1915 : vector<16xi32>, vector<16xi1> -> vector<16xi32>
    %reduce_sum3A_1917 = vector.extract %reduce_sum3A_1916[15] : i32 from vector<16xi32>
    %add3A_1918 = vector.broadcast %reduce_sum3A_1917 : i32 to vector<16xi32>
    %add3A_1919 = arith.addi %add3A_1918, %masked_cumsum3A_1907 : vector<16xi32>
    %sub3A_1920 = arith.constant 1 : i32
    %sub3A_1921 = vector.broadcast %sub3A_1920 : i32 to vector<16xi32>
    %sub3A_1922 = arith.subi %add3A_1919, %sub3A_1921 : vector<16xi32>
    %select_n3A_1923 = arith.select %eq3A_1903, %sub3A_1922, %select_n3A_1892 : vector<16xi1>, vector<16xi32>
    %all_reduce_population_count3A_1924 = tpu.all_reduce %eq3A_1903 {dim = 0 : i64, kind = #tpu.reduction_kind<sum>} : vector<16xi1> -> vector<16xi32>
    %eq3A_1925 = arith.constant 5 : i32
    %eq3A_1926 = vector.broadcast %eq3A_1925 : i32 to vector<16xi32>
    %eq3A_1927 = arith.cmpi eq, %iota3A, %eq3A_1926 : vector<16xi32>
    %jit3A_1928 = arith.constant 0 : i32
    %broadcast_in_dim3A_1929 = vector.broadcast %jit3A_1928 : i32 to vector<16xi32>
    %select_n3A_1930 = arith.select %eq3A_1927, %all_reduce_population_count3A_1924, %broadcast_in_dim3A_1929 : vector<16xi1>, vector<16xi32>
    %add3A_1931 = arith.addi %add3A_1900, %select_n3A_1930 : vector<16xi32>
    %eq3A_1932 = arith.constant 6 : i32
    %eq3A_1933 = vector.broadcast %eq3A_1932 : i32 to vector<16xi32>
    %eq3A_1934 = arith.cmpi eq, %select_n3A_1743, %eq3A_1933 : vector<16xi32>
    %convert_element_type3A_1935 = arith.extui %eq3A_1934 : vector<16xi1> to vector<16xi32>
    %broadcast_in_dim3A_1936 = arith.constant true
    %broadcast_in_dim3A_1937 = vector.broadcast %broadcast_in_dim3A_1936 : i1 to vector<16xi1>
    %masked_cumsum3A_1938 = tpu.scan <sum>, %convert_element_type3A_1935 masked %broadcast_in_dim3A_1937 : vector<16xi32>, vector<16xi1> -> vector<16xi32>
    %eq3A_1939 = arith.constant 6 : i32
    %eq3A_1940 = vector.broadcast %eq3A_1939 : i32 to vector<16xi32>
    %eq3A_1941 = arith.cmpi eq, %iota3A, %eq3A_1940 : vector<16xi32>
    %jit3A_1942 = arith.constant 0 : i32
    %broadcast_in_dim3A_1943 = vector.broadcast %jit3A_1942 : i32 to vector<16xi32>
    %select_n3A_1944 = arith.select %eq3A_1941, %add3A_1931, %broadcast_in_dim3A_1943 : vector<16xi1>, vector<16xi32>
    %reduce_sum3A_1945 = arith.constant true
    %reduce_sum3A_1946 = vector.broadcast %reduce_sum3A_1945 : i1 to vector<16xi1>
    %reduce_sum3A_1947 = tpu.scan <sum>, %select_n3A_1944 masked %reduce_sum3A_1946 : vector<16xi32>, vector<16xi1> -> vector<16xi32>
    %reduce_sum3A_1948 = vector.extract %reduce_sum3A_1947[15] : i32 from vector<16xi32>
    %add3A_1949 = vector.broadcast %reduce_sum3A_1948 : i32 to vector<16xi32>
    %add3A_1950 = arith.addi %add3A_1949, %masked_cumsum3A_1938 : vector<16xi32>
    %sub3A_1951 = arith.constant 1 : i32
    %sub3A_1952 = vector.broadcast %sub3A_1951 : i32 to vector<16xi32>
    %sub3A_1953 = arith.subi %add3A_1950, %sub3A_1952 : vector<16xi32>
    %select_n3A_1954 = arith.select %eq3A_1934, %sub3A_1953, %select_n3A_1923 : vector<16xi1>, vector<16xi32>
    %all_reduce_population_count3A_1955 = tpu.all_reduce %eq3A_1934 {dim = 0 : i64, kind = #tpu.reduction_kind<sum>} : vector<16xi1> -> vector<16xi32>
    %eq3A_1956 = arith.constant 6 : i32
    %eq3A_1957 = vector.broadcast %eq3A_1956 : i32 to vector<16xi32>
    %eq3A_1958 = arith.cmpi eq, %iota3A, %eq3A_1957 : vector<16xi32>
    %jit3A_1959 = arith.constant 0 : i32
    %broadcast_in_dim3A_1960 = vector.broadcast %jit3A_1959 : i32 to vector<16xi32>
    %select_n3A_1961 = arith.select %eq3A_1958, %all_reduce_population_count3A_1955, %broadcast_in_dim3A_1960 : vector<16xi1>, vector<16xi32>
    %add3A_1962 = arith.addi %add3A_1931, %select_n3A_1961 : vector<16xi32>
    %eq3A_1963 = arith.constant 7 : i32
    %eq3A_1964 = vector.broadcast %eq3A_1963 : i32 to vector<16xi32>
    %eq3A_1965 = arith.cmpi eq, %select_n3A_1743, %eq3A_1964 : vector<16xi32>
    %convert_element_type3A_1966 = arith.extui %eq3A_1965 : vector<16xi1> to vector<16xi32>
    %broadcast_in_dim3A_1967 = arith.constant true
    %broadcast_in_dim3A_1968 = vector.broadcast %broadcast_in_dim3A_1967 : i1 to vector<16xi1>
    %masked_cumsum3A_1969 = tpu.scan <sum>, %convert_element_type3A_1966 masked %broadcast_in_dim3A_1968 : vector<16xi32>, vector<16xi1> -> vector<16xi32>
    %eq3A_1970 = arith.constant 7 : i32
    %eq3A_1971 = vector.broadcast %eq3A_1970 : i32 to vector<16xi32>
    %eq3A_1972 = arith.cmpi eq, %iota3A, %eq3A_1971 : vector<16xi32>
    %jit3A_1973 = arith.constant 0 : i32
    %broadcast_in_dim3A_1974 = vector.broadcast %jit3A_1973 : i32 to vector<16xi32>
    %select_n3A_1975 = arith.select %eq3A_1972, %add3A_1962, %broadcast_in_dim3A_1974 : vector<16xi1>, vector<16xi32>
    %reduce_sum3A_1976 = arith.constant true
    %reduce_sum3A_1977 = vector.broadcast %reduce_sum3A_1976 : i1 to vector<16xi1>
    %reduce_sum3A_1978 = tpu.scan <sum>, %select_n3A_1975 masked %reduce_sum3A_1977 : vector<16xi32>, vector<16xi1> -> vector<16xi32>
    %reduce_sum3A_1979 = vector.extract %reduce_sum3A_1978[15] : i32 from vector<16xi32>
    %add3A_1980 = vector.broadcast %reduce_sum3A_1979 : i32 to vector<16xi32>
    %add3A_1981 = arith.addi %add3A_1980, %masked_cumsum3A_1969 : vector<16xi32>
    %sub3A_1982 = arith.constant 1 : i32
    %sub3A_1983 = vector.broadcast %sub3A_1982 : i32 to vector<16xi32>
    %sub3A_1984 = arith.subi %add3A_1981, %sub3A_1983 : vector<16xi32>
    %select_n3A_1985 = arith.select %eq3A_1965, %sub3A_1984, %select_n3A_1954 : vector<16xi1>, vector<16xi32>
    %all_reduce_population_count3A_1986 = tpu.all_reduce %eq3A_1965 {dim = 0 : i64, kind = #tpu.reduction_kind<sum>} : vector<16xi1> -> vector<16xi32>
    %eq3A_1987 = arith.constant 7 : i32
    %eq3A_1988 = vector.broadcast %eq3A_1987 : i32 to vector<16xi32>
    %eq3A_1989 = arith.cmpi eq, %iota3A, %eq3A_1988 : vector<16xi32>
    %jit3A_1990 = arith.constant 0 : i32
    %broadcast_in_dim3A_1991 = vector.broadcast %jit3A_1990 : i32 to vector<16xi32>
    %select_n3A_1992 = arith.select %eq3A_1989, %all_reduce_population_count3A_1986, %broadcast_in_dim3A_1991 : vector<16xi1>, vector<16xi32>
    %add3A_1993 = arith.addi %add3A_1962, %select_n3A_1992 : vector<16xi32>
    %swap3A_1994 = arith.constant 80 : index
    %swap3A_1995 = tpu.vector_load %arg12[%swap3A_1994] {strides = array<i32>} : memref<128xi32, #tpu.memory_space<vmem>>, vector<16xi32>,
    tpu.vector_store %arg12[%swap3A_1994], %select_n3A_1985 {strides = array<i32>} : memref<128xi32, #tpu.memory_space<vmem>>, vector<16xi32>,
    %eq3A_1996 = arith.constant 1 : i32
    %eq3A_1997 = arith.cmpi eq, %select_n3A_30, %eq3A_1996 : i32
    %get3A_1998 = arith.constant 96 : index
    %get3A_1999 = tpu.vector_load %arg10[%get3A_1998] {strides = array<i32>} : memref<128xi32, #tpu.memory_space<vmem>>, vector<16xi32>,
    %get3A_2000 = arith.constant 96 : index
    %get3A_2001 = tpu.vector_load %arg9[%get3A_2000] {strides = array<i32>} : memref<128xi32, #tpu.memory_space<vmem>>, vector<16xi32>,
    %select_n3A_2002 = arith.select %eq3A_1997, %get3A_1999, %get3A_2001 : vector<16xi32>
    %broadcast_in_dim3A_2003 = arith.constant 0 : i32
    %broadcast_in_dim3A_2004 = vector.broadcast %broadcast_in_dim3A_2003 : i32 to vector<16xi32>
    %eq3A_2005 = arith.constant 0 : i32
    %eq3A_2006 = vector.broadcast %eq3A_2005 : i32 to vector<16xi32>
    %eq3A_2007 = arith.cmpi eq, %select_n3A_2002, %eq3A_2006 : vector<16xi32>
    %convert_element_type3A_2008 = arith.extui %eq3A_2007 : vector<16xi1> to vector<16xi32>
    %broadcast_in_dim3A_2009 = arith.constant true
    %broadcast_in_dim3A_2010 = vector.broadcast %broadcast_in_dim3A_2009 : i1 to vector<16xi1>
    %masked_cumsum3A_2011 = tpu.scan <sum>, %convert_element_type3A_2008 masked %broadcast_in_dim3A_2010 : vector<16xi32>, vector<16xi1> -> vector<16xi32>
    %eq3A_2012 = arith.constant 0 : i32
    %eq3A_2013 = vector.broadcast %eq3A_2012 : i32 to vector<16xi32>
    %eq3A_2014 = arith.cmpi eq, %iota3A, %eq3A_2013 : vector<16xi32>
    %jit3A_2015 = arith.constant 0 : i32
    %broadcast_in_dim3A_2016 = vector.broadcast %jit3A_2015 : i32 to vector<16xi32>
    %select_n3A_2017 = arith.select %eq3A_2014, %add3A_1993, %broadcast_in_dim3A_2016 : vector<16xi1>, vector<16xi32>
    %reduce_sum3A_2018 = arith.constant true
    %reduce_sum3A_2019 = vector.broadcast %reduce_sum3A_2018 : i1 to vector<16xi1>
    %reduce_sum3A_2020 = tpu.scan <sum>, %select_n3A_2017 masked %reduce_sum3A_2019 : vector<16xi32>, vector<16xi1> -> vector<16xi32>
    %reduce_sum3A_2021 = vector.extract %reduce_sum3A_2020[15] : i32 from vector<16xi32>
    %add3A_2022 = vector.broadcast %reduce_sum3A_2021 : i32 to vector<16xi32>
    %add3A_2023 = arith.addi %add3A_2022, %masked_cumsum3A_2011 : vector<16xi32>
    %sub3A_2024 = arith.constant 1 : i32
    %sub3A_2025 = vector.broadcast %sub3A_2024 : i32 to vector<16xi32>
    %sub3A_2026 = arith.subi %add3A_2023, %sub3A_2025 : vector<16xi32>
    %select_n3A_2027 = arith.select %eq3A_2007, %sub3A_2026, %broadcast_in_dim3A_2004 : vector<16xi1>, vector<16xi32>
    %all_reduce_population_count3A_2028 = tpu.all_reduce %eq3A_2007 {dim = 0 : i64, kind = #tpu.reduction_kind<sum>} : vector<16xi1> -> vector<16xi32>
    %eq3A_2029 = arith.constant 0 : i32
    %eq3A_2030 = vector.broadcast %eq3A_2029 : i32 to vector<16xi32>
    %eq3A_2031 = arith.cmpi eq, %iota3A, %eq3A_2030 : vector<16xi32>
    %jit3A_2032 = arith.constant 0 : i32
    %broadcast_in_dim3A_2033 = vector.broadcast %jit3A_2032 : i32 to vector<16xi32>
    %select_n3A_2034 = arith.select %eq3A_2031, %all_reduce_population_count3A_2028, %broadcast_in_dim3A_2033 : vector<16xi1>, vector<16xi32>
    %add3A_2035 = arith.addi %add3A_1993, %select_n3A_2034 : vector<16xi32>
    %eq3A_2036 = arith.constant 1 : i32
    %eq3A_2037 = vector.broadcast %eq3A_2036 : i32 to vector<16xi32>
    %eq3A_2038 = arith.cmpi eq, %select_n3A_2002, %eq3A_2037 : vector<16xi32>
    %convert_element_type3A_2039 = arith.extui %eq3A_2038 : vector<16xi1> to vector<16xi32>
    %broadcast_in_dim3A_2040 = arith.constant true
    %broadcast_in_dim3A_2041 = vector.broadcast %broadcast_in_dim3A_2040 : i1 to vector<16xi1>
    %masked_cumsum3A_2042 = tpu.scan <sum>, %convert_element_type3A_2039 masked %broadcast_in_dim3A_2041 : vector<16xi32>, vector<16xi1> -> vector<16xi32>
    %eq3A_2043 = arith.constant 1 : i32
    %eq3A_2044 = vector.broadcast %eq3A_2043 : i32 to vector<16xi32>
    %eq3A_2045 = arith.cmpi eq, %iota3A, %eq3A_2044 : vector<16xi32>
    %jit3A_2046 = arith.constant 0 : i32
    %broadcast_in_dim3A_2047 = vector.broadcast %jit3A_2046 : i32 to vector<16xi32>
    %select_n3A_2048 = arith.select %eq3A_2045, %add3A_2035, %broadcast_in_dim3A_2047 : vector<16xi1>, vector<16xi32>
    %reduce_sum3A_2049 = arith.constant true
    %reduce_sum3A_2050 = vector.broadcast %reduce_sum3A_2049 : i1 to vector<16xi1>
    %reduce_sum3A_2051 = tpu.scan <sum>, %select_n3A_2048 masked %reduce_sum3A_2050 : vector<16xi32>, vector<16xi1> -> vector<16xi32>
    %reduce_sum3A_2052 = vector.extract %reduce_sum3A_2051[15] : i32 from vector<16xi32>
    %add3A_2053 = vector.broadcast %reduce_sum3A_2052 : i32 to vector<16xi32>
    %add3A_2054 = arith.addi %add3A_2053, %masked_cumsum3A_2042 : vector<16xi32>
    %sub3A_2055 = arith.constant 1 : i32
    %sub3A_2056 = vector.broadcast %sub3A_2055 : i32 to vector<16xi32>
    %sub3A_2057 = arith.subi %add3A_2054, %sub3A_2056 : vector<16xi32>
    %select_n3A_2058 = arith.select %eq3A_2038, %sub3A_2057, %select_n3A_2027 : vector<16xi1>, vector<16xi32>
    %all_reduce_population_count3A_2059 = tpu.all_reduce %eq3A_2038 {dim = 0 : i64, kind = #tpu.reduction_kind<sum>} : vector<16xi1> -> vector<16xi32>
    %eq3A_2060 = arith.constant 1 : i32
    %eq3A_2061 = vector.broadcast %eq3A_2060 : i32 to vector<16xi32>
    %eq3A_2062 = arith.cmpi eq, %iota3A, %eq3A_2061 : vector<16xi32>
    %jit3A_2063 = arith.constant 0 : i32
    %broadcast_in_dim3A_2064 = vector.broadcast %jit3A_2063 : i32 to vector<16xi32>
    %select_n3A_2065 = arith.select %eq3A_2062, %all_reduce_population_count3A_2059, %broadcast_in_dim3A_2064 : vector<16xi1>, vector<16xi32>
    %add3A_2066 = arith.addi %add3A_2035, %select_n3A_2065 : vector<16xi32>
    %eq3A_2067 = arith.constant 2 : i32
    %eq3A_2068 = vector.broadcast %eq3A_2067 : i32 to vector<16xi32>
    %eq3A_2069 = arith.cmpi eq, %select_n3A_2002, %eq3A_2068 : vector<16xi32>
    %convert_element_type3A_2070 = arith.extui %eq3A_2069 : vector<16xi1> to vector<16xi32>
    %broadcast_in_dim3A_2071 = arith.constant true
    %broadcast_in_dim3A_2072 = vector.broadcast %broadcast_in_dim3A_2071 : i1 to vector<16xi1>
    %masked_cumsum3A_2073 = tpu.scan <sum>, %convert_element_type3A_2070 masked %broadcast_in_dim3A_2072 : vector<16xi32>, vector<16xi1> -> vector<16xi32>
    %eq3A_2074 = arith.constant 2 : i32
    %eq3A_2075 = vector.broadcast %eq3A_2074 : i32 to vector<16xi32>
    %eq3A_2076 = arith.cmpi eq, %iota3A, %eq3A_2075 : vector<16xi32>
    %jit3A_2077 = arith.constant 0 : i32
    %broadcast_in_dim3A_2078 = vector.broadcast %jit3A_2077 : i32 to vector<16xi32>
    %select_n3A_2079 = arith.select %eq3A_2076, %add3A_2066, %broadcast_in_dim3A_2078 : vector<16xi1>, vector<16xi32>
    %reduce_sum3A_2080 = arith.constant true
    %reduce_sum3A_2081 = vector.broadcast %reduce_sum3A_2080 : i1 to vector<16xi1>
    %reduce_sum3A_2082 = tpu.scan <sum>, %select_n3A_2079 masked %reduce_sum3A_2081 : vector<16xi32>, vector<16xi1> -> vector<16xi32>
    %reduce_sum3A_2083 = vector.extract %reduce_sum3A_2082[15] : i32 from vector<16xi32>
    %add3A_2084 = vector.broadcast %reduce_sum3A_2083 : i32 to vector<16xi32>
    %add3A_2085 = arith.addi %add3A_2084, %masked_cumsum3A_2073 : vector<16xi32>
    %sub3A_2086 = arith.constant 1 : i32
    %sub3A_2087 = vector.broadcast %sub3A_2086 : i32 to vector<16xi32>
    %sub3A_2088 = arith.subi %add3A_2085, %sub3A_2087 : vector<16xi32>
    %select_n3A_2089 = arith.select %eq3A_2069, %sub3A_2088, %select_n3A_2058 : vector<16xi1>, vector<16xi32>
    %all_reduce_population_count3A_2090 = tpu.all_reduce %eq3A_2069 {dim = 0 : i64, kind = #tpu.reduction_kind<sum>} : vector<16xi1> -> vector<16xi32>
    %eq3A_2091 = arith.constant 2 : i32
    %eq3A_2092 = vector.broadcast %eq3A_2091 : i32 to vector<16xi32>
    %eq3A_2093 = arith.cmpi eq, %iota3A, %eq3A_2092 : vector<16xi32>
    %jit3A_2094 = arith.constant 0 : i32
    %broadcast_in_dim3A_2095 = vector.broadcast %jit3A_2094 : i32 to vector<16xi32>
    %select_n3A_2096 = arith.select %eq3A_2093, %all_reduce_population_count3A_2090, %broadcast_in_dim3A_2095 : vector<16xi1>, vector<16xi32>
    %add3A_2097 = arith.addi %add3A_2066, %select_n3A_2096 : vector<16xi32>
    %eq3A_2098 = arith.constant 3 : i32
    %eq3A_2099 = vector.broadcast %eq3A_2098 : i32 to vector<16xi32>
    %eq3A_2100 = arith.cmpi eq, %select_n3A_2002, %eq3A_2099 : vector<16xi32>
    %convert_element_type3A_2101 = arith.extui %eq3A_2100 : vector<16xi1> to vector<16xi32>
    %broadcast_in_dim3A_2102 = arith.constant true
    %broadcast_in_dim3A_2103 = vector.broadcast %broadcast_in_dim3A_2102 : i1 to vector<16xi1>
    %masked_cumsum3A_2104 = tpu.scan <sum>, %convert_element_type3A_2101 masked %broadcast_in_dim3A_2103 : vector<16xi32>, vector<16xi1> -> vector<16xi32>
    %eq3A_2105 = arith.constant 3 : i32
    %eq3A_2106 = vector.broadcast %eq3A_2105 : i32 to vector<16xi32>
    %eq3A_2107 = arith.cmpi eq, %iota3A, %eq3A_2106 : vector<16xi32>
    %jit3A_2108 = arith.constant 0 : i32
    %broadcast_in_dim3A_2109 = vector.broadcast %jit3A_2108 : i32 to vector<16xi32>
    %select_n3A_2110 = arith.select %eq3A_2107, %add3A_2097, %broadcast_in_dim3A_2109 : vector<16xi1>, vector<16xi32>
    %reduce_sum3A_2111 = arith.constant true
    %reduce_sum3A_2112 = vector.broadcast %reduce_sum3A_2111 : i1 to vector<16xi1>
    %reduce_sum3A_2113 = tpu.scan <sum>, %select_n3A_2110 masked %reduce_sum3A_2112 : vector<16xi32>, vector<16xi1> -> vector<16xi32>
    %reduce_sum3A_2114 = vector.extract %reduce_sum3A_2113[15] : i32 from vector<16xi32>
    %add3A_2115 = vector.broadcast %reduce_sum3A_2114 : i32 to vector<16xi32>
    %add3A_2116 = arith.addi %add3A_2115, %masked_cumsum3A_2104 : vector<16xi32>
    %sub3A_2117 = arith.constant 1 : i32
    %sub3A_2118 = vector.broadcast %sub3A_2117 : i32 to vector<16xi32>
    %sub3A_2119 = arith.subi %add3A_2116, %sub3A_2118 : vector<16xi32>
    %select_n3A_2120 = arith.select %eq3A_2100, %sub3A_2119, %select_n3A_2089 : vector<16xi1>, vector<16xi32>
    %all_reduce_population_count3A_2121 = tpu.all_reduce %eq3A_2100 {dim = 0 : i64, kind = #tpu.reduction_kind<sum>} : vector<16xi1> -> vector<16xi32>
    %eq3A_2122 = arith.constant 3 : i32
    %eq3A_2123 = vector.broadcast %eq3A_2122 : i32 to vector<16xi32>
    %eq3A_2124 = arith.cmpi eq, %iota3A, %eq3A_2123 : vector<16xi32>
    %jit3A_2125 = arith.constant 0 : i32
    %broadcast_in_dim3A_2126 = vector.broadcast %jit3A_2125 : i32 to vector<16xi32>
    %select_n3A_2127 = arith.select %eq3A_2124, %all_reduce_population_count3A_2121, %broadcast_in_dim3A_2126 : vector<16xi1>, vector<16xi32>
    %add3A_2128 = arith.addi %add3A_2097, %select_n3A_2127 : vector<16xi32>
    %eq3A_2129 = arith.constant 4 : i32
    %eq3A_2130 = vector.broadcast %eq3A_2129 : i32 to vector<16xi32>
    %eq3A_2131 = arith.cmpi eq, %select_n3A_2002, %eq3A_2130 : vector<16xi32>
    %convert_element_type3A_2132 = arith.extui %eq3A_2131 : vector<16xi1> to vector<16xi32>
    %broadcast_in_dim3A_2133 = arith.constant true
    %broadcast_in_dim3A_2134 = vector.broadcast %broadcast_in_dim3A_2133 : i1 to vector<16xi1>
    %masked_cumsum3A_2135 = tpu.scan <sum>, %convert_element_type3A_2132 masked %broadcast_in_dim3A_2134 : vector<16xi32>, vector<16xi1> -> vector<16xi32>
    %eq3A_2136 = arith.constant 4 : i32
    %eq3A_2137 = vector.broadcast %eq3A_2136 : i32 to vector<16xi32>
    %eq3A_2138 = arith.cmpi eq, %iota3A, %eq3A_2137 : vector<16xi32>
    %jit3A_2139 = arith.constant 0 : i32
    %broadcast_in_dim3A_2140 = vector.broadcast %jit3A_2139 : i32 to vector<16xi32>
    %select_n3A_2141 = arith.select %eq3A_2138, %add3A_2128, %broadcast_in_dim3A_2140 : vector<16xi1>, vector<16xi32>
    %reduce_sum3A_2142 = arith.constant true
    %reduce_sum3A_2143 = vector.broadcast %reduce_sum3A_2142 : i1 to vector<16xi1>
    %reduce_sum3A_2144 = tpu.scan <sum>, %select_n3A_2141 masked %reduce_sum3A_2143 : vector<16xi32>, vector<16xi1> -> vector<16xi32>
    %reduce_sum3A_2145 = vector.extract %reduce_sum3A_2144[15] : i32 from vector<16xi32>
    %add3A_2146 = vector.broadcast %reduce_sum3A_2145 : i32 to vector<16xi32>
    %add3A_2147 = arith.addi %add3A_2146, %masked_cumsum3A_2135 : vector<16xi32>
    %sub3A_2148 = arith.constant 1 : i32
    %sub3A_2149 = vector.broadcast %sub3A_2148 : i32 to vector<16xi32>
    %sub3A_2150 = arith.subi %add3A_2147, %sub3A_2149 : vector<16xi32>
    %select_n3A_2151 = arith.select %eq3A_2131, %sub3A_2150, %select_n3A_2120 : vector<16xi1>, vector<16xi32>
    %all_reduce_population_count3A_2152 = tpu.all_reduce %eq3A_2131 {dim = 0 : i64, kind = #tpu.reduction_kind<sum>} : vector<16xi1> -> vector<16xi32>
    %eq3A_2153 = arith.constant 4 : i32
    %eq3A_2154 = vector.broadcast %eq3A_2153 : i32 to vector<16xi32>
    %eq3A_2155 = arith.cmpi eq, %iota3A, %eq3A_2154 : vector<16xi32>
    %jit3A_2156 = arith.constant 0 : i32
    %broadcast_in_dim3A_2157 = vector.broadcast %jit3A_2156 : i32 to vector<16xi32>
    %select_n3A_2158 = arith.select %eq3A_2155, %all_reduce_population_count3A_2152, %broadcast_in_dim3A_2157 : vector<16xi1>, vector<16xi32>
    %add3A_2159 = arith.addi %add3A_2128, %select_n3A_2158 : vector<16xi32>
    %eq3A_2160 = arith.constant 5 : i32
    %eq3A_2161 = vector.broadcast %eq3A_2160 : i32 to vector<16xi32>
    %eq3A_2162 = arith.cmpi eq, %select_n3A_2002, %eq3A_2161 : vector<16xi32>
    %convert_element_type3A_2163 = arith.extui %eq3A_2162 : vector<16xi1> to vector<16xi32>
    %broadcast_in_dim3A_2164 = arith.constant true
    %broadcast_in_dim3A_2165 = vector.broadcast %broadcast_in_dim3A_2164 : i1 to vector<16xi1>
    %masked_cumsum3A_2166 = tpu.scan <sum>, %convert_element_type3A_2163 masked %broadcast_in_dim3A_2165 : vector<16xi32>, vector<16xi1> -> vector<16xi32>
    %eq3A_2167 = arith.constant 5 : i32
    %eq3A_2168 = vector.broadcast %eq3A_2167 : i32 to vector<16xi32>
    %eq3A_2169 = arith.cmpi eq, %iota3A, %eq3A_2168 : vector<16xi32>
    %jit3A_2170 = arith.constant 0 : i32
    %broadcast_in_dim3A_2171 = vector.broadcast %jit3A_2170 : i32 to vector<16xi32>
    %select_n3A_2172 = arith.select %eq3A_2169, %add3A_2159, %broadcast_in_dim3A_2171 : vector<16xi1>, vector<16xi32>
    %reduce_sum3A_2173 = arith.constant true
    %reduce_sum3A_2174 = vector.broadcast %reduce_sum3A_2173 : i1 to vector<16xi1>
    %reduce_sum3A_2175 = tpu.scan <sum>, %select_n3A_2172 masked %reduce_sum3A_2174 : vector<16xi32>, vector<16xi1> -> vector<16xi32>
    %reduce_sum3A_2176 = vector.extract %reduce_sum3A_2175[15] : i32 from vector<16xi32>
    %add3A_2177 = vector.broadcast %reduce_sum3A_2176 : i32 to vector<16xi32>
    %add3A_2178 = arith.addi %add3A_2177, %masked_cumsum3A_2166 : vector<16xi32>
    %sub3A_2179 = arith.constant 1 : i32
    %sub3A_2180 = vector.broadcast %sub3A_2179 : i32 to vector<16xi32>
    %sub3A_2181 = arith.subi %add3A_2178, %sub3A_2180 : vector<16xi32>
    %select_n3A_2182 = arith.select %eq3A_2162, %sub3A_2181, %select_n3A_2151 : vector<16xi1>, vector<16xi32>
    %all_reduce_population_count3A_2183 = tpu.all_reduce %eq3A_2162 {dim = 0 : i64, kind = #tpu.reduction_kind<sum>} : vector<16xi1> -> vector<16xi32>
    %eq3A_2184 = arith.constant 5 : i32
    %eq3A_2185 = vector.broadcast %eq3A_2184 : i32 to vector<16xi32>
    %eq3A_2186 = arith.cmpi eq, %iota3A, %eq3A_2185 : vector<16xi32>
    %jit3A_2187 = arith.constant 0 : i32
    %broadcast_in_dim3A_2188 = vector.broadcast %jit3A_2187 : i32 to vector<16xi32>
    %select_n3A_2189 = arith.select %eq3A_2186, %all_reduce_population_count3A_2183, %broadcast_in_dim3A_2188 : vector<16xi1>, vector<16xi32>
    %add3A_2190 = arith.addi %add3A_2159, %select_n3A_2189 : vector<16xi32>
    %eq3A_2191 = arith.constant 6 : i32
    %eq3A_2192 = vector.broadcast %eq3A_2191 : i32 to vector<16xi32>
    %eq3A_2193 = arith.cmpi eq, %select_n3A_2002, %eq3A_2192 : vector<16xi32>
    %convert_element_type3A_2194 = arith.extui %eq3A_2193 : vector<16xi1> to vector<16xi32>
    %broadcast_in_dim3A_2195 = arith.constant true
    %broadcast_in_dim3A_2196 = vector.broadcast %broadcast_in_dim3A_2195 : i1 to vector<16xi1>
    %masked_cumsum3A_2197 = tpu.scan <sum>, %convert_element_type3A_2194 masked %broadcast_in_dim3A_2196 : vector<16xi32>, vector<16xi1> -> vector<16xi32>
    %eq3A_2198 = arith.constant 6 : i32
    %eq3A_2199 = vector.broadcast %eq3A_2198 : i32 to vector<16xi32>
    %eq3A_2200 = arith.cmpi eq, %iota3A, %eq3A_2199 : vector<16xi32>
    %jit3A_2201 = arith.constant 0 : i32
    %broadcast_in_dim3A_2202 = vector.broadcast %jit3A_2201 : i32 to vector<16xi32>
    %select_n3A_2203 = arith.select %eq3A_2200, %add3A_2190, %broadcast_in_dim3A_2202 : vector<16xi1>, vector<16xi32>
    %reduce_sum3A_2204 = arith.constant true
    %reduce_sum3A_2205 = vector.broadcast %reduce_sum3A_2204 : i1 to vector<16xi1>
    %reduce_sum3A_2206 = tpu.scan <sum>, %select_n3A_2203 masked %reduce_sum3A_2205 : vector<16xi32>, vector<16xi1> -> vector<16xi32>
    %reduce_sum3A_2207 = vector.extract %reduce_sum3A_2206[15] : i32 from vector<16xi32>
    %add3A_2208 = vector.broadcast %reduce_sum3A_2207 : i32 to vector<16xi32>
    %add3A_2209 = arith.addi %add3A_2208, %masked_cumsum3A_2197 : vector<16xi32>
    %sub3A_2210 = arith.constant 1 : i32
    %sub3A_2211 = vector.broadcast %sub3A_2210 : i32 to vector<16xi32>
    %sub3A_2212 = arith.subi %add3A_2209, %sub3A_2211 : vector<16xi32>
    %select_n3A_2213 = arith.select %eq3A_2193, %sub3A_2212, %select_n3A_2182 : vector<16xi1>, vector<16xi32>
    %all_reduce_population_count3A_2214 = tpu.all_reduce %eq3A_2193 {dim = 0 : i64, kind = #tpu.reduction_kind<sum>} : vector<16xi1> -> vector<16xi32>
    %eq3A_2215 = arith.constant 6 : i32
    %eq3A_2216 = vector.broadcast %eq3A_2215 : i32 to vector<16xi32>
    %eq3A_2217 = arith.cmpi eq, %iota3A, %eq3A_2216 : vector<16xi32>
    %jit3A_2218 = arith.constant 0 : i32
    %broadcast_in_dim3A_2219 = vector.broadcast %jit3A_2218 : i32 to vector<16xi32>
    %select_n3A_2220 = arith.select %eq3A_2217, %all_reduce_population_count3A_2214, %broadcast_in_dim3A_2219 : vector<16xi1>, vector<16xi32>
    %add3A_2221 = arith.addi %add3A_2190, %select_n3A_2220 : vector<16xi32>
    %eq3A_2222 = arith.constant 7 : i32
    %eq3A_2223 = vector.broadcast %eq3A_2222 : i32 to vector<16xi32>
    %eq3A_2224 = arith.cmpi eq, %select_n3A_2002, %eq3A_2223 : vector<16xi32>
    %convert_element_type3A_2225 = arith.extui %eq3A_2224 : vector<16xi1> to vector<16xi32>
    %broadcast_in_dim3A_2226 = arith.constant true
    %broadcast_in_dim3A_2227 = vector.broadcast %broadcast_in_dim3A_2226 : i1 to vector<16xi1>
    %masked_cumsum3A_2228 = tpu.scan <sum>, %convert_element_type3A_2225 masked %broadcast_in_dim3A_2227 : vector<16xi32>, vector<16xi1> -> vector<16xi32>
    %eq3A_2229 = arith.constant 7 : i32
    %eq3A_2230 = vector.broadcast %eq3A_2229 : i32 to vector<16xi32>
    %eq3A_2231 = arith.cmpi eq, %iota3A, %eq3A_2230 : vector<16xi32>
    %jit3A_2232 = arith.constant 0 : i32
    %broadcast_in_dim3A_2233 = vector.broadcast %jit3A_2232 : i32 to vector<16xi32>
    %select_n3A_2234 = arith.select %eq3A_2231, %add3A_2221, %broadcast_in_dim3A_2233 : vector<16xi1>, vector<16xi32>
    %reduce_sum3A_2235 = arith.constant true
    %reduce_sum3A_2236 = vector.broadcast %reduce_sum3A_2235 : i1 to vector<16xi1>
    %reduce_sum3A_2237 = tpu.scan <sum>, %select_n3A_2234 masked %reduce_sum3A_2236 : vector<16xi32>, vector<16xi1> -> vector<16xi32>
    %reduce_sum3A_2238 = vector.extract %reduce_sum3A_2237[15] : i32 from vector<16xi32>
    %add3A_2239 = vector.broadcast %reduce_sum3A_2238 : i32 to vector<16xi32>
    %add3A_2240 = arith.addi %add3A_2239, %masked_cumsum3A_2228 : vector<16xi32>
    %sub3A_2241 = arith.constant 1 : i32
    %sub3A_2242 = vector.broadcast %sub3A_2241 : i32 to vector<16xi32>
    %sub3A_2243 = arith.subi %add3A_2240, %sub3A_2242 : vector<16xi32>
    %select_n3A_2244 = arith.select %eq3A_2224, %sub3A_2243, %select_n3A_2213 : vector<16xi1>, vector<16xi32>
    %all_reduce_population_count3A_2245 = tpu.all_reduce %eq3A_2224 {dim = 0 : i64, kind = #tpu.reduction_kind<sum>} : vector<16xi1> -> vector<16xi32>
    %eq3A_2246 = arith.constant 7 : i32
    %eq3A_2247 = vector.broadcast %eq3A_2246 : i32 to vector<16xi32>
    %eq3A_2248 = arith.cmpi eq, %iota3A, %eq3A_2247 : vector<16xi32>
    %jit3A_2249 = arith.constant 0 : i32
    %broadcast_in_dim3A_2250 = vector.broadcast %jit3A_2249 : i32 to vector<16xi32>
    %select_n3A_2251 = arith.select %eq3A_2248, %all_reduce_population_count3A_2245, %broadcast_in_dim3A_2250 : vector<16xi1>, vector<16xi32>
    %add3A_2252 = arith.addi %add3A_2221, %select_n3A_2251 : vector<16xi32>
    %swap3A_2253 = arith.constant 96 : index
    %swap3A_2254 = tpu.vector_load %arg12[%swap3A_2253] {strides = array<i32>} : memref<128xi32, #tpu.memory_space<vmem>>, vector<16xi32>,
    tpu.vector_store %arg12[%swap3A_2253], %select_n3A_2244 {strides = array<i32>} : memref<128xi32, #tpu.memory_space<vmem>>, vector<16xi32>,
    %eq3A_2255 = arith.constant 1 : i32
    %eq3A_2256 = arith.cmpi eq, %select_n3A_30, %eq3A_2255 : i32
    %get3A_2257 = arith.constant 112 : index
    %get3A_2258 = tpu.vector_load %arg10[%get3A_2257] {strides = array<i32>} : memref<128xi32, #tpu.memory_space<vmem>>, vector<16xi32>,
    %get3A_2259 = arith.constant 112 : index
    %get3A_2260 = tpu.vector_load %arg9[%get3A_2259] {strides = array<i32>} : memref<128xi32, #tpu.memory_space<vmem>>, vector<16xi32>,
    %select_n3A_2261 = arith.select %eq3A_2256, %get3A_2258, %get3A_2260 : vector<16xi32>
    %broadcast_in_dim3A_2262 = arith.constant 0 : i32
    %broadcast_in_dim3A_2263 = vector.broadcast %broadcast_in_dim3A_2262 : i32 to vector<16xi32>
    %eq3A_2264 = arith.constant 0 : i32
    %eq3A_2265 = vector.broadcast %eq3A_2264 : i32 to vector<16xi32>
    %eq3A_2266 = arith.cmpi eq, %select_n3A_2261, %eq3A_2265 : vector<16xi32>
    %convert_element_type3A_2267 = arith.extui %eq3A_2266 : vector<16xi1> to vector<16xi32>
    %broadcast_in_dim3A_2268 = arith.constant true
    %broadcast_in_dim3A_2269 = vector.broadcast %broadcast_in_dim3A_2268 : i1 to vector<16xi1>
    %masked_cumsum3A_2270 = tpu.scan <sum>, %convert_element_type3A_2267 masked %broadcast_in_dim3A_2269 : vector<16xi32>, vector<16xi1> -> vector<16xi32>
    %eq3A_2271 = arith.constant 0 : i32
    %eq3A_2272 = vector.broadcast %eq3A_2271 : i32 to vector<16xi32>
    %eq3A_2273 = arith.cmpi eq, %iota3A, %eq3A_2272 : vector<16xi32>
    %jit3A_2274 = arith.constant 0 : i32
    %broadcast_in_dim3A_2275 = vector.broadcast %jit3A_2274 : i32 to vector<16xi32>
    %select_n3A_2276 = arith.select %eq3A_2273, %add3A_2252, %broadcast_in_dim3A_2275 : vector<16xi1>, vector<16xi32>
    %reduce_sum3A_2277 = arith.constant true
    %reduce_sum3A_2278 = vector.broadcast %reduce_sum3A_2277 : i1 to vector<16xi1>
    %reduce_sum3A_2279 = tpu.scan <sum>, %select_n3A_2276 masked %reduce_sum3A_2278 : vector<16xi32>, vector<16xi1> -> vector<16xi32>
    %reduce_sum3A_2280 = vector.extract %reduce_sum3A_2279[15] : i32 from vector<16xi32>
    %add3A_2281 = vector.broadcast %reduce_sum3A_2280 : i32 to vector<16xi32>
    %add3A_2282 = arith.addi %add3A_2281, %masked_cumsum3A_2270 : vector<16xi32>
    %sub3A_2283 = arith.constant 1 : i32
    %sub3A_2284 = vector.broadcast %sub3A_2283 : i32 to vector<16xi32>
    %sub3A_2285 = arith.subi %add3A_2282, %sub3A_2284 : vector<16xi32>
    %select_n3A_2286 = arith.select %eq3A_2266, %sub3A_2285, %broadcast_in_dim3A_2263 : vector<16xi1>, vector<16xi32>
    %all_reduce_population_count3A_2287 = tpu.all_reduce %eq3A_2266 {dim = 0 : i64, kind = #tpu.reduction_kind<sum>} : vector<16xi1> -> vector<16xi32>
    %eq3A_2288 = arith.constant 0 : i32
    %eq3A_2289 = vector.broadcast %eq3A_2288 : i32 to vector<16xi32>
    %eq3A_2290 = arith.cmpi eq, %iota3A, %eq3A_2289 : vector<16xi32>
    %jit3A_2291 = arith.constant 0 : i32
    %broadcast_in_dim3A_2292 = vector.broadcast %jit3A_2291 : i32 to vector<16xi32>
    %select_n3A_2293 = arith.select %eq3A_2290, %all_reduce_population_count3A_2287, %broadcast_in_dim3A_2292 : vector<16xi1>, vector<16xi32>
    %add3A_2294 = arith.addi %add3A_2252, %select_n3A_2293 : vector<16xi32>
    %eq3A_2295 = arith.constant 1 : i32
    %eq3A_2296 = vector.broadcast %eq3A_2295 : i32 to vector<16xi32>
    %eq3A_2297 = arith.cmpi eq, %select_n3A_2261, %eq3A_2296 : vector<16xi32>
    %convert_element_type3A_2298 = arith.extui %eq3A_2297 : vector<16xi1> to vector<16xi32>
    %broadcast_in_dim3A_2299 = arith.constant true
    %broadcast_in_dim3A_2300 = vector.broadcast %broadcast_in_dim3A_2299 : i1 to vector<16xi1>
    %masked_cumsum3A_2301 = tpu.scan <sum>, %convert_element_type3A_2298 masked %broadcast_in_dim3A_2300 : vector<16xi32>, vector<16xi1> -> vector<16xi32>
    %eq3A_2302 = arith.constant 1 : i32
    %eq3A_2303 = vector.broadcast %eq3A_2302 : i32 to vector<16xi32>
    %eq3A_2304 = arith.cmpi eq, %iota3A, %eq3A_2303 : vector<16xi32>
    %jit3A_2305 = arith.constant 0 : i32
    %broadcast_in_dim3A_2306 = vector.broadcast %jit3A_2305 : i32 to vector<16xi32>
    %select_n3A_2307 = arith.select %eq3A_2304, %add3A_2294, %broadcast_in_dim3A_2306 : vector<16xi1>, vector<16xi32>
    %reduce_sum3A_2308 = arith.constant true
    %reduce_sum3A_2309 = vector.broadcast %reduce_sum3A_2308 : i1 to vector<16xi1>
    %reduce_sum3A_2310 = tpu.scan <sum>, %select_n3A_2307 masked %reduce_sum3A_2309 : vector<16xi32>, vector<16xi1> -> vector<16xi32>
    %reduce_sum3A_2311 = vector.extract %reduce_sum3A_2310[15] : i32 from vector<16xi32>
    %add3A_2312 = vector.broadcast %reduce_sum3A_2311 : i32 to vector<16xi32>
    %add3A_2313 = arith.addi %add3A_2312, %masked_cumsum3A_2301 : vector<16xi32>
    %sub3A_2314 = arith.constant 1 : i32
    %sub3A_2315 = vector.broadcast %sub3A_2314 : i32 to vector<16xi32>
    %sub3A_2316 = arith.subi %add3A_2313, %sub3A_2315 : vector<16xi32>
    %select_n3A_2317 = arith.select %eq3A_2297, %sub3A_2316, %select_n3A_2286 : vector<16xi1>, vector<16xi32>
    %all_reduce_population_count3A_2318 = tpu.all_reduce %eq3A_2297 {dim = 0 : i64, kind = #tpu.reduction_kind<sum>} : vector<16xi1> -> vector<16xi32>
    %eq3A_2319 = arith.constant 1 : i32
    %eq3A_2320 = vector.broadcast %eq3A_2319 : i32 to vector<16xi32>
    %eq3A_2321 = arith.cmpi eq, %iota3A, %eq3A_2320 : vector<16xi32>
    %jit3A_2322 = arith.constant 0 : i32
    %broadcast_in_dim3A_2323 = vector.broadcast %jit3A_2322 : i32 to vector<16xi32>
    %select_n3A_2324 = arith.select %eq3A_2321, %all_reduce_population_count3A_2318, %broadcast_in_dim3A_2323 : vector<16xi1>, vector<16xi32>
    %add3A_2325 = arith.addi %add3A_2294, %select_n3A_2324 : vector<16xi32>
    %eq3A_2326 = arith.constant 2 : i32
    %eq3A_2327 = vector.broadcast %eq3A_2326 : i32 to vector<16xi32>
    %eq3A_2328 = arith.cmpi eq, %select_n3A_2261, %eq3A_2327 : vector<16xi32>
    %convert_element_type3A_2329 = arith.extui %eq3A_2328 : vector<16xi1> to vector<16xi32>
    %broadcast_in_dim3A_2330 = arith.constant true
    %broadcast_in_dim3A_2331 = vector.broadcast %broadcast_in_dim3A_2330 : i1 to vector<16xi1>
    %masked_cumsum3A_2332 = tpu.scan <sum>, %convert_element_type3A_2329 masked %broadcast_in_dim3A_2331 : vector<16xi32>, vector<16xi1> -> vector<16xi32>
    %eq3A_2333 = arith.constant 2 : i32
    %eq3A_2334 = vector.broadcast %eq3A_2333 : i32 to vector<16xi32>
    %eq3A_2335 = arith.cmpi eq, %iota3A, %eq3A_2334 : vector<16xi32>
    %jit3A_2336 = arith.constant 0 : i32
    %broadcast_in_dim3A_2337 = vector.broadcast %jit3A_2336 : i32 to vector<16xi32>
    %select_n3A_2338 = arith.select %eq3A_2335, %add3A_2325, %broadcast_in_dim3A_2337 : vector<16xi1>, vector<16xi32>
    %reduce_sum3A_2339 = arith.constant true
    %reduce_sum3A_2340 = vector.broadcast %reduce_sum3A_2339 : i1 to vector<16xi1>
    %reduce_sum3A_2341 = tpu.scan <sum>, %select_n3A_2338 masked %reduce_sum3A_2340 : vector<16xi32>, vector<16xi1> -> vector<16xi32>
    %reduce_sum3A_2342 = vector.extract %reduce_sum3A_2341[15] : i32 from vector<16xi32>
    %add3A_2343 = vector.broadcast %reduce_sum3A_2342 : i32 to vector<16xi32>
    %add3A_2344 = arith.addi %add3A_2343, %masked_cumsum3A_2332 : vector<16xi32>
    %sub3A_2345 = arith.constant 1 : i32
    %sub3A_2346 = vector.broadcast %sub3A_2345 : i32 to vector<16xi32>
    %sub3A_2347 = arith.subi %add3A_2344, %sub3A_2346 : vector<16xi32>
    %select_n3A_2348 = arith.select %eq3A_2328, %sub3A_2347, %select_n3A_2317 : vector<16xi1>, vector<16xi32>
    %all_reduce_population_count3A_2349 = tpu.all_reduce %eq3A_2328 {dim = 0 : i64, kind = #tpu.reduction_kind<sum>} : vector<16xi1> -> vector<16xi32>
    %eq3A_2350 = arith.constant 2 : i32
    %eq3A_2351 = vector.broadcast %eq3A_2350 : i32 to vector<16xi32>
    %eq3A_2352 = arith.cmpi eq, %iota3A, %eq3A_2351 : vector<16xi32>
    %jit3A_2353 = arith.constant 0 : i32
    %broadcast_in_dim3A_2354 = vector.broadcast %jit3A_2353 : i32 to vector<16xi32>
    %select_n3A_2355 = arith.select %eq3A_2352, %all_reduce_population_count3A_2349, %broadcast_in_dim3A_2354 : vector<16xi1>, vector<16xi32>
    %add3A_2356 = arith.addi %add3A_2325, %select_n3A_2355 : vector<16xi32>
    %eq3A_2357 = arith.constant 3 : i32
    %eq3A_2358 = vector.broadcast %eq3A_2357 : i32 to vector<16xi32>
    %eq3A_2359 = arith.cmpi eq, %select_n3A_2261, %eq3A_2358 : vector<16xi32>
    %convert_element_type3A_2360 = arith.extui %eq3A_2359 : vector<16xi1> to vector<16xi32>
    %broadcast_in_dim3A_2361 = arith.constant true
    %broadcast_in_dim3A_2362 = vector.broadcast %broadcast_in_dim3A_2361 : i1 to vector<16xi1>
    %masked_cumsum3A_2363 = tpu.scan <sum>, %convert_element_type3A_2360 masked %broadcast_in_dim3A_2362 : vector<16xi32>, vector<16xi1> -> vector<16xi32>
    %eq3A_2364 = arith.constant 3 : i32
    %eq3A_2365 = vector.broadcast %eq3A_2364 : i32 to vector<16xi32>
    %eq3A_2366 = arith.cmpi eq, %iota3A, %eq3A_2365 : vector<16xi32>
    %jit3A_2367 = arith.constant 0 : i32
    %broadcast_in_dim3A_2368 = vector.broadcast %jit3A_2367 : i32 to vector<16xi32>
    %select_n3A_2369 = arith.select %eq3A_2366, %add3A_2356, %broadcast_in_dim3A_2368 : vector<16xi1>, vector<16xi32>
    %reduce_sum3A_2370 = arith.constant true
    %reduce_sum3A_2371 = vector.broadcast %reduce_sum3A_2370 : i1 to vector<16xi1>
    %reduce_sum3A_2372 = tpu.scan <sum>, %select_n3A_2369 masked %reduce_sum3A_2371 : vector<16xi32>, vector<16xi1> -> vector<16xi32>
    %reduce_sum3A_2373 = vector.extract %reduce_sum3A_2372[15] : i32 from vector<16xi32>
    %add3A_2374 = vector.broadcast %reduce_sum3A_2373 : i32 to vector<16xi32>
    %add3A_2375 = arith.addi %add3A_2374, %masked_cumsum3A_2363 : vector<16xi32>
    %sub3A_2376 = arith.constant 1 : i32
    %sub3A_2377 = vector.broadcast %sub3A_2376 : i32 to vector<16xi32>
    %sub3A_2378 = arith.subi %add3A_2375, %sub3A_2377 : vector<16xi32>
    %select_n3A_2379 = arith.select %eq3A_2359, %sub3A_2378, %select_n3A_2348 : vector<16xi1>, vector<16xi32>
    %all_reduce_population_count3A_2380 = tpu.all_reduce %eq3A_2359 {dim = 0 : i64, kind = #tpu.reduction_kind<sum>} : vector<16xi1> -> vector<16xi32>
    %eq3A_2381 = arith.constant 3 : i32
    %eq3A_2382 = vector.broadcast %eq3A_2381 : i32 to vector<16xi32>
    %eq3A_2383 = arith.cmpi eq, %iota3A, %eq3A_2382 : vector<16xi32>
    %jit3A_2384 = arith.constant 0 : i32
    %broadcast_in_dim3A_2385 = vector.broadcast %jit3A_2384 : i32 to vector<16xi32>
    %select_n3A_2386 = arith.select %eq3A_2383, %all_reduce_population_count3A_2380, %broadcast_in_dim3A_2385 : vector<16xi1>, vector<16xi32>
    %add3A_2387 = arith.addi %add3A_2356, %select_n3A_2386 : vector<16xi32>
    %eq3A_2388 = arith.constant 4 : i32
    %eq3A_2389 = vector.broadcast %eq3A_2388 : i32 to vector<16xi32>
    %eq3A_2390 = arith.cmpi eq, %select_n3A_2261, %eq3A_2389 : vector<16xi32>
    %convert_element_type3A_2391 = arith.extui %eq3A_2390 : vector<16xi1> to vector<16xi32>
    %broadcast_in_dim3A_2392 = arith.constant true
    %broadcast_in_dim3A_2393 = vector.broadcast %broadcast_in_dim3A_2392 : i1 to vector<16xi1>
    %masked_cumsum3A_2394 = tpu.scan <sum>, %convert_element_type3A_2391 masked %broadcast_in_dim3A_2393 : vector<16xi32>, vector<16xi1> -> vector<16xi32>
    %eq3A_2395 = arith.constant 4 : i32
    %eq3A_2396 = vector.broadcast %eq3A_2395 : i32 to vector<16xi32>
    %eq3A_2397 = arith.cmpi eq, %iota3A, %eq3A_2396 : vector<16xi32>
    %jit3A_2398 = arith.constant 0 : i32
    %broadcast_in_dim3A_2399 = vector.broadcast %jit3A_2398 : i32 to vector<16xi32>
    %select_n3A_2400 = arith.select %eq3A_2397, %add3A_2387, %broadcast_in_dim3A_2399 : vector<16xi1>, vector<16xi32>
    %reduce_sum3A_2401 = arith.constant true
    %reduce_sum3A_2402 = vector.broadcast %reduce_sum3A_2401 : i1 to vector<16xi1>
    %reduce_sum3A_2403 = tpu.scan <sum>, %select_n3A_2400 masked %reduce_sum3A_2402 : vector<16xi32>, vector<16xi1> -> vector<16xi32>
    %reduce_sum3A_2404 = vector.extract %reduce_sum3A_2403[15] : i32 from vector<16xi32>
    %add3A_2405 = vector.broadcast %reduce_sum3A_2404 : i32 to vector<16xi32>
    %add3A_2406 = arith.addi %add3A_2405, %masked_cumsum3A_2394 : vector<16xi32>
    %sub3A_2407 = arith.constant 1 : i32
    %sub3A_2408 = vector.broadcast %sub3A_2407 : i32 to vector<16xi32>
    %sub3A_2409 = arith.subi %add3A_2406, %sub3A_2408 : vector<16xi32>
    %select_n3A_2410 = arith.select %eq3A_2390, %sub3A_2409, %select_n3A_2379 : vector<16xi1>, vector<16xi32>
    %all_reduce_population_count3A_2411 = tpu.all_reduce %eq3A_2390 {dim = 0 : i64, kind = #tpu.reduction_kind<sum>} : vector<16xi1> -> vector<16xi32>
    %eq3A_2412 = arith.constant 4 : i32
    %eq3A_2413 = vector.broadcast %eq3A_2412 : i32 to vector<16xi32>
    %eq3A_2414 = arith.cmpi eq, %iota3A, %eq3A_2413 : vector<16xi32>
    %jit3A_2415 = arith.constant 0 : i32
    %broadcast_in_dim3A_2416 = vector.broadcast %jit3A_2415 : i32 to vector<16xi32>
    %select_n3A_2417 = arith.select %eq3A_2414, %all_reduce_population_count3A_2411, %broadcast_in_dim3A_2416 : vector<16xi1>, vector<16xi32>
    %add3A_2418 = arith.addi %add3A_2387, %select_n3A_2417 : vector<16xi32>
    %eq3A_2419 = arith.constant 5 : i32
    %eq3A_2420 = vector.broadcast %eq3A_2419 : i32 to vector<16xi32>
    %eq3A_2421 = arith.cmpi eq, %select_n3A_2261, %eq3A_2420 : vector<16xi32>
    %convert_element_type3A_2422 = arith.extui %eq3A_2421 : vector<16xi1> to vector<16xi32>
    %broadcast_in_dim3A_2423 = arith.constant true
    %broadcast_in_dim3A_2424 = vector.broadcast %broadcast_in_dim3A_2423 : i1 to vector<16xi1>
    %masked_cumsum3A_2425 = tpu.scan <sum>, %convert_element_type3A_2422 masked %broadcast_in_dim3A_2424 : vector<16xi32>, vector<16xi1> -> vector<16xi32>
    %eq3A_2426 = arith.constant 5 : i32
    %eq3A_2427 = vector.broadcast %eq3A_2426 : i32 to vector<16xi32>
    %eq3A_2428 = arith.cmpi eq, %iota3A, %eq3A_2427 : vector<16xi32>
    %jit3A_2429 = arith.constant 0 : i32
    %broadcast_in_dim3A_2430 = vector.broadcast %jit3A_2429 : i32 to vector<16xi32>
    %select_n3A_2431 = arith.select %eq3A_2428, %add3A_2418, %broadcast_in_dim3A_2430 : vector<16xi1>, vector<16xi32>
    %reduce_sum3A_2432 = arith.constant true
    %reduce_sum3A_2433 = vector.broadcast %reduce_sum3A_2432 : i1 to vector<16xi1>
    %reduce_sum3A_2434 = tpu.scan <sum>, %select_n3A_2431 masked %reduce_sum3A_2433 : vector<16xi32>, vector<16xi1> -> vector<16xi32>
    %reduce_sum3A_2435 = vector.extract %reduce_sum3A_2434[15] : i32 from vector<16xi32>
    %add3A_2436 = vector.broadcast %reduce_sum3A_2435 : i32 to vector<16xi32>
    %add3A_2437 = arith.addi %add3A_2436, %masked_cumsum3A_2425 : vector<16xi32>
    %sub3A_2438 = arith.constant 1 : i32
    %sub3A_2439 = vector.broadcast %sub3A_2438 : i32 to vector<16xi32>
    %sub3A_2440 = arith.subi %add3A_2437, %sub3A_2439 : vector<16xi32>
    %select_n3A_2441 = arith.select %eq3A_2421, %sub3A_2440, %select_n3A_2410 : vector<16xi1>, vector<16xi32>
    %all_reduce_population_count3A_2442 = tpu.all_reduce %eq3A_2421 {dim = 0 : i64, kind = #tpu.reduction_kind<sum>} : vector<16xi1> -> vector<16xi32>
    %eq3A_2443 = arith.constant 5 : i32
    %eq3A_2444 = vector.broadcast %eq3A_2443 : i32 to vector<16xi32>
    %eq3A_2445 = arith.cmpi eq, %iota3A, %eq3A_2444 : vector<16xi32>
    %jit3A_2446 = arith.constant 0 : i32
    %broadcast_in_dim3A_2447 = vector.broadcast %jit3A_2446 : i32 to vector<16xi32>
    %select_n3A_2448 = arith.select %eq3A_2445, %all_reduce_population_count3A_2442, %broadcast_in_dim3A_2447 : vector<16xi1>, vector<16xi32>
    %add3A_2449 = arith.addi %add3A_2418, %select_n3A_2448 : vector<16xi32>
    %eq3A_2450 = arith.constant 6 : i32
    %eq3A_2451 = vector.broadcast %eq3A_2450 : i32 to vector<16xi32>
    %eq3A_2452 = arith.cmpi eq, %select_n3A_2261, %eq3A_2451 : vector<16xi32>
    %convert_element_type3A_2453 = arith.extui %eq3A_2452 : vector<16xi1> to vector<16xi32>
    %broadcast_in_dim3A_2454 = arith.constant true
    %broadcast_in_dim3A_2455 = vector.broadcast %broadcast_in_dim3A_2454 : i1 to vector<16xi1>
    %masked_cumsum3A_2456 = tpu.scan <sum>, %convert_element_type3A_2453 masked %broadcast_in_dim3A_2455 : vector<16xi32>, vector<16xi1> -> vector<16xi32>
    %eq3A_2457 = arith.constant 6 : i32
    %eq3A_2458 = vector.broadcast %eq3A_2457 : i32 to vector<16xi32>
    %eq3A_2459 = arith.cmpi eq, %iota3A, %eq3A_2458 : vector<16xi32>
    %jit3A_2460 = arith.constant 0 : i32
    %broadcast_in_dim3A_2461 = vector.broadcast %jit3A_2460 : i32 to vector<16xi32>
    %select_n3A_2462 = arith.select %eq3A_2459, %add3A_2449, %broadcast_in_dim3A_2461 : vector<16xi1>, vector<16xi32>
    %reduce_sum3A_2463 = arith.constant true
    %reduce_sum3A_2464 = vector.broadcast %reduce_sum3A_2463 : i1 to vector<16xi1>
    %reduce_sum3A_2465 = tpu.scan <sum>, %select_n3A_2462 masked %reduce_sum3A_2464 : vector<16xi32>, vector<16xi1> -> vector<16xi32>
    %reduce_sum3A_2466 = vector.extract %reduce_sum3A_2465[15] : i32 from vector<16xi32>
    %add3A_2467 = vector.broadcast %reduce_sum3A_2466 : i32 to vector<16xi32>
    %add3A_2468 = arith.addi %add3A_2467, %masked_cumsum3A_2456 : vector<16xi32>
    %sub3A_2469 = arith.constant 1 : i32
    %sub3A_2470 = vector.broadcast %sub3A_2469 : i32 to vector<16xi32>
    %sub3A_2471 = arith.subi %add3A_2468, %sub3A_2470 : vector<16xi32>
    %select_n3A_2472 = arith.select %eq3A_2452, %sub3A_2471, %select_n3A_2441 : vector<16xi1>, vector<16xi32>
    %all_reduce_population_count3A_2473 = tpu.all_reduce %eq3A_2452 {dim = 0 : i64, kind = #tpu.reduction_kind<sum>} : vector<16xi1> -> vector<16xi32>
    %eq3A_2474 = arith.constant 6 : i32
    %eq3A_2475 = vector.broadcast %eq3A_2474 : i32 to vector<16xi32>
    %eq3A_2476 = arith.cmpi eq, %iota3A, %eq3A_2475 : vector<16xi32>
    %jit3A_2477 = arith.constant 0 : i32
    %broadcast_in_dim3A_2478 = vector.broadcast %jit3A_2477 : i32 to vector<16xi32>
    %select_n3A_2479 = arith.select %eq3A_2476, %all_reduce_population_count3A_2473, %broadcast_in_dim3A_2478 : vector<16xi1>, vector<16xi32>
    %add3A_2480 = arith.addi %add3A_2449, %select_n3A_2479 : vector<16xi32>
    %eq3A_2481 = arith.constant 7 : i32
    %eq3A_2482 = vector.broadcast %eq3A_2481 : i32 to vector<16xi32>
    %eq3A_2483 = arith.cmpi eq, %select_n3A_2261, %eq3A_2482 : vector<16xi32>
    %convert_element_type3A_2484 = arith.extui %eq3A_2483 : vector<16xi1> to vector<16xi32>
    %broadcast_in_dim3A_2485 = arith.constant true
    %broadcast_in_dim3A_2486 = vector.broadcast %broadcast_in_dim3A_2485 : i1 to vector<16xi1>
    %masked_cumsum3A_2487 = tpu.scan <sum>, %convert_element_type3A_2484 masked %broadcast_in_dim3A_2486 : vector<16xi32>, vector<16xi1> -> vector<16xi32>
    %eq3A_2488 = arith.constant 7 : i32
    %eq3A_2489 = vector.broadcast %eq3A_2488 : i32 to vector<16xi32>
    %eq3A_2490 = arith.cmpi eq, %iota3A, %eq3A_2489 : vector<16xi32>
    %jit3A_2491 = arith.constant 0 : i32
    %broadcast_in_dim3A_2492 = vector.broadcast %jit3A_2491 : i32 to vector<16xi32>
    %select_n3A_2493 = arith.select %eq3A_2490, %add3A_2480, %broadcast_in_dim3A_2492 : vector<16xi1>, vector<16xi32>
    %reduce_sum3A_2494 = arith.constant true
    %reduce_sum3A_2495 = vector.broadcast %reduce_sum3A_2494 : i1 to vector<16xi1>
    %reduce_sum3A_2496 = tpu.scan <sum>, %select_n3A_2493 masked %reduce_sum3A_2495 : vector<16xi32>, vector<16xi1> -> vector<16xi32>
    %reduce_sum3A_2497 = vector.extract %reduce_sum3A_2496[15] : i32 from vector<16xi32>
    %add3A_2498 = vector.broadcast %reduce_sum3A_2497 : i32 to vector<16xi32>
    %add3A_2499 = arith.addi %add3A_2498, %masked_cumsum3A_2487 : vector<16xi32>
    %sub3A_2500 = arith.constant 1 : i32
    %sub3A_2501 = vector.broadcast %sub3A_2500 : i32 to vector<16xi32>
    %sub3A_2502 = arith.subi %add3A_2499, %sub3A_2501 : vector<16xi32>
    %select_n3A_2503 = arith.select %eq3A_2483, %sub3A_2502, %select_n3A_2472 : vector<16xi1>, vector<16xi32>
    %all_reduce_population_count3A_2504 = tpu.all_reduce %eq3A_2483 {dim = 0 : i64, kind = #tpu.reduction_kind<sum>} : vector<16xi1> -> vector<16xi32>
    %eq3A_2505 = arith.constant 7 : i32
    %eq3A_2506 = vector.broadcast %eq3A_2505 : i32 to vector<16xi32>
    %eq3A_2507 = arith.cmpi eq, %iota3A, %eq3A_2506 : vector<16xi32>
    %jit3A_2508 = arith.constant 0 : i32
    %broadcast_in_dim3A_2509 = vector.broadcast %jit3A_2508 : i32 to vector<16xi32>
    %select_n3A_2510 = arith.select %eq3A_2507, %all_reduce_population_count3A_2504, %broadcast_in_dim3A_2509 : vector<16xi1>, vector<16xi32>
    %add3A_2511 = arith.addi %add3A_2480, %select_n3A_2510 : vector<16xi32>
    %swap3A_2512 = arith.constant 112 : index
    %swap3A_2513 = tpu.vector_load %arg12[%swap3A_2512] {strides = array<i32>} : memref<128xi32, #tpu.memory_space<vmem>>, vector<16xi32>,
    tpu.vector_store %arg12[%swap3A_2512], %select_n3A_2503 {strides = array<i32>} : memref<128xi32, #tpu.memory_space<vmem>>, vector<16xi32>,
    "tpu.region"() ({
      %run_scoped3A = tpu.sem_alloc : memref<!tpu.dma_semaphore, #tpu.memory_space<semaphore_mem>>
      %dma_start3A_2527 = tpu.memref_slice %arg7[%add3A_78] : memref<4096xi32, #tpu.memory_space<hbm>> -> memref<128xi32, #tpu.memory_space<hbm>>
      %dma_start3A_2528 = tpu.memref_slice %arg7[%add3A_78] : memref<4096xi32, #tpu.memory_space<hbm>> -> memref<128xi32, #tpu.memory_space<hbm>>
      tpu.enqueue_dma source(%arg12 : memref<128xi32, #tpu.memory_space<vmem>>) target(%dma_start3A_2528 : memref<128xi32, #tpu.memory_space<hbm>>) target_semaphore(%run_scoped3A : memref<!tpu.dma_semaphore, #tpu.memory_space<semaphore_mem>>)
      %dma_wait3A_2529 = tpu.memref_slice %arg7[%add3A_78] : memref<4096xi32, #tpu.memory_space<hbm>> -> memref<128xi32, #tpu.memory_space<hbm>>
      %dma_wait3A_2530 = tpu.memref_slice %arg7[%add3A_78] : memref<4096xi32, #tpu.memory_space<hbm>> -> memref<128xi32, #tpu.memory_space<hbm>>
      tpu.wait_dma2 semaphore(%run_scoped3A : memref<!tpu.dma_semaphore, #tpu.memory_space<semaphore_mem>>) src(%arg12 : memref<128xi32, #tpu.memory_space<vmem>>) dst(%dma_wait3A_2530 : memref<128xi32, #tpu.memory_space<hbm>>)
      tpu.yield
    }) : () -> ()
    %dma_wait3A = arith.constant 0 : i32
    %dma_wait3A_2514 = tpu.memref_slice %arg5[%add3A_75, %dma_wait3A] : memref<2048x768xf32, #tpu.memory_space<hbm>> -> memref<128x768xf32, #tpu.memory_space<hbm>>
    %dma_wait3A_2515 = arith.constant 0 : i32
    %dma_wait3A_2516 = tpu.memref_slice %arg5[%add3A_75, %dma_wait3A_2515] : memref<2048x768xf32, #tpu.memory_space<hbm>> -> memref<128x768xf32, #tpu.memory_space<hbm>>
    tpu.wait_dma2 semaphore(%arg16 : memref<!tpu.dma_semaphore, #tpu.memory_space<semaphore_mem>>) src(%dma_wait3A_2516 : memref<128x768xf32, #tpu.memory_space<hbm>>) dst(%arg13 : memref<128x768xf32, #tpu.memory_space<vmem>>)
    %dma_start3A_2517 = arith.constant 0 : i32
    %dma_start3A_2518 = arith.constant 0 : i32
    %dma_start3A_2519 = tpu.memref_slice %arg6[%dma_start3A_2517, %dma_start3A_2518] : memref<5888x768xf32, #tpu.memory_space<hbm>> -> memref<5888x768xf32, #tpu.memory_space<hbm>>
    tpu.enqueue_indirect_dma source(%arg13 : memref<128x768xf32, #tpu.memory_space<vmem>>) target(%dma_start3A_2519 : memref<5888x768xf32, #tpu.memory_space<hbm>>) offsets(%arg12 : memref<128xi32, #tpu.memory_space<vmem>>) semaphore(%arg15 : memref<!tpu.dma_semaphore, #tpu.memory_space<semaphore_mem>>)
    %dma_wait3A_2520 = arith.constant 0 : i32
    %dma_wait3A_2521 = arith.constant 0 : i32
    %dma_wait3A_2522 = tpu.memref_slice %arg6[%dma_wait3A_2520, %dma_wait3A_2521] : memref<5888x768xf32, #tpu.memory_space<hbm>> -> memref<5888x768xf32, #tpu.memory_space<hbm>>
    tpu.wait_indirect_dma semaphore(%arg15 : memref<!tpu.dma_semaphore, #tpu.memory_space<semaphore_mem>>) src(%arg13 : memref<128x768xf32, #tpu.memory_space<vmem>>) dst(%dma_wait3A_2522 : memref<5888x768xf32, #tpu.memory_space<hbm>>)
    %eq3A_2523 = arith.constant 0 : i32
    %eq3A_2524 = arith.cmpi eq, %add3A, %eq3A_2523 : i32
    %convert_element_type3A_2525 = arith.extui %eq3A_2524 : i1 to i32
    %cond3A = arith.constant 0 : i32
    %cond3A_2526 = arith.cmpi ne, %convert_element_type3A_2525, %cond3A : i32
    scf.if %cond3A_2526 {
      %add3A_2527 = arith.constant 0 : i32
      %add3A_2528 = vector.broadcast %add3A_2527 : i32 to vector<16xi32>
      %add3A_2529 = arith.addi %iota3A, %add3A_2528 : vector<16xi32>
      %mul3A_2530 = arith.constant 256 : i32
      %mul3A_2531 = vector.broadcast %mul3A_2530 : i32 to vector<16xi32>
      %mul3A_2532 = arith.muli %add3A_2529, %mul3A_2531 : vector<16xi32>
      %broadcast_in_dim3A_2533 = arith.constant -1 : i32
      %broadcast_in_dim3A_2534 = vector.broadcast %broadcast_in_dim3A_2533 : i32 to vector<16xi32>
      %eq3A_2535 = arith.constant 0 : i32
      %eq3A_2536 = vector.broadcast %eq3A_2535 : i32 to vector<16xi32>
      %eq3A_2537 = arith.cmpi eq, %iota3A, %eq3A_2536 : vector<16xi32>
      %jit3A_2538 = arith.constant 0 : i32
      %broadcast_in_dim3A_2539 = vector.broadcast %jit3A_2538 : i32 to vector<16xi32>
      %select_n3A_2540 = arith.select %eq3A_2537, %sub3A_444, %broadcast_in_dim3A_2539 : vector<16xi1>, vector<16xi32>
      %reduce_sum3A_2541 = arith.constant true
      %reduce_sum3A_2542 = vector.broadcast %reduce_sum3A_2541 : i1 to vector<16xi1>
      %reduce_sum3A_2543 = tpu.scan <sum>, %select_n3A_2540 masked %reduce_sum3A_2542 : vector<16xi32>, vector<16xi1> -> vector<16xi32>
      %reduce_sum3A_2544 = vector.extract %reduce_sum3A_2543[15] : i32 from vector<16xi32>
      %eq3A_2545 = arith.constant 0 : i32
      %eq3A_2546 = vector.broadcast %eq3A_2545 : i32 to vector<16xi32>
      %eq3A_2547 = arith.cmpi eq, %iota3A, %eq3A_2546 : vector<16xi32>
      %jit3A_2548 = arith.constant 0 : i32
      %broadcast_in_dim3A_2549 = vector.broadcast %jit3A_2548 : i32 to vector<16xi32>
      %select_n3A_2550 = arith.select %eq3A_2547, %shift_left3A_441, %broadcast_in_dim3A_2549 : vector<16xi1>, vector<16xi32>
      %reduce_sum3A_2551 = arith.constant true
      %reduce_sum3A_2552 = vector.broadcast %reduce_sum3A_2551 : i1 to vector<16xi1>
      %reduce_sum3A_2553 = tpu.scan <sum>, %select_n3A_2550 masked %reduce_sum3A_2552 : vector<16xi32>, vector<16xi1> -> vector<16xi32>
      %reduce_sum3A_2554 = vector.extract %reduce_sum3A_2553[15] : i32 from vector<16xi32>
      %ge3A = vector.broadcast %reduce_sum3A_2544 : i32 to vector<16xi32>
      %ge3A_2555 = arith.cmpi sge, %mul3A_2532, %ge3A : vector<16xi32>
      %add3A_2556 = arith.addi %reduce_sum3A_2544, %reduce_sum3A_2554 : i32
      %lt3A_2557 = vector.broadcast %add3A_2556 : i32 to vector<16xi32>
      %lt3A_2558 = arith.cmpi slt, %mul3A_2532, %lt3A_2557 : vector<16xi32>
      %and3A_2559 = arith.andi %ge3A_2555, %lt3A_2558 : vector<16xi1>
      %jit3A_2560 = arith.constant 0 : i32
      %broadcast_in_dim3A_2561 = vector.broadcast %jit3A_2560 : i32 to vector<16xi32>
      %select_n3A_2562 = arith.select %and3A_2559, %broadcast_in_dim3A_2561, %broadcast_in_dim3A_2534 : vector<16xi1>, vector<16xi32>
      %eq3A_2563 = arith.constant 1 : i32
      %eq3A_2564 = vector.broadcast %eq3A_2563 : i32 to vector<16xi32>
      %eq3A_2565 = arith.cmpi eq, %iota3A, %eq3A_2564 : vector<16xi32>
      %jit3A_2566 = arith.constant 0 : i32
      %broadcast_in_dim3A_2567 = vector.broadcast %jit3A_2566 : i32 to vector<16xi32>
      %select_n3A_2568 = arith.select %eq3A_2565, %sub3A_444, %broadcast_in_dim3A_2567 : vector<16xi1>, vector<16xi32>
      %reduce_sum3A_2569 = arith.constant true
      %reduce_sum3A_2570 = vector.broadcast %reduce_sum3A_2569 : i1 to vector<16xi1>
      %reduce_sum3A_2571 = tpu.scan <sum>, %select_n3A_2568 masked %reduce_sum3A_2570 : vector<16xi32>, vector<16xi1> -> vector<16xi32>
      %reduce_sum3A_2572 = vector.extract %reduce_sum3A_2571[15] : i32 from vector<16xi32>
      %eq3A_2573 = arith.constant 1 : i32
      %eq3A_2574 = vector.broadcast %eq3A_2573 : i32 to vector<16xi32>
      %eq3A_2575 = arith.cmpi eq, %iota3A, %eq3A_2574 : vector<16xi32>
      %jit3A_2576 = arith.constant 0 : i32
      %broadcast_in_dim3A_2577 = vector.broadcast %jit3A_2576 : i32 to vector<16xi32>
      %select_n3A_2578 = arith.select %eq3A_2575, %shift_left3A_441, %broadcast_in_dim3A_2577 : vector<16xi1>, vector<16xi32>
      %reduce_sum3A_2579 = arith.constant true
      %reduce_sum3A_2580 = vector.broadcast %reduce_sum3A_2579 : i1 to vector<16xi1>
      %reduce_sum3A_2581 = tpu.scan <sum>, %select_n3A_2578 masked %reduce_sum3A_2580 : vector<16xi32>, vector<16xi1> -> vector<16xi32>
      %reduce_sum3A_2582 = vector.extract %reduce_sum3A_2581[15] : i32 from vector<16xi32>
      %ge3A_2583 = vector.broadcast %reduce_sum3A_2572 : i32 to vector<16xi32>
      %ge3A_2584 = arith.cmpi sge, %mul3A_2532, %ge3A_2583 : vector<16xi32>
      %add3A_2585 = arith.addi %reduce_sum3A_2572, %reduce_sum3A_2582 : i32
      %lt3A_2586 = vector.broadcast %add3A_2585 : i32 to vector<16xi32>
      %lt3A_2587 = arith.cmpi slt, %mul3A_2532, %lt3A_2586 : vector<16xi32>
      %and3A_2588 = arith.andi %ge3A_2584, %lt3A_2587 : vector<16xi1>
      %jit3A_2589 = arith.constant 1 : i32
      %broadcast_in_dim3A_2590 = vector.broadcast %jit3A_2589 : i32 to vector<16xi32>
      %select_n3A_2591 = arith.select %and3A_2588, %broadcast_in_dim3A_2590, %select_n3A_2562 : vector<16xi1>, vector<16xi32>
      %eq3A_2592 = arith.constant 2 : i32
      %eq3A_2593 = vector.broadcast %eq3A_2592 : i32 to vector<16xi32>
      %eq3A_2594 = arith.cmpi eq, %iota3A, %eq3A_2593 : vector<16xi32>
      %jit3A_2595 = arith.constant 0 : i32
      %broadcast_in_dim3A_2596 = vector.broadcast %jit3A_2595 : i32 to vector<16xi32>
      %select_n3A_2597 = arith.select %eq3A_2594, %sub3A_444, %broadcast_in_dim3A_2596 : vector<16xi1>, vector<16xi32>
      %reduce_sum3A_2598 = arith.constant true
      %reduce_sum3A_2599 = vector.broadcast %reduce_sum3A_2598 : i1 to vector<16xi1>
      %reduce_sum3A_2600 = tpu.scan <sum>, %select_n3A_2597 masked %reduce_sum3A_2599 : vector<16xi32>, vector<16xi1> -> vector<16xi32>
      %reduce_sum3A_2601 = vector.extract %reduce_sum3A_2600[15] : i32 from vector<16xi32>
      %eq3A_2602 = arith.constant 2 : i32
      %eq3A_2603 = vector.broadcast %eq3A_2602 : i32 to vector<16xi32>
      %eq3A_2604 = arith.cmpi eq, %iota3A, %eq3A_2603 : vector<16xi32>
      %jit3A_2605 = arith.constant 0 : i32
      %broadcast_in_dim3A_2606 = vector.broadcast %jit3A_2605 : i32 to vector<16xi32>
      %select_n3A_2607 = arith.select %eq3A_2604, %shift_left3A_441, %broadcast_in_dim3A_2606 : vector<16xi1>, vector<16xi32>
      %reduce_sum3A_2608 = arith.constant true
      %reduce_sum3A_2609 = vector.broadcast %reduce_sum3A_2608 : i1 to vector<16xi1>
      %reduce_sum3A_2610 = tpu.scan <sum>, %select_n3A_2607 masked %reduce_sum3A_2609 : vector<16xi32>, vector<16xi1> -> vector<16xi32>
      %reduce_sum3A_2611 = vector.extract %reduce_sum3A_2610[15] : i32 from vector<16xi32>
      %ge3A_2612 = vector.broadcast %reduce_sum3A_2601 : i32 to vector<16xi32>
      %ge3A_2613 = arith.cmpi sge, %mul3A_2532, %ge3A_2612 : vector<16xi32>
      %add3A_2614 = arith.addi %reduce_sum3A_2601, %reduce_sum3A_2611 : i32
      %lt3A_2615 = vector.broadcast %add3A_2614 : i32 to vector<16xi32>
      %lt3A_2616 = arith.cmpi slt, %mul3A_2532, %lt3A_2615 : vector<16xi32>
      %and3A_2617 = arith.andi %ge3A_2613, %lt3A_2616 : vector<16xi1>
      %jit3A_2618 = arith.constant 2 : i32
      %broadcast_in_dim3A_2619 = vector.broadcast %jit3A_2618 : i32 to vector<16xi32>
      %select_n3A_2620 = arith.select %and3A_2617, %broadcast_in_dim3A_2619, %select_n3A_2591 : vector<16xi1>, vector<16xi32>
      %eq3A_2621 = arith.constant 3 : i32
      %eq3A_2622 = vector.broadcast %eq3A_2621 : i32 to vector<16xi32>
      %eq3A_2623 = arith.cmpi eq, %iota3A, %eq3A_2622 : vector<16xi32>
      %jit3A_2624 = arith.constant 0 : i32
      %broadcast_in_dim3A_2625 = vector.broadcast %jit3A_2624 : i32 to vector<16xi32>
      %select_n3A_2626 = arith.select %eq3A_2623, %sub3A_444, %broadcast_in_dim3A_2625 : vector<16xi1>, vector<16xi32>
      %reduce_sum3A_2627 = arith.constant true
      %reduce_sum3A_2628 = vector.broadcast %reduce_sum3A_2627 : i1 to vector<16xi1>
      %reduce_sum3A_2629 = tpu.scan <sum>, %select_n3A_2626 masked %reduce_sum3A_2628 : vector<16xi32>, vector<16xi1> -> vector<16xi32>
      %reduce_sum3A_2630 = vector.extract %reduce_sum3A_2629[15] : i32 from vector<16xi32>
      %eq3A_2631 = arith.constant 3 : i32
      %eq3A_2632 = vector.broadcast %eq3A_2631 : i32 to vector<16xi32>
      %eq3A_2633 = arith.cmpi eq, %iota3A, %eq3A_2632 : vector<16xi32>
      %jit3A_2634 = arith.constant 0 : i32
      %broadcast_in_dim3A_2635 = vector.broadcast %jit3A_2634 : i32 to vector<16xi32>
      %select_n3A_2636 = arith.select %eq3A_2633, %shift_left3A_441, %broadcast_in_dim3A_2635 : vector<16xi1>, vector<16xi32>
      %reduce_sum3A_2637 = arith.constant true
      %reduce_sum3A_2638 = vector.broadcast %reduce_sum3A_2637 : i1 to vector<16xi1>
      %reduce_sum3A_2639 = tpu.scan <sum>, %select_n3A_2636 masked %reduce_sum3A_2638 : vector<16xi32>, vector<16xi1> -> vector<16xi32>
      %reduce_sum3A_2640 = vector.extract %reduce_sum3A_2639[15] : i32 from vector<16xi32>
      %ge3A_2641 = vector.broadcast %reduce_sum3A_2630 : i32 to vector<16xi32>
      %ge3A_2642 = arith.cmpi sge, %mul3A_2532, %ge3A_2641 : vector<16xi32>
      %add3A_2643 = arith.addi %reduce_sum3A_2630, %reduce_sum3A_2640 : i32
      %lt3A_2644 = vector.broadcast %add3A_2643 : i32 to vector<16xi32>
      %lt3A_2645 = arith.cmpi slt, %mul3A_2532, %lt3A_2644 : vector<16xi32>
      %and3A_2646 = arith.andi %ge3A_2642, %lt3A_2645 : vector<16xi1>
      %jit3A_2647 = arith.constant 3 : i32
      %broadcast_in_dim3A_2648 = vector.broadcast %jit3A_2647 : i32 to vector<16xi32>
      %select_n3A_2649 = arith.select %and3A_2646, %broadcast_in_dim3A_2648, %select_n3A_2620 : vector<16xi1>, vector<16xi32>
      %eq3A_2650 = arith.constant 4 : i32
      %eq3A_2651 = vector.broadcast %eq3A_2650 : i32 to vector<16xi32>
      %eq3A_2652 = arith.cmpi eq, %iota3A, %eq3A_2651 : vector<16xi32>
      %jit3A_2653 = arith.constant 0 : i32
      %broadcast_in_dim3A_2654 = vector.broadcast %jit3A_2653 : i32 to vector<16xi32>
      %select_n3A_2655 = arith.select %eq3A_2652, %sub3A_444, %broadcast_in_dim3A_2654 : vector<16xi1>, vector<16xi32>
      %reduce_sum3A_2656 = arith.constant true
      %reduce_sum3A_2657 = vector.broadcast %reduce_sum3A_2656 : i1 to vector<16xi1>
      %reduce_sum3A_2658 = tpu.scan <sum>, %select_n3A_2655 masked %reduce_sum3A_2657 : vector<16xi32>, vector<16xi1> -> vector<16xi32>
      %reduce_sum3A_2659 = vector.extract %reduce_sum3A_2658[15] : i32 from vector<16xi32>
      %eq3A_2660 = arith.constant 4 : i32
      %eq3A_2661 = vector.broadcast %eq3A_2660 : i32 to vector<16xi32>
      %eq3A_2662 = arith.cmpi eq, %iota3A, %eq3A_2661 : vector<16xi32>
      %jit3A_2663 = arith.constant 0 : i32
      %broadcast_in_dim3A_2664 = vector.broadcast %jit3A_2663 : i32 to vector<16xi32>
      %select_n3A_2665 = arith.select %eq3A_2662, %shift_left3A_441, %broadcast_in_dim3A_2664 : vector<16xi1>, vector<16xi32>
      %reduce_sum3A_2666 = arith.constant true
      %reduce_sum3A_2667 = vector.broadcast %reduce_sum3A_2666 : i1 to vector<16xi1>
      %reduce_sum3A_2668 = tpu.scan <sum>, %select_n3A_2665 masked %reduce_sum3A_2667 : vector<16xi32>, vector<16xi1> -> vector<16xi32>
      %reduce_sum3A_2669 = vector.extract %reduce_sum3A_2668[15] : i32 from vector<16xi32>
      %ge3A_2670 = vector.broadcast %reduce_sum3A_2659 : i32 to vector<16xi32>
      %ge3A_2671 = arith.cmpi sge, %mul3A_2532, %ge3A_2670 : vector<16xi32>
      %add3A_2672 = arith.addi %reduce_sum3A_2659, %reduce_sum3A_2669 : i32
      %lt3A_2673 = vector.broadcast %add3A_2672 : i32 to vector<16xi32>
      %lt3A_2674 = arith.cmpi slt, %mul3A_2532, %lt3A_2673 : vector<16xi32>
      %and3A_2675 = arith.andi %ge3A_2671, %lt3A_2674 : vector<16xi1>
      %jit3A_2676 = arith.constant 4 : i32
      %broadcast_in_dim3A_2677 = vector.broadcast %jit3A_2676 : i32 to vector<16xi32>
      %select_n3A_2678 = arith.select %and3A_2675, %broadcast_in_dim3A_2677, %select_n3A_2649 : vector<16xi1>, vector<16xi32>
      %eq3A_2679 = arith.constant 5 : i32
      %eq3A_2680 = vector.broadcast %eq3A_2679 : i32 to vector<16xi32>
      %eq3A_2681 = arith.cmpi eq, %iota3A, %eq3A_2680 : vector<16xi32>
      %jit3A_2682 = arith.constant 0 : i32
      %broadcast_in_dim3A_2683 = vector.broadcast %jit3A_2682 : i32 to vector<16xi32>
      %select_n3A_2684 = arith.select %eq3A_2681, %sub3A_444, %broadcast_in_dim3A_2683 : vector<16xi1>, vector<16xi32>
      %reduce_sum3A_2685 = arith.constant true
      %reduce_sum3A_2686 = vector.broadcast %reduce_sum3A_2685 : i1 to vector<16xi1>
      %reduce_sum3A_2687 = tpu.scan <sum>, %select_n3A_2684 masked %reduce_sum3A_2686 : vector<16xi32>, vector<16xi1> -> vector<16xi32>
      %reduce_sum3A_2688 = vector.extract %reduce_sum3A_2687[15] : i32 from vector<16xi32>
      %eq3A_2689 = arith.constant 5 : i32
      %eq3A_2690 = vector.broadcast %eq3A_2689 : i32 to vector<16xi32>
      %eq3A_2691 = arith.cmpi eq, %iota3A, %eq3A_2690 : vector<16xi32>
      %jit3A_2692 = arith.constant 0 : i32
      %broadcast_in_dim3A_2693 = vector.broadcast %jit3A_2692 : i32 to vector<16xi32>
      %select_n3A_2694 = arith.select %eq3A_2691, %shift_left3A_441, %broadcast_in_dim3A_2693 : vector<16xi1>, vector<16xi32>
      %reduce_sum3A_2695 = arith.constant true
      %reduce_sum3A_2696 = vector.broadcast %reduce_sum3A_2695 : i1 to vector<16xi1>
      %reduce_sum3A_2697 = tpu.scan <sum>, %select_n3A_2694 masked %reduce_sum3A_2696 : vector<16xi32>, vector<16xi1> -> vector<16xi32>
      %reduce_sum3A_2698 = vector.extract %reduce_sum3A_2697[15] : i32 from vector<16xi32>
      %ge3A_2699 = vector.broadcast %reduce_sum3A_2688 : i32 to vector<16xi32>
      %ge3A_2700 = arith.cmpi sge, %mul3A_2532, %ge3A_2699 : vector<16xi32>
      %add3A_2701 = arith.addi %reduce_sum3A_2688, %reduce_sum3A_2698 : i32
      %lt3A_2702 = vector.broadcast %add3A_2701 : i32 to vector<16xi32>
      %lt3A_2703 = arith.cmpi slt, %mul3A_2532, %lt3A_2702 : vector<16xi32>
      %and3A_2704 = arith.andi %ge3A_2700, %lt3A_2703 : vector<16xi1>
      %jit3A_2705 = arith.constant 5 : i32
      %broadcast_in_dim3A_2706 = vector.broadcast %jit3A_2705 : i32 to vector<16xi32>
      %select_n3A_2707 = arith.select %and3A_2704, %broadcast_in_dim3A_2706, %select_n3A_2678 : vector<16xi1>, vector<16xi32>
      %eq3A_2708 = arith.constant 6 : i32
      %eq3A_2709 = vector.broadcast %eq3A_2708 : i32 to vector<16xi32>
      %eq3A_2710 = arith.cmpi eq, %iota3A, %eq3A_2709 : vector<16xi32>
      %jit3A_2711 = arith.constant 0 : i32
      %broadcast_in_dim3A_2712 = vector.broadcast %jit3A_2711 : i32 to vector<16xi32>
      %select_n3A_2713 = arith.select %eq3A_2710, %sub3A_444, %broadcast_in_dim3A_2712 : vector<16xi1>, vector<16xi32>
      %reduce_sum3A_2714 = arith.constant true
      %reduce_sum3A_2715 = vector.broadcast %reduce_sum3A_2714 : i1 to vector<16xi1>
      %reduce_sum3A_2716 = tpu.scan <sum>, %select_n3A_2713 masked %reduce_sum3A_2715 : vector<16xi32>, vector<16xi1> -> vector<16xi32>
      %reduce_sum3A_2717 = vector.extract %reduce_sum3A_2716[15] : i32 from vector<16xi32>
      %eq3A_2718 = arith.constant 6 : i32
      %eq3A_2719 = vector.broadcast %eq3A_2718 : i32 to vector<16xi32>
      %eq3A_2720 = arith.cmpi eq, %iota3A, %eq3A_2719 : vector<16xi32>
      %jit3A_2721 = arith.constant 0 : i32
      %broadcast_in_dim3A_2722 = vector.broadcast %jit3A_2721 : i32 to vector<16xi32>
      %select_n3A_2723 = arith.select %eq3A_2720, %shift_left3A_441, %broadcast_in_dim3A_2722 : vector<16xi1>, vector<16xi32>
      %reduce_sum3A_2724 = arith.constant true
      %reduce_sum3A_2725 = vector.broadcast %reduce_sum3A_2724 : i1 to vector<16xi1>
      %reduce_sum3A_2726 = tpu.scan <sum>, %select_n3A_2723 masked %reduce_sum3A_2725 : vector<16xi32>, vector<16xi1> -> vector<16xi32>
      %reduce_sum3A_2727 = vector.extract %reduce_sum3A_2726[15] : i32 from vector<16xi32>
      %ge3A_2728 = vector.broadcast %reduce_sum3A_2717 : i32 to vector<16xi32>
      %ge3A_2729 = arith.cmpi sge, %mul3A_2532, %ge3A_2728 : vector<16xi32>
      %add3A_2730 = arith.addi %reduce_sum3A_2717, %reduce_sum3A_2727 : i32
      %lt3A_2731 = vector.broadcast %add3A_2730 : i32 to vector<16xi32>
      %lt3A_2732 = arith.cmpi slt, %mul3A_2532, %lt3A_2731 : vector<16xi32>
      %and3A_2733 = arith.andi %ge3A_2729, %lt3A_2732 : vector<16xi1>
      %jit3A_2734 = arith.constant 6 : i32
      %broadcast_in_dim3A_2735 = vector.broadcast %jit3A_2734 : i32 to vector<16xi32>
      %select_n3A_2736 = arith.select %and3A_2733, %broadcast_in_dim3A_2735, %select_n3A_2707 : vector<16xi1>, vector<16xi32>
      %eq3A_2737 = arith.constant 7 : i32
      %eq3A_2738 = vector.broadcast %eq3A_2737 : i32 to vector<16xi32>
      %eq3A_2739 = arith.cmpi eq, %iota3A, %eq3A_2738 : vector<16xi32>
      %jit3A_2740 = arith.constant 0 : i32
      %broadcast_in_dim3A_2741 = vector.broadcast %jit3A_2740 : i32 to vector<16xi32>
      %select_n3A_2742 = arith.select %eq3A_2739, %sub3A_444, %broadcast_in_dim3A_2741 : vector<16xi1>, vector<16xi32>
      %reduce_sum3A_2743 = arith.constant true
      %reduce_sum3A_2744 = vector.broadcast %reduce_sum3A_2743 : i1 to vector<16xi1>
      %reduce_sum3A_2745 = tpu.scan <sum>, %select_n3A_2742 masked %reduce_sum3A_2744 : vector<16xi32>, vector<16xi1> -> vector<16xi32>
      %reduce_sum3A_2746 = vector.extract %reduce_sum3A_2745[15] : i32 from vector<16xi32>
      %eq3A_2747 = arith.constant 7 : i32
      %eq3A_2748 = vector.broadcast %eq3A_2747 : i32 to vector<16xi32>
      %eq3A_2749 = arith.cmpi eq, %iota3A, %eq3A_2748 : vector<16xi32>
      %jit3A_2750 = arith.constant 0 : i32
      %broadcast_in_dim3A_2751 = vector.broadcast %jit3A_2750 : i32 to vector<16xi32>
      %select_n3A_2752 = arith.select %eq3A_2749, %shift_left3A_441, %broadcast_in_dim3A_2751 : vector<16xi1>, vector<16xi32>
      %reduce_sum3A_2753 = arith.constant true
      %reduce_sum3A_2754 = vector.broadcast %reduce_sum3A_2753 : i1 to vector<16xi1>
      %reduce_sum3A_2755 = tpu.scan <sum>, %select_n3A_2752 masked %reduce_sum3A_2754 : vector<16xi32>, vector<16xi1> -> vector<16xi32>
      %reduce_sum3A_2756 = vector.extract %reduce_sum3A_2755[15] : i32 from vector<16xi32>
      %ge3A_2757 = vector.broadcast %reduce_sum3A_2746 : i32 to vector<16xi32>
      %ge3A_2758 = arith.cmpi sge, %mul3A_2532, %ge3A_2757 : vector<16xi32>
      %add3A_2759 = arith.addi %reduce_sum3A_2746, %reduce_sum3A_2756 : i32
      %lt3A_2760 = vector.broadcast %add3A_2759 : i32 to vector<16xi32>
      %lt3A_2761 = arith.cmpi slt, %mul3A_2532, %lt3A_2760 : vector<16xi32>
      %and3A_2762 = arith.andi %ge3A_2758, %lt3A_2761 : vector<16xi1>
      %jit3A_2763 = arith.constant 7 : i32
      %broadcast_in_dim3A_2764 = vector.broadcast %jit3A_2763 : i32 to vector<16xi32>
      %select_n3A_2765 = arith.select %and3A_2762, %broadcast_in_dim3A_2764, %select_n3A_2736 : vector<16xi1>, vector<16xi32>
      %swap3A_2766 = arith.constant 0 : index
      %swap3A_2767 = tpu.vector_load %arg14[%swap3A_2766] {strides = array<i32>} : memref<32xi32, #tpu.memory_space<vmem>>, vector<16xi32>,
      tpu.vector_store %arg14[%swap3A_2766], %select_n3A_2765 {strides = array<i32>} : memref<32xi32, #tpu.memory_space<vmem>>, vector<16xi32>,
      %add3A_2768 = arith.constant 16 : i32
      %add3A_2769 = vector.broadcast %add3A_2768 : i32 to vector<16xi32>
      %add3A_2770 = arith.addi %iota3A, %add3A_2769 : vector<16xi32>
      %mul3A_2771 = arith.constant 256 : i32
      %mul3A_2772 = vector.broadcast %mul3A_2771 : i32 to vector<16xi32>
      %mul3A_2773 = arith.muli %add3A_2770, %mul3A_2772 : vector<16xi32>
      %broadcast_in_dim3A_2774 = arith.constant -1 : i32
      %broadcast_in_dim3A_2775 = vector.broadcast %broadcast_in_dim3A_2774 : i32 to vector<16xi32>
      %eq3A_2776 = arith.constant 0 : i32
      %eq3A_2777 = vector.broadcast %eq3A_2776 : i32 to vector<16xi32>
      %eq3A_2778 = arith.cmpi eq, %iota3A, %eq3A_2777 : vector<16xi32>
      %jit3A_2779 = arith.constant 0 : i32
      %broadcast_in_dim3A_2780 = vector.broadcast %jit3A_2779 : i32 to vector<16xi32>
      %select_n3A_2781 = arith.select %eq3A_2778, %sub3A_444, %broadcast_in_dim3A_2780 : vector<16xi1>, vector<16xi32>
      %reduce_sum3A_2782 = arith.constant true
      %reduce_sum3A_2783 = vector.broadcast %reduce_sum3A_2782 : i1 to vector<16xi1>
      %reduce_sum3A_2784 = tpu.scan <sum>, %select_n3A_2781 masked %reduce_sum3A_2783 : vector<16xi32>, vector<16xi1> -> vector<16xi32>
      %reduce_sum3A_2785 = vector.extract %reduce_sum3A_2784[15] : i32 from vector<16xi32>
      %eq3A_2786 = arith.constant 0 : i32
      %eq3A_2787 = vector.broadcast %eq3A_2786 : i32 to vector<16xi32>
      %eq3A_2788 = arith.cmpi eq, %iota3A, %eq3A_2787 : vector<16xi32>
      %jit3A_2789 = arith.constant 0 : i32
      %broadcast_in_dim3A_2790 = vector.broadcast %jit3A_2789 : i32 to vector<16xi32>
      %select_n3A_2791 = arith.select %eq3A_2788, %shift_left3A_441, %broadcast_in_dim3A_2790 : vector<16xi1>, vector<16xi32>
      %reduce_sum3A_2792 = arith.constant true
      %reduce_sum3A_2793 = vector.broadcast %reduce_sum3A_2792 : i1 to vector<16xi1>
      %reduce_sum3A_2794 = tpu.scan <sum>, %select_n3A_2791 masked %reduce_sum3A_2793 : vector<16xi32>, vector<16xi1> -> vector<16xi32>
      %reduce_sum3A_2795 = vector.extract %reduce_sum3A_2794[15] : i32 from vector<16xi32>
      %ge3A_2796 = vector.broadcast %reduce_sum3A_2785 : i32 to vector<16xi32>
      %ge3A_2797 = arith.cmpi sge, %mul3A_2773, %ge3A_2796 : vector<16xi32>
      %add3A_2798 = arith.addi %reduce_sum3A_2785, %reduce_sum3A_2795 : i32
      %lt3A_2799 = vector.broadcast %add3A_2798 : i32 to vector<16xi32>
      %lt3A_2800 = arith.cmpi slt, %mul3A_2773, %lt3A_2799 : vector<16xi32>
      %and3A_2801 = arith.andi %ge3A_2797, %lt3A_2800 : vector<16xi1>
      %jit3A_2802 = arith.constant 0 : i32
      %broadcast_in_dim3A_2803 = vector.broadcast %jit3A_2802 : i32 to vector<16xi32>
      %select_n3A_2804 = arith.select %and3A_2801, %broadcast_in_dim3A_2803, %broadcast_in_dim3A_2775 : vector<16xi1>, vector<16xi32>
      %eq3A_2805 = arith.constant 1 : i32
      %eq3A_2806 = vector.broadcast %eq3A_2805 : i32 to vector<16xi32>
      %eq3A_2807 = arith.cmpi eq, %iota3A, %eq3A_2806 : vector<16xi32>
      %jit3A_2808 = arith.constant 0 : i32
      %broadcast_in_dim3A_2809 = vector.broadcast %jit3A_2808 : i32 to vector<16xi32>
      %select_n3A_2810 = arith.select %eq3A_2807, %sub3A_444, %broadcast_in_dim3A_2809 : vector<16xi1>, vector<16xi32>
      %reduce_sum3A_2811 = arith.constant true
      %reduce_sum3A_2812 = vector.broadcast %reduce_sum3A_2811 : i1 to vector<16xi1>
      %reduce_sum3A_2813 = tpu.scan <sum>, %select_n3A_2810 masked %reduce_sum3A_2812 : vector<16xi32>, vector<16xi1> -> vector<16xi32>
      %reduce_sum3A_2814 = vector.extract %reduce_sum3A_2813[15] : i32 from vector<16xi32>
      %eq3A_2815 = arith.constant 1 : i32
      %eq3A_2816 = vector.broadcast %eq3A_2815 : i32 to vector<16xi32>
      %eq3A_2817 = arith.cmpi eq, %iota3A, %eq3A_2816 : vector<16xi32>
      %jit3A_2818 = arith.constant 0 : i32
      %broadcast_in_dim3A_2819 = vector.broadcast %jit3A_2818 : i32 to vector<16xi32>
      %select_n3A_2820 = arith.select %eq3A_2817, %shift_left3A_441, %broadcast_in_dim3A_2819 : vector<16xi1>, vector<16xi32>
      %reduce_sum3A_2821 = arith.constant true
      %reduce_sum3A_2822 = vector.broadcast %reduce_sum3A_2821 : i1 to vector<16xi1>
      %reduce_sum3A_2823 = tpu.scan <sum>, %select_n3A_2820 masked %reduce_sum3A_2822 : vector<16xi32>, vector<16xi1> -> vector<16xi32>
      %reduce_sum3A_2824 = vector.extract %reduce_sum3A_2823[15] : i32 from vector<16xi32>
      %ge3A_2825 = vector.broadcast %reduce_sum3A_2814 : i32 to vector<16xi32>
      %ge3A_2826 = arith.cmpi sge, %mul3A_2773, %ge3A_2825 : vector<16xi32>
      %add3A_2827 = arith.addi %reduce_sum3A_2814, %reduce_sum3A_2824 : i32
      %lt3A_2828 = vector.broadcast %add3A_2827 : i32 to vector<16xi32>
      %lt3A_2829 = arith.cmpi slt, %mul3A_2773, %lt3A_2828 : vector<16xi32>
      %and3A_2830 = arith.andi %ge3A_2826, %lt3A_2829 : vector<16xi1>
      %jit3A_2831 = arith.constant 1 : i32
      %broadcast_in_dim3A_2832 = vector.broadcast %jit3A_2831 : i32 to vector<16xi32>
      %select_n3A_2833 = arith.select %and3A_2830, %broadcast_in_dim3A_2832, %select_n3A_2804 : vector<16xi1>, vector<16xi32>
      %eq3A_2834 = arith.constant 2 : i32
      %eq3A_2835 = vector.broadcast %eq3A_2834 : i32 to vector<16xi32>
      %eq3A_2836 = arith.cmpi eq, %iota3A, %eq3A_2835 : vector<16xi32>
      %jit3A_2837 = arith.constant 0 : i32
      %broadcast_in_dim3A_2838 = vector.broadcast %jit3A_2837 : i32 to vector<16xi32>
      %select_n3A_2839 = arith.select %eq3A_2836, %sub3A_444, %broadcast_in_dim3A_2838 : vector<16xi1>, vector<16xi32>
      %reduce_sum3A_2840 = arith.constant true
      %reduce_sum3A_2841 = vector.broadcast %reduce_sum3A_2840 : i1 to vector<16xi1>
      %reduce_sum3A_2842 = tpu.scan <sum>, %select_n3A_2839 masked %reduce_sum3A_2841 : vector<16xi32>, vector<16xi1> -> vector<16xi32>
      %reduce_sum3A_2843 = vector.extract %reduce_sum3A_2842[15] : i32 from vector<16xi32>
      %eq3A_2844 = arith.constant 2 : i32
      %eq3A_2845 = vector.broadcast %eq3A_2844 : i32 to vector<16xi32>
      %eq3A_2846 = arith.cmpi eq, %iota3A, %eq3A_2845 : vector<16xi32>
      %jit3A_2847 = arith.constant 0 : i32
      %broadcast_in_dim3A_2848 = vector.broadcast %jit3A_2847 : i32 to vector<16xi32>
      %select_n3A_2849 = arith.select %eq3A_2846, %shift_left3A_441, %broadcast_in_dim3A_2848 : vector<16xi1>, vector<16xi32>
      %reduce_sum3A_2850 = arith.constant true
      %reduce_sum3A_2851 = vector.broadcast %reduce_sum3A_2850 : i1 to vector<16xi1>
      %reduce_sum3A_2852 = tpu.scan <sum>, %select_n3A_2849 masked %reduce_sum3A_2851 : vector<16xi32>, vector<16xi1> -> vector<16xi32>
      %reduce_sum3A_2853 = vector.extract %reduce_sum3A_2852[15] : i32 from vector<16xi32>
      %ge3A_2854 = vector.broadcast %reduce_sum3A_2843 : i32 to vector<16xi32>
      %ge3A_2855 = arith.cmpi sge, %mul3A_2773, %ge3A_2854 : vector<16xi32>
      %add3A_2856 = arith.addi %reduce_sum3A_2843, %reduce_sum3A_2853 : i32
      %lt3A_2857 = vector.broadcast %add3A_2856 : i32 to vector<16xi32>
      %lt3A_2858 = arith.cmpi slt, %mul3A_2773, %lt3A_2857 : vector<16xi32>
      %and3A_2859 = arith.andi %ge3A_2855, %lt3A_2858 : vector<16xi1>
      %jit3A_2860 = arith.constant 2 : i32
      %broadcast_in_dim3A_2861 = vector.broadcast %jit3A_2860 : i32 to vector<16xi32>
      %select_n3A_2862 = arith.select %and3A_2859, %broadcast_in_dim3A_2861, %select_n3A_2833 : vector<16xi1>, vector<16xi32>
      %eq3A_2863 = arith.constant 3 : i32
      %eq3A_2864 = vector.broadcast %eq3A_2863 : i32 to vector<16xi32>
      %eq3A_2865 = arith.cmpi eq, %iota3A, %eq3A_2864 : vector<16xi32>
      %jit3A_2866 = arith.constant 0 : i32
      %broadcast_in_dim3A_2867 = vector.broadcast %jit3A_2866 : i32 to vector<16xi32>
      %select_n3A_2868 = arith.select %eq3A_2865, %sub3A_444, %broadcast_in_dim3A_2867 : vector<16xi1>, vector<16xi32>
      %reduce_sum3A_2869 = arith.constant true
      %reduce_sum3A_2870 = vector.broadcast %reduce_sum3A_2869 : i1 to vector<16xi1>
      %reduce_sum3A_2871 = tpu.scan <sum>, %select_n3A_2868 masked %reduce_sum3A_2870 : vector<16xi32>, vector<16xi1> -> vector<16xi32>
      %reduce_sum3A_2872 = vector.extract %reduce_sum3A_2871[15] : i32 from vector<16xi32>
      %eq3A_2873 = arith.constant 3 : i32
      %eq3A_2874 = vector.broadcast %eq3A_2873 : i32 to vector<16xi32>
      %eq3A_2875 = arith.cmpi eq, %iota3A, %eq3A_2874 : vector<16xi32>
      %jit3A_2876 = arith.constant 0 : i32
      %broadcast_in_dim3A_2877 = vector.broadcast %jit3A_2876 : i32 to vector<16xi32>
      %select_n3A_2878 = arith.select %eq3A_2875, %shift_left3A_441, %broadcast_in_dim3A_2877 : vector<16xi1>, vector<16xi32>
      %reduce_sum3A_2879 = arith.constant true
      %reduce_sum3A_2880 = vector.broadcast %reduce_sum3A_2879 : i1 to vector<16xi1>
      %reduce_sum3A_2881 = tpu.scan <sum>, %select_n3A_2878 masked %reduce_sum3A_2880 : vector<16xi32>, vector<16xi1> -> vector<16xi32>
      %reduce_sum3A_2882 = vector.extract %reduce_sum3A_2881[15] : i32 from vector<16xi32>
      %ge3A_2883 = vector.broadcast %reduce_sum3A_2872 : i32 to vector<16xi32>
      %ge3A_2884 = arith.cmpi sge, %mul3A_2773, %ge3A_2883 : vector<16xi32>
      %add3A_2885 = arith.addi %reduce_sum3A_2872, %reduce_sum3A_2882 : i32
      %lt3A_2886 = vector.broadcast %add3A_2885 : i32 to vector<16xi32>
      %lt3A_2887 = arith.cmpi slt, %mul3A_2773, %lt3A_2886 : vector<16xi32>
      %and3A_2888 = arith.andi %ge3A_2884, %lt3A_2887 : vector<16xi1>
      %jit3A_2889 = arith.constant 3 : i32
      %broadcast_in_dim3A_2890 = vector.broadcast %jit3A_2889 : i32 to vector<16xi32>
      %select_n3A_2891 = arith.select %and3A_2888, %broadcast_in_dim3A_2890, %select_n3A_2862 : vector<16xi1>, vector<16xi32>
      %eq3A_2892 = arith.constant 4 : i32
      %eq3A_2893 = vector.broadcast %eq3A_2892 : i32 to vector<16xi32>
      %eq3A_2894 = arith.cmpi eq, %iota3A, %eq3A_2893 : vector<16xi32>
      %jit3A_2895 = arith.constant 0 : i32
      %broadcast_in_dim3A_2896 = vector.broadcast %jit3A_2895 : i32 to vector<16xi32>
      %select_n3A_2897 = arith.select %eq3A_2894, %sub3A_444, %broadcast_in_dim3A_2896 : vector<16xi1>, vector<16xi32>
      %reduce_sum3A_2898 = arith.constant true
      %reduce_sum3A_2899 = vector.broadcast %reduce_sum3A_2898 : i1 to vector<16xi1>
      %reduce_sum3A_2900 = tpu.scan <sum>, %select_n3A_2897 masked %reduce_sum3A_2899 : vector<16xi32>, vector<16xi1> -> vector<16xi32>
      %reduce_sum3A_2901 = vector.extract %reduce_sum3A_2900[15] : i32 from vector<16xi32>
      %eq3A_2902 = arith.constant 4 : i32
      %eq3A_2903 = vector.broadcast %eq3A_2902 : i32 to vector<16xi32>
      %eq3A_2904 = arith.cmpi eq, %iota3A, %eq3A_2903 : vector<16xi32>
      %jit3A_2905 = arith.constant 0 : i32
      %broadcast_in_dim3A_2906 = vector.broadcast %jit3A_2905 : i32 to vector<16xi32>
      %select_n3A_2907 = arith.select %eq3A_2904, %shift_left3A_441, %broadcast_in_dim3A_2906 : vector<16xi1>, vector<16xi32>
      %reduce_sum3A_2908 = arith.constant true
      %reduce_sum3A_2909 = vector.broadcast %reduce_sum3A_2908 : i1 to vector<16xi1>
      %reduce_sum3A_2910 = tpu.scan <sum>, %select_n3A_2907 masked %reduce_sum3A_2909 : vector<16xi32>, vector<16xi1> -> vector<16xi32>
      %reduce_sum3A_2911 = vector.extract %reduce_sum3A_2910[15] : i32 from vector<16xi32>
      %ge3A_2912 = vector.broadcast %reduce_sum3A_2901 : i32 to vector<16xi32>
      %ge3A_2913 = arith.cmpi sge, %mul3A_2773, %ge3A_2912 : vector<16xi32>
      %add3A_2914 = arith.addi %reduce_sum3A_2901, %reduce_sum3A_2911 : i32
      %lt3A_2915 = vector.broadcast %add3A_2914 : i32 to vector<16xi32>
      %lt3A_2916 = arith.cmpi slt, %mul3A_2773, %lt3A_2915 : vector<16xi32>
      %and3A_2917 = arith.andi %ge3A_2913, %lt3A_2916 : vector<16xi1>
      %jit3A_2918 = arith.constant 4 : i32
      %broadcast_in_dim3A_2919 = vector.broadcast %jit3A_2918 : i32 to vector<16xi32>
      %select_n3A_2920 = arith.select %and3A_2917, %broadcast_in_dim3A_2919, %select_n3A_2891 : vector<16xi1>, vector<16xi32>
      %eq3A_2921 = arith.constant 5 : i32
      %eq3A_2922 = vector.broadcast %eq3A_2921 : i32 to vector<16xi32>
      %eq3A_2923 = arith.cmpi eq, %iota3A, %eq3A_2922 : vector<16xi32>
      %jit3A_2924 = arith.constant 0 : i32
      %broadcast_in_dim3A_2925 = vector.broadcast %jit3A_2924 : i32 to vector<16xi32>
      %select_n3A_2926 = arith.select %eq3A_2923, %sub3A_444, %broadcast_in_dim3A_2925 : vector<16xi1>, vector<16xi32>
      %reduce_sum3A_2927 = arith.constant true
      %reduce_sum3A_2928 = vector.broadcast %reduce_sum3A_2927 : i1 to vector<16xi1>
      %reduce_sum3A_2929 = tpu.scan <sum>, %select_n3A_2926 masked %reduce_sum3A_2928 : vector<16xi32>, vector<16xi1> -> vector<16xi32>
      %reduce_sum3A_2930 = vector.extract %reduce_sum3A_2929[15] : i32 from vector<16xi32>
      %eq3A_2931 = arith.constant 5 : i32
      %eq3A_2932 = vector.broadcast %eq3A_2931 : i32 to vector<16xi32>
      %eq3A_2933 = arith.cmpi eq, %iota3A, %eq3A_2932 : vector<16xi32>
      %jit3A_2934 = arith.constant 0 : i32
      %broadcast_in_dim3A_2935 = vector.broadcast %jit3A_2934 : i32 to vector<16xi32>
      %select_n3A_2936 = arith.select %eq3A_2933, %shift_left3A_441, %broadcast_in_dim3A_2935 : vector<16xi1>, vector<16xi32>
      %reduce_sum3A_2937 = arith.constant true
      %reduce_sum3A_2938 = vector.broadcast %reduce_sum3A_2937 : i1 to vector<16xi1>
      %reduce_sum3A_2939 = tpu.scan <sum>, %select_n3A_2936 masked %reduce_sum3A_2938 : vector<16xi32>, vector<16xi1> -> vector<16xi32>
      %reduce_sum3A_2940 = vector.extract %reduce_sum3A_2939[15] : i32 from vector<16xi32>
      %ge3A_2941 = vector.broadcast %reduce_sum3A_2930 : i32 to vector<16xi32>
      %ge3A_2942 = arith.cmpi sge, %mul3A_2773, %ge3A_2941 : vector<16xi32>
      %add3A_2943 = arith.addi %reduce_sum3A_2930, %reduce_sum3A_2940 : i32
      %lt3A_2944 = vector.broadcast %add3A_2943 : i32 to vector<16xi32>
      %lt3A_2945 = arith.cmpi slt, %mul3A_2773, %lt3A_2944 : vector<16xi32>
      %and3A_2946 = arith.andi %ge3A_2942, %lt3A_2945 : vector<16xi1>
      %jit3A_2947 = arith.constant 5 : i32
      %broadcast_in_dim3A_2948 = vector.broadcast %jit3A_2947 : i32 to vector<16xi32>
      %select_n3A_2949 = arith.select %and3A_2946, %broadcast_in_dim3A_2948, %select_n3A_2920 : vector<16xi1>, vector<16xi32>
      %eq3A_2950 = arith.constant 6 : i32
      %eq3A_2951 = vector.broadcast %eq3A_2950 : i32 to vector<16xi32>
      %eq3A_2952 = arith.cmpi eq, %iota3A, %eq3A_2951 : vector<16xi32>
      %jit3A_2953 = arith.constant 0 : i32
      %broadcast_in_dim3A_2954 = vector.broadcast %jit3A_2953 : i32 to vector<16xi32>
      %select_n3A_2955 = arith.select %eq3A_2952, %sub3A_444, %broadcast_in_dim3A_2954 : vector<16xi1>, vector<16xi32>
      %reduce_sum3A_2956 = arith.constant true
      %reduce_sum3A_2957 = vector.broadcast %reduce_sum3A_2956 : i1 to vector<16xi1>
      %reduce_sum3A_2958 = tpu.scan <sum>, %select_n3A_2955 masked %reduce_sum3A_2957 : vector<16xi32>, vector<16xi1> -> vector<16xi32>
      %reduce_sum3A_2959 = vector.extract %reduce_sum3A_2958[15] : i32 from vector<16xi32>
      %eq3A_2960 = arith.constant 6 : i32
      %eq3A_2961 = vector.broadcast %eq3A_2960 : i32 to vector<16xi32>
      %eq3A_2962 = arith.cmpi eq, %iota3A, %eq3A_2961 : vector<16xi32>
      %jit3A_2963 = arith.constant 0 : i32
      %broadcast_in_dim3A_2964 = vector.broadcast %jit3A_2963 : i32 to vector<16xi32>
      %select_n3A_2965 = arith.select %eq3A_2962, %shift_left3A_441, %broadcast_in_dim3A_2964 : vector<16xi1>, vector<16xi32>
      %reduce_sum3A_2966 = arith.constant true
      %reduce_sum3A_2967 = vector.broadcast %reduce_sum3A_2966 : i1 to vector<16xi1>
      %reduce_sum3A_2968 = tpu.scan <sum>, %select_n3A_2965 masked %reduce_sum3A_2967 : vector<16xi32>, vector<16xi1> -> vector<16xi32>
      %reduce_sum3A_2969 = vector.extract %reduce_sum3A_2968[15] : i32 from vector<16xi32>
      %ge3A_2970 = vector.broadcast %reduce_sum3A_2959 : i32 to vector<16xi32>
      %ge3A_2971 = arith.cmpi sge, %mul3A_2773, %ge3A_2970 : vector<16xi32>
      %add3A_2972 = arith.addi %reduce_sum3A_2959, %reduce_sum3A_2969 : i32
      %lt3A_2973 = vector.broadcast %add3A_2972 : i32 to vector<16xi32>
      %lt3A_2974 = arith.cmpi slt, %mul3A_2773, %lt3A_2973 : vector<16xi32>
      %and3A_2975 = arith.andi %ge3A_2971, %lt3A_2974 : vector<16xi1>
      %jit3A_2976 = arith.constant 6 : i32
      %broadcast_in_dim3A_2977 = vector.broadcast %jit3A_2976 : i32 to vector<16xi32>
      %select_n3A_2978 = arith.select %and3A_2975, %broadcast_in_dim3A_2977, %select_n3A_2949 : vector<16xi1>, vector<16xi32>
      %eq3A_2979 = arith.constant 7 : i32
      %eq3A_2980 = vector.broadcast %eq3A_2979 : i32 to vector<16xi32>
      %eq3A_2981 = arith.cmpi eq, %iota3A, %eq3A_2980 : vector<16xi32>
      %jit3A_2982 = arith.constant 0 : i32
      %broadcast_in_dim3A_2983 = vector.broadcast %jit3A_2982 : i32 to vector<16xi32>
      %select_n3A_2984 = arith.select %eq3A_2981, %sub3A_444, %broadcast_in_dim3A_2983 : vector<16xi1>, vector<16xi32>
      %reduce_sum3A_2985 = arith.constant true
      %reduce_sum3A_2986 = vector.broadcast %reduce_sum3A_2985 : i1 to vector<16xi1>
      %reduce_sum3A_2987 = tpu.scan <sum>, %select_n3A_2984 masked %reduce_sum3A_2986 : vector<16xi32>, vector<16xi1> -> vector<16xi32>
      %reduce_sum3A_2988 = vector.extract %reduce_sum3A_2987[15] : i32 from vector<16xi32>
      %eq3A_2989 = arith.constant 7 : i32
      %eq3A_2990 = vector.broadcast %eq3A_2989 : i32 to vector<16xi32>
      %eq3A_2991 = arith.cmpi eq, %iota3A, %eq3A_2990 : vector<16xi32>
      %jit3A_2992 = arith.constant 0 : i32
      %broadcast_in_dim3A_2993 = vector.broadcast %jit3A_2992 : i32 to vector<16xi32>
      %select_n3A_2994 = arith.select %eq3A_2991, %shift_left3A_441, %broadcast_in_dim3A_2993 : vector<16xi1>, vector<16xi32>
      %reduce_sum3A_2995 = arith.constant true
      %reduce_sum3A_2996 = vector.broadcast %reduce_sum3A_2995 : i1 to vector<16xi1>
      %reduce_sum3A_2997 = tpu.scan <sum>, %select_n3A_2994 masked %reduce_sum3A_2996 : vector<16xi32>, vector<16xi1> -> vector<16xi32>
      %reduce_sum3A_2998 = vector.extract %reduce_sum3A_2997[15] : i32 from vector<16xi32>
      %ge3A_2999 = vector.broadcast %reduce_sum3A_2988 : i32 to vector<16xi32>
      %ge3A_3000 = arith.cmpi sge, %mul3A_2773, %ge3A_2999 : vector<16xi32>
      %add3A_3001 = arith.addi %reduce_sum3A_2988, %reduce_sum3A_2998 : i32
      %lt3A_3002 = vector.broadcast %add3A_3001 : i32 to vector<16xi32>
      %lt3A_3003 = arith.cmpi slt, %mul3A_2773, %lt3A_3002 : vector<16xi32>
      %and3A_3004 = arith.andi %ge3A_3000, %lt3A_3003 : vector<16xi1>
      %jit3A_3005 = arith.constant 7 : i32
      %broadcast_in_dim3A_3006 = vector.broadcast %jit3A_3005 : i32 to vector<16xi32>
      %select_n3A_3007 = arith.select %and3A_3004, %broadcast_in_dim3A_3006, %select_n3A_2978 : vector<16xi1>, vector<16xi32>
      %swap3A_3008 = arith.constant 16 : index
      %swap3A_3009 = tpu.vector_load %arg14[%swap3A_3008] {strides = array<i32>} : memref<32xi32, #tpu.memory_space<vmem>>, vector<16xi32>,
      tpu.vector_store %arg14[%swap3A_3008], %select_n3A_3007 {strides = array<i32>} : memref<32xi32, #tpu.memory_space<vmem>>, vector<16xi32>,
      "tpu.region"() ({
        %run_scoped3A = tpu.sem_alloc : memref<!tpu.dma_semaphore, #tpu.memory_space<semaphore_mem>>
        tpu.enqueue_dma source(%arg14 : memref<32xi32, #tpu.memory_space<vmem>>) target(%arg8 : memref<32xi32, #tpu.memory_space<hbm>>) target_semaphore(%run_scoped3A : memref<!tpu.dma_semaphore, #tpu.memory_space<semaphore_mem>>)
        tpu.wait_dma2 semaphore(%run_scoped3A : memref<!tpu.dma_semaphore, #tpu.memory_space<semaphore_mem>>) src(%arg14 : memref<32xi32, #tpu.memory_space<vmem>>) dst(%arg8 : memref<32xi32, #tpu.memory_space<hbm>>)
        tpu.yield
      }) : () -> ()
    } else {
    }
    return
  }
}

module attributes {stable_mosaic.version = 14 : i64} {
  func.func @_router_body(%arg0: i32, %arg1: memref<512x768xf32, #tpu.memory_space<vmem>>, %arg2: memref<768x128xf32, #tpu.memory_space<vmem>>, %arg3: memref<1x128xf32, #tpu.memory_space<vmem>>, %arg4: memref<512xi32, #tpu.memory_space<vmem>>, %arg5: memref<512xi32, #tpu.memory_space<vmem>>, %arg6: memref<512xf32, #tpu.memory_space<vmem>>, %arg7: memref<8x128xi32, #tpu.memory_space<vmem>>) attributes {dimension_semantics = [#tpu.dimension_semantics<arbitrary>], iteration_bounds = array<i64: 4>, scalar_prefetch = 0 : i64, scratch_operands = 0 : i64, tpu.core_type = #tpu.core_type<tc>, window_params = [{transform_indices = @transform_0, window_bounds = array<i64: 512, 768>}, {pipeline_mode = #tpu.pipeline_mode<synchronous>, transform_indices = @transform_1, window_bounds = array<i64: 768, 128>}, {pipeline_mode = #tpu.pipeline_mode<synchronous>, transform_indices = @transform_2, window_bounds = array<i64: 1, 128>}, {transform_indices = @transform_3, window_bounds = array<i64: 512>}, {transform_indices = @transform_4, window_bounds = array<i64: 512>}, {transform_indices = @transform_5, window_bounds = array<i64: 512>}, {transform_indices = @transform_6, window_bounds = array<i64: 8, 128>}]} {
    %get3A = arith.constant 0 : index
    %get3A_0 = arith.constant 0 : index
    %get3A_1 = vector.load %arg1[%get3A, %get3A_0] : memref<512x768xf32, #tpu.memory_space<vmem>>, vector<512x768xf32>
    %get3A_2 = arith.constant 0 : index
    %get3A_3 = arith.constant 0 : index
    %get3A_4 = vector.load %arg2[%get3A_2, %get3A_3] : memref<768x128xf32, #tpu.memory_space<vmem>>, vector<768x128xf32>
    %dot_general3A = arith.constant dense<0.000000e+00> : vector<512x128xf32>
    %dot_general3A_5 = tpu.matmul %get3A_1, %get3A_4, %dot_general3A {dimension_numbers = #tpu.dot_dimension_numbers<[1], [0], [0], [1], [0, 0, 1, 1], [], []>, transpose_lhs_hint = false} : vector<512x768xf32>, vector<768x128xf32>, vector<512x128xf32> -> vector<512x128xf32>
    %get3A_6 = arith.constant 0 : index
    %get3A_7 = arith.constant 0 : index
    %get3A_8 = vector.load %arg3[%get3A_6, %get3A_7] : memref<1x128xf32, #tpu.memory_space<vmem>>, vector<1x128xf32>
    %add3A = vector.broadcast %get3A_8 : vector<1x128xf32> to vector<512x128xf32>
    %add3A_9 = arith.addf %dot_general3A_5, %add3A : vector<512x128xf32>
    %iota3A = tpu.iota {dimensions = array<i32: 1>} : vector<512x128xi32>
    %reduce_max3A = arith.constant dense<0xFF800000> : vector<512xf32>
    %reduce_max3A_10 = vector.multi_reduction <maximumf>, %add3A_9, %reduce_max3A [1] : vector<512x128xf32> to vector<512xf32>
    %broadcast_in_dim3A = vector.shape_cast %reduce_max3A_10 : vector<512xf32> to vector<512x1xf32>
    %eq3A = vector.broadcast %broadcast_in_dim3A : vector<512x1xf32> to vector<512x128xf32>
    %eq3A_11 = arith.cmpf oeq, %add3A_9, %eq3A : vector<512x128xf32>
    %jit3A = arith.constant 128 : i32
    %broadcast_in_dim3A_12 = vector.broadcast %jit3A : i32 to vector<512x128xi32>
    %select_n3A = arith.select %eq3A_11, %iota3A, %broadcast_in_dim3A_12 : vector<512x128xi1>, vector<512x128xi32>
    %reduce_min3A = arith.constant dense<2147483647> : vector<512xi32>
    %reduce_min3A_13 = vector.multi_reduction <minsi>, %select_n3A, %reduce_min3A [1] : vector<512x128xi32> to vector<512xi32>
    %broadcast_in_dim3A_14 = vector.shape_cast %reduce_min3A_13 : vector<512xi32> to vector<512x1xi32>
    %eq3A_15 = vector.broadcast %broadcast_in_dim3A_14 : vector<512x1xi32> to vector<512x128xi32>
    %eq3A_16 = arith.cmpi eq, %iota3A, %eq3A_15 : vector<512x128xi32>
    %jit3A_17 = arith.constant -1.000000e+30 : f32
    %broadcast_in_dim3A_18 = vector.broadcast %jit3A_17 : f32 to vector<512x128xf32>
    %select_n3A_19 = arith.select %eq3A_16, %broadcast_in_dim3A_18, %add3A_9 : vector<512x128xi1>, vector<512x128xf32>
    %reduce_max3A_20 = arith.constant dense<0xFF800000> : vector<512xf32>
    %reduce_max3A_21 = vector.multi_reduction <maximumf>, %select_n3A_19, %reduce_max3A_20 [1] : vector<512x128xf32> to vector<512xf32>
    %broadcast_in_dim3A_22 = vector.shape_cast %reduce_max3A_21 : vector<512xf32> to vector<512x1xf32>
    %eq3A_23 = vector.broadcast %broadcast_in_dim3A_22 : vector<512x1xf32> to vector<512x128xf32>
    %eq3A_24 = arith.cmpf oeq, %select_n3A_19, %eq3A_23 : vector<512x128xf32>
    %jit3A_25 = arith.constant 128 : i32
    %broadcast_in_dim3A_26 = vector.broadcast %jit3A_25 : i32 to vector<512x128xi32>
    %select_n3A_27 = arith.select %eq3A_24, %iota3A, %broadcast_in_dim3A_26 : vector<512x128xi1>, vector<512x128xi32>
    %reduce_min3A_28 = arith.constant dense<2147483647> : vector<512xi32>
    %reduce_min3A_29 = vector.multi_reduction <minsi>, %select_n3A_27, %reduce_min3A_28 [1] : vector<512x128xi32> to vector<512xi32>
    %broadcast_in_dim3A_30 = vector.shape_cast %reduce_min3A_29 : vector<512xi32> to vector<512x1xi32>
    %sub3A = arith.subf %broadcast_in_dim3A_22, %broadcast_in_dim3A : vector<512x1xf32>
    %exp3A = math.exp %sub3A : vector<512x1xf32>
    %add3A_31 = arith.constant 1.000000e+00 : f32
    %add3A_32 = vector.broadcast %add3A_31 : f32 to vector<512x1xf32>
    %add3A_33 = arith.addf %add3A_32, %exp3A : vector<512x1xf32>
    %div3A = arith.constant 1.000000e+00 : f32
    %div3A_34 = vector.broadcast %div3A : f32 to vector<512x1xf32>
    %div3A_35 = arith.divf %div3A_34, %add3A_33 : vector<512x1xf32>
    %reshape3A = vector.shape_cast %broadcast_in_dim3A_14 : vector<512x1xi32> to vector<512xi32>
    %swap3A = arith.constant 0 : index
    %swap3A_36 = vector.load %arg4[%swap3A] : memref<512xi32, #tpu.memory_space<vmem>>, vector<512xi32>
    tpu.vector_store %arg4[%swap3A], %reshape3A {strides = array<i32>} : memref<512xi32, #tpu.memory_space<vmem>>, vector<512xi32>,
    %reshape3A_37 = vector.shape_cast %broadcast_in_dim3A_30 : vector<512x1xi32> to vector<512xi32>
    %swap3A_38 = arith.constant 0 : index
    %swap3A_39 = vector.load %arg5[%swap3A_38] : memref<512xi32, #tpu.memory_space<vmem>>, vector<512xi32>
    tpu.vector_store %arg5[%swap3A_38], %reshape3A_37 {strides = array<i32>} : memref<512xi32, #tpu.memory_space<vmem>>, vector<512xi32>,
    %reshape3A_40 = vector.shape_cast %div3A_35 : vector<512x1xf32> to vector<512xf32>
    %swap3A_41 = arith.constant 0 : index
    %swap3A_42 = vector.load %arg6[%swap3A_41] : memref<512xf32, #tpu.memory_space<vmem>>, vector<512xf32>
    tpu.vector_store %arg6[%swap3A_41], %reshape3A_40 {strides = array<i32>} : memref<512xf32, #tpu.memory_space<vmem>>, vector<512xf32>,
    %eq3A_43 = vector.broadcast %broadcast_in_dim3A_14 : vector<512x1xi32> to vector<512x128xi32>
    %eq3A_44 = arith.cmpi eq, %iota3A, %eq3A_43 : vector<512x128xi32>
    %convert_element_type3A = arith.extui %eq3A_44 : vector<512x128xi1> to vector<512x128xi32>
    %eq3A_45 = vector.broadcast %broadcast_in_dim3A_30 : vector<512x1xi32> to vector<512x128xi32>
    %eq3A_46 = arith.cmpi eq, %iota3A, %eq3A_45 : vector<512x128xi32>
    %convert_element_type3A_47 = arith.extui %eq3A_46 : vector<512x128xi1> to vector<512x128xi32>
    %slice3A = vector.extract_strided_slice %convert_element_type3A {offsets = [0, 0], sizes = [128, 128], strides = [1, 1]} : vector<512x128xi32> to vector<128x128xi32>
    %reduce_sum3A = arith.constant dense<0> : vector<128xi32>
    %reduce_sum3A_48 = vector.multi_reduction <add>, %slice3A, %reduce_sum3A [0] : vector<128x128xi32> to vector<128xi32>
    %slice3A_49 = vector.extract_strided_slice %convert_element_type3A {offsets = [128, 0], sizes = [128, 128], strides = [1, 1]} : vector<512x128xi32> to vector<128x128xi32>
    %reduce_sum3A_50 = arith.constant dense<0> : vector<128xi32>
    %reduce_sum3A_51 = vector.multi_reduction <add>, %slice3A_49, %reduce_sum3A_50 [0] : vector<128x128xi32> to vector<128xi32>
    %slice3A_52 = vector.extract_strided_slice %convert_element_type3A {offsets = [256, 0], sizes = [128, 128], strides = [1, 1]} : vector<512x128xi32> to vector<128x128xi32>
    %reduce_sum3A_53 = arith.constant dense<0> : vector<128xi32>
    %reduce_sum3A_54 = vector.multi_reduction <add>, %slice3A_52, %reduce_sum3A_53 [0] : vector<128x128xi32> to vector<128xi32>
    %slice3A_55 = vector.extract_strided_slice %convert_element_type3A {offsets = [384, 0], sizes = [128, 128], strides = [1, 1]} : vector<512x128xi32> to vector<128x128xi32>
    %reduce_sum3A_56 = arith.constant dense<0> : vector<128xi32>
    %reduce_sum3A_57 = vector.multi_reduction <add>, %slice3A_55, %reduce_sum3A_56 [0] : vector<128x128xi32> to vector<128xi32>
    %slice3A_58 = vector.extract_strided_slice %convert_element_type3A_47 {offsets = [0, 0], sizes = [128, 128], strides = [1, 1]} : vector<512x128xi32> to vector<128x128xi32>
    %reduce_sum3A_59 = arith.constant dense<0> : vector<128xi32>
    %reduce_sum3A_60 = vector.multi_reduction <add>, %slice3A_58, %reduce_sum3A_59 [0] : vector<128x128xi32> to vector<128xi32>
    %slice3A_61 = vector.extract_strided_slice %convert_element_type3A_47 {offsets = [128, 0], sizes = [128, 128], strides = [1, 1]} : vector<512x128xi32> to vector<128x128xi32>
    %reduce_sum3A_62 = arith.constant dense<0> : vector<128xi32>
    %reduce_sum3A_63 = vector.multi_reduction <add>, %slice3A_61, %reduce_sum3A_62 [0] : vector<128x128xi32> to vector<128xi32>
    %slice3A_64 = vector.extract_strided_slice %convert_element_type3A_47 {offsets = [256, 0], sizes = [128, 128], strides = [1, 1]} : vector<512x128xi32> to vector<128x128xi32>
    %reduce_sum3A_65 = arith.constant dense<0> : vector<128xi32>
    %reduce_sum3A_66 = vector.multi_reduction <add>, %slice3A_64, %reduce_sum3A_65 [0] : vector<128x128xi32> to vector<128xi32>
    %slice3A_67 = vector.extract_strided_slice %convert_element_type3A_47 {offsets = [384, 0], sizes = [128, 128], strides = [1, 1]} : vector<512x128xi32> to vector<128x128xi32>
    %reduce_sum3A_68 = arith.constant dense<0> : vector<128xi32>
    %reduce_sum3A_69 = vector.multi_reduction <add>, %slice3A_67, %reduce_sum3A_68 [0] : vector<128x128xi32> to vector<128xi32>
    %stack3A = vector.shape_cast %reduce_sum3A_48 : vector<128xi32> to vector<1x128xi32>
    %stack3A_70 = vector.shape_cast %reduce_sum3A_51 : vector<128xi32> to vector<1x128xi32>
    %stack3A_71 = vector.shape_cast %reduce_sum3A_54 : vector<128xi32> to vector<1x128xi32>
    %stack3A_72 = vector.shape_cast %reduce_sum3A_57 : vector<128xi32> to vector<1x128xi32>
    %stack3A_73 = vector.shape_cast %reduce_sum3A_60 : vector<128xi32> to vector<1x128xi32>
    %stack3A_74 = vector.shape_cast %reduce_sum3A_63 : vector<128xi32> to vector<1x128xi32>
    %stack3A_75 = vector.shape_cast %reduce_sum3A_66 : vector<128xi32> to vector<1x128xi32>
    %stack3A_76 = vector.shape_cast %reduce_sum3A_69 : vector<128xi32> to vector<1x128xi32>
    %stack3A_77 = tpu.concatenate %stack3A, %stack3A_70, %stack3A_71, %stack3A_72, %stack3A_73, %stack3A_74, %stack3A_75, %stack3A_76 in 0 : vector<1x128xi32>, vector<1x128xi32>, vector<1x128xi32>, vector<1x128xi32>, vector<1x128xi32>, vector<1x128xi32>, vector<1x128xi32>, vector<1x128xi32> -> vector<8x128xi32>
    %swap3A_78 = arith.constant 0 : index
    %swap3A_79 = arith.constant 0 : index
    %swap3A_80 = vector.load %arg7[%swap3A_78, %swap3A_79] : memref<8x128xi32, #tpu.memory_space<vmem>>, vector<8x128xi32>
    tpu.vector_store %arg7[%swap3A_78, %swap3A_79], %stack3A_77 {strides = array<i32>} : memref<8x128xi32, #tpu.memory_space<vmem>>, vector<8x128xi32>,
    return
  }
  func.func @transform_0(%arg0: i32) -> (i32, i32) {
    %c0_i32 = arith.constant 0 : i32
    %c0_i32_0 = arith.constant 0 : i32
    return %arg0, %c0_i32 : i32, i32
  }
  func.func @transform_1(%arg0: i32) -> (i32, i32) {
    %c0_i32 = arith.constant 0 : i32
    %c0_i32_0 = arith.constant 0 : i32
    %c0_i32_1 = arith.constant 0 : i32
    return %c0_i32, %c0_i32_0 : i32, i32
  }
  func.func @transform_2(%arg0: i32) -> (i32, i32) {
    %c0_i32 = arith.constant 0 : i32
    %c0_i32_0 = arith.constant 0 : i32
    %c0_i32_1 = arith.constant 0 : i32
    return %c0_i32, %c0_i32_0 : i32, i32
  }
  func.func @transform_3(%arg0: i32) -> i32 {
    %c0_i32 = arith.constant 0 : i32
    return %arg0 : i32
  }
  func.func @transform_4(%arg0: i32) -> i32 {
    %c0_i32 = arith.constant 0 : i32
    return %arg0 : i32
  }
  func.func @transform_5(%arg0: i32) -> i32 {
    %c0_i32 = arith.constant 0 : i32
    return %arg0 : i32
  }
  func.func @transform_6(%arg0: i32) -> (i32, i32) {
    %c0_i32 = arith.constant 0 : i32
    %c0_i32_0 = arith.constant 0 : i32
    return %arg0, %c0_i32 : i32, i32
  }
}

module attributes {stable_mosaic.version = 14 : i64} {
  func.func @_ffn_body(%arg0: i32, %arg1: memref<32xi32, #tpu.memory_space<smem>>, %arg2: memref<256x768xf32, #tpu.memory_space<vmem>>, %arg3: memref<8x768x768xbf16, #tpu.memory_space<vmem>>, %arg4: memref<8x768xf32, #tpu.memory_space<vmem>>, %arg5: memref<8x768x768xbf16, #tpu.memory_space<vmem>>, %arg6: memref<8x768xf32, #tpu.memory_space<vmem>>, %arg7: memref<256x768xf32, #tpu.memory_space<vmem>>) attributes {dimension_semantics = [#tpu.dimension_semantics<arbitrary>], iteration_bounds = array<i64: 23>, scalar_prefetch = 0 : i64, scratch_operands = 0 : i64, tpu.core_type = #tpu.core_type<tc>, window_params = [{transform_indices = @transform_0, window_bounds = array<i64: 32>}, {transform_indices = @transform_1, window_bounds = array<i64: 256, 768>}, {pipeline_mode = #tpu.pipeline_mode<synchronous>, transform_indices = @transform_2, window_bounds = array<i64: 8, 768, 768>}, {pipeline_mode = #tpu.pipeline_mode<synchronous>, transform_indices = @transform_3, window_bounds = array<i64: 8, 768>}, {pipeline_mode = #tpu.pipeline_mode<synchronous>, transform_indices = @transform_4, window_bounds = array<i64: 8, 768, 768>}, {pipeline_mode = #tpu.pipeline_mode<synchronous>, transform_indices = @transform_5, window_bounds = array<i64: 8, 768>}, {transform_indices = @transform_6, window_bounds = array<i64: 256, 768>}]} {
    %get3A = arith.index_cast %arg0 : i32 to index
    %get3A_0 = memref.load %arg1[%get3A] : memref<32xi32, #tpu.memory_space<smem>>
    %ge3A = arith.constant 0 : i32
    %ge3A_1 = arith.cmpi sge, %get3A_0, %ge3A : i32
    %convert_element_type3A = arith.extui %ge3A_1 : i1 to i32
    %cond3A = arith.constant 0 : i32
    %cond3A_2 = arith.cmpi ne, %convert_element_type3A, %cond3A : i32
    scf.if %cond3A_2 {
      %get3A_3 = arith.constant 0 : index
      %get3A_4 = arith.constant 0 : index
      %get3A_5 = vector.load %arg2[%get3A_3, %get3A_4] : memref<256x768xf32, #tpu.memory_space<vmem>>, vector<256x768xf32>
      %convert_element_type3A_6 = arith.truncf %get3A_5 : vector<256x768xf32> to vector<256x768xbf16>
      %get3A_7 = arith.index_cast %get3A_0 : i32 to index
      %get3A_8 = arith.constant 0 : index
      %get3A_9 = arith.constant 0 : index
      %get3A_10 = vector.load %arg3[%get3A_7, %get3A_8, %get3A_9] : memref<8x768x768xbf16, #tpu.memory_space<vmem>>, vector<1x768x768xbf16>
      %get3A_11 = vector.shape_cast %get3A_10 : vector<1x768x768xbf16> to vector<768x768xbf16>
      %dot_general3A = arith.constant dense<0.000000e+00> : vector<256x768xf32>
      %dot_general3A_12 = tpu.matmul %convert_element_type3A_6, %get3A_11, %dot_general3A {dimension_numbers = #tpu.dot_dimension_numbers<[1], [0], [0], [1], [0, 0, 1, 1], [], []>, transpose_lhs_hint = false} : vector<256x768xbf16>, vector<768x768xbf16>, vector<256x768xf32> -> vector<256x768xf32>
      %get3A_13 = arith.index_cast %get3A_0 : i32 to index
      %get3A_14 = arith.constant 0 : index
      %get3A_15 = vector.load %arg4[%get3A_13, %get3A_14] : memref<8x768xf32, #tpu.memory_space<vmem>>, vector<1x768xf32>
      %get3A_16 = vector.shape_cast %get3A_15 : vector<1x768xf32> to vector<768xf32>
      %broadcast_in_dim3A = vector.shape_cast %get3A_16 : vector<768xf32> to vector<1x768xf32>
      %add3A = vector.broadcast %broadcast_in_dim3A : vector<1x768xf32> to vector<256x768xf32>
      %add3A_17 = arith.addf %dot_general3A_12, %add3A : vector<256x768xf32>
      %integer_pow3A = arith.mulf %add3A_17, %add3A_17 : vector<256x768xf32>
      %integer_pow3A_18 = arith.mulf %add3A_17, %integer_pow3A : vector<256x768xf32>
      %mul3A = arith.constant 4.471500e-02 : f32
      %mul3A_19 = vector.broadcast %mul3A : f32 to vector<256x768xf32>
      %mul3A_20 = arith.mulf %mul3A_19, %integer_pow3A_18 : vector<256x768xf32>
      %add3A_21 = arith.addf %add3A_17, %mul3A_20 : vector<256x768xf32>
      %mul3A_22 = arith.constant 0.797884583 : f32
      %mul3A_23 = vector.broadcast %mul3A_22 : f32 to vector<256x768xf32>
      %mul3A_24 = arith.mulf %mul3A_23, %add3A_21 : vector<256x768xf32>
      %tanh3A = math.tanh %mul3A_24 : vector<256x768xf32>
      %add3A_25 = arith.constant 1.000000e+00 : f32
      %add3A_26 = vector.broadcast %add3A_25 : f32 to vector<256x768xf32>
      %add3A_27 = arith.addf %add3A_26, %tanh3A : vector<256x768xf32>
      %mul3A_28 = arith.constant 5.000000e-01 : f32
      %mul3A_29 = vector.broadcast %mul3A_28 : f32 to vector<256x768xf32>
      %mul3A_30 = arith.mulf %mul3A_29, %add3A_27 : vector<256x768xf32>
      %mul3A_31 = arith.mulf %add3A_17, %mul3A_30 : vector<256x768xf32>
      %convert_element_type3A_32 = arith.truncf %mul3A_31 : vector<256x768xf32> to vector<256x768xbf16>
      %get3A_33 = arith.index_cast %get3A_0 : i32 to index
      %get3A_34 = arith.constant 0 : index
      %get3A_35 = arith.constant 0 : index
      %get3A_36 = vector.load %arg5[%get3A_33, %get3A_34, %get3A_35] : memref<8x768x768xbf16, #tpu.memory_space<vmem>>, vector<1x768x768xbf16>
      %get3A_37 = vector.shape_cast %get3A_36 : vector<1x768x768xbf16> to vector<768x768xbf16>
      %dot_general3A_38 = arith.constant dense<0.000000e+00> : vector<256x768xf32>
      %dot_general3A_39 = tpu.matmul %convert_element_type3A_32, %get3A_37, %dot_general3A_38 {dimension_numbers = #tpu.dot_dimension_numbers<[1], [0], [0], [1], [0, 0, 1, 1], [], []>, transpose_lhs_hint = false} : vector<256x768xbf16>, vector<768x768xbf16>, vector<256x768xf32> -> vector<256x768xf32>
      %get3A_40 = arith.index_cast %get3A_0 : i32 to index
      %get3A_41 = arith.constant 0 : index
      %get3A_42 = vector.load %arg6[%get3A_40, %get3A_41] : memref<8x768xf32, #tpu.memory_space<vmem>>, vector<1x768xf32>
      %get3A_43 = vector.shape_cast %get3A_42 : vector<1x768xf32> to vector<768xf32>
      %broadcast_in_dim3A_44 = vector.shape_cast %get3A_43 : vector<768xf32> to vector<1x768xf32>
      %add3A_45 = vector.broadcast %broadcast_in_dim3A_44 : vector<1x768xf32> to vector<256x768xf32>
      %add3A_46 = arith.addf %dot_general3A_39, %add3A_45 : vector<256x768xf32>
      %swap3A = arith.constant 0 : index
      %swap3A_47 = arith.constant 0 : index
      %swap3A_48 = vector.load %arg7[%swap3A, %swap3A_47] : memref<256x768xf32, #tpu.memory_space<vmem>>, vector<256x768xf32>
      tpu.vector_store %arg7[%swap3A, %swap3A_47], %add3A_46 {strides = array<i32>} : memref<256x768xf32, #tpu.memory_space<vmem>>, vector<256x768xf32>,
    } else {
    }
    return
  }
  func.func @transform_0(%arg0: i32) -> i32 {
    %c0_i32 = arith.constant 0 : i32
    %c0_i32_0 = arith.constant 0 : i32
    return %c0_i32 : i32
  }
  func.func @transform_1(%arg0: i32) -> (i32, i32) {
    %c0_i32 = arith.constant 0 : i32
    %c0_i32_0 = arith.constant 0 : i32
    return %arg0, %c0_i32 : i32, i32
  }
  func.func @transform_2(%arg0: i32) -> (i32, i32, i32) {
    %c0_i32 = arith.constant 0 : i32
    %c0_i32_0 = arith.constant 0 : i32
    %c0_i32_1 = arith.constant 0 : i32
    %c0_i32_2 = arith.constant 0 : i32
    return %c0_i32, %c0_i32_0, %c0_i32_1 : i32, i32, i32
  }
  func.func @transform_3(%arg0: i32) -> (i32, i32) {
    %c0_i32 = arith.constant 0 : i32
    %c0_i32_0 = arith.constant 0 : i32
    %c0_i32_1 = arith.constant 0 : i32
    return %c0_i32, %c0_i32_0 : i32, i32
  }
  func.func @transform_4(%arg0: i32) -> (i32, i32, i32) {
    %c0_i32 = arith.constant 0 : i32
    %c0_i32_0 = arith.constant 0 : i32
    %c0_i32_1 = arith.constant 0 : i32
    %c0_i32_2 = arith.constant 0 : i32
    return %c0_i32, %c0_i32_0, %c0_i32_1 : i32, i32, i32
  }
  func.func @transform_5(%arg0: i32) -> (i32, i32) {
    %c0_i32 = arith.constant 0 : i32
    %c0_i32_0 = arith.constant 0 : i32
    %c0_i32_1 = arith.constant 0 : i32
    return %c0_i32, %c0_i32_0 : i32, i32
  }
  func.func @transform_6(%arg0: i32) -> (i32, i32) {
    %c0_i32 = arith.constant 0 : i32
    %c0_i32_0 = arith.constant 0 : i32
    return %arg0, %c0_i32 : i32, i32
  }
}

</mosaic_0001>

<sc_bundles>
// kernel: kernel.6.cloned.1.call-start
scs
__scs_entry_jumppad:
0x0: {  	(pc) =	sbr.rel $0x88, $3  }
0x1: {  	(tag) =	ssettag $0x0;
	lr =	simm.s32 $0x1  }
0x2: {  	[smem:$0x3F9A] =	sst lr;
	_ =	strace $0xD0000000  }
0x3: {  	_ = 	snop  }
0x4: {  	_ = 	snop  }
0x5: {  	_ = 	snop  }
0x6: {  	_ = 	snop  }
0x7: {  	_ = 	snop  }
__scs_overlays_trampoline_lowered:
0x8: {  	[smem:$0x3FA9] =	sst s0  }
0x9: {  	[smem:$0x3FAA] =	sst s1  }
0xa: {  	[smem:$0x3FAB] =	sst s2  }
0xb: {  	[smem:$0x3FAC] =	sst s3  }
0xc: {  	[smem:$0x3FAD] =	sst s4  }
0xd: {  	[smem:$0x3FAE] =	sst s5  }
0xe: {  	[smem:$0x3FAF] =	sst s6  }
0xf: {  	[smem:$0x3FB0] =	sst s7  }
0x10: {  	[smem:$0x3FB1] =	sst s8  }
0x11: {  	[smem:$0x3FB2] =	sst s9;
	s0 =	simm.s32 @!p0 $0x0  }
0x12: {  	s1 =	sld [smem:$0x3F98];
	s0 =	simm.s32 @p0 $0x1  }
0x13: {  	[smem:$0x3FB3] =	sst s0;
	s0 =	simm.s32 @!p1 $0x0  }
0x14: {  	s2 =	sld [smem:$0x3F97];
	s0 =	simm.s32 @p1 $0x1  }
0x15: {  	[smem:$0x3FB4] =	sst s0;
	s0 =	simm.s32 @!p2 $0x0  }
0x16: {  	s3 =	sld [smem:$0x3FDB];
	s0 =	simm.s32 @p2 $0x1  }
0x17: {  	s4 =	simm.s32 $0x1BF5;
	[smem:$0x3FB6] =	sst s0  }
0x18: {  	s0 =	sld [smem:$0x3F99];
	_ =	swait.ge [sflag:s4], $0x0  }
0x19: {  	s7 =	sld [smem:$0x3F9A]  }
0x1a: {  	s8 =	sadd.s32 $0xFFFFE003, lr  }
0x1b: {  	s9 =	sadd.s32 $0xFFFFFEF7, lr;
	s5 =	simm.s32 $0xFFFFFFFF;
	p2 =	slt.u32 s8, $0xFFFFF086  }
0x1c: {  	p1 =	slt.u32 s9, $0xF7A;
	s5 =	simm.s32 @!p2 $0x0  }
0x1d: {  	s5 =	simm.s32 @p1 $0x1;
	p0 =	seq.s32 s7, s2  }
0x1e: {  	s7 =	smul.u32 @!p0 $0xF7A, s2;
	p2 =	seq.s32 @!p0 s5, $0x0  }
0x1f: {  	s9 =	smul.u32 $0xF7A, s1;
	s8 =	simm.s32 @!p0 $0x1BF5;
	p2 =	por !p2, p0  }
0x20: {  	[sflag:s8] =	ssyncset.s32 @!p0 $0xFFFFF086;
	s6 =	sadd.s32 @!p0 s3, s7;
	s7 =	simm.s32 @!p0 $0x108  }
0x21: {  	s3 =	sadd.s32 s3, s9;
	s6 =	sadd.s32 @!p0 $0x88, s6;
	s7 =	simm.s32 @p2 $0x1082  }
0x22: {  	[simem:s7], [sflag:s8] =	dma.local @!p0 [hbm:s6], $0xF7A  }
0x23: {  	s9 =	sor.u32 $0xD0000000, s2;
	s6 =	simm.s32 $0x108;
	_ =	swait.ge @!p0 [sflag:s8], $0x0  }
0x24: {  	s3 =	sadd.s32 $0x88, s3;
	s6 =	simm.s32 @!p1 $0x1082;
	[sflag:s4] =	ssyncset.s32 $0xFFFFF086  }
0x25: {  	[simem:s6], [sflag:s4] =	dma.local [hbm:s3], $0xF7A  }
0x26: {  	[smem:$0x3F9A] =	sst s1;
	(tag) =	ssettag s2;
	_ =	strace s9  }
0x27: {  	s1 =	sld [smem:$0x3FAA]  }
0x28: {  	s2 =	sld [smem:$0x3FAB]  }
0x29: {  	s4 =	sld [smem:$0x3FAD]  }
0x2a: {  	p0 =	seq.s32 s5, $0x0;
	s5 =	sld [smem:$0x3FAE]  }
0x2b: {  	s6 =	sld [smem:$0x3FAF]  }
0x2c: {  	s7 =	sld [smem:$0x3FB0]  }
0x2d: {  	s3 =	simm.s32 $0x108;
	s8 =	sld [smem:$0x3FB1]  }
0x2e: {  	s3 =	simm.s32 @!p0 $0x1082;
	s9 =	sld [smem:$0x3FB2]  }
0x2f: {  	lr =	sadd.s32 s0, s3;
	s0 =	sld [smem:$0x3FA9]  }
0x30: {  	s3 =	sld [smem:$0x3FAC]  }
0x31: {  	[smem:$0x3FB5] =	sst s10  }
0x32: {  	s10 =	sld [smem:$0x3FB3];
	_ =	sdelay $0x3  }
0x33: {  	p0 =	seq.s32 s10, $0x1;
	s10 =	sld [smem:$0x3FB5];
	_ =	sdelay $0x3  }
0x34: {  	[smem:$0x3FB5] =	sst s10  }
0x35: {  	s10 =	sld [smem:$0x3FB4];
	_ =	sdelay $0x3  }
0x36: {  	p1 =	seq.s32 s10, $0x1;
	s10 =	sld [smem:$0x3FB5];
	_ =	sdelay $0x3  }
0x37: {  	[smem:$0x3FB5] =	sst s10  }
0x38: {  	s10 =	sld [smem:$0x3FB6]  }
0x39: {  	_ = 	snop;
	(pc) =	sbr.ind lr, $3  }
0x3a: {  	_ = 	snop  }
0x3b: {  	_ = 	snop  }
0x3c: {  	p2 =	seq.s32 s10, $0x1;
	s10 =	sld [smem:$0x3FB5]  }
0x3d: {  	_ =	shalt  }
0x3e: {  	_ =	shalt  }
0x3f: {  	_ =	shalt  }
0x40: {  	_ =	shalt  }
0x41: {  	_ =	shalt  }
0x42: {  	_ =	shalt  }
0x43: {  	_ =	shalt  }
0x44: {  	_ =	shalt  }
0x45: {  	_ =	shalt  }
0x46: {  	_ =	shalt  }
0x47: {  	_ =	shalt  }
0x48: {  	_ =	shalt  }
0x49: {  	_ =	shalt  }
0x4a: {  	_ =	shalt  }
0x4b: {  	_ =	shalt  }
0x4c: {  	_ =	shalt  }
0x4d: {  	_ =	shalt  }
0x4e: {  	_ =	shalt  }
0x4f: {  	_ =	shalt  }
0x50: {  	_ =	shalt  }
0x51: {  	_ =	shalt  }
0x52: {  	_ =	shalt  }
0x53: {  	_ =	shalt  }
0x54: {  	_ =	shalt  }
0x55: {  	_ =	shalt  }
0x56: {  	_ =	shalt  }
0x57: {  	_ =	shalt  }
0x58: {  	_ =	shalt  }
0x59: {  	_ =	shalt  }
0x5a: {  	_ =	shalt  }
0x5b: {  	_ =	shalt  }
0x5c: {  	_ =	shalt  }
0x5d: {  	_ =	shalt  }
0x5e: {  	_ =	shalt  }
0x5f: {  	_ =	shalt  }
0x60: {  	_ =	shalt  }
0x61: {  	_ =	shalt  }
0x62: {  	_ =	shalt  }
0x63: {  	_ =	shalt  }
0x64: {  	_ =	shalt  }
0x65: {  	_ =	shalt  }
0x66: {  	_ =	shalt  }
0x67: {  	_ =	shalt  }
0x68: {  	_ =	shalt  }
0x69: {  	_ =	shalt  }
0x6a: {  	_ =	shalt  }
0x6b: {  	_ =	shalt  }
0x6c: {  	_ =	shalt  }
0x6d: {  	_ =	shalt  }
0x6e: {  	_ =	shalt  }
0x6f: {  	_ =	shalt  }
0x70: {  	_ =	shalt  }
0x71: {  	_ =	shalt  }
0x72: {  	_ =	shalt  }
0x73: {  	_ =	shalt  }
0x74: {  	_ =	shalt  }
0x75: {  	_ =	shalt  }
0x76: {  	_ =	shalt  }
0x77: {  	_ =	shalt  }
0x78: {  	_ =	shalt  }
0x79: {  	_ =	shalt  }
0x7a: {  	_ =	shalt  }
0x7b: {  	_ =	shalt  }
0x7c: {  	_ =	shalt  }
0x7d: {  	_ =	shalt  }
0x7e: {  	_ =	shalt  }
0x7f: {  	_ =	shalt  }
0x80: {  	_ =	shalt  }
0x81: {  	_ =	shalt  }
0x82: {  	_ =	shalt  }
0x83: {  	_ =	shalt  }
0x84: {  	_ =	shalt  }
0x85: {  	_ =	shalt  }
0x86: {  	_ =	shalt  }
0x87: {  	_ =	shalt  }
.Lfunc_end0:
.L_simem_size_0:
called_computation_lowered:
.L_overlay_start_0:
0x88: {  	s2 =	sld [smem:$0x3FD9]  }
0x89: {  	s3 =	sld [smem:$0x3FFE];
	_ =	sdelay $0x1  }
0x8a: {  	s1 =	srdreg.scid  }
0x8b: {  	s0 =	sand.u32 $0x1, s1  }
0x8c: {  	s17 =	sshll.u32 s0, $0xA;
	s2 =	sadd.s32 s3, s2  }
0x8d: {  	s2 =	sadd.s32 s2, s17  }
0x8e: {  	[smem:$0x3FC1] =	sst s2  }
0x8f: {  	_ = 	snop  }
0x90: {  	s2 =	sld [smem:$0x3FC9]  }
0x91: {  	s18 =	sld [smem:$0x3FD0];
	(tm) =	ssettm $0x1  }
0x92: {  	s4 =	sld [smem:$0x3FFB];
	_ =	sdelay $0x3  }
0x93: {  	_ =	strace s4  }
0x94: {  	s4 =	sld [smem:$0x3FFC];
	_ =	sdelay $0x3  }
0x95: {  	_ =	strace s4  }
0x96: {  	s4 =	sld [smem:$0x3FFD];
	_ =	sdelay $0x3  }
0x97: {  	_ =	strace s4  }
0x98: {  	_ =	strace $0x8FFFFFFF  }
0x99: {  	s19 =	sld [smem:$0x3FDB];
	_ =	sdelay $0x1  }
0x9a: {  	s5 =	simm.s32 $_scs_section_size  }
0x9b: {  	s6 =	simm.s32 $_size__tile_overlayer_lowered;
	s7 =	simm.s32 $_tile_overlayer_lowered  }
0x9c: {  	s22 =	simm.s32 $0x1BFF;
	s21 =	sshll.u32 s7, $0x1;
	s4 =	sadd.s32 s5, s19  }
0x9d: {  	s8 =	simm.s32 $0x0;
	s20 =	sshll.u32 s6, $0x1;
	s6 =	sadd.s32 s21, s4  }
0x9e: {  	[timem:s8], [sflag:s22] =	dma.local [hbm:s6], s20  }
0x9f: {  	_ =	swait.ge [sflag:s22], s20  }
0xa0: {  	s5 =	ssub.s32 $0x0, s20;
	[sflag:s22] =	ssyncset.done $0x0  }
0xa1: {  	[sflag:s22] =	ssyncadd.s32 s5;
	_ =	sdelay $0x1  }
0xa2: {  	s23 =	simm.s32 $0x1B8B  }
0xa3: {  	_ =	swait.ge [sflag:s23], $0x1  }
0xa4: {  	[sflag:s23] =	ssyncset.done $0x0  }
0xa5: {  	s25 =	simm.s32 $0x1B8E;
	s24 =	sld [smem:$0x3FFE];
	[sflag:s23] =	ssyncadd.s32 $0xFFFFFFFF  }
0xa6: {  	s26 =	simm.s32 $execute0_lowered;
	[smem:$0x3FD2] =	sst s25  }
0xa7: {  	s6 =	sshll.u32 s26, $0x1;
	_ =	strace $0x80000046;
	[dreg:$0x1] =	wrdreg $0xFFFFFFFF  }
0xa8: {  	s28 =	simm.s32 $_size_execute0_lowered;
	s4 =	sadd.s32 s4, s6;
	[dreg:$0x0] =	wrdreg $0x0  }
0xa9: {  	s6 =	sshll.u32 s28, $0x1;
	[dreg:$0x2] =	wrdreg s4  }
0xaa: {  	[dreg:$0x3] =	wrdreg s6  }
0xab: {  	[dreg:$0x4] =	wrdreg $0xC0  }
0xac: {  	_ =	task [dreg:s8], $0x5FFFF  }
0xad: {  	[dreg:$0x1] =	wrdreg $0xFFFFFFFF  }
0xae: {  	[dreg:$0x0] =	wrdreg $0x60  }
0xaf: {  	[dreg:$0x2] =	wrdreg s24  }
0xb0: {  	[dreg:$0x3] =	wrdreg s18  }
0xb1: {  	[dreg:$0x4] =	wrdreg s2  }
0xb2: {  	[dreg:$0x5] =	wrdreg $0x9  }
0xb3: {  	_ =	task.clear_ibuf [dreg:s8], $0x6FFFF;
	_ =	strace $0x90000046  }
0xb4: {  	s29 =	simm.s32 $0x9;
	_ =	strace $0x80000048  }
0xb5: {  	_ =	swait.ge [sflag:s29], $0x1  }
0xb6: {  	[sflag:s29] =	ssyncadd.s32 $0xFFFFFFFF  }
0xb7: {  	_ =	strace $0x90000048  }
0xb8: {  	_ =	sfence  }
0xb9: {  	s30 =	sld [smem:$0x0];
	_ =	sdelay $0x2  }
0xba: {  	s31 =	sshll.u32 s1, $0xD;
	s1 =	sshrl.u32 s1, $0x2  }
0xbb: {  	s3 =	sand.u32 $0x4000, s31;
	s1 =	sadd.s32 s1, s30  }
0xbc: {  	s0 =	sor.u32 s3, s0;
	s1 =	sshll.u32 s1, $0x11  }
0xbd: {  	s0 =	sor.u32 s1, s0  }
0xbe: {  	s0 =	sadd.s32 $0x8F2B, s0  }
0xbf: {  	[sflag:s0] =	ssyncadd.remote.s32 $0x1  }
0xc0: {  	_ =	sfence.sel $0xFFFF  }
0xc1: {  	[dreg:$0x0] =	wrdreg $0xFFFFFFFF;
	(pc) =	sbr.abs _section_cstart, $3  }
0xc2: {  	[dreg:$0x1] =	wrdreg $0xFFFFFFFF  }
0xc3: {  	_ =	task.clear_ibuf [dreg:s8], $0x2FFFF;
	_ =	strace $0x9FFFFFFF  }
0xc4: {  	(tm) =	ssettm $0x7FFFFFFF  }
0xc5: {  	_ =	shalt  }
tec
execute0_lowered:
.L_overlay_start_1:
0x0: {  	(tag) =	ssettag $0x1  }
0x1: {  	s0 =	rddreg [dreg:$0x0]  }
0x2: {  	s25 =	rddreg [dreg:$0x1];
	s1 =	srdreg.scid  }
0x3: {  	s24 =	stileid.u32;
	s2 =	rddreg [dreg:$0x2];
	s4 =	simm.s32 $0x0  }
0x4: {  	s15 =	simm.s32 $0x10;
	s16 =	simm.s32 $0x20;
	s17 =	simm.s32 $0x30  }
0x5: {  	s18 =	simm.s32 $0x40;
	s19 =	simm.s32 $0x50;
	s20 =	simm.s32 $0x60  }
0x6: {  	s21 =	simm.s32 $0x70;
	s1 =	sand.u32 $0x1, s1;
	s3 =	sshll.u32 s24, $0x1  }
0x7: {  	s5 =	sshll.u32 s24, $0x7;
	s7 =	sshrl.u32 s24, $0x1;
	s3 =	sor.u32 s1, s3  }
0x8: {  	[smem:$0x7FF] =	sst s4;
	s26 =	sadd.s32 $0x2600, s0;
	s6 =	sshll.u32 s3, $0x7  }
0x9: {  	s5 =	sand.u32 $0x600, s5;
	s14 =	sand.u32 $0x1, s7;
	s6 =	sand.u32 $0x180, s6  }
0xa: {  	s11 =	sadd.s32 $0x2900, s0;
	s8 =	sshll.u32 s14, $0xB;
	s6 =	sor.u32 s5, s6  }
0xb: {  	s12 =	sadd.s32 $0x2A00, s0;
	s23 =	sshrl.u32 s6, $0x3;
	s6 =	sor.u32 s8, s6  }
0xc: {  	p1 =	seq.s32 s3, $0x1F;
	s5 =	sadd.s32 $0x2800, s0;
	s6 =	sshrl.u32 s6, $0x3  }
0xd: {  	s9 =	sadd.s32 s23, s0;
	s6 =	sadd.s32 s6, s0;
	s0 =	simm.s32 @!p1 $0x0  }
0xe: {  	_ =	strace $0x80000047;
	s0 =	simm.s32 @p1 $0x1;
	p1 =	seq.s32 s24, $0xF  }
0xf: {  	p0 =	seq.s32 s14, $0x0;
	[smem:$0x7E5] =	sst s0;
	s0 =	simm.s32 @!p1 $0x0  }
0x10: {  	s14 =	simm.s32 $0x0;
	s0 =	simm.s32 @p1 $0x1;
	p1 =	sgt.u32 s3, $0x1C  }
0x11: {  	s14 =	simm.s32 @!p0 $0x80;
	[smem:$0x7E6] =	sst s0;
	s0 =	simm.s32 @!p1 $0x0  }
0x12: {  	s15 =	simm.s32 @!p0 $0x90;
	s0 =	simm.s32 @p1 $0x1;
	p1 =	sgt.u32 s24, $0xD  }
0x13: {  	s16 =	simm.s32 @!p0 $0xA0;
	[smem:$0x7E7] =	sst s0;
	s0 =	simm.s32 @!p1 $0x0  }
0x14: {  	s17 =	simm.s32 @!p0 $0xB0;
	s0 =	simm.s32 @p1 $0x1;
	p1 =	sgt.u32 s3, $0x1A  }
0x15: {  	s18 =	simm.s32 @!p0 $0xC0;
	[smem:$0x7E8] =	sst s0;
	s0 =	simm.s32 @!p1 $0x0  }
0x16: {  	s19 =	simm.s32 @!p0 $0xD0;
	s0 =	simm.s32 @p1 $0x1;
	p1 =	sgt.u32 s24, $0xC  }
0x17: {  	s20 =	simm.s32 @!p0 $0xE0;
	[smem:$0x7E9] =	sst s0;
	s0 =	simm.s32 @!p1 $0x0  }
0x18: {  	s21 =	simm.s32 @!p0 $0xF0;
	p0 =	sgt.u32 s3, $0x18;
	s0 =	simm.s32 @p1 $0x1  }
0x19: {  	[smem:$0x7EA] =	sst s0;
	s0 =	simm.s32 @!p0 $0x0  }
0x1a: {  	s0 =	simm.s32 @p0 $0x1;
	p0 =	sgt.u32 s24, $0xB  }
0x1b: {  	[smem:$0x7EB] =	sst s0;
	s0 =	simm.s32 @!p0 $0x0  }
0x1c: {  	s0 =	simm.s32 @p0 $0x1;
	p0 =	sgt.u32 s3, $0x16  }
0x1d: {  	[smem:$0x7EC] =	sst s0;
	s0 =	simm.s32 @!p0 $0x0  }
0x1e: {  	s0 =	simm.s32 @p0 $0x1;
	p0 =	sgt.u32 s24, $0xA  }
0x1f: {  	[smem:$0x7ED] =	sst s0;
	s0 =	simm.s32 @!p0 $0x0  }
0x20: {  	s0 =	simm.s32 @p0 $0x1;
	p0 =	sgt.u32 s3, $0x14  }
0x21: {  	[smem:$0x7EE] =	sst s0;
	s0 =	simm.s32 @!p0 $0x0  }
0x22: {  	s0 =	simm.s32 @p0 $0x1;
	p0 =	sgt.u32 s24, $0x9  }
0x23: {  	[smem:$0x7EF] =	sst s0;
	s0 =	simm.s32 @!p0 $0x0  }
0x24: {  	s0 =	simm.s32 @p0 $0x1;
	p0 =	sgt.u32 s3, $0x12  }
0x25: {  	[smem:$0x7F0] =	sst s0;
	s0 =	simm.s32 @!p0 $0x0  }
0x26: {  	s22 =	simm.s32 $0x1180;
	s0 =	simm.s32 @p0 $0x1;
	p0 =	sgt.u32 s24, $0x8  }
0x27: {  	s29 =	simm.s32 $0x100;
	[smem:$0x7F1] =	sst s0;
	s0 =	simm.s32 @!p0 $0x0  }
0x28: {  	s28 =	simm.s32 $0x2;
	s0 =	simm.s32 @p0 $0x1;
	p0 =	sgt.u32 s3, $0x10  }
0x29: {  	s31 =	simm.s32 $0x16980;
	[smem:$0x7F2] =	sst s0;
	s0 =	simm.s32 @!p0 $0x0  }
0x2a: {  	p4 =	sgt.u32 s24, $0x2;
	s0 =	simm.s32 @p0 $0x1;
	p0 =	sgt.u32 s24, $0x7  }
0x2b: {  	p6 =	sgt.u32 s24, $0x1;
	[smem:$0x7F3] =	sst s0;
	s0 =	simm.s32 @!p0 $0x0  }
0x2c: {  	[dreg:$0x4] =	wrdreg s26;
	s0 =	simm.s32 @p0 $0x1;
	p0 =	sgt.u32 s3, $0xE  }
0x2d: {  	s1 =	ssub.s32 $0x2, s1;
	[smem:$0x7F4] =	sst s0;
	s0 =	simm.s32 @!p0 $0x0  }
0x2e: {  	s26 =	simm.s32 $0x80;
	s0 =	simm.s32 @p0 $0x1;
	p0 =	sgt.u32 s24, $0x6  }
0x2f: {  	s30 =	sshrl.u32 s1, $0x1;
	[smem:$0x7F5] =	sst s0;
	s0 =	simm.s32 @!p0 $0x0  }
0x30: {  	p5 =	sgt.u32 s3, $0x4;
	s0 =	simm.s32 @p0 $0x1;
	p0 =	sgt.u32 s3, $0xC  }
0x31: {  	p2 =	sne.s32 s3, $0x0;
	[smem:$0x7F6] =	sst s0;
	s0 =	simm.s32 @!p0 $0x0  }
0x32: {  	s1 =	ssub.s32 s1, s30;
	s0 =	simm.s32 @p0 $0x1;
	p0 =	sgt.u32 s24, $0x5  }
0x33: {  	s13 =	smax.u32 s1, $0x1;
	[smem:$0x7F7] =	sst s0;
	s0 =	simm.s32 @!p0 $0x0  }
0x34: {  	s1 =	simm.s32 $0x17180;
	s0 =	simm.s32 @p0 $0x1;
	p0 =	sgt.u32 s3, $0xA  }
0x35: {  	s7 =	smul.u32 $0x300, s23;
	[smem:$0x7F8] =	sst s0;
	s0 =	simm.s32 @!p0 $0x0  }
0x36: {  	s23 =	simm.s32 $0x3;
	s0 =	simm.s32 @p0 $0x1;
	p0 =	sgt.u32 s24, $0x4  }
0x37: {  	s8 =	sadd.s32 $0x2000, s9;
	[smem:$0x7F9] =	sst s0;
	s0 =	simm.s32 @!p0 $0x0  }
0x38: {  	s9 =	sadd.s32 $0x2200, s9;
	s0 =	simm.s32 @p0 $0x1;
	p0 =	sgt.u32 s3, $0x8  }
0x39: {  	s7 =	sadd.s32 s2, s7;
	[smem:$0x7FA] =	sst s0;
	s0 =	simm.s32 @!p0 $0x0  }
0x3a: {  	s10 =	sadd.s32 $0x8C800, s6;
	s0 =	simm.s32 @p0 $0x1;
	p0 =	sgt.u32 s24, $0x3  }
.Ltmp0:
0x3b: {  	vm1 =	vmmov $0x1;
	v1 =	vimm.s32 $0x0;
	[smem:$0x7FB] =	sst s0;
	s0 =	simm.s32 @!p0 $0x0;
	(pc) =	sbr.rel .LBB2_1-.Ltmp0, $4  }
0x3c: {  	vm0 =	vmmov $0xffff;
	v1 =	vsel vm1, $0xFFFFFFFF, v1;
	s6 =	simm.s32 $0x18180;
	s0 =	simm.s32 @p0 $0x1;
	p0 =	sgt.u32 s3, $0x6  }
0x3d: {  	v0 =	vimm.s32 $0x0;
	vm4 =	vcmask $0x70C;
	[tilespmem:$0x1FFF0] =	vst v1;
	v1 =	vlaneseq.u32;
	s2 =	simm.s32 $0x18980;
	[smem:$0x7FC] =	sst s0;
	s0 =	simm.s32 @!p0 $0x0  }
0x3e: {  	vm5 =	vcmask $0xB10;
	vm6 =	vcmask $0xF14;
	v3 =	vshrl.u32 v1, $0x3;
	p1 =	seq.s32 s24, $0x0;
	s24 =	simm.s32 $0x1;
	s0 =	simm.s32 @p0 $0x1  }
0x3f: {  	v2 =	vand.u32 $0x7, v1;
	v4 =	vor.u32 $0x8, v1;
	v3 =	vmul.u32 $0x8, v3;
	p0 =	sgt.u32 s3, $0x2;
	[smem:$0x7FD] =	sst s0;
	s0 =	simm.s32 $0x17980  }
.LBB2_3:
0x40: {  	s13 =	sadd.s32 $0xFFFFFFFF, s13  }
0x41: {  	p3 =	sne.s32 s13, $0x0  }
.Ltmp1:
0x42: {  	_ = 	snop;
	(pc) =	sbr.rel @!p3 .LBB2_4-.Ltmp1, $1  }
0x43: {  	_ =	sdelay $0x3  }
.LBB2_1:
0x44: {  	[tilespmem:s22], [sflag:$0x2] =	stream.linear.gather [hbm4b:s7+s4], $0x18000, $0x38;
	[tilespmem:$0x19200] =	vst v63  }
0x45: {  	_ = 	snop  }
0x46: {  	[tilespmem:s4], [sflag:$0x3] =	stream.linear.gather [hbm4b:s8+s4], $0x80, $0x38;
	[tilespmem:$0x19200] =	vst v63  }
0x47: {  	_ =	swait.ge [sflag:s23], $0x80  }
0x48: {  	[sflag:s23] =	ssyncset.done $0x0  }
0x49: {  	[sflag:s23] =	ssyncadd.s32 $0xFFFFFF80  }
0x4a: {  	[tilespmem:s26], [sflag:$0x3] =	stream.linear.gather [hbm4b:s9+s4], $0x80, $0x38;
	[tilespmem:$0x19200] =	vst v63  }
0x4b: {  	_ =	swait.ge [sflag:s23], $0x80  }
0x4c: {  	[sflag:s23] =	ssyncset.done $0x0  }
0x4d: {  	[sflag:s23] =	ssyncadd.s32 $0xFFFFFF80  }
0x4e: {  	[tilespmem:s29], [sflag:$0x3] =	stream.linear.gather [hbm4b:s25+s4], $0x1000, $0x38;
	[tilespmem:$0x19200] =	vst v63  }
0x4f: {  	_ =	swait.ge [sflag:s23], $0x1000  }
0x50: {  	[sflag:s23] =	ssyncset.done $0x0  }
0x51: {  	[sflag:s23] =	ssyncadd.s32 $0xFFFFF000  }
0x52: {  	v5 =	vld [tilespmem:$0x100]  }
0x53: {  	v6 =	vld [tilespmem:$0x180]  }
0x54: {  	v7 =	vld [tilespmem:$0x200]  }
0x55: {  	v8 =	vld [tilespmem:$0x280]  }
0x56: {  	v9 =	vld [tilespmem:$0x300]  }
0x57: {  	p3 =	seq.s32 s3, $0x0;
	s30 =	sld [smem:$0x7FD];
	v10 =	vld [tilespmem:$0x380]  }
0x58: {  	v11 =	vld [tilespmem:$0x400];
	v12 =	vadd.s32 v6, v5;
	v5 =	vpsel p3, $0x0, v5;
	v6 =	vpsel p1, $0x0, v6  }
0x59: {  	v5 =	vadd.s32 v5, v6;
	v6 =	vpsel !p0, $0x0, v7  }
0x5a: {  	p3 =	seq.s32 s30, $0x1;
	s30 =	sld [smem:$0x7FC];
	v5 =	vadd.s32 v6, v5;
	v6 =	vpsel !p6, $0x0, v8  }
0x5b: {  	v13 =	vld [tilespmem:$0x480];
	v5 =	vadd.s32 v6, v5;
	v6 =	vpsel !p5, $0x0, v9  }
0x5c: {  	v5 =	vadd.s32 v6, v5;
	v6 =	vpsel !p4, $0x0, v10  }
0x5d: {  	v5 =	vadd.s32 v6, v5;
	v6 =	vpsel !p3, $0x0, v11;
	p3 =	seq.s32 s30, $0x1;
	s30 =	sld [smem:$0x7FB]  }
0x5e: {  	v14 =	vld [tilespmem:$0x500];
	_ =	sdelay $0x1  }
0x5f: {  	v5 =	vadd.s32 v6, v5;
	v6 =	vpsel !p3, $0x0, v13;
	p3 =	seq.s32 s30, $0x1;
	s30 =	sld [smem:$0x7FA]  }
0x60: {  	v15 =	vld [tilespmem:$0x580];
	_ =	sdelay $0x1  }
0x61: {  	v5 =	vadd.s32 v6, v5;
	v6 =	vpsel !p3, $0x0, v14;
	p3 =	seq.s32 s30, $0x1;
	s30 =	sld [smem:$0x7F9]  }
0x62: {  	v16 =	vld [tilespmem:$0x600];
	_ =	sdelay $0x1  }
0x63: {  	v5 =	vadd.s32 v6, v5;
	v6 =	vpsel !p3, $0x0, v15;
	p3 =	seq.s32 s30, $0x1;
	s30 =	sld [smem:$0x7F8]  }
0x64: {  	v17 =	vld [tilespmem:$0x680];
	_ =	sdelay $0x1  }
0x65: {  	v5 =	vadd.s32 v6, v5;
	v6 =	vpsel !p3, $0x0, v16;
	p3 =	seq.s32 s30, $0x1;
	s30 =	sld [smem:$0x7F7]  }
0x66: {  	v18 =	vld [tilespmem:$0x700];
	_ =	sdelay $0x1  }
0x67: {  	v5 =	vadd.s32 v6, v5;
	v6 =	vpsel !p3, $0x0, v17;
	p3 =	seq.s32 s30, $0x1;
	s30 =	sld [smem:$0x7F6]  }
0x68: {  	v19 =	vld [tilespmem:$0x780];
	_ =	sdelay $0x1  }
0x69: {  	v5 =	vadd.s32 v6, v5;
	v6 =	vpsel !p3, $0x0, v18;
	p3 =	seq.s32 s30, $0x1;
	s30 =	sld [smem:$0x7F5]  }
0x6a: {  	v20 =	vld [tilespmem:$0x800];
	_ =	sdelay $0x1  }
0x6b: {  	v5 =	vadd.s32 v6, v5;
	v6 =	vpsel !p3, $0x0, v19;
	p3 =	seq.s32 s30, $0x1;
	s30 =	sld [smem:$0x7F4]  }
0x6c: {  	v21 =	vld [tilespmem:$0x880]  }
0x6d: {  	v12 =	vadd.s32 v7, v12  }
0x6e: {  	v12 =	vadd.s32 v8, v12;
	v5 =	vadd.s32 v6, v5;
	v6 =	vpsel !p3, $0x0, v20;
	p3 =	seq.s32 s30, $0x1;
	s30 =	sld [smem:$0x7F3]  }
0x6f: {  	v22 =	vld [tilespmem:$0x900];
	v12 =	vadd.s32 v9, v12  }
0x70: {  	v12 =	vadd.s32 v10, v12  }
0x71: {  	v12 =	vadd.s32 v11, v12;
	v5 =	vadd.s32 v6, v5;
	v6 =	vpsel !p3, $0x0, v21;
	p3 =	seq.s32 s30, $0x1;
	s30 =	sld [smem:$0x7F2]  }
0x72: {  	v7 =	vld [tilespmem:$0x980];
	v12 =	vadd.s32 v13, v12  }
0x73: {  	v12 =	vadd.s32 v14, v12  }
0x74: {  	v12 =	vadd.s32 v15, v12;
	v5 =	vadd.s32 v6, v5;
	v6 =	vpsel !p3, $0x0, v22;
	p3 =	seq.s32 s30, $0x1;
	s30 =	sld [smem:$0x7F1]  }
0x75: {  	v8 =	vld [tilespmem:$0xA00];
	v12 =	vadd.s32 v16, v12  }
0x76: {  	v12 =	vadd.s32 v17, v12  }
0x77: {  	v12 =	vadd.s32 v18, v12;
	v5 =	vadd.s32 v6, v5;
	v6 =	vpsel !p3, $0x0, v7;
	p3 =	seq.s32 s30, $0x1;
	s30 =	sld [smem:$0x7F0]  }
0x78: {  	v51 =	vld [tilespmem:$0xA80];
	v12 =	vadd.s32 v19, v12  }
0x79: {  	v12 =	vadd.s32 v20, v12  }
0x7a: {  	v52 =	vld [tilespmem:$0xB00];
	v12 =	vadd.s32 v21, v12;
	v5 =	vadd.s32 v6, v5;
	v6 =	vpsel !p3, $0x0, v8;
	p3 =	seq.s32 s30, $0x1;
	s30 =	sld [smem:$0x7EF]  }
0x7b: {  	v53 =	vld [tilespmem:$0xB80];
	v12 =	vadd.s32 v22, v12  }
0x7c: {  	v54 =	vld [tilespmem:$0xC00];
	v12 =	vadd.s32 v7, v12  }
0x7d: {  	v55 =	vld [tilespmem:$0xC80];
	v12 =	vadd.s32 v8, v12;
	v5 =	vadd.s32 v6, v5;
	v6 =	vpsel !p3, $0x0, v51;
	p3 =	seq.s32 s30, $0x1;
	s30 =	sld [smem:$0x7EE]  }
0x7e: {  	v56 =	vld [tilespmem:$0xD00];
	v12 =	vadd.s32 v51, v12  }
0x7f: {  	v57 =	vld [tilespmem:$0xD80];
	v12 =	vadd.s32 v52, v12  }
0x80: {  	v58 =	vld [tilespmem:$0xE00];
	v12 =	vadd.s32 v53, v12;
	v5 =	vadd.s32 v6, v5;
	v6 =	vpsel !p3, $0x0, v52;
	p3 =	seq.s32 s30, $0x1;
	s30 =	sld [smem:$0x7ED]  }
0x81: {  	v59 =	vld [tilespmem:$0xE80];
	v12 =	vadd.s32 v54, v12  }
0x82: {  	v60 =	vld [tilespmem:$0xF00];
	v12 =	vadd.s32 v55, v12  }
0x83: {  	v61 =	vld [tilespmem:$0xF80];
	v12 =	vadd.s32 v56, v12;
	v5 =	vadd.s32 v6, v5;
	v6 =	vpsel !p3, $0x0, v53;
	p3 =	seq.s32 s30, $0x1;
	s30 =	sld [smem:$0x7EC]  }
0x84: {  	v62 =	vld [tilespmem:$0x1000];
	v12 =	vadd.s32 v57, v12  }
0x85: {  	v63 =	vld [tilespmem:$0x1080];
	v12 =	vadd.s32 v58, v12  }
0x86: {  	v7 =	vadd.s32 v59, v12;
	v5 =	vadd.s32 v6, v5;
	v6 =	vpsel !p3, $0x0, v54;
	p3 =	seq.s32 s30, $0x1;
	s30 =	sld [smem:$0x7EB]  }
0x87: {  	v7 =	vadd.s32 v60, v7  }
0x88: {  	v7 =	vadd.s32 v61, v7  }
0x89: {  	v7 =	vadd.s32 v62, v7;
	v8 =	vpsel !p3, $0x0, v55;
	p3 =	seq.s32 s30, $0x1;
	s30 =	sld [smem:$0x7EA]  }
0x8a: {  	v7 =	vadd.s32 v63, v7  }
0x8b: {  	v7 =	vadd.s32 $0xFF, v7  }
0x8c: {  	v6 =	vadd.s32 v6, v5;
	v5 =	vand.u32 $0xFFFFFF00, v7;
	v7 =	vpsel !p3, $0x0, v56;
	p3 =	seq.s32 s30, $0x1;
	s30 =	sld [smem:$0x7E9];
	_ =	sdelay $0x1  }
0x8d: {  	v6 =	vadd.s32 v8, v6  }
0x8e: {  	v6 =	vadd.s32 v7, v6;
	v7 =	vpsel !p3, $0x0, v57;
	p3 =	seq.s32 s30, $0x1;
	s30 =	sld [smem:$0x7E8];
	_ =	sdelay $0x2  }
0x8f: {  	v6 =	vadd.s32 v7, v6;
	v7 =	vpsel !p3, $0x0, v58;
	p3 =	seq.s32 s30, $0x1;
	s30 =	sld [smem:$0x7E7];
	_ =	sdelay $0x2  }
0x90: {  	v18 =	vld [tilespmem:$0x1FFF0];
	v6 =	vadd.s32 v7, v6;
	v7 =	vpsel !p3, $0x0, v59;
	p3 =	seq.s32 s30, $0x1;
	s30 =	sld [smem:$0x7E6]  }
0x91: {  	(xrf0) =	vadd.scan.msk.s32 $0xffff, v5;
	v8 =	vld [tilespmem:s14+$0x0];
	_ =	sdelay $0x1  }
0x92: {  	v6 =	vadd.s32 v7, v6;
	v7 =	vpsel !p3, $0x0, v60;
	p3 =	seq.s32 s30, $0x1;
	s30 =	sld [smem:$0x7E5];
	_ =	sdelay $0x1  }
0x93: {  	vm3 =	vcmask $0x308;
	vm8 =	vcmask $0x171C;
	vm1 =	vnez.u8 v18  }
0x94: {  	vm9 =	veq.s32 v8, $0x0;
	v6 =	vadd.s32 v7, v6;
	v7 =	vpsel !p3, $0x0, v61;
	p3 =	seq.s32 s30, $0x1  }
0x95: {  	v15, _, _ =	vpop (xrf0);
	vm10 =	veq.s32 v8, $0x1;
	v6 =	vadd.s32 v7, v6;
	v7 =	vpsel !p3, $0x0, v62  }
0x96: {  	v16 =	vmpcnt.ones.xlane vm9;
	v7 =	vadd.s32 v7, v6;
	v6 =	vsub.s32 v15, v5  }
0x97: {  	vm11 =	veq.s32 v8, $0x2;
	v17 =	vsel vm9, $0x1, v0;
	v7 =	vadd.s32 v6, v7  }
0x98: {  	v19 =	vmpcnt.ones.xlane vm10;
	(xrf0) =	vadd.scan.msk.s32 $0xffff, v17;
	v9 =	vnsel vm1, $0x0, v16;
	v10 =	vnsel vm1, $0x0, v7  }
0x99: {  	vm12 =	veq.s32 v8, $0x3;
	v20 =	vsel vm10, $0x1, v0;
	v7 =	vadd.s32 v9, v7;
	(xrf0) =	vadd.scan.msk.s32 $0xffff, v10  }
0x9a: {  	v23 =	vmpcnt.ones.xlane vm11;
	v22 =	vsel vm3, $0x0, v19;
	v21 =	vsel vm3, $0x0, v7;
	(xrf0) =	vadd.scan.msk.s32 $0xffff, v20  }
0x9b: {  	vm13 =	veq.s32 v8, $0x4;
	v24 =	vsel vm11, $0x1, v0;
	v7 =	vadd.s32 v22, v7;
	(xrf0) =	vadd.scan.msk.s32 $0xffff, v21  }
0x9c: {  	v27 =	vmpcnt.ones.xlane vm12;
	v26 =	vsel vm4, $0x0, v23;
	v25 =	vsel vm4, $0x0, v7;
	(xrf0) =	vadd.scan.msk.s32 $0xffff, v24  }
0x9d: {  	vm14 =	veq.s32 v8, $0x5;
	v28 =	vsel vm12, $0x1, v0;
	v7 =	vadd.s32 v26, v7;
	(xrf0) =	vadd.scan.msk.s32 $0xffff, v25  }
0x9e: {  	v31 =	vmpcnt.ones.xlane vm13;
	v11 =	vsel vm5, $0x0, v27;
	v29, _, _ =	vpop (xrf0);
	v30 =	vsel vm5, $0x0, v7;
	(xrf0) =	vadd.scan.msk.s32 $0xffff, v28  }
0x9f: {  	vm15 =	veq.s32 v8, $0x6;
	v33 =	vsel vm13, $0x1, v0;
	v7 =	vadd.s32 v11, v7;
	v32, _, _ =	vpop (xrf0);
	(xrf0) =	vadd.scan.msk.s32 $0xffff, v30  }
0xa0: {  	v36 =	vmpcnt.ones.xlane vm14;
	v12 =	vsel vm6, $0x0, v31;
	v35 =	vsel vm6, $0x0, v7;
	v34, _, _ =	vpop (xrf0);
	(xrf0) =	vadd.scan.msk.s32 $0xffff, v33  }
0xa1: {  	v38 =	vsel vm14, $0x1, v0;
	vm3 =	vcmask $0x1318;
	v7 =	vadd.s32 v12, v7;
	v37, _, _ =	vpop (xrf0);
	(xrf0) =	vadd.scan.msk.s32 $0xffff, v35  }
0xa2: {  	v41 =	vmpcnt.ones.xlane vm15;
	v14 =	vsel vm3, $0x0, v36;
	v40 =	vsel vm3, $0x0, v7;
	v39, _, _ =	vpop (xrf0);
	(xrf0) =	vadd.scan.msk.s32 $0xffff, v38  }
0xa3: {  	vm7 =	veq.s32 v8, $0x7;
	v43 =	vsel vm15, $0x1, v0;
	v7 =	vadd.s32 v14, v7;
	v42, _, _ =	vpop (xrf0);
	(xrf0) =	vadd.scan.msk.s32 $0xffff, v40  }
0xa4: {  	v47 =	vsel vm7, $0x1, v0;
	v16 =	vsel vm8, $0x0, v41;
	v45 =	vsel vm8, $0x0, v7;
	v44, _, _ =	vpop (xrf0);
	(xrf0) =	vadd.scan.msk.s32 $0xffff, v43  }
0xa5: {  	v7 =	vadd.s32 v16, v7;
	vm8 =	vcmask $0x1B20;
	v8 =	vadd.s32 $0xFFFFFFFF, v32;
	v46, _, _ =	vpop (xrf0);
	(xrf0) =	vadd.scan.msk.s32 $0xffff, v45  }
0xa6: {  	v49 =	vsel vm8, $0x0, v7;
	v8 =	vbroadcast v8, $0xF;
	v15 =	vadd.s32 $0xFFFFFFFF, v37;
	v48, _, _ =	vpop (xrf0);
	(xrf0) =	vadd.scan.msk.s32 $0xffff, v47  }
0xa7: {  	v15 =	vbroadcast v15, $0xF;
	v17 =	vadd.s32 $0xFFFFFFFF, v42;
	v50, _, _ =	vpop (xrf0);
	(xrf0) =	vadd.scan.msk.s32 $0xffff, v49  }
0xa8: {  	v8 =	vadd.s32 v29, v8;
	v51 =	vbroadcast v17, $0xF;
	v52, _, _ =	vpop (xrf0)  }
0xa9: {  	v8 =	vnsel vm9, $0x0, v8;
	v11 =	vadd.s32 v34, v15;
	v13 =	vadd.s32 $0xFFFFFFFF, v46;
	v53, _, _ =	vpop (xrf0)  }
0xaa: {  	v8 =	vsel vm10, v11, v8;
	v9 =	vadd.s32 v39, v51;
	v54 =	vbroadcast v13, $0xF;
	v55, _, _ =	vpop (xrf0)  }
0xab: {  	v8 =	vsel vm11, v9, v8;
	v56 =	vadd.s32 $0xFFFFFFFF, v50;
	v57, _, _ =	vpop (xrf0)  }
0xac: {  	v11 =	vadd.s32 v44, v54;
	v9 =	vbroadcast v56, $0xF;
	v58 =	vadd.s32 $0xFFFFFFFF, v53;
	v59, _, _ =	vpop (xrf0)  }
0xad: {  	v8 =	vsel vm12, v11, v8;
	v60 =	vbroadcast v58, $0xF;
	v13 =	vadd.s32 $0xFFFFFFFF, v57;
	v61, _, _ =	vpop (xrf0)  }
0xae: {  	v9 =	vadd.s32 v48, v9;
	v13 =	vbroadcast v13, $0xF;
	v14 =	vadd.s32 $0xFFFFFFFF, v61  }
0xaf: {  	v8 =	vsel vm13, v9, v8;
	v62 =	vadd.s32 v52, v60;
	v63 =	vbroadcast v14, $0xF  }
0xb0: {  	v8 =	vsel vm14, v62, v8;
	v13 =	vadd.s32 v55, v13  }
0xb1: {  	v8 =	vsel vm15, v13, v8;
	v14 =	vadd.s32 v59, v63  }
0xb2: {  	v8 =	vsel vm7, v14, v8  }
0xb3: {  	[tilespmem:$0x1100] =	vst v8  }
0xb4: {  	v8 =	vld [tilespmem:s15+$0x0];
	_ =	sdelay $0x3  }
0xb5: {  	v15 =	vmpcnt.ones.xlane vm7  }
0xb6: {  	vm9 =	veq.s32 v8, $0x0  }
0xb7: {  	vm2 =	vcmask $0x308;
	v9 =	vsel vm8, $0x0, v15;
	v16 =	vmpcnt.ones.xlane vm9  }
0xb8: {  	v7 =	vadd.s32 v9, v7;
	vm10 =	veq.s32 v8, $0x1;
	v17 =	vsel vm9, $0x1, v0  }
0xb9: {  	v18 =	vnsel vm1, $0x0, v7;
	v19 =	vmpcnt.ones.xlane vm10;
	(xrf0) =	vadd.scan.msk.s32 $0xffff, v17;
	v10 =	vnsel vm1, $0x0, v16  }
0xba: {  	vm11 =	veq.s32 v8, $0x2;
	v20 =	vsel vm10, $0x1, v0;
	(xrf0) =	vadd.scan.msk.s32 $0xffff, v18;
	v7 =	vadd.s32 v10, v7  }
0xbb: {  	v23 =	vmpcnt.ones.xlane vm11;
	v22 =	vsel vm2, $0x0, v19;
	(xrf0) =	vadd.scan.msk.s32 $0xffff, v20;
	v21 =	vsel vm2, $0x0, v7  }
0xbc: {  	vm12 =	veq.s32 v8, $0x3;
	v24 =	vsel vm11, $0x1, v0;
	v7 =	vadd.s32 v22, v7;
	(xrf0) =	vadd.scan.msk.s32 $0xffff, v21  }
0xbd: {  	v27 =	vmpcnt.ones.xlane vm12;
	v26 =	vsel vm4, $0x0, v23;
	v25 =	vsel vm4, $0x0, v7;
	(xrf0) =	vadd.scan.msk.s32 $0xffff, v24  }
0xbe: {  	vm13 =	veq.s32 v8, $0x4;
	v28 =	vsel vm12, $0x1, v0;
	v7 =	vadd.s32 v26, v7;
	(xrf0) =	vadd.scan.msk.s32 $0xffff, v25  }
0xbf: {  	v31 =	vmpcnt.ones.xlane vm13;
	v11 =	vsel vm5, $0x0, v27;
	v30 =	vsel vm5, $0x0, v7;
	v29, _, _ =	vpop (xrf0);
	(xrf0) =	vadd.scan.msk.s32 $0xffff, v28  }
0xc0: {  	vm14 =	veq.s32 v8, $0x5;
	v33 =	vsel vm13, $0x1, v0;
	v7 =	vadd.s32 v11, v7;
	v32, _, _ =	vpop (xrf0);
	(xrf0) =	vadd.scan.msk.s32 $0xffff, v30  }
0xc1: {  	v36 =	vmpcnt.ones.xlane vm14;
	v12 =	vsel vm6, $0x0, v31;
	v35 =	vsel vm6, $0x0, v7;
	v34, _, _ =	vpop (xrf0);
	(xrf0) =	vadd.scan.msk.s32 $0xffff, v33  }
0xc2: {  	vm15 =	veq.s32 v8, $0x6;
	v38 =	vsel vm14, $0x1, v0;
	v7 =	vadd.s32 v12, v7;
	v37, _, _ =	vpop (xrf0);
	(xrf0) =	vadd.scan.msk.s32 $0xffff, v35  }
0xc3: {  	v41 =	vmpcnt.ones.xlane vm15;
	v14 =	vsel vm3, $0x0, v36;
	v40 =	vsel vm3, $0x0, v7;
	v39, _, _ =	vpop (xrf0);
	(xrf0) =	vadd.scan.msk.s32 $0xffff, v38  }
0xc4: {  	v43 =	vsel vm15, $0x1, v0;
	vm2 =	vcmask $0x171C;
	v7 =	vadd.s32 v14, v7;
	v42, _, _ =	vpop (xrf0);
	(xrf0) =	vadd.scan.msk.s32 $0xffff, v40  }
0xc5: {  	vm7 =	veq.s32 v8, $0x7;
	v16 =	vsel vm2, $0x0, v41;
	v45 =	vsel vm2, $0x0, v7;
	v44, _, _ =	vpop (xrf0);
	(xrf0) =	vadd.scan.msk.s32 $0xffff, v43  }
0xc6: {  	v47 =	vsel vm7, $0x1, v0;
	v8 =	vadd.s32 $0xFFFFFFFF, v32;
	v7 =	vadd.s32 v16, v7;
	v46, _, _ =	vpop (xrf0);
	(xrf0) =	vadd.scan.msk.s32 $0xffff, v45  }
0xc7: {  	v8 =	vbroadcast v8, $0xF;
	v49 =	vsel vm8, $0x0, v7;
	v15 =	vadd.s32 $0xFFFFFFFF, v37;
	v48, _, _ =	vpop (xrf0);
	(xrf0) =	vadd.scan.msk.s32 $0xffff, v47  }
0xc8: {  	v15 =	vbroadcast v15, $0xF;
	v17 =	vadd.s32 $0xFFFFFFFF, v42;
	v50, _, _ =	vpop (xrf0);
	(xrf0) =	vadd.scan.msk.s32 $0xffff, v49  }
0xc9: {  	v8 =	vadd.s32 v29, v8;
	v51 =	vbroadcast v17, $0xF;
	v52, _, _ =	vpop (xrf0)  }
0xca: {  	v8 =	vnsel vm9, $0x0, v8;
	v11 =	vadd.s32 v34, v15;
	v13 =	vadd.s32 $0xFFFFFFFF, v46;
	v53, _, _ =	vpop (xrf0)  }
0xcb: {  	v8 =	vsel vm10, v11, v8;
	v9 =	vadd.s32 v39, v51;
	v54 =	vbroadcast v13, $0xF;
	v55, _, _ =	vpop (xrf0)  }
0xcc: {  	v8 =	vsel vm11, v9, v8;
	v56 =	vadd.s32 $0xFFFFFFFF, v50;
	v57, _, _ =	vpop (xrf0)  }
0xcd: {  	v11 =	vadd.s32 v44, v54;
	v9 =	vbroadcast v56, $0xF;
	v58 =	vadd.s32 $0xFFFFFFFF, v53;
	v59, _, _ =	vpop (xrf0)  }
0xce: {  	v8 =	vsel vm12, v11, v8;
	v60 =	vbroadcast v58, $0xF;
	v13 =	vadd.s32 $0xFFFFFFFF, v57;
	v61, _, _ =	vpop (xrf0)  }
0xcf: {  	v9 =	vadd.s32 v48, v9;
	v13 =	vbroadcast v13, $0xF;
	v14 =	vadd.s32 $0xFFFFFFFF, v61  }
0xd0: {  	v8 =	vsel vm13, v9, v8;
	v62 =	vadd.s32 v52, v60;
	v63 =	vbroadcast v14, $0xF  }
0xd1: {  	v8 =	vsel vm14, v62, v8;
	v13 =	vadd.s32 v55, v13  }
0xd2: {  	v8 =	vsel vm15, v13, v8;
	v14 =	vadd.s32 v59, v63  }
0xd3: {  	v8 =	vsel vm7, v14, v8  }
0xd4: {  	[tilespmem:$0x1110] =	vst v8  }
0xd5: {  	v8 =	vld [tilespmem:s16+$0x0];
	_ =	sdelay $0x2  }
0xd6: {  	v15 =	vmpcnt.ones.xlane vm7;
	_ =	sdelay $0x1  }
0xd7: {  	v9 =	vsel vm8, $0x0, v15;
	vm9 =	veq.s32 v8, $0x0  }
0xd8: {  	vm2 =	vmmov vm1;
	v7 =	vadd.s32 v9, v7;
	v16 =	vmpcnt.ones.xlane vm9  }
0xd9: {  	v18 =	vnsel vm1, $0x0, v7;
	vm10 =	veq.s32 v8, $0x1;
	v17 =	vsel vm9, $0x1, v0  }
0xda: {  	vm11 =	veq.s32 v8, $0x2;
	v19 =	vmpcnt.ones.xlane vm10;
	(xrf0) =	vadd.scan.msk.s32 $0xffff, v17;
	v10 =	vnsel vm1, $0x0, v16  }
0xdb: {  	v20 =	vsel vm10, $0x1, v0;
	(xrf0) =	vadd.scan.msk.s32 $0xffff, v18;
	vm1 =	vcmask $0x308;
	v7 =	vadd.s32 v7, v10  }
0xdc: {  	v23 =	vmpcnt.ones.xlane vm11;
	(xrf0) =	vadd.scan.msk.s32 $0xffff, v20;
	v22 =	vsel vm1, $0x0, v19;
	v21 =	vsel vm1, $0x0, v7  }
0xdd: {  	vm12 =	veq.s32 v8, $0x3;
	v24 =	vsel vm11, $0x1, v0;
	v7 =	vadd.s32 v22, v7;
	(xrf0) =	vadd.scan.msk.s32 $0xffff, v21  }
0xde: {  	v27 =	vmpcnt.ones.xlane vm12;
	v26 =	vsel vm4, $0x0, v23;
	v25 =	vsel vm4, $0x0, v7;
	(xrf0) =	vadd.scan.msk.s32 $0xffff, v24  }
0xdf: {  	vm13 =	veq.s32 v8, $0x4;
	v28 =	vsel vm12, $0x1, v0;
	v7 =	vadd.s32 v26, v7;
	(xrf0) =	vadd.scan.msk.s32 $0xffff, v25  }
0xe0: {  	v31 =	vmpcnt.ones.xlane vm13;
	v11 =	vsel vm5, $0x0, v27;
	v30 =	vsel vm5, $0x0, v7;
	v29, _, _ =	vpop (xrf0);
	(xrf0) =	vadd.scan.msk.s32 $0xffff, v28  }
0xe1: {  	vm14 =	veq.s32 v8, $0x5;
	v33 =	vsel vm13, $0x1, v0;
	v7 =	vadd.s32 v11, v7;
	v32, _, _ =	vpop (xrf0);
	(xrf0) =	vadd.scan.msk.s32 $0xffff, v30  }
0xe2: {  	v36 =	vmpcnt.ones.xlane vm14;
	v12 =	vsel vm6, $0x0, v31;
	v35 =	vsel vm6, $0x0, v7;
	v34, _, _ =	vpop (xrf0);
	(xrf0) =	vadd.scan.msk.s32 $0xffff, v33  }
0xe3: {  	vm15 =	veq.s32 v8, $0x6;
	v38 =	vsel vm14, $0x1, v0;
	v7 =	vadd.s32 v12, v7;
	v37, _, _ =	vpop (xrf0);
	(xrf0) =	vadd.scan.msk.s32 $0xffff, v35  }
0xe4: {  	v41 =	vmpcnt.ones.xlane vm15;
	v14 =	vsel vm3, $0x0, v36;
	v40 =	vsel vm3, $0x0, v7;
	v39, _, _ =	vpop (xrf0);
	(xrf0) =	vadd.scan.msk.s32 $0xffff, v38  }
0xe5: {  	v43 =	vsel vm15, $0x1, v0;
	vm1 =	vcmask $0x171C;
	v7 =	vadd.s32 v14, v7;
	v42, _, _ =	vpop (xrf0);
	(xrf0) =	vadd.scan.msk.s32 $0xffff, v40  }
0xe6: {  	vm7 =	veq.s32 v8, $0x7;
	v16 =	vsel vm1, $0x0, v41;
	v45 =	vsel vm1, $0x0, v7;
	v44, _, _ =	vpop (xrf0);
	(xrf0) =	vadd.scan.msk.s32 $0xffff, v43  }
0xe7: {  	v47 =	vsel vm7, $0x1, v0;
	v8 =	vadd.s32 $0xFFFFFFFF, v32;
	v7 =	vadd.s32 v16, v7;
	v46, _, _ =	vpop (xrf0);
	(xrf0) =	vadd.scan.msk.s32 $0xffff, v45  }
0xe8: {  	v8 =	vbroadcast v8, $0xF;
	v49 =	vsel vm8, $0x0, v7;
	v15 =	vadd.s32 $0xFFFFFFFF, v37;
	v48, _, _ =	vpop (xrf0);
	(xrf0) =	vadd.scan.msk.s32 $0xffff, v47  }
0xe9: {  	v15 =	vbroadcast v15, $0xF;
	v17 =	vadd.s32 $0xFFFFFFFF, v42;
	v50, _, _ =	vpop (xrf0);
	(xrf0) =	vadd.scan.msk.s32 $0xffff, v49  }
0xea: {  	v8 =	vadd.s32 v29, v8;
	v51 =	vbroadcast v17, $0xF;
	v52, _, _ =	vpop (xrf0)  }
0xeb: {  	v8 =	vnsel vm9, $0x0, v8;
	v11 =	vadd.s32 v34, v15;
	v13 =	vadd.s32 $0xFFFFFFFF, v46;
	v53, _, _ =	vpop (xrf0)  }
0xec: {  	v8 =	vsel vm10, v11, v8;
	v9 =	vadd.s32 v39, v51;
	v54 =	vbroadcast v13, $0xF;
	v55, _, _ =	vpop (xrf0)  }
0xed: {  	v8 =	vsel vm11, v9, v8;
	v56 =	vadd.s32 $0xFFFFFFFF, v50;
	v57, _, _ =	vpop (xrf0)  }
0xee: {  	v11 =	vadd.s32 v44, v54;
	v9 =	vbroadcast v56, $0xF;
	v58 =	vadd.s32 $0xFFFFFFFF, v53;
	v59, _, _ =	vpop (xrf0)  }
0xef: {  	v8 =	vsel vm12, v11, v8;
	v60 =	vbroadcast v58, $0xF;
	v13 =	vadd.s32 $0xFFFFFFFF, v57;
	v61, _, _ =	vpop (xrf0)  }
0xf0: {  	v9 =	vadd.s32 v48, v9;
	v13 =	vbroadcast v13, $0xF;
	v14 =	vadd.s32 $0xFFFFFFFF, v61  }
0xf1: {  	v8 =	vsel vm13, v9, v8;
	v62 =	vadd.s32 v52, v60;
	v63 =	vbroadcast v14, $0xF  }
0xf2: {  	v8 =	vsel vm14, v62, v8;
	v13 =	vadd.s32 v55, v13  }
0xf3: {  	v8 =	vsel vm15, v13, v8;
	v14 =	vadd.s32 v59, v63  }
0xf4: {  	v8 =	vsel vm7, v14, v8  }
0xf5: {  	[tilespmem:$0x1120] =	vst v8  }
0xf6: {  	v8 =	vld [tilespmem:s17+$0x0];
	_ =	sdelay $0x2  }
0xf7: {  	v15 =	vmpcnt.ones.xlane vm7;
	_ =	sdelay $0x1  }
0xf8: {  	v9 =	vsel vm8, $0x0, v15;
	vm9 =	veq.s32 v8, $0x0  }
0xf9: {  	vm1 =	vmmov vm2;
	v7 =	vadd.s32 v9, v7;
	v16 =	vmpcnt.ones.xlane vm9  }
0xfa: {  	v18 =	vnsel vm2, $0x0, v7;
	vm10 =	veq.s32 v8, $0x1;
	v17 =	vsel vm9, $0x1, v0  }
0xfb: {  	vm11 =	veq.s32 v8, $0x2;
	v19 =	vmpcnt.ones.xlane vm10;
	(xrf0) =	vadd.scan.msk.s32 $0xffff, v17;
	v10 =	vnsel vm2, $0x0, v16  }
0xfc: {  	v20 =	vsel vm10, $0x1, v0;
	(xrf0) =	vadd.scan.msk.s32 $0xffff, v18;
	vm2 =	vcmask $0x308;
	v7 =	vadd.s32 v7, v10  }
0xfd: {  	v23 =	vmpcnt.ones.xlane vm11;
	(xrf0) =	vadd.scan.msk.s32 $0xffff, v20;
	v22 =	vsel vm2, $0x0, v19;
	v21 =	vsel vm2, $0x0, v7  }
0xfe: {  	vm12 =	veq.s32 v8, $0x3;
	v24 =	vsel vm11, $0x1, v0;
	v7 =	vadd.s32 v22, v7;
	(xrf0) =	vadd.scan.msk.s32 $0xffff, v21  }
0xff: {  	v27 =	vmpcnt.ones.xlane vm12;
	v26 =	vsel vm4, $0x0, v23;
	v25 =	vsel vm4, $0x0, v7;
	(xrf0) =	vadd.scan.msk.s32 $0xffff, v24  }
0x100: {  	vm13 =	veq.s32 v8, $0x4;
	v28 =	vsel vm12, $0x1, v0;
	v7 =	vadd.s32 v26, v7;
	(xrf0) =	vadd.scan.msk.s32 $0xffff, v25  }
0x101: {  	v31 =	vmpcnt.ones.xlane vm13;
	v11 =	vsel vm5, $0x0, v27;
	v30 =	vsel vm5, $0x0, v7;
	v29, _, _ =	vpop (xrf0);
	(xrf0) =	vadd.scan.msk.s32 $0xffff, v28  }
0x102: {  	vm14 =	veq.s32 v8, $0x5;
	v33 =	vsel vm13, $0x1, v0;
	v7 =	vadd.s32 v11, v7;
	v32, _, _ =	vpop (xrf0);
	(xrf0) =	vadd.scan.msk.s32 $0xffff, v30  }
0x103: {  	v36 =	vmpcnt.ones.xlane vm14;
	v12 =	vsel vm6, $0x0, v31;
	v35 =	vsel vm6, $0x0, v7;
	v34, _, _ =	vpop (xrf0);
	(xrf0) =	vadd.scan.msk.s32 $0xffff, v33  }
0x104: {  	vm15 =	veq.s32 v8, $0x6;
	v38 =	vsel vm14, $0x1, v0;
	v7 =	vadd.s32 v12, v7;
	v37, _, _ =	vpop (xrf0);
	(xrf0) =	vadd.scan.msk.s32 $0xffff, v35  }
0x105: {  	v41 =	vmpcnt.ones.xlane vm15;
	v14 =	vsel vm3, $0x0, v36;
	v40 =	vsel vm3, $0x0, v7;
	v39, _, _ =	vpop (xrf0);
	(xrf0) =	vadd.scan.msk.s32 $0xffff, v38  }
0x106: {  	vm7 =	vcmask $0x171C;
	v43 =	vsel vm15, $0x1, v0;
	v7 =	vadd.s32 v14, v7;
	v42, _, _ =	vpop (xrf0);
	(xrf0) =	vadd.scan.msk.s32 $0xffff, v40  }
0x107: {  	v16 =	vsel vm7, $0x0, v41;
	v45 =	vsel vm7, $0x0, v7;
	vm7 =	veq.s32 v8, $0x7;
	v44, _, _ =	vpop (xrf0);
	(xrf0) =	vadd.scan.msk.s32 $0xffff, v43  }
0x108: {  	v8 =	vadd.s32 $0xFFFFFFFF, v32;
	v7 =	vadd.s32 v16, v7;
	v47 =	vsel vm7, $0x1, v0;
	v46, _, _ =	vpop (xrf0);
	(xrf0) =	vadd.scan.msk.s32 $0xffff, v45  }
0x109: {  	v8 =	vbroadcast v8, $0xF;
	v49 =	vsel vm8, $0x0, v7;
	v15 =	vadd.s32 $0xFFFFFFFF, v37;
	v48, _, _ =	vpop (xrf0);
	(xrf0) =	vadd.scan.msk.s32 $0xffff, v47  }
0x10a: {  	v15 =	vbroadcast v15, $0xF;
	v17 =	vadd.s32 $0xFFFFFFFF, v42;
	v50, _, _ =	vpop (xrf0);
	(xrf0) =	vadd.scan.msk.s32 $0xffff, v49  }
0x10b: {  	v8 =	vadd.s32 v29, v8;
	v51 =	vbroadcast v17, $0xF;
	v52, _, _ =	vpop (xrf0)  }
0x10c: {  	v8 =	vnsel vm9, $0x0, v8;
	v11 =	vadd.s32 v34, v15;
	v13 =	vadd.s32 $0xFFFFFFFF, v46;
	v53, _, _ =	vpop (xrf0)  }
0x10d: {  	v8 =	vsel vm10, v11, v8;
	v9 =	vadd.s32 v39, v51;
	v54 =	vbroadcast v13, $0xF;
	v55, _, _ =	vpop (xrf0)  }
0x10e: {  	v8 =	vsel vm11, v9, v8;
	v56 =	vadd.s32 $0xFFFFFFFF, v50;
	v57, _, _ =	vpop (xrf0)  }
0x10f: {  	v11 =	vadd.s32 v44, v54;
	v9 =	vbroadcast v56, $0xF;
	v58 =	vadd.s32 $0xFFFFFFFF, v53;
	v59, _, _ =	vpop (xrf0)  }
0x110: {  	v8 =	vsel vm12, v11, v8;
	v60 =	vbroadcast v58, $0xF;
	v13 =	vadd.s32 $0xFFFFFFFF, v57;
	v61, _, _ =	vpop (xrf0)  }
0x111: {  	v9 =	vadd.s32 v48, v9;
	v13 =	vbroadcast v13, $0xF;
	v14 =	vadd.s32 $0xFFFFFFFF, v61  }
0x112: {  	v8 =	vsel vm13, v9, v8;
	v62 =	vadd.s32 v52, v60;
	v63 =	vbroadcast v14, $0xF  }
0x113: {  	v8 =	vsel vm14, v62, v8;
	v13 =	vadd.s32 v55, v13  }
0x114: {  	v8 =	vsel vm15, v13, v8;
	v14 =	vadd.s32 v59, v63  }
0x115: {  	v8 =	vsel vm7, v14, v8  }
0x116: {  	[tilespmem:$0x1130] =	vst v8  }
0x117: {  	v8 =	vld [tilespmem:s18+$0x0];
	_ =	sdelay $0x3  }
0x118: {  	v15 =	vmpcnt.ones.xlane vm7  }
0x119: {  	vm9 =	veq.s32 v8, $0x0  }
0x11a: {  	v9 =	vsel vm8, $0x0, v15;
	v16 =	vmpcnt.ones.xlane vm9  }
0x11b: {  	v7 =	vadd.s32 v9, v7;
	vm10 =	veq.s32 v8, $0x1;
	v17 =	vsel vm9, $0x1, v0  }
0x11c: {  	v18 =	vnsel vm1, $0x0, v7;
	v19 =	vmpcnt.ones.xlane vm10;
	(xrf0) =	vadd.scan.msk.s32 $0xffff, v17;
	v10 =	vnsel vm1, $0x0, v16  }
0x11d: {  	vm11 =	veq.s32 v8, $0x2;
	v20 =	vsel vm10, $0x1, v0;
	(xrf0) =	vadd.scan.msk.s32 $0xffff, v18;
	v7 =	vadd.s32 v7, v10  }
0x11e: {  	v23 =	vmpcnt.ones.xlane vm11;
	v22 =	vsel vm2, $0x0, v19;
	(xrf0) =	vadd.scan.msk.s32 $0xffff, v20;
	v21 =	vsel vm2, $0x0, v7  }
0x11f: {  	vm12 =	veq.s32 v8, $0x3;
	v24 =	vsel vm11, $0x1, v0;
	v7 =	vadd.s32 v22, v7;
	(xrf0) =	vadd.scan.msk.s32 $0xffff, v21  }
0x120: {  	v27 =	vmpcnt.ones.xlane vm12;
	v26 =	vsel vm4, $0x0, v23;
	v25 =	vsel vm4, $0x0, v7;
	(xrf0) =	vadd.scan.msk.s32 $0xffff, v24  }
0x121: {  	vm13 =	veq.s32 v8, $0x4;
	v28 =	vsel vm12, $0x1, v0;
	v7 =	vadd.s32 v26, v7;
	(xrf0) =	vadd.scan.msk.s32 $0xffff, v25  }
0x122: {  	v31 =	vmpcnt.ones.xlane vm13;
	v11 =	vsel vm5, $0x0, v27;
	v30 =	vsel vm5, $0x0, v7;
	v29, _, _ =	vpop (xrf0);
	(xrf0) =	vadd.scan.msk.s32 $0xffff, v28  }
0x123: {  	vm14 =	veq.s32 v8, $0x5;
	v33 =	vsel vm13, $0x1, v0;
	v7 =	vadd.s32 v11, v7;
	v32, _, _ =	vpop (xrf0);
	(xrf0) =	vadd.scan.msk.s32 $0xffff, v30  }
0x124: {  	v36 =	vmpcnt.ones.xlane vm14;
	v12 =	vsel vm6, $0x0, v31;
	v35 =	vsel vm6, $0x0, v7;
	v34, _, _ =	vpop (xrf0);
	(xrf0) =	vadd.scan.msk.s32 $0xffff, v33  }
0x125: {  	vm15 =	veq.s32 v8, $0x6;
	v38 =	vsel vm14, $0x1, v0;
	v7 =	vadd.s32 v12, v7;
	v37, _, _ =	vpop (xrf0);
	(xrf0) =	vadd.scan.msk.s32 $0xffff, v35  }
0x126: {  	v41 =	vmpcnt.ones.xlane vm15;
	v14 =	vsel vm3, $0x0, v36;
	v40 =	vsel vm3, $0x0, v7;
	v39, _, _ =	vpop (xrf0);
	(xrf0) =	vadd.scan.msk.s32 $0xffff, v38  }
0x127: {  	vm7 =	vcmask $0x171C;
	v43 =	vsel vm15, $0x1, v0;
	v7 =	vadd.s32 v14, v7;
	v42, _, _ =	vpop (xrf0);
	(xrf0) =	vadd.scan.msk.s32 $0xffff, v40  }
0x128: {  	v16 =	vsel vm7, $0x0, v41;
	v45 =	vsel vm7, $0x0, v7;
	vm7 =	veq.s32 v8, $0x7;
	v44, _, _ =	vpop (xrf0);
	(xrf0) =	vadd.scan.msk.s32 $0xffff, v43  }
0x129: {  	v8 =	vadd.s32 $0xFFFFFFFF, v32;
	v7 =	vadd.s32 v16, v7;
	v47 =	vsel vm7, $0x1, v0;
	v46, _, _ =	vpop (xrf0);
	(xrf0) =	vadd.scan.msk.s32 $0xffff, v45  }
0x12a: {  	v8 =	vbroadcast v8, $0xF;
	v49 =	vsel vm8, $0x0, v7;
	v15 =	vadd.s32 $0xFFFFFFFF, v37;
	v48, _, _ =	vpop (xrf0);
	(xrf0) =	vadd.scan.msk.s32 $0xffff, v47  }
0x12b: {  	v15 =	vbroadcast v15, $0xF;
	v17 =	vadd.s32 $0xFFFFFFFF, v42;
	v50, _, _ =	vpop (xrf0);
	(xrf0) =	vadd.scan.msk.s32 $0xffff, v49  }
0x12c: {  	v8 =	vadd.s32 v29, v8;
	v51 =	vbroadcast v17, $0xF;
	v52, _, _ =	vpop (xrf0)  }
0x12d: {  	v8 =	vnsel vm9, $0x0, v8;
	v11 =	vadd.s32 v34, v15;
	v13 =	vadd.s32 $0xFFFFFFFF, v46;
	v53, _, _ =	vpop (xrf0)  }
0x12e: {  	v8 =	vsel vm10, v11, v8;
	v9 =	vadd.s32 v39, v51;
	v54 =	vbroadcast v13, $0xF;
	v55, _, _ =	vpop (xrf0)  }
0x12f: {  	v8 =	vsel vm11, v9, v8;
	v56 =	vadd.s32 $0xFFFFFFFF, v50;
	v57, _, _ =	vpop (xrf0)  }
0x130: {  	v11 =	vadd.s32 v44, v54;
	v9 =	vbroadcast v56, $0xF;
	v58 =	vadd.s32 $0xFFFFFFFF, v53;
	v59, _, _ =	vpop (xrf0)  }
0x131: {  	v8 =	vsel vm12, v11, v8;
	v60 =	vbroadcast v58, $0xF;
	v13 =	vadd.s32 $0xFFFFFFFF, v57;
	v61, _, _ =	vpop (xrf0)  }
0x132: {  	v9 =	vadd.s32 v48, v9;
	v13 =	vbroadcast v13, $0xF;
	v14 =	vadd.s32 $0xFFFFFFFF, v61  }
0x133: {  	v8 =	vsel vm13, v9, v8;
	v62 =	vadd.s32 v52, v60;
	v63 =	vbroadcast v14, $0xF  }
0x134: {  	v8 =	vsel vm14, v62, v8;
	v13 =	vadd.s32 v55, v13  }
0x135: {  	v8 =	vsel vm15, v13, v8;
	v14 =	vadd.s32 v59, v63  }
0x136: {  	v8 =	vsel vm7, v14, v8  }
0x137: {  	[tilespmem:$0x1140] =	vst v8  }
0x138: {  	v8 =	vld [tilespmem:s19+$0x0];
	_ =	sdelay $0x3  }
0x139: {  	v15 =	vmpcnt.ones.xlane vm7  }
0x13a: {  	vm9 =	veq.s32 v8, $0x0  }
0x13b: {  	v9 =	vsel vm8, $0x0, v15;
	v16 =	vmpcnt.ones.xlane vm9  }
0x13c: {  	v7 =	vadd.s32 v9, v7;
	vm10 =	veq.s32 v8, $0x1;
	v17 =	vsel vm9, $0x1, v0  }
0x13d: {  	v18 =	vnsel vm1, $0x0, v7;
	v19 =	vmpcnt.ones.xlane vm10;
	(xrf0) =	vadd.scan.msk.s32 $0xffff, v17;
	v10 =	vnsel vm1, $0x0, v16  }
0x13e: {  	vm11 =	veq.s32 v8, $0x2;
	v20 =	vsel vm10, $0x1, v0;
	(xrf0) =	vadd.scan.msk.s32 $0xffff, v18;
	v7 =	vadd.s32 v7, v10  }
0x13f: {  	v23 =	vmpcnt.ones.xlane vm11;
	v22 =	vsel vm2, $0x0, v19;
	(xrf0) =	vadd.scan.msk.s32 $0xffff, v20;
	v21 =	vsel vm2, $0x0, v7  }
0x140: {  	vm12 =	veq.s32 v8, $0x3;
	v24 =	vsel vm11, $0x1, v0;
	v7 =	vadd.s32 v22, v7;
	(xrf0) =	vadd.scan.msk.s32 $0xffff, v21  }
0x141: {  	v27 =	vmpcnt.ones.xlane vm12;
	v26 =	vsel vm4, $0x0, v23;
	v25 =	vsel vm4, $0x0, v7;
	(xrf0) =	vadd.scan.msk.s32 $0xffff, v24  }
0x142: {  	vm13 =	veq.s32 v8, $0x4;
	v28 =	vsel vm12, $0x1, v0;
	v7 =	vadd.s32 v26, v7;
	(xrf0) =	vadd.scan.msk.s32 $0xffff, v25  }
0x143: {  	v31 =	vmpcnt.ones.xlane vm13;
	v11 =	vsel vm5, $0x0, v27;
	v30 =	vsel vm5, $0x0, v7;
	v29, _, _ =	vpop (xrf0);
	(xrf0) =	vadd.scan.msk.s32 $0xffff, v28  }
0x144: {  	vm14 =	veq.s32 v8, $0x5;
	v33 =	vsel vm13, $0x1, v0;
	v7 =	vadd.s32 v11, v7;
	v32, _, _ =	vpop (xrf0);
	(xrf0) =	vadd.scan.msk.s32 $0xffff, v30  }
0x145: {  	v36 =	vmpcnt.ones.xlane vm14;
	v12 =	vsel vm6, $0x0, v31;
	v35 =	vsel vm6, $0x0, v7;
	v34, _, _ =	vpop (xrf0);
	(xrf0) =	vadd.scan.msk.s32 $0xffff, v33  }
0x146: {  	vm15 =	veq.s32 v8, $0x6;
	v38 =	vsel vm14, $0x1, v0;
	v7 =	vadd.s32 v12, v7;
	v37, _, _ =	vpop (xrf0);
	(xrf0) =	vadd.scan.msk.s32 $0xffff, v35  }
0x147: {  	v41 =	vmpcnt.ones.xlane vm15;
	v14 =	vsel vm3, $0x0, v36;
	v40 =	vsel vm3, $0x0, v7;
	v39, _, _ =	vpop (xrf0);
	(xrf0) =	vadd.scan.msk.s32 $0xffff, v38  }
0x148: {  	vm7 =	vcmask $0x171C;
	v43 =	vsel vm15, $0x1, v0;
	v7 =	vadd.s32 v14, v7;
	v42, _, _ =	vpop (xrf0);
	(xrf0) =	vadd.scan.msk.s32 $0xffff, v40  }
0x149: {  	v16 =	vsel vm7, $0x0, v41;
	v45 =	vsel vm7, $0x0, v7;
	vm7 =	veq.s32 v8, $0x7;
	v44, _, _ =	vpop (xrf0);
	(xrf0) =	vadd.scan.msk.s32 $0xffff, v43  }
0x14a: {  	v8 =	vadd.s32 $0xFFFFFFFF, v32;
	v7 =	vadd.s32 v16, v7;
	v47 =	vsel vm7, $0x1, v0;
	v46, _, _ =	vpop (xrf0);
	(xrf0) =	vadd.scan.msk.s32 $0xffff, v45  }
0x14b: {  	v8 =	vbroadcast v8, $0xF;
	v49 =	vsel vm8, $0x0, v7;
	v15 =	vadd.s32 $0xFFFFFFFF, v37;
	v48, _, _ =	vpop (xrf0);
	(xrf0) =	vadd.scan.msk.s32 $0xffff, v47  }
0x14c: {  	v15 =	vbroadcast v15, $0xF;
	v17 =	vadd.s32 $0xFFFFFFFF, v42;
	v50, _, _ =	vpop (xrf0);
	(xrf0) =	vadd.scan.msk.s32 $0xffff, v49  }
0x14d: {  	v8 =	vadd.s32 v29, v8;
	v51 =	vbroadcast v17, $0xF;
	v52, _, _ =	vpop (xrf0)  }
0x14e: {  	v8 =	vnsel vm9, $0x0, v8;
	v11 =	vadd.s32 v34, v15;
	v13 =	vadd.s32 $0xFFFFFFFF, v46;
	v53, _, _ =	vpop (xrf0)  }
0x14f: {  	v8 =	vsel vm10, v11, v8;
	v9 =	vadd.s32 v39, v51;
	v54 =	vbroadcast v13, $0xF;
	v55, _, _ =	vpop (xrf0)  }
0x150: {  	v8 =	vsel vm11, v9, v8;
	v56 =	vadd.s32 $0xFFFFFFFF, v50;
	v57, _, _ =	vpop (xrf0)  }
0x151: {  	v11 =	vadd.s32 v44, v54;
	v9 =	vbroadcast v56, $0xF;
	v58 =	vadd.s32 $0xFFFFFFFF, v53;
	v59, _, _ =	vpop (xrf0)  }
0x152: {  	v8 =	vsel vm12, v11, v8;
	v60 =	vbroadcast v58, $0xF;
	v13 =	vadd.s32 $0xFFFFFFFF, v57;
	v61, _, _ =	vpop (xrf0)  }
0x153: {  	v9 =	vadd.s32 v48, v9;
	v13 =	vbroadcast v13, $0xF;
	v14 =	vadd.s32 $0xFFFFFFFF, v61  }
0x154: {  	v8 =	vsel vm13, v9, v8;
	v62 =	vadd.s32 v52, v60;
	v63 =	vbroadcast v14, $0xF  }
0x155: {  	v8 =	vsel vm14, v62, v8;
	v13 =	vadd.s32 v55, v13  }
0x156: {  	v8 =	vsel vm15, v13, v8;
	v14 =	vadd.s32 v59, v63  }
0x157: {  	v8 =	vsel vm7, v14, v8  }
0x158: {  	[tilespmem:$0x1150] =	vst v8  }
0x159: {  	v8 =	vld [tilespmem:s20+$0x0];
	_ =	sdelay $0x3  }
0x15a: {  	v15 =	vmpcnt.ones.xlane vm7  }
0x15b: {  	vm9 =	veq.s32 v8, $0x0  }
0x15c: {  	v9 =	vsel vm8, $0x0, v15;
	v16 =	vmpcnt.ones.xlane vm9  }
0x15d: {  	v7 =	vadd.s32 v9, v7;
	vm10 =	veq.s32 v8, $0x1;
	v17 =	vsel vm9, $0x1, v0  }
0x15e: {  	v18 =	vnsel vm1, $0x0, v7;
	v19 =	vmpcnt.ones.xlane vm10;
	(xrf0) =	vadd.scan.msk.s32 $0xffff, v17;
	v10 =	vnsel vm1, $0x0, v16  }
0x15f: {  	vm11 =	veq.s32 v8, $0x2;
	v20 =	vsel vm10, $0x1, v0;
	(xrf0) =	vadd.scan.msk.s32 $0xffff, v18;
	v7 =	vadd.s32 v7, v10  }
0x160: {  	v23 =	vmpcnt.ones.xlane vm11;
	v22 =	vsel vm2, $0x0, v19;
	(xrf0) =	vadd.scan.msk.s32 $0xffff, v20;
	v21 =	vsel vm2, $0x0, v7  }
0x161: {  	vm12 =	veq.s32 v8, $0x3;
	v24 =	vsel vm11, $0x1, v0;
	v7 =	vadd.s32 v22, v7;
	(xrf0) =	vadd.scan.msk.s32 $0xffff, v21  }
0x162: {  	v27 =	vmpcnt.ones.xlane vm12;
	v26 =	vsel vm4, $0x0, v23;
	v25 =	vsel vm4, $0x0, v7;
	(xrf0) =	vadd.scan.msk.s32 $0xffff, v24  }
0x163: {  	vm13 =	veq.s32 v8, $0x4;
	v28 =	vsel vm12, $0x1, v0;
	v7 =	vadd.s32 v26, v7;
	(xrf0) =	vadd.scan.msk.s32 $0xffff, v25  }
0x164: {  	v31 =	vmpcnt.ones.xlane vm13;
	v11 =	vsel vm5, $0x0, v27;
	v30 =	vsel vm5, $0x0, v7;
	v29, _, _ =	vpop (xrf0);
	(xrf0) =	vadd.scan.msk.s32 $0xffff, v28  }
0x165: {  	vm14 =	veq.s32 v8, $0x5;
	v33 =	vsel vm13, $0x1, v0;
	v7 =	vadd.s32 v11, v7;
	v32, _, _ =	vpop (xrf0);
	(xrf0) =	vadd.scan.msk.s32 $0xffff, v30  }
0x166: {  	v36 =	vmpcnt.ones.xlane vm14;
	v12 =	vsel vm6, $0x0, v31;
	v35 =	vsel vm6, $0x0, v7;
	v34, _, _ =	vpop (xrf0);
	(xrf0) =	vadd.scan.msk.s32 $0xffff, v33  }
0x167: {  	vm15 =	veq.s32 v8, $0x6;
	v38 =	vsel vm14, $0x1, v0;
	v7 =	vadd.s32 v12, v7;
	v37, _, _ =	vpop (xrf0);
	(xrf0) =	vadd.scan.msk.s32 $0xffff, v35  }
0x168: {  	v41 =	vmpcnt.ones.xlane vm15;
	v14 =	vsel vm3, $0x0, v36;
	v40 =	vsel vm3, $0x0, v7;
	v39, _, _ =	vpop (xrf0);
	(xrf0) =	vadd.scan.msk.s32 $0xffff, v38  }
0x169: {  	vm7 =	vcmask $0x171C;
	v43 =	vsel vm15, $0x1, v0;
	v7 =	vadd.s32 v14, v7;
	v42, _, _ =	vpop (xrf0);
	(xrf0) =	vadd.scan.msk.s32 $0xffff, v40  }
0x16a: {  	v16 =	vsel vm7, $0x0, v41;
	v45 =	vsel vm7, $0x0, v7;
	vm7 =	veq.s32 v8, $0x7;
	v44, _, _ =	vpop (xrf0);
	(xrf0) =	vadd.scan.msk.s32 $0xffff, v43  }
0x16b: {  	v8 =	vadd.s32 $0xFFFFFFFF, v32;
	v7 =	vadd.s32 v16, v7;
	v47 =	vsel vm7, $0x1, v0;
	v46, _, _ =	vpop (xrf0);
	(xrf0) =	vadd.scan.msk.s32 $0xffff, v45  }
0x16c: {  	v8 =	vbroadcast v8, $0xF;
	v49 =	vsel vm8, $0x0, v7;
	v15 =	vadd.s32 $0xFFFFFFFF, v37;
	v48, _, _ =	vpop (xrf0);
	(xrf0) =	vadd.scan.msk.s32 $0xffff, v47  }
0x16d: {  	v15 =	vbroadcast v15, $0xF;
	v17 =	vadd.s32 $0xFFFFFFFF, v42;
	v50, _, _ =	vpop (xrf0);
	(xrf0) =	vadd.scan.msk.s32 $0xffff, v49  }
0x16e: {  	v8 =	vadd.s32 v29, v8;
	v51 =	vbroadcast v17, $0xF;
	v52, _, _ =	vpop (xrf0)  }
0x16f: {  	v8 =	vnsel vm9, $0x0, v8;
	v11 =	vadd.s32 v34, v15;
	v13 =	vadd.s32 $0xFFFFFFFF, v46;
	v53, _, _ =	vpop (xrf0)  }
0x170: {  	v8 =	vsel vm10, v11, v8;
	v9 =	vadd.s32 v39, v51;
	v54 =	vbroadcast v13, $0xF;
	v55, _, _ =	vpop (xrf0)  }
0x171: {  	v8 =	vsel vm11, v9, v8;
	v56 =	vadd.s32 $0xFFFFFFFF, v50;
	v57, _, _ =	vpop (xrf0)  }
0x172: {  	v11 =	vadd.s32 v44, v54;
	v9 =	vbroadcast v56, $0xF;
	v58 =	vadd.s32 $0xFFFFFFFF, v53;
	v59, _, _ =	vpop (xrf0)  }
0x173: {  	v8 =	vsel vm12, v11, v8;
	v60 =	vbroadcast v58, $0xF;
	v13 =	vadd.s32 $0xFFFFFFFF, v57;
	v61, _, _ =	vpop (xrf0)  }
0x174: {  	v9 =	vadd.s32 v48, v9;
	v13 =	vbroadcast v13, $0xF;
	v14 =	vadd.s32 $0xFFFFFFFF, v61  }
0x175: {  	v8 =	vsel vm13, v9, v8;
	v62 =	vadd.s32 v52, v60;
	v63 =	vbroadcast v14, $0xF  }
0x176: {  	v8 =	vsel vm14, v62, v8;
	v13 =	vadd.s32 v55, v13  }
0x177: {  	v8 =	vsel vm15, v13, v8;
	v14 =	vadd.s32 v59, v63  }
0x178: {  	v8 =	vsel vm7, v14, v8  }
0x179: {  	[tilespmem:$0x1160] =	vst v8  }
0x17a: {  	v8 =	vld [tilespmem:s21+$0x0];
	_ =	sdelay $0x3  }
0x17b: {  	v15 =	vmpcnt.ones.xlane vm7  }
0x17c: {  	vm9 =	veq.s32 v8, $0x0  }
0x17d: {  	v9 =	vsel vm8, $0x0, v15;
	v16 =	vmpcnt.ones.xlane vm9  }
0x17e: {  	v7 =	vadd.s32 v9, v7;
	vm10 =	veq.s32 v8, $0x1;
	v17 =	vsel vm9, $0x1, v0  }
0x17f: {  	v18 =	vnsel vm1, $0x0, v7;
	v19 =	vmpcnt.ones.xlane vm10;
	(xrf0) =	vadd.scan.msk.s32 $0xffff, v17;
	v10 =	vnsel vm1, $0x0, v16  }
0x180: {  	vm11 =	veq.s32 v8, $0x2;
	v20 =	vsel vm10, $0x1, v0;
	(xrf0) =	vadd.scan.msk.s32 $0xffff, v18;
	v7 =	vadd.s32 v7, v10  }
0x181: {  	v23 =	vmpcnt.ones.xlane vm11;
	v22 =	vsel vm2, $0x0, v19;
	(xrf0) =	vadd.scan.msk.s32 $0xffff, v20;
	v21 =	vsel vm2, $0x0, v7  }
0x182: {  	vm12 =	veq.s32 v8, $0x3;
	v24 =	vsel vm11, $0x1, v0;
	v7 =	vadd.s32 v22, v7;
	(xrf0) =	vadd.scan.msk.s32 $0xffff, v21  }
0x183: {  	v27 =	vmpcnt.ones.xlane vm12;
	v26 =	vsel vm4, $0x0, v23;
	v25 =	vsel vm4, $0x0, v7;
	(xrf0) =	vadd.scan.msk.s32 $0xffff, v24  }
0x184: {  	vm13 =	veq.s32 v8, $0x4;
	v28 =	vsel vm12, $0x1, v0;
	v7 =	vadd.s32 v26, v7;
	(xrf0) =	vadd.scan.msk.s32 $0xffff, v25  }
0x185: {  	v31 =	vmpcnt.ones.xlane vm13;
	v11 =	vsel vm5, $0x0, v27;
	v30 =	vsel vm5, $0x0, v7;
	v29, _, _ =	vpop (xrf0);
	(xrf0) =	vadd.scan.msk.s32 $0xffff, v28  }
0x186: {  	vm14 =	veq.s32 v8, $0x5;
	v33 =	vsel vm13, $0x1, v0;
	v7 =	vadd.s32 v11, v7;
	v32, _, _ =	vpop (xrf0);
	(xrf0) =	vadd.scan.msk.s32 $0xffff, v30  }
0x187: {  	v36 =	vmpcnt.ones.xlane vm14;
	v12 =	vsel vm6, $0x0, v31;
	v35 =	vsel vm6, $0x0, v7;
	v34, _, _ =	vpop (xrf0);
	(xrf0) =	vadd.scan.msk.s32 $0xffff, v33  }
0x188: {  	v38 =	vsel vm14, $0x1, v0;
	v7 =	vadd.s32 v12, v7;
	v37, _, _ =	vpop (xrf0);
	(xrf0) =	vadd.scan.msk.s32 $0xffff, v35  }
0x189: {  	vm15 =	veq.s32 v8, $0x6;
	v14 =	vsel vm3, $0x0, v36;
	v40 =	vsel vm3, $0x0, v7;
	v39, _, _ =	vpop (xrf0);
	(xrf0) =	vadd.scan.msk.s32 $0xffff, v38  }
0x18a: {  	v42 =	vsel vm15, $0x1, v0;
	vm1 =	vcmask $0x171C;
	v7 =	vadd.s32 v14, v7;
	v41, _, _ =	vpop (xrf0);
	(xrf0) =	vadd.scan.msk.s32 $0xffff, v40  }
0x18b: {  	vm7 =	veq.s32 v8, $0x7;
	v44 =	vsel vm1, $0x0, v7;
	v43, _, _ =	vpop (xrf0);
	(xrf0) =	vadd.scan.msk.s32 $0xffff, v42  }
0x18c: {  	v46 =	vsel vm7, $0x1, v0;
	v8 =	vadd.s32 $0xFFFFFFFF, v32;
	v7 =	vsel vm8, $0x0, v7;
	v45, _, _ =	vpop (xrf0);
	(xrf0) =	vadd.scan.msk.s32 $0xffff, v44  }
0x18d: {  	v8 =	vbroadcast v8, $0xF;
	v15 =	vadd.s32 $0xFFFFFFFF, v37;
	v47, _, _ =	vpop (xrf0);
	(xrf0) =	vadd.scan.msk.s32 $0xffff, v46  }
0x18e: {  	v48 =	vbroadcast v15, $0xF;
	v49 =	vadd.s32 $0xFFFFFFFF, v41;
	v50, _, _ =	vpop (xrf0);
	(xrf0) =	vadd.scan.msk.s32 $0xffff, v7  }
0x18f: {  	v8 =	vadd.s32 v29, v8;
	v51 =	vbroadcast v49, $0xF;
	v7, _, _ =	vpop (xrf0)  }
0x190: {  	v8 =	vnsel vm9, $0x0, v8;
	v9 =	vadd.s32 v34, v48;
	v53 =	vadd.s32 $0xFFFFFFFF, v45;
	v52, _, _ =	vpop (xrf0)  }
0x191: {  	v8 =	vsel vm10, v9, v8;
	v55 =	vadd.s32 v39, v51;
	v56 =	vbroadcast v53, $0xF;
	v54, _, _ =	vpop (xrf0)  }
0x192: {  	v8 =	vsel vm11, v55, v8;
	v58 =	vadd.s32 $0xFFFFFFFF, v50;
	v57, _, _ =	vpop (xrf0)  }
0x193: {  	v10 =	vadd.s32 v43, v56;
	v9 =	vbroadcast v58, $0xF;
	v60 =	vadd.s32 $0xFFFFFFFF, v52;
	v59, _, _ =	vpop (xrf0)  }
0x194: {  	v8 =	vsel vm12, v10, v8;
	v61 =	vbroadcast v60, $0xF;
	v11 =	vadd.s32 $0xFFFFFFFF, v57;
	v62, _, _ =	vpop (xrf0)  }
0x195: {  	v9 =	vadd.s32 v47, v9;
	v11 =	vbroadcast v11, $0xF;
	v14 =	vadd.s32 $0xFFFFFFFF, v62  }
0x196: {  	v8 =	vsel vm13, v9, v8;
	v7 =	vadd.s32 v7, v61;
	v63 =	vbroadcast v14, $0xF  }
0x197: {  	v7 =	vsel vm14, v7, v8;
	v8 =	vadd.s32 v54, v11  }
0x198: {  	v7 =	vsel vm15, v8, v7;
	v8 =	vadd.s32 v59, v63  }
0x199: {  	v7 =	vsel vm7, v8, v7  }
0x19a: {  	s30 =	simm.s32 $0x1100;
	[tilespmem:$0x1170] =	vst v7  }
0x19b: {  	[hbm4b:s10+s4] =	stream.linear.scatter [tilespmem:s30], [sflag:$0x3], $0x80, $0x38;
	[tilespmem:$0x19200] =	vst v63  }
0x19c: {  	_ =	swait.ge [sflag:s23], $0x80  }
0x19d: {  	[sflag:s23] =	ssyncset.done $0x0  }
0x19e: {  	[sflag:s23] =	ssyncadd.s32 $0xFFFFFF80  }
0x19f: {  	_ =	swait.ge [sflag:s28], $0x18000  }
0x1a0: {  	[sflag:s28] =	ssyncset.done $0x0  }
0x1a1: {  	[sflag:s28] =	ssyncadd.s32 $0xFFFE8000  }
0x1a2: {  	v7 =	vld [tilespmem:$0x1100];
	_ =	sdelay $0x4  }
0x1a3: {  	v8 =	vshrl.u32 v7, $0x3  }
0x1a4: {  	v8 =	vmul.u32 $0x30, v8  }
0x1a5: {  	v7 =	vand.u32 $0x7, v7  }
0x1a6: {  	v7 =	vor.u32 v7, v8  }
0x1a7: {  	v8 =	vperm.xlane v7, v2;
	_ =	sdelay $0x1  }
0x1a8: {  	v8 =	vadd.s32 v3, v8;
	_ =	sdelay $0x3  }
0x1a9: {  	v7 =	vperm.xlane v7, v4  }
0x1aa: {  	[hbm4b:s5+s4] =	stream.indirect_vreg.scatter [tilespmem:s22], [sflag:$0x1], $0x80, v8, vm0, $0xb8;
	[tilespmem:$0x19200] =	vst v63  }
0x1ab: {  	s30 =	simm.s32 $0x1980;
	v7 =	vadd.s32 v3, v7  }
0x1ac: {  	[hbm4b:s11+s4] =	stream.indirect_vreg.scatter [tilespmem:s30], [sflag:$0x1], $0x80, v8, vm0, $0xb8;
	[tilespmem:$0x19200] =	vst v63  }
0x1ad: {  	s30 =	simm.s32 $0x2180  }
0x1ae: {  	[hbm4b:s12+s4] =	stream.indirect_vreg.scatter [tilespmem:s30], [sflag:$0x1], $0x80, v8, vm0, $0xb8;
	[tilespmem:$0x19200] =	vst v63  }
0x1af: {  	s30 =	simm.s32 $0x2980  }
0x1b0: {  	[hbm4b:s5+s4] =	stream.indirect_vreg.scatter [tilespmem:s30], [sflag:$0x1], $0x80, v7, vm0, $0xb8;
	[tilespmem:$0x19200] =	vst v63  }
0x1b1: {  	s30 =	simm.s32 $0x3180  }
0x1b2: {  	[hbm4b:s11+s4] =	stream.indirect_vreg.scatter [tilespmem:s30], [sflag:$0x1], $0x80, v7, vm0, $0xb8;
	[tilespmem:$0x19200] =	vst v63  }
0x1b3: {  	s30 =	simm.s32 $0x3980  }
0x1b4: {  	[hbm4b:s12+s4] =	stream.indirect_vreg.scatter [tilespmem:s30], [sflag:$0x1], $0x80, v7, vm0, $0xb8;
	[tilespmem:$0x19200] =	vst v63  }
0x1b5: {  	v7 =	vld [tilespmem:$0x1110];
	_ =	sdelay $0x4  }
0x1b6: {  	v8 =	vshrl.u32 v7, $0x3  }
0x1b7: {  	v8 =	vmul.u32 $0x30, v8  }
0x1b8: {  	v7 =	vand.u32 $0x7, v7  }
0x1b9: {  	v7 =	vor.u32 v7, v8  }
0x1ba: {  	v8 =	vperm.xlane v7, v2;
	_ =	sdelay $0x1  }
0x1bb: {  	v8 =	vadd.s32 v3, v8;
	_ =	sdelay $0x3  }
0x1bc: {  	s30 =	simm.s32 $0x4180;
	v7 =	vperm.xlane v7, v4  }
0x1bd: {  	[hbm4b:s5+s4] =	stream.indirect_vreg.scatter [tilespmem:s30], [sflag:$0x1], $0x80, v8, vm0, $0xb8;
	[tilespmem:$0x19200] =	vst v63  }
0x1be: {  	v7 =	vadd.s32 v3, v7;
	s30 =	simm.s32 $0x4980  }
0x1bf: {  	[hbm4b:s11+s4] =	stream.indirect_vreg.scatter [tilespmem:s30], [sflag:$0x1], $0x80, v8, vm0, $0xb8;
	[tilespmem:$0x19200] =	vst v63  }
0x1c0: {  	s30 =	simm.s32 $0x5180  }
0x1c1: {  	[hbm4b:s12+s4] =	stream.indirect_vreg.scatter [tilespmem:s30], [sflag:$0x1], $0x80, v8, vm0, $0xb8;
	[tilespmem:$0x19200] =	vst v63  }
0x1c2: {  	s30 =	simm.s32 $0x5980  }
0x1c3: {  	[hbm4b:s5+s4] =	stream.indirect_vreg.scatter [tilespmem:s30], [sflag:$0x1], $0x80, v7, vm0, $0xb8;
	[tilespmem:$0x19200] =	vst v63  }
0x1c4: {  	s30 =	simm.s32 $0x6180  }
0x1c5: {  	[hbm4b:s11+s4] =	stream.indirect_vreg.scatter [tilespmem:s30], [sflag:$0x1], $0x80, v7, vm0, $0xb8;
	[tilespmem:$0x19200] =	vst v63  }
0x1c6: {  	s30 =	simm.s32 $0x6980  }
0x1c7: {  	[hbm4b:s12+s4] =	stream.indirect_vreg.scatter [tilespmem:s30], [sflag:$0x1], $0x80, v7, vm0, $0xb8;
	[tilespmem:$0x19200] =	vst v63  }
0x1c8: {  	v7 =	vld [tilespmem:$0x1120];
	_ =	sdelay $0x4  }
0x1c9: {  	v8 =	vshrl.u32 v7, $0x3  }
0x1ca: {  	v8 =	vmul.u32 $0x30, v8  }
0x1cb: {  	v7 =	vand.u32 $0x7, v7  }
0x1cc: {  	v7 =	vor.u32 v7, v8  }
0x1cd: {  	v8 =	vperm.xlane v7, v2;
	_ =	sdelay $0x1  }
0x1ce: {  	v8 =	vadd.s32 v3, v8;
	_ =	sdelay $0x3  }
0x1cf: {  	s30 =	simm.s32 $0x7180;
	v7 =	vperm.xlane v7, v4  }
0x1d0: {  	[hbm4b:s5+s4] =	stream.indirect_vreg.scatter [tilespmem:s30], [sflag:$0x1], $0x80, v8, vm0, $0xb8;
	[tilespmem:$0x19200] =	vst v63  }
0x1d1: {  	v7 =	vadd.s32 v3, v7;
	s30 =	simm.s32 $0x7980  }
0x1d2: {  	[hbm4b:s11+s4] =	stream.indirect_vreg.scatter [tilespmem:s30], [sflag:$0x1], $0x80, v8, vm0, $0xb8;
	[tilespmem:$0x19200] =	vst v63  }
0x1d3: {  	s30 =	simm.s32 $0x8180  }
0x1d4: {  	[hbm4b:s12+s4] =	stream.indirect_vreg.scatter [tilespmem:s30], [sflag:$0x1], $0x80, v8, vm0, $0xb8;
	[tilespmem:$0x19200] =	vst v63  }
0x1d5: {  	s30 =	simm.s32 $0x8980  }
0x1d6: {  	[hbm4b:s5+s4] =	stream.indirect_vreg.scatter [tilespmem:s30], [sflag:$0x1], $0x80, v7, vm0, $0xb8;
	[tilespmem:$0x19200] =	vst v63  }
0x1d7: {  	s30 =	simm.s32 $0x9180  }
0x1d8: {  	[hbm4b:s11+s4] =	stream.indirect_vreg.scatter [tilespmem:s30], [sflag:$0x1], $0x80, v7, vm0, $0xb8;
	[tilespmem:$0x19200] =	vst v63  }
0x1d9: {  	s30 =	simm.s32 $0x9980  }
0x1da: {  	[hbm4b:s12+s4] =	stream.indirect_vreg.scatter [tilespmem:s30], [sflag:$0x1], $0x80, v7, vm0, $0xb8;
	[tilespmem:$0x19200] =	vst v63  }
0x1db: {  	v7 =	vld [tilespmem:$0x1130];
	_ =	sdelay $0x4  }
0x1dc: {  	v8 =	vshrl.u32 v7, $0x3  }
0x1dd: {  	v8 =	vmul.u32 $0x30, v8  }
0x1de: {  	v7 =	vand.u32 $0x7, v7  }
0x1df: {  	v7 =	vor.u32 v7, v8  }
0x1e0: {  	v8 =	vperm.xlane v7, v2;
	_ =	sdelay $0x1  }
0x1e1: {  	v8 =	vadd.s32 v3, v8;
	_ =	sdelay $0x3  }
0x1e2: {  	s30 =	simm.s32 $0xA180;
	v7 =	vperm.xlane v7, v4  }
0x1e3: {  	[hbm4b:s5+s4] =	stream.indirect_vreg.scatter [tilespmem:s30], [sflag:$0x1], $0x80, v8, vm0, $0xb8;
	[tilespmem:$0x19200] =	vst v63  }
0x1e4: {  	v7 =	vadd.s32 v3, v7;
	s30 =	simm.s32 $0xA980  }
0x1e5: {  	[hbm4b:s11+s4] =	stream.indirect_vreg.scatter [tilespmem:s30], [sflag:$0x1], $0x80, v8, vm0, $0xb8;
	[tilespmem:$0x19200] =	vst v63  }
0x1e6: {  	s30 =	simm.s32 $0xB180  }
0x1e7: {  	[hbm4b:s12+s4] =	stream.indirect_vreg.scatter [tilespmem:s30], [sflag:$0x1], $0x80, v8, vm0, $0xb8;
	[tilespmem:$0x19200] =	vst v63  }
0x1e8: {  	s30 =	simm.s32 $0xB980  }
0x1e9: {  	[hbm4b:s5+s4] =	stream.indirect_vreg.scatter [tilespmem:s30], [sflag:$0x1], $0x80, v7, vm0, $0xb8;
	[tilespmem:$0x19200] =	vst v63  }
0x1ea: {  	s30 =	simm.s32 $0xC180  }
0x1eb: {  	[hbm4b:s11+s4] =	stream.indirect_vreg.scatter [tilespmem:s30], [sflag:$0x1], $0x80, v7, vm0, $0xb8;
	[tilespmem:$0x19200] =	vst v63  }
0x1ec: {  	s30 =	simm.s32 $0xC980  }
0x1ed: {  	[hbm4b:s12+s4] =	stream.indirect_vreg.scatter [tilespmem:s30], [sflag:$0x1], $0x80, v7, vm0, $0xb8;
	[tilespmem:$0x19200] =	vst v63  }
0x1ee: {  	v7 =	vld [tilespmem:$0x1140];
	_ =	sdelay $0x4  }
0x1ef: {  	v8 =	vshrl.u32 v7, $0x3  }
0x1f0: {  	v8 =	vmul.u32 $0x30, v8  }
0x1f1: {  	v7 =	vand.u32 $0x7, v7  }
0x1f2: {  	v7 =	vor.u32 v7, v8  }
0x1f3: {  	v8 =	vperm.xlane v7, v2;
	_ =	sdelay $0x1  }
0x1f4: {  	v8 =	vadd.s32 v3, v8;
	_ =	sdelay $0x3  }
0x1f5: {  	s30 =	simm.s32 $0xD180;
	v7 =	vperm.xlane v7, v4  }
0x1f6: {  	[hbm4b:s5+s4] =	stream.indirect_vreg.scatter [tilespmem:s30], [sflag:$0x1], $0x80, v8, vm0, $0xb8;
	[tilespmem:$0x19200] =	vst v63  }
0x1f7: {  	v7 =	vadd.s32 v3, v7;
	s30 =	simm.s32 $0xD980  }
0x1f8: {  	[hbm4b:s11+s4] =	stream.indirect_vreg.scatter [tilespmem:s30], [sflag:$0x1], $0x80, v8, vm0, $0xb8;
	[tilespmem:$0x19200] =	vst v63  }
0x1f9: {  	s30 =	simm.s32 $0xE180  }
0x1fa: {  	[hbm4b:s12+s4] =	stream.indirect_vreg.scatter [tilespmem:s30], [sflag:$0x1], $0x80, v8, vm0, $0xb8;
	[tilespmem:$0x19200] =	vst v63  }
0x1fb: {  	s30 =	simm.s32 $0xE980  }
0x1fc: {  	[hbm4b:s5+s4] =	stream.indirect_vreg.scatter [tilespmem:s30], [sflag:$0x1], $0x80, v7, vm0, $0xb8;
	[tilespmem:$0x19200] =	vst v63  }
0x1fd: {  	s30 =	simm.s32 $0xF180  }
0x1fe: {  	[hbm4b:s11+s4] =	stream.indirect_vreg.scatter [tilespmem:s30], [sflag:$0x1], $0x80, v7, vm0, $0xb8;
	[tilespmem:$0x19200] =	vst v63  }
0x1ff: {  	s30 =	simm.s32 $0xF980  }
0x200: {  	[hbm4b:s12+s4] =	stream.indirect_vreg.scatter [tilespmem:s30], [sflag:$0x1], $0x80, v7, vm0, $0xb8;
	[tilespmem:$0x19200] =	vst v63  }
0x201: {  	v7 =	vld [tilespmem:$0x1150];
	_ =	sdelay $0x4  }
0x202: {  	v8 =	vshrl.u32 v7, $0x3  }
0x203: {  	v8 =	vmul.u32 $0x30, v8  }
0x204: {  	v7 =	vand.u32 $0x7, v7  }
0x205: {  	v7 =	vor.u32 v7, v8  }
0x206: {  	v8 =	vperm.xlane v7, v2;
	_ =	sdelay $0x1  }
0x207: {  	v8 =	vadd.s32 v3, v8;
	_ =	sdelay $0x3  }
0x208: {  	s30 =	simm.s32 $0x10180;
	v7 =	vperm.xlane v7, v4  }
0x209: {  	[hbm4b:s5+s4] =	stream.indirect_vreg.scatter [tilespmem:s30], [sflag:$0x1], $0x80, v8, vm0, $0xb8;
	[tilespmem:$0x19200] =	vst v63  }
0x20a: {  	v7 =	vadd.s32 v3, v7;
	s30 =	simm.s32 $0x10980  }
0x20b: {  	[hbm4b:s11+s4] =	stream.indirect_vreg.scatter [tilespmem:s30], [sflag:$0x1], $0x80, v8, vm0, $0xb8;
	[tilespmem:$0x19200] =	vst v63  }
0x20c: {  	s30 =	simm.s32 $0x11180  }
0x20d: {  	[hbm4b:s12+s4] =	stream.indirect_vreg.scatter [tilespmem:s30], [sflag:$0x1], $0x80, v8, vm0, $0xb8;
	[tilespmem:$0x19200] =	vst v63  }
0x20e: {  	s30 =	simm.s32 $0x11980  }
0x20f: {  	[hbm4b:s5+s4] =	stream.indirect_vreg.scatter [tilespmem:s30], [sflag:$0x1], $0x80, v7, vm0, $0xb8;
	[tilespmem:$0x19200] =	vst v63  }
0x210: {  	s30 =	simm.s32 $0x12180  }
0x211: {  	[hbm4b:s11+s4] =	stream.indirect_vreg.scatter [tilespmem:s30], [sflag:$0x1], $0x80, v7, vm0, $0xb8;
	[tilespmem:$0x19200] =	vst v63  }
0x212: {  	s30 =	simm.s32 $0x12980  }
0x213: {  	[hbm4b:s12+s4] =	stream.indirect_vreg.scatter [tilespmem:s30], [sflag:$0x1], $0x80, v7, vm0, $0xb8;
	[tilespmem:$0x19200] =	vst v63  }
0x214: {  	v7 =	vld [tilespmem:$0x1160];
	_ =	sdelay $0x4  }
0x215: {  	v8 =	vshrl.u32 v7, $0x3  }
0x216: {  	v8 =	vmul.u32 $0x30, v8  }
0x217: {  	v7 =	vand.u32 $0x7, v7  }
0x218: {  	v7 =	vor.u32 v7, v8  }
0x219: {  	v8 =	vperm.xlane v7, v2;
	_ =	sdelay $0x1  }
0x21a: {  	v8 =	vadd.s32 v3, v8;
	_ =	sdelay $0x3  }
0x21b: {  	s30 =	simm.s32 $0x13180;
	v7 =	vperm.xlane v7, v4  }
0x21c: {  	[hbm4b:s5+s4] =	stream.indirect_vreg.scatter [tilespmem:s30], [sflag:$0x1], $0x80, v8, vm0, $0xb8;
	[tilespmem:$0x19200] =	vst v63  }
0x21d: {  	v7 =	vadd.s32 v3, v7;
	s30 =	simm.s32 $0x13980  }
0x21e: {  	[hbm4b:s11+s4] =	stream.indirect_vreg.scatter [tilespmem:s30], [sflag:$0x1], $0x80, v8, vm0, $0xb8;
	[tilespmem:$0x19200] =	vst v63  }
0x21f: {  	s30 =	simm.s32 $0x14180  }
0x220: {  	[hbm4b:s12+s4] =	stream.indirect_vreg.scatter [tilespmem:s30], [sflag:$0x1], $0x80, v8, vm0, $0xb8;
	[tilespmem:$0x19200] =	vst v63  }
0x221: {  	s30 =	simm.s32 $0x14980  }
0x222: {  	[hbm4b:s5+s4] =	stream.indirect_vreg.scatter [tilespmem:s30], [sflag:$0x1], $0x80, v7, vm0, $0xb8;
	[tilespmem:$0x19200] =	vst v63  }
0x223: {  	s30 =	simm.s32 $0x15180  }
0x224: {  	[hbm4b:s11+s4] =	stream.indirect_vreg.scatter [tilespmem:s30], [sflag:$0x1], $0x80, v7, vm0, $0xb8;
	[tilespmem:$0x19200] =	vst v63  }
0x225: {  	s30 =	simm.s32 $0x15980  }
0x226: {  	[hbm4b:s12+s4] =	stream.indirect_vreg.scatter [tilespmem:s30], [sflag:$0x1], $0x80, v7, vm0, $0xb8;
	[tilespmem:$0x19200] =	vst v63  }
0x227: {  	v7 =	vld [tilespmem:$0x1170];
	_ =	sdelay $0x4  }
0x228: {  	v8 =	vshrl.u32 v7, $0x3  }
0x229: {  	v8 =	vmul.u32 $0x30, v8  }
0x22a: {  	v7 =	vand.u32 $0x7, v7  }
0x22b: {  	v7 =	vor.u32 v7, v8  }
0x22c: {  	v8 =	vperm.xlane v7, v2;
	_ =	sdelay $0x1  }
0x22d: {  	v8 =	vadd.s32 v3, v8;
	_ =	sdelay $0x3  }
0x22e: {  	s30 =	simm.s32 $0x16180;
	v7 =	vperm.xlane v7, v4  }
0x22f: {  	[hbm4b:s5+s4] =	stream.indirect_vreg.scatter [tilespmem:s30], [sflag:$0x1], $0x80, v8, vm0, $0xb8;
	[tilespmem:$0x19200] =	vst v63  }
0x230: {  	v7 =	vadd.s32 v3, v7  }
0x231: {  	[hbm4b:s11+s4] =	stream.indirect_vreg.scatter [tilespmem:s31], [sflag:$0x1], $0x80, v8, vm0, $0xb8;
	[tilespmem:$0x19200] =	vst v63  }
0x232: {  	_ = 	snop  }
0x233: {  	[hbm4b:s12+s4] =	stream.indirect_vreg.scatter [tilespmem:s1], [sflag:$0x1], $0x80, v8, vm0, $0xb8;
	[tilespmem:$0x19200] =	vst v63  }
0x234: {  	_ = 	snop  }
0x235: {  	[hbm4b:s5+s4] =	stream.indirect_vreg.scatter [tilespmem:s0], [sflag:$0x1], $0x80, v7, vm0, $0xb8;
	[tilespmem:$0x19200] =	vst v63  }
0x236: {  	_ = 	snop  }
0x237: {  	[hbm4b:s11+s4] =	stream.indirect_vreg.scatter [tilespmem:s6], [sflag:$0x1], $0x80, v7, vm0, $0xb8;
	[tilespmem:$0x19200] =	vst v63  }
.Ltmp2:
0x238: {  	_ = 	snop;
	(pc) =	sbr.rel @p2 .LBB2_3-.Ltmp2, $4  }
0x239: {  	[hbm4b:s12+s4] =	stream.indirect_vreg.scatter [tilespmem:s2], [sflag:$0x1], $0x80, v7, vm0, $0xb8;
	[tilespmem:$0x19200] =	vst v63  }
0x23a: {  	_ =	swait.ge [sflag:s24], $0x18000  }
0x23b: {  	[sflag:s24] =	ssyncset.done $0x0  }
0x23c: {  	[sflag:s24] =	ssyncadd.s32 $0xFFFE8000  }
0x23d: {  	v7 =	vld [tilespmem:$0x1FFF0];
	_ =	sdelay $0x4  }
0x23e: {  	vm1 =	vnez.u8 v7  }
0x23f: {  	v7 =	vnsel vm1, $0x0, v6  }
0x240: {  	vm2 =	vcmask $0x308;
	(xrf0) =	vadd.scan.msk.s32 $0xffff, v7;
	v7 =	vnsel vm1, $0x0, v5  }
0x241: {  	(xrf0) =	vadd.scan.msk.s32 $0xffff, v7;
	v7 =	vsel vm2, $0x0, v6  }
0x242: {  	(xrf0) =	vadd.scan.msk.s32 $0xffff, v7;
	v7 =	vsel vm2, $0x0, v5;
	vm2 =	vcmask $0x70C  }
0x243: {  	(xrf0) =	vadd.scan.msk.s32 $0xffff, v7;
	v7 =	vsel vm2, $0x0, v6  }
0x244: {  	(xrf0) =	vadd.scan.msk.s32 $0xffff, v7;
	v7 =	vsel vm2, $0x0, v5;
	vm2 =	vcmask $0xB10  }
0x245: {  	(xrf0) =	vadd.scan.msk.s32 $0xffff, v7;
	v7 =	vsel vm2, $0x0, v6  }
0x246: {  	v8, _, _ =	vpop (xrf0);
	(xrf0) =	vadd.scan.msk.s32 $0xffff, v7;
	v7 =	vsel vm2, $0x0, v5;
	vm2 =	vcmask $0xF14  }
0x247: {  	v9, _, _ =	vpop (xrf0);
	(xrf0) =	vadd.scan.msk.s32 $0xffff, v7;
	v7 =	vsel vm2, $0x0, v6  }
0x248: {  	(v2sf) =	vpush v8, $0xF;
	v54, _, _ =	vpop (xrf0);
	(xrf0) =	vadd.scan.msk.s32 $0xffff, v7;
	v7 =	vsel vm2, $0x0, v5;
	vm2 =	vcmask $0x1318  }
0x249: {  	(v2sf) =	vpush v9, $0xF;
	v10, _, _ =	vpop (xrf0);
	(xrf0) =	vadd.scan.msk.s32 $0xffff, v7;
	v7 =	vsel vm2, $0x0, v6  }
0x24a: {  	vm7 =	vcmask $0x171C;
	(v2sf) =	vpush v54, $0xF;
	v55, _, _ =	vpop (xrf0);
	(xrf0) =	vadd.scan.msk.s32 $0xffff, v7;
	v7 =	vsel vm2, $0x0, v5  }
0x24b: {  	(v2sf) =	vpush v10, $0xF;
	v11, _, _ =	vpop (xrf0);
	(xrf0) =	vadd.scan.msk.s32 $0xffff, v7;
	v7 =	vsel vm7, $0x0, v6  }
0x24c: {  	(v2sf) =	vpush v55, $0xF;
	v56, _, _ =	vpop (xrf0);
	(xrf0) =	vadd.scan.msk.s32 $0xffff, v7;
	v7 =	vsel vm7, $0x0, v5  }
0x24d: {  	(v2sf) =	vpush v11, $0xF  }
0x24e: {  	(v2sf) =	vpush v56, $0xF;
	v12, _, _ =	vpop (xrf0);
	(xrf0) =	vadd.scan.msk.s32 $0xffff, v7  }
0x24f: {  	(v2sf) =	vpush v12, $0xF;
	v7, _, _ =	vpop (xrf0)  }
0x250: {  	vm2 =	vcmask $0x1B20;
	v57, _, _ =	vpop (xrf0);
	(v2sf) =	vpush v7, $0xF  }
0x251: {  	v6 =	vsel vm2, $0x0, v6;
	v13, _, _ =	vpop (xrf0);
	(v2sf) =	vpush v57, $0xF  }
0x252: {  	v58, _, _ =	vpop (xrf0);
	(v2sf) =	vpush v13, $0xF  }
0x253: {  	(v2sf) =	vpush v58, $0xF;
	v59, _, _ =	vpop (xrf0)  }
0x254: {  	v5 =	vsel vm2, $0x0, v5;
	(xrf0) =	vadd.scan.msk.s32 $0xffff, v6;
	(v2sf) =	vpush v59, $0xF;
	v6, _, _ =	vpop (xrf0)  }
0x255: {  	(xrf0) =	vadd.scan.msk.s32 $0xffff, v5;
	(v2sf) =	vpush v6, $0xF;
	_ =	sdelay $0x1  }
0x256: {  	s30 =	spop (v2sf)  }
0x257: {  	v9 =	vbroadcast v54, $0xF;
	v10 =	vbroadcast v55, $0xF;
	s26 =	spop (v2sf)  }
0x258: {  	s29 =	smov.u32 s25;
	v11 =	vbroadcast v56, $0xF;
	v7 =	vbroadcast v7, $0xF;
	s25 =	sadd.s32 s26, s30;
	s26 =	spop (v2sf)  }
0x259: {  	v13 =	vbroadcast v13, $0xF;
	v5 =	vbroadcast v8, $0xF;
	v6 =	vmul.u32 $0x100, v1;
	v60, _, _ =	vpop (xrf0);
	s30 =	spop (v2sf)  }
0x25a: {  	v12 =	vbroadcast v59, $0xF;
	v14 =	vmov s25;
	(v2sf) =	vpush v60, $0xF;
	v16, _, _ =	vpop (xrf0);
	s25 =	sadd.s32 s30, s26;
	s26 =	spop (v2sf)  }
0x25b: {  	vm7 =	vgt.s32 v5, v6;
	v15 =	vor.u32 $0x1, v6;
	(v2sf) =	vpush v16, $0xF;
	s30 =	spop (v2sf)  }
0x25c: {  	v62 =	vor.u32 $0x1000, v6;
	v23 =	vor.u32 $0x1001, v6;
	v61 =	vmov s25;
	s25 =	sadd.s32 s30, s26;
	s26 =	spop (v2sf)  }
0x25d: {  	vm15 =	vlt.s32 v9, v15;
	vm12 =	vlt.s32 v10, v15;
	vm9 =	vlt.s32 v14, v15;
	s30 =	spop (v2sf)  }
0x25e: {  	vm14 =	vlt.s32 v11, v15;
	vm7 =	vmor vm7, vm9;
	v17 =	vmov s25;
	s25 =	sadd.s32 s30, s26;
	s26 =	spop (v2sf)  }
0x25f: {  	v8 =	vbroadcast v60, $0xF;
	vm10 =	vgt.s32 v61, v6;
	v18 =	vsel vm7, $0xFFFFFFFF, v0;
	s30 =	spop (v2sf)  }
0x260: {  	vm7 =	vmand vm15, vm10;
	vm13 =	vgt.s32 v17, v6;
	v19 =	vmov s25;
	s25 =	sadd.s32 s30, s26;
	s26 =	spop (v2sf)  }
0x261: {  	v18 =	vsel vm7, $0x1, v18;
	vm7 =	vmand vm12, vm13;
	vm12 =	vlt.s32 v7, v15;
	s30 =	spop (v2sf)  }
0x262: {  	vm15 =	vgt.s32 v19, v6;
	v18 =	vsel vm7, $0x2, v18;
	v20 =	vmov s25;
	s25 =	sadd.s32 s30, s26;
	s26 =	spop (v2sf)  }
0x263: {  	vm7 =	vmand vm14, vm15;
	vm14 =	vlt.s32 v13, v15;
	vm13 =	vgt.s32 v20, v6;
	s30 =	spop (v2sf)  }
0x264: {  	v18 =	vsel vm7, $0x3, v18;
	v21 =	vmov s25;
	vm7 =	vmand vm12, vm13;
	s25 =	sadd.s32 s30, s26  }
0x265: {  	vm12 =	vlt.s32 v12, v15;
	vm15 =	vgt.s32 v21, v6;
	v22 =	vmov s25  }
0x266: {  	v18 =	vsel vm7, $0x4, v18;
	vm7 =	vmand vm14, vm15;
	vm13 =	vgt.s32 v22, v6  }
0x267: {  	vm9 =	vlt.s32 v8, v15;
	v18 =	vsel vm7, $0x5, v18;
	vm7 =	vmand vm12, vm13  }
0x268: {  	vm14 =	vlt.s32 v14, v23;
	v18 =	vsel vm7, $0x6, v18;
	vm7 =	vgt.s32 v5, v62  }
0x269: {  	vm11 =	vgt.s32 v61, v62;
	vm15 =	vlt.s32 v9, v23;
	s26 =	spop (v2sf);
	vm7 =	vmor vm7, vm14  }
0x26a: {  	vm10 =	vlt.s32 v11, v23;
	s30 =	spop (v2sf);
	v63 =	vsel vm7, $0xFFFFFFFF, v0;
	vm7 =	vmand vm15, vm11  }
0x26b: {  	vm12 =	vgt.s32 v17, v62;
	s25 =	sadd.s32 s30, s26;
	v9 =	vsel vm7, $0x1, v63;
	vm7 =	vlt.s32 v10, v23  }
0x26c: {  	vm11 =	vgt.s32 v19, v62;
	v5 =	vmov s25;
	vm7 =	vmand vm7, vm12  }
0x26d: {  	vm12 =	vgt.s32 v5, v6;
	v6 =	vsel vm7, $0x2, v9;
	vm7 =	vmand vm10, vm11  }
0x26e: {  	vm13 =	vgt.s32 v20, v62;
	v6 =	vsel vm7, $0x3, v6;
	vm7 =	vlt.s32 v7, v23  }
0x26f: {  	vm14 =	vlt.s32 v13, v23;
	vm15 =	vgt.s32 v21, v62;
	vm7 =	vmand vm7, vm13  }
0x270: {  	vm9 =	vmand vm9, vm12;
	v6 =	vsel vm7, $0x4, v6;
	vm7 =	vmand vm14, vm15  }
0x271: {  	vm13 =	vgt.s32 v22, v62;
	v6 =	vsel vm7, $0x5, v6;
	vm7 =	vlt.s32 v12, v23  }
0x272: {  	vm14 =	vlt.s32 v8, v23;
	vm15 =	vgt.s32 v5, v62;
	vm7 =	vmand vm7, vm13  }
0x273: {  	v5 =	vsel vm9, $0x7, v18;
	v6 =	vsel vm7, $0x6, v6;
	vm7 =	vmand vm14, vm15  }
0x274: {  	[tilespmem:$0x19180] =	vst v5;
	v5 =	vsel vm7, $0x7, v6  }
.Ltmp3:
0x275: {  	s26 =	rddreg [dreg:$0x4];
	s30 =	simm.s32 $0x19180;
	[tilespmem:$0x19190] =	vst v5;
	(pc) =	sbr.rel .LBB2_3-.Ltmp3, $4  }
0x276: {  	[hbm4b:s26+s4] =	stream.linear.scatter [tilespmem:s30], [sflag:$0x3], $0x80, $0x38;
	[tilespmem:$0x19200] =	vst v63  }
0x277: {  	_ =	swait.ge [sflag:s23], $0x80  }
0x278: {  	s25 =	smov.u32 s29;
	[sflag:s23] =	ssyncset.done $0x0  }
0x279: {  	s29 =	simm.s32 $0x100;
	s26 =	simm.s32 $0x80;
	[sflag:s23] =	ssyncadd.s32 $0xFFFFFF80  }
.LBB2_4:
0x27a: {  	_ =	sfence.sel $0x180000  }
0x27b: {  	[bflag:$0x0] =	sbarrier.arrive $0xFFFF  }
0x27c: {  	_ =	strace $0x90000047  }
0x27d: {  	s0 =	stileid.u32;
	[bflag:$0x2] =	sbarrier.arrive $0xFFFF  }
0x27e: {  	p0 =	sne.s32 s0, $0x0;
	s0 =	rddreg [dreg:$0x3]  }
0x27f: {  	s0 =	sadd.s32 @!p0 $0x100000, s0  }
0x280: {  	[sflag:s0] =	ssyncadd.tile.s32 @!p0 $0x1;
	_ =	shalt  }
.Lfunc_end2:
_tile_overlayer_lowered:
.L_overlay_start_2:
0x281: {  	(tag) =	ssettag $0x2  }
0x282: {  	s0 =	rddreg [dreg:$0x0];
	s2 =	stileid.u32  }
0x283: {  	s1 =	rddreg [dreg:$0x1];
	p0 =	sne.s32 s2, $0x0  }
0x284: {  	s3 =	rddreg [dreg:$0x2];
	[bflag:$0x3] =	sbarrier.arrive $0xFFFF;
	s2 =	simm.s32 @!p0 $0x1C03  }
0x285: {  	[timem:s3], [sflag:s2] =	dma.local @!p0 [hbm:s0], s1  }
0x286: {  	s0 =	simm.s32 @!p0 $0x3  }
0x287: {  	_ =	swait.ge @!p0 [sflag:s0], s1  }
0x288: {  	s1 =	ssub.s32 @!p0 $0x0, s1;
	[sflag:s0] =	ssyncset.done @!p0 $0x0  }
0x289: {  	[sflag:s0] =	ssyncadd.s32 @!p0 s1  }
0x28a: {  	[bflag:$0x3] =	sbarrier.arrive $0xFFFF  }
0x28b: {  	_ =	shalt  }

// kernel: kernel.9.cloned.1.call-start
scs
__scs_entry_jumppad:
0x0: {  	(pc) =	sbr.rel $0x88, $3  }
0x1: {  	(tag) =	ssettag $0x0;
	lr =	simm.s32 $0x1  }
0x2: {  	[smem:$0x3F9A] =	sst lr;
	_ =	strace $0xD0000000  }
0x3: {  	_ = 	snop  }
0x4: {  	_ = 	snop  }
0x5: {  	_ = 	snop  }
0x6: {  	_ = 	snop  }
0x7: {  	_ = 	snop  }
__scs_overlays_trampoline_lowered:
0x8: {  	[smem:$0x3FA9] =	sst s0  }
0x9: {  	[smem:$0x3FAA] =	sst s1  }
0xa: {  	[smem:$0x3FAB] =	sst s2  }
0xb: {  	[smem:$0x3FAC] =	sst s3  }
0xc: {  	[smem:$0x3FAD] =	sst s4  }
0xd: {  	[smem:$0x3FAE] =	sst s5  }
0xe: {  	[smem:$0x3FAF] =	sst s6  }
0xf: {  	[smem:$0x3FB0] =	sst s7  }
0x10: {  	[smem:$0x3FB1] =	sst s8  }
0x11: {  	[smem:$0x3FB2] =	sst s9;
	s0 =	simm.s32 @!p0 $0x0  }
0x12: {  	s1 =	sld [smem:$0x3F98];
	s0 =	simm.s32 @p0 $0x1  }
0x13: {  	[smem:$0x3FB3] =	sst s0;
	s0 =	simm.s32 @!p1 $0x0  }
0x14: {  	s2 =	sld [smem:$0x3F97];
	s0 =	simm.s32 @p1 $0x1  }
0x15: {  	[smem:$0x3FB4] =	sst s0;
	s0 =	simm.s32 @!p2 $0x0  }
0x16: {  	s3 =	sld [smem:$0x3FDB];
	s0 =	simm.s32 @p2 $0x1  }
0x17: {  	s4 =	simm.s32 $0x1BF5;
	[smem:$0x3FB6] =	sst s0  }
0x18: {  	s0 =	sld [smem:$0x3F99];
	_ =	swait.ge [sflag:s4], $0x0  }
0x19: {  	s7 =	sld [smem:$0x3F9A]  }
0x1a: {  	s8 =	sadd.s32 $0xFFFFE003, lr  }
0x1b: {  	s9 =	sadd.s32 $0xFFFFFEF7, lr;
	s5 =	simm.s32 $0xFFFFFFFF;
	p2 =	slt.u32 s8, $0xFFFFF086  }
0x1c: {  	p1 =	slt.u32 s9, $0xF7A;
	s5 =	simm.s32 @!p2 $0x0  }
0x1d: {  	s5 =	simm.s32 @p1 $0x1;
	p0 =	seq.s32 s7, s2  }
0x1e: {  	s7 =	smul.u32 @!p0 $0xF7A, s2;
	p2 =	seq.s32 @!p0 s5, $0x0  }
0x1f: {  	s9 =	smul.u32 $0xF7A, s1;
	s8 =	simm.s32 @!p0 $0x1BF5;
	p2 =	por !p2, p0  }
0x20: {  	[sflag:s8] =	ssyncset.s32 @!p0 $0xFFFFF086;
	s6 =	sadd.s32 @!p0 s3, s7;
	s7 =	simm.s32 @!p0 $0x108  }
0x21: {  	s3 =	sadd.s32 s3, s9;
	s6 =	sadd.s32 @!p0 $0x88, s6;
	s7 =	simm.s32 @p2 $0x1082  }
0x22: {  	[simem:s7], [sflag:s8] =	dma.local @!p0 [hbm:s6], $0xF7A  }
0x23: {  	s9 =	sor.u32 $0xD0000000, s2;
	s6 =	simm.s32 $0x108;
	_ =	swait.ge @!p0 [sflag:s8], $0x0  }
0x24: {  	s3 =	sadd.s32 $0x88, s3;
	s6 =	simm.s32 @!p1 $0x1082;
	[sflag:s4] =	ssyncset.s32 $0xFFFFF086  }
0x25: {  	[simem:s6], [sflag:s4] =	dma.local [hbm:s3], $0xF7A  }
0x26: {  	[smem:$0x3F9A] =	sst s1;
	(tag) =	ssettag s2;
	_ =	strace s9  }
0x27: {  	s1 =	sld [smem:$0x3FAA]  }
0x28: {  	s2 =	sld [smem:$0x3FAB]  }
0x29: {  	s4 =	sld [smem:$0x3FAD]  }
0x2a: {  	p0 =	seq.s32 s5, $0x0;
	s5 =	sld [smem:$0x3FAE]  }
0x2b: {  	s6 =	sld [smem:$0x3FAF]  }
0x2c: {  	s7 =	sld [smem:$0x3FB0]  }
0x2d: {  	s3 =	simm.s32 $0x108;
	s8 =	sld [smem:$0x3FB1]  }
0x2e: {  	s3 =	simm.s32 @!p0 $0x1082;
	s9 =	sld [smem:$0x3FB2]  }
0x2f: {  	lr =	sadd.s32 s0, s3;
	s0 =	sld [smem:$0x3FA9]  }
0x30: {  	s3 =	sld [smem:$0x3FAC]  }
0x31: {  	[smem:$0x3FB5] =	sst s10  }
0x32: {  	s10 =	sld [smem:$0x3FB3];
	_ =	sdelay $0x3  }
0x33: {  	p0 =	seq.s32 s10, $0x1;
	s10 =	sld [smem:$0x3FB5];
	_ =	sdelay $0x3  }
0x34: {  	[smem:$0x3FB5] =	sst s10  }
0x35: {  	s10 =	sld [smem:$0x3FB4];
	_ =	sdelay $0x3  }
0x36: {  	p1 =	seq.s32 s10, $0x1;
	s10 =	sld [smem:$0x3FB5];
	_ =	sdelay $0x3  }
0x37: {  	[smem:$0x3FB5] =	sst s10  }
0x38: {  	s10 =	sld [smem:$0x3FB6]  }
0x39: {  	_ = 	snop;
	(pc) =	sbr.ind lr, $3  }
0x3a: {  	_ = 	snop  }
0x3b: {  	_ = 	snop  }
0x3c: {  	p2 =	seq.s32 s10, $0x1;
	s10 =	sld [smem:$0x3FB5]  }
0x3d: {  	_ =	shalt  }
0x3e: {  	_ =	shalt  }
0x3f: {  	_ =	shalt  }
0x40: {  	_ =	shalt  }
0x41: {  	_ =	shalt  }
0x42: {  	_ =	shalt  }
0x43: {  	_ =	shalt  }
0x44: {  	_ =	shalt  }
0x45: {  	_ =	shalt  }
0x46: {  	_ =	shalt  }
0x47: {  	_ =	shalt  }
0x48: {  	_ =	shalt  }
0x49: {  	_ =	shalt  }
0x4a: {  	_ =	shalt  }
0x4b: {  	_ =	shalt  }
0x4c: {  	_ =	shalt  }
0x4d: {  	_ =	shalt  }
0x4e: {  	_ =	shalt  }
0x4f: {  	_ =	shalt  }
0x50: {  	_ =	shalt  }
0x51: {  	_ =	shalt  }
0x52: {  	_ =	shalt  }
0x53: {  	_ =	shalt  }
0x54: {  	_ =	shalt  }
0x55: {  	_ =	shalt  }
0x56: {  	_ =	shalt  }
0x57: {  	_ =	shalt  }
0x58: {  	_ =	shalt  }
0x59: {  	_ =	shalt  }
0x5a: {  	_ =	shalt  }
0x5b: {  	_ =	shalt  }
0x5c: {  	_ =	shalt  }
0x5d: {  	_ =	shalt  }
0x5e: {  	_ =	shalt  }
0x5f: {  	_ =	shalt  }
0x60: {  	_ =	shalt  }
0x61: {  	_ =	shalt  }
0x62: {  	_ =	shalt  }
0x63: {  	_ =	shalt  }
0x64: {  	_ =	shalt  }
0x65: {  	_ =	shalt  }
0x66: {  	_ =	shalt  }
0x67: {  	_ =	shalt  }
0x68: {  	_ =	shalt  }
0x69: {  	_ =	shalt  }
0x6a: {  	_ =	shalt  }
0x6b: {  	_ =	shalt  }
0x6c: {  	_ =	shalt  }
0x6d: {  	_ =	shalt  }
0x6e: {  	_ =	shalt  }
0x6f: {  	_ =	shalt  }
0x70: {  	_ =	shalt  }
0x71: {  	_ =	shalt  }
0x72: {  	_ =	shalt  }
0x73: {  	_ =	shalt  }
0x74: {  	_ =	shalt  }
0x75: {  	_ =	shalt  }
0x76: {  	_ =	shalt  }
0x77: {  	_ =	shalt  }
0x78: {  	_ =	shalt  }
0x79: {  	_ =	shalt  }
0x7a: {  	_ =	shalt  }
0x7b: {  	_ =	shalt  }
0x7c: {  	_ =	shalt  }
0x7d: {  	_ =	shalt  }
0x7e: {  	_ =	shalt  }
0x7f: {  	_ =	shalt  }
0x80: {  	_ =	shalt  }
0x81: {  	_ =	shalt  }
0x82: {  	_ =	shalt  }
0x83: {  	_ =	shalt  }
0x84: {  	_ =	shalt  }
0x85: {  	_ =	shalt  }
0x86: {  	_ =	shalt  }
0x87: {  	_ =	shalt  }
.Lfunc_end0:
.L_simem_size_0:
called_computation.1_lowered:
.L_overlay_start_0:
0x88: {  	s2 =	sld [smem:$0x3FD9]  }
0x89: {  	s3 =	sld [smem:$0x3FFE];
	_ =	sdelay $0x1  }
0x8a: {  	s1 =	srdreg.scid  }
0x8b: {  	s0 =	sand.u32 $0x1, s1  }
0x8c: {  	s17 =	sshll.u32 s0, $0xA;
	s2 =	sadd.s32 s3, s2  }
0x8d: {  	s2 =	sadd.s32 s2, s17  }
0x8e: {  	[smem:$0x3FC1] =	sst s2  }
0x8f: {  	_ = 	snop  }
0x90: {  	s2 =	sld [smem:$0x3FD0];
	(tm) =	ssettm $0x1  }
0x91: {  	s18 =	sld [smem:$0x3FFB];
	_ =	sdelay $0x3  }
0x92: {  	_ =	strace s18  }
0x93: {  	s3 =	sld [smem:$0x3FFC];
	_ =	sdelay $0x3  }
0x94: {  	_ =	strace s3  }
0x95: {  	s3 =	sld [smem:$0x3FFD];
	_ =	sdelay $0x3  }
0x96: {  	_ =	strace s3  }
0x97: {  	_ =	strace $0x8FFFFFFF  }
0x98: {  	s19 =	sld [smem:$0x3FDB];
	_ =	sdelay $0x1  }
0x99: {  	s4 =	simm.s32 $_scs_section_size  }
0x9a: {  	s5 =	simm.s32 $_size__tile_overlayer_lowered;
	s6 =	simm.s32 $_tile_overlayer_lowered  }
0x9b: {  	s22 =	simm.s32 $0x1BFF;
	s21 =	sshll.u32 s6, $0x1;
	s3 =	sadd.s32 s4, s19  }
0x9c: {  	s7 =	simm.s32 $0x0;
	s20 =	sshll.u32 s5, $0x1;
	s5 =	sadd.s32 s21, s3  }
0x9d: {  	[timem:s7], [sflag:s22] =	dma.local [hbm:s5], s20  }
0x9e: {  	_ =	swait.ge [sflag:s22], s20  }
0x9f: {  	s4 =	ssub.s32 $0x0, s20;
	[sflag:s22] =	ssyncset.done $0x0  }
0xa0: {  	[sflag:s22] =	ssyncadd.s32 s4;
	_ =	sdelay $0x1  }
0xa1: {  	s23 =	simm.s32 $0x1B8B  }
0xa2: {  	_ =	swait.ge [sflag:s23], $0x1  }
0xa3: {  	[sflag:s23] =	ssyncset.done $0x0  }
0xa4: {  	s25 =	simm.s32 $0x1B8E;
	s24 =	sld [smem:$0x3FFE];
	[sflag:s23] =	ssyncadd.s32 $0xFFFFFFFF  }
0xa5: {  	s26 =	simm.s32 $execute0_lowered;
	[smem:$0x3FD2] =	sst s25  }
0xa6: {  	s5 =	sshll.u32 s26, $0x1;
	_ =	strace $0x80000049;
	[dreg:$0x1] =	wrdreg $0xFFFFFFFF  }
0xa7: {  	s28 =	simm.s32 $_size_execute0_lowered;
	s3 =	sadd.s32 s3, s5;
	[dreg:$0x0] =	wrdreg $0x0  }
0xa8: {  	s5 =	sshll.u32 s28, $0x1;
	[dreg:$0x2] =	wrdreg s3  }
0xa9: {  	[dreg:$0x3] =	wrdreg s5  }
0xaa: {  	[dreg:$0x4] =	wrdreg $0xC0  }
0xab: {  	_ =	task [dreg:s7], $0x5FFFF  }
0xac: {  	[dreg:$0x1] =	wrdreg $0xFFFFFFFF  }
0xad: {  	[dreg:$0x0] =	wrdreg $0x60  }
0xae: {  	[dreg:$0x2] =	wrdreg s24  }
0xaf: {  	[dreg:$0x3] =	wrdreg s2  }
0xb0: {  	[dreg:$0x4] =	wrdreg $0x9  }
0xb1: {  	_ =	task.clear_ibuf [dreg:s7], $0x5FFFF;
	_ =	strace $0x90000049  }
0xb2: {  	s29 =	simm.s32 $0x9;
	_ =	strace $0x8000004B  }
0xb3: {  	_ =	swait.ge [sflag:s29], $0x1  }
0xb4: {  	[sflag:s29] =	ssyncadd.s32 $0xFFFFFFFF  }
0xb5: {  	_ =	strace $0x9000004B  }
0xb6: {  	_ =	sfence  }
0xb7: {  	s30 =	sld [smem:$0x0];
	_ =	sdelay $0x2  }
0xb8: {  	s31 =	sshll.u32 s1, $0xD;
	s1 =	sshrl.u32 s1, $0x2  }
0xb9: {  	s3 =	sand.u32 $0x4000, s31;
	s1 =	sadd.s32 s1, s30  }
0xba: {  	s0 =	sor.u32 s3, s0;
	s1 =	sshll.u32 s1, $0x11  }
0xbb: {  	s0 =	sor.u32 s1, s0  }
0xbc: {  	s0 =	sadd.s32 $0x8F2B, s0  }
0xbd: {  	[sflag:s0] =	ssyncadd.remote.s32 $0x1  }
0xbe: {  	_ =	sfence.sel $0xFFFF  }
0xbf: {  	[dreg:$0x0] =	wrdreg $0xFFFFFFFF;
	(pc) =	sbr.abs _section_cstart, $3  }
0xc0: {  	[dreg:$0x1] =	wrdreg $0xFFFFFFFF  }
0xc1: {  	_ =	task.clear_ibuf [dreg:s7], $0x2FFFF;
	_ =	strace $0x9FFFFFFF  }
0xc2: {  	(tm) =	ssettm $0x7FFFFFFF  }
0xc3: {  	_ =	shalt  }
tec
execute0_lowered:
.L_overlay_start_1:
0x0: {  	(tag) =	ssettag $0x1  }
0x1: {  	s0 =	rddreg [dreg:$0x0]  }
0x2: {  	s1 =	rddreg [dreg:$0x1];
	s2 =	simm.s32 $0x0;
	s3 =	srdreg.scid  }
0x3: {  	s4 =	stileid.u32;
	s11 =	simm.s32 $0x3;
	s12 =	simm.s32 $0x100  }
0x4: {  	s13 =	simm.s32 $0x180;
	s19 =	simm.s32 $0x16180;
	s20 =	simm.s32 $0x16980  }
0x5: {  	s21 =	simm.s32 $0x17180;
	s22 =	simm.s32 $0x17980;
	s23 =	simm.s32 $0x1  }
0x6: {  	s24 =	simm.s32 $0x2;
	s25 =	simm.s32 $0x0;
	[smem:$0x7FF] =	sst s2  }
0x7: {  	s3 =	sand.u32 $0x1, s3;
	s4 =	sshll.u32 s4, $0x4;
	s8 =	sadd.s32 $0x8CC00, s0  }
0x8: {  	_ =	strace $0x8000004A;
	s5 =	sshll.u32 s3, $0x3;
	s6 =	ssub.s32 $0x2, s3  }
0x9: {  	s3 =	sadd.s32 $0x8CA00, s0;
	s4 =	sor.u32 s5, s4;
	s31 =	sshrl.u32 s6, $0x1  }
0xa: {  	v2 =	vlaneseq.u32;
	s7 =	sadd.s32 s4, s0;
	s10 =	ssub.s32 s6, s31;
	s9 =	smul.u32 $0x300, s4  }
0xb: {  	vm0 =	vmmov $0xffff;
	v1 =	vshrl.u32 v2, $0x3;
	s4 =	sadd.s32 $0x8C800, s7;
	s5 =	sadd.s32 $0x8C900, s7;
	s6 =	sadd.s32 $0x2400, s7  }
0xc: {  	v0 =	vand.u32 $0x7, v2;
	v2 =	vor.u32 $0x8, v2;
	v1 =	vmul.u32 $0x8, v1;
	s7 =	sadd.s32 $0x8CB00, s0;
	s10 =	smax.u32 s10, $0x1;
	s9 =	sadd.s32 s1, s9  }
.LBB2_1:
0xd: {  	[tilespmem:s2], [sflag:$0x3] =	stream.linear.gather [hbm4b:s4+s2], $0x40, $0x38;
	[tilespmem:$0x18180] =	vst v63  }
0xe: {  	_ =	swait.ge [sflag:s11], $0x40  }
0xf: {  	[sflag:s11] =	ssyncset.done $0x0  }
0x10: {  	s1 =	simm.s32 $0x80;
	[sflag:s11] =	ssyncadd.s32 $0xFFFFFFC0  }
0x11: {  	[tilespmem:s1], [sflag:$0x3] =	stream.linear.gather [hbm4b:s5+s2], $0x40, $0x38;
	[tilespmem:$0x18180] =	vst v63  }
0x12: {  	_ =	swait.ge [sflag:s11], $0x40  }
0x13: {  	[sflag:s11] =	ssyncset.done $0x0  }
0x14: {  	[sflag:s11] =	ssyncadd.s32 $0xFFFFFFC0  }
0x15: {  	[tilespmem:s12], [sflag:$0x3] =	stream.linear.gather [hbm4b:s6+s2], $0x40, $0x38;
	[tilespmem:$0x18180] =	vst v63  }
0x16: {  	_ =	swait.ge [sflag:s11], $0x40  }
0x17: {  	[sflag:s11] =	ssyncset.done $0x0  }
0x18: {  	[sflag:s11] =	ssyncadd.s32 $0xFFFFFFC0  }
0x19: {  	v3 =	vld [tilespmem:$0x0];
	_ =	sdelay $0x4  }
0x1a: {  	v4 =	vshrl.u32 v3, $0x3  }
0x1b: {  	v4 =	vmul.u32 $0x30, v4  }
0x1c: {  	v3 =	vand.u32 $0x7, v3  }
0x1d: {  	v3 =	vor.u32 v3, v4  }
0x1e: {  	v4 =	vperm.xlane v3, v0;
	_ =	sdelay $0x1  }
0x1f: {  	v4 =	vadd.s32 v1, v4;
	_ =	sdelay $0x3  }
0x20: {  	v3 =	vperm.xlane v3, v2  }
0x21: {  	[tilespmem:s13], [sflag:$0x1] =	stream.indirect_vreg.gather [hbm4b:s3+s2], $0x80, v4, vm0, $0xb8;
	[tilespmem:$0x18180] =	vst v63  }
0x22: {  	s0 =	simm.s32 $0x980;
	v3 =	vadd.s32 v1, v3  }
0x23: {  	[tilespmem:s0], [sflag:$0x1] =	stream.indirect_vreg.gather [hbm4b:s7+s2], $0x80, v4, vm0, $0xb8;
	[tilespmem:$0x18180] =	vst v63  }
0x24: {  	s17 =	simm.s32 $0x1180  }
0x25: {  	[tilespmem:s17], [sflag:$0x1] =	stream.indirect_vreg.gather [hbm4b:s8+s2], $0x80, v4, vm0, $0xb8;
	[tilespmem:$0x18180] =	vst v63  }
0x26: {  	s18 =	simm.s32 $0x1980  }
0x27: {  	[tilespmem:s18], [sflag:$0x1] =	stream.indirect_vreg.gather [hbm4b:s3+s2], $0x80, v3, vm0, $0xb8;
	[tilespmem:$0x18180] =	vst v63  }
0x28: {  	s26 =	simm.s32 $0x2180  }
0x29: {  	[tilespmem:s26], [sflag:$0x1] =	stream.indirect_vreg.gather [hbm4b:s7+s2], $0x80, v3, vm0, $0xb8;
	[tilespmem:$0x18180] =	vst v63  }
0x2a: {  	s14 =	simm.s32 $0x2980  }
0x2b: {  	[tilespmem:s14], [sflag:$0x1] =	stream.indirect_vreg.gather [hbm4b:s8+s2], $0x80, v3, vm0, $0xb8;
	[tilespmem:$0x18180] =	vst v63  }
0x2c: {  	v3 =	vld [tilespmem:$0x10];
	_ =	sdelay $0x4  }
0x2d: {  	v4 =	vshrl.u32 v3, $0x3  }
0x2e: {  	v4 =	vmul.u32 $0x30, v4  }
0x2f: {  	v3 =	vand.u32 $0x7, v3  }
0x30: {  	v3 =	vor.u32 v3, v4  }
0x31: {  	v4 =	vperm.xlane v3, v0;
	_ =	sdelay $0x1  }
0x32: {  	v4 =	vadd.s32 v1, v4;
	_ =	sdelay $0x3  }
0x33: {  	s15 =	simm.s32 $0x3180;
	v3 =	vperm.xlane v3, v2  }
0x34: {  	[tilespmem:s15], [sflag:$0x1] =	stream.indirect_vreg.gather [hbm4b:s3+s2], $0x80, v4, vm0, $0xb8;
	[tilespmem:$0x18180] =	vst v63  }
0x35: {  	s16 =	simm.s32 $0x3980;
	v3 =	vadd.s32 v1, v3  }
0x36: {  	[tilespmem:s16], [sflag:$0x1] =	stream.indirect_vreg.gather [hbm4b:s7+s2], $0x80, v4, vm0, $0xb8;
	[tilespmem:$0x18180] =	vst v63  }
0x37: {  	s17 =	simm.s32 $0x4180  }
0x38: {  	[tilespmem:s17], [sflag:$0x1] =	stream.indirect_vreg.gather [hbm4b:s8+s2], $0x80, v4, vm0, $0xb8;
	[tilespmem:$0x18180] =	vst v63  }
0x39: {  	s18 =	simm.s32 $0x4980  }
0x3a: {  	[tilespmem:s18], [sflag:$0x1] =	stream.indirect_vreg.gather [hbm4b:s3+s2], $0x80, v3, vm0, $0xb8;
	[tilespmem:$0x18180] =	vst v63  }
0x3b: {  	s26 =	simm.s32 $0x5180  }
0x3c: {  	[tilespmem:s26], [sflag:$0x1] =	stream.indirect_vreg.gather [hbm4b:s7+s2], $0x80, v3, vm0, $0xb8;
	[tilespmem:$0x18180] =	vst v63  }
0x3d: {  	s14 =	simm.s32 $0x5980  }
0x3e: {  	[tilespmem:s14], [sflag:$0x1] =	stream.indirect_vreg.gather [hbm4b:s8+s2], $0x80, v3, vm0, $0xb8;
	[tilespmem:$0x18180] =	vst v63  }
0x3f: {  	v3 =	vld [tilespmem:$0x20];
	_ =	sdelay $0x4  }
0x40: {  	v4 =	vshrl.u32 v3, $0x3  }
0x41: {  	v4 =	vmul.u32 $0x30, v4  }
0x42: {  	v3 =	vand.u32 $0x7, v3  }
0x43: {  	v3 =	vor.u32 v3, v4  }
0x44: {  	v4 =	vperm.xlane v3, v0;
	_ =	sdelay $0x1  }
0x45: {  	v4 =	vadd.s32 v1, v4;
	_ =	sdelay $0x3  }
0x46: {  	s15 =	simm.s32 $0x6180;
	v3 =	vperm.xlane v3, v2  }
0x47: {  	[tilespmem:s15], [sflag:$0x1] =	stream.indirect_vreg.gather [hbm4b:s3+s2], $0x80, v4, vm0, $0xb8;
	[tilespmem:$0x18180] =	vst v63  }
0x48: {  	s16 =	simm.s32 $0x6980;
	v3 =	vadd.s32 v1, v3  }
0x49: {  	[tilespmem:s16], [sflag:$0x1] =	stream.indirect_vreg.gather [hbm4b:s7+s2], $0x80, v4, vm0, $0xb8;
	[tilespmem:$0x18180] =	vst v63  }
0x4a: {  	s17 =	simm.s32 $0x7180  }
0x4b: {  	[tilespmem:s17], [sflag:$0x1] =	stream.indirect_vreg.gather [hbm4b:s8+s2], $0x80, v4, vm0, $0xb8;
	[tilespmem:$0x18180] =	vst v63  }
0x4c: {  	s18 =	simm.s32 $0x7980  }
0x4d: {  	[tilespmem:s18], [sflag:$0x1] =	stream.indirect_vreg.gather [hbm4b:s3+s2], $0x80, v3, vm0, $0xb8;
	[tilespmem:$0x18180] =	vst v63  }
0x4e: {  	s26 =	simm.s32 $0x8180  }
0x4f: {  	[tilespmem:s26], [sflag:$0x1] =	stream.indirect_vreg.gather [hbm4b:s7+s2], $0x80, v3, vm0, $0xb8;
	[tilespmem:$0x18180] =	vst v63  }
0x50: {  	s14 =	simm.s32 $0x8980  }
0x51: {  	[tilespmem:s14], [sflag:$0x1] =	stream.indirect_vreg.gather [hbm4b:s8+s2], $0x80, v3, vm0, $0xb8;
	[tilespmem:$0x18180] =	vst v63  }
0x52: {  	v3 =	vld [tilespmem:$0x30];
	_ =	sdelay $0x4  }
0x53: {  	v4 =	vshrl.u32 v3, $0x3  }
0x54: {  	v4 =	vmul.u32 $0x30, v4  }
0x55: {  	v3 =	vand.u32 $0x7, v3  }
0x56: {  	v3 =	vor.u32 v3, v4  }
0x57: {  	v4 =	vperm.xlane v3, v0;
	_ =	sdelay $0x1  }
0x58: {  	v4 =	vadd.s32 v1, v4;
	_ =	sdelay $0x3  }
0x59: {  	s15 =	simm.s32 $0x9180;
	v3 =	vperm.xlane v3, v2  }
0x5a: {  	[tilespmem:s15], [sflag:$0x1] =	stream.indirect_vreg.gather [hbm4b:s3+s2], $0x80, v4, vm0, $0xb8;
	[tilespmem:$0x18180] =	vst v63  }
0x5b: {  	s16 =	simm.s32 $0x9980;
	v3 =	vadd.s32 v1, v3  }
0x5c: {  	[tilespmem:s16], [sflag:$0x1] =	stream.indirect_vreg.gather [hbm4b:s7+s2], $0x80, v4, vm0, $0xb8;
	[tilespmem:$0x18180] =	vst v63  }
0x5d: {  	s17 =	simm.s32 $0xA180  }
0x5e: {  	[tilespmem:s17], [sflag:$0x1] =	stream.indirect_vreg.gather [hbm4b:s8+s2], $0x80, v4, vm0, $0xb8;
	[tilespmem:$0x18180] =	vst v63  }
0x5f: {  	s18 =	simm.s32 $0xA980  }
0x60: {  	[tilespmem:s18], [sflag:$0x1] =	stream.indirect_vreg.gather [hbm4b:s3+s2], $0x80, v3, vm0, $0xb8;
	[tilespmem:$0x18180] =	vst v63  }
0x61: {  	s26 =	simm.s32 $0xB180  }
0x62: {  	[tilespmem:s26], [sflag:$0x1] =	stream.indirect_vreg.gather [hbm4b:s7+s2], $0x80, v3, vm0, $0xb8;
	[tilespmem:$0x18180] =	vst v63  }
0x63: {  	s14 =	simm.s32 $0xB980  }
0x64: {  	[tilespmem:s14], [sflag:$0x1] =	stream.indirect_vreg.gather [hbm4b:s8+s2], $0x80, v3, vm0, $0xb8;
	[tilespmem:$0x18180] =	vst v63  }
0x65: {  	v3 =	vld [tilespmem:$0x80];
	_ =	sdelay $0x4  }
0x66: {  	v4 =	vshrl.u32 v3, $0x3  }
0x67: {  	v4 =	vmul.u32 $0x30, v4  }
0x68: {  	v3 =	vand.u32 $0x7, v3  }
0x69: {  	v3 =	vor.u32 v3, v4  }
0x6a: {  	v4 =	vperm.xlane v3, v0;
	_ =	sdelay $0x1  }
0x6b: {  	v4 =	vadd.s32 v1, v4;
	_ =	sdelay $0x3  }
0x6c: {  	s15 =	simm.s32 $0xC180;
	v3 =	vperm.xlane v3, v2  }
0x6d: {  	[tilespmem:s15], [sflag:$0x2] =	stream.indirect_vreg.gather [hbm4b:s3+s2], $0x80, v4, vm0, $0xb8;
	[tilespmem:$0x18180] =	vst v63  }
0x6e: {  	s16 =	simm.s32 $0xC980;
	v3 =	vadd.s32 v1, v3  }
0x6f: {  	[tilespmem:s16], [sflag:$0x2] =	stream.indirect_vreg.gather [hbm4b:s7+s2], $0x80, v4, vm0, $0xb8;
	[tilespmem:$0x18180] =	vst v63  }
0x70: {  	s17 =	simm.s32 $0xD180  }
0x71: {  	[tilespmem:s17], [sflag:$0x2] =	stream.indirect_vreg.gather [hbm4b:s8+s2], $0x80, v4, vm0, $0xb8;
	[tilespmem:$0x18180] =	vst v63  }
0x72: {  	s18 =	simm.s32 $0xD980  }
0x73: {  	[tilespmem:s18], [sflag:$0x2] =	stream.indirect_vreg.gather [hbm4b:s3+s2], $0x80, v3, vm0, $0xb8;
	[tilespmem:$0x18180] =	vst v63  }
0x74: {  	s26 =	simm.s32 $0xE180  }
0x75: {  	[tilespmem:s26], [sflag:$0x2] =	stream.indirect_vreg.gather [hbm4b:s7+s2], $0x80, v3, vm0, $0xb8;
	[tilespmem:$0x18180] =	vst v63  }
0x76: {  	s14 =	simm.s32 $0xE980  }
0x77: {  	[tilespmem:s14], [sflag:$0x2] =	stream.indirect_vreg.gather [hbm4b:s8+s2], $0x80, v3, vm0, $0xb8;
	[tilespmem:$0x18180] =	vst v63  }
0x78: {  	v3 =	vld [tilespmem:$0x90];
	_ =	sdelay $0x4  }
0x79: {  	v4 =	vshrl.u32 v3, $0x3  }
0x7a: {  	v4 =	vmul.u32 $0x30, v4  }
0x7b: {  	v3 =	vand.u32 $0x7, v3  }
0x7c: {  	v3 =	vor.u32 v3, v4  }
0x7d: {  	v4 =	vperm.xlane v3, v0;
	_ =	sdelay $0x1  }
0x7e: {  	v4 =	vadd.s32 v1, v4;
	_ =	sdelay $0x3  }
0x7f: {  	s15 =	simm.s32 $0xF180;
	v3 =	vperm.xlane v3, v2  }
0x80: {  	[tilespmem:s15], [sflag:$0x2] =	stream.indirect_vreg.gather [hbm4b:s3+s2], $0x80, v4, vm0, $0xb8;
	[tilespmem:$0x18180] =	vst v63  }
0x81: {  	s16 =	simm.s32 $0xF980;
	v3 =	vadd.s32 v1, v3  }
0x82: {  	[tilespmem:s16], [sflag:$0x2] =	stream.indirect_vreg.gather [hbm4b:s7+s2], $0x80, v4, vm0, $0xb8;
	[tilespmem:$0x18180] =	vst v63  }
0x83: {  	s17 =	simm.s32 $0x10180  }
0x84: {  	[tilespmem:s17], [sflag:$0x2] =	stream.indirect_vreg.gather [hbm4b:s8+s2], $0x80, v4, vm0, $0xb8;
	[tilespmem:$0x18180] =	vst v63  }
0x85: {  	s18 =	simm.s32 $0x10980  }
0x86: {  	[tilespmem:s18], [sflag:$0x2] =	stream.indirect_vreg.gather [hbm4b:s3+s2], $0x80, v3, vm0, $0xb8;
	[tilespmem:$0x18180] =	vst v63  }
0x87: {  	s26 =	simm.s32 $0x11180  }
0x88: {  	[tilespmem:s26], [sflag:$0x2] =	stream.indirect_vreg.gather [hbm4b:s7+s2], $0x80, v3, vm0, $0xb8;
	[tilespmem:$0x18180] =	vst v63  }
0x89: {  	s14 =	simm.s32 $0x11980  }
0x8a: {  	[tilespmem:s14], [sflag:$0x2] =	stream.indirect_vreg.gather [hbm4b:s8+s2], $0x80, v3, vm0, $0xb8;
	[tilespmem:$0x18180] =	vst v63  }
0x8b: {  	v3 =	vld [tilespmem:$0xA0];
	_ =	sdelay $0x4  }
0x8c: {  	v4 =	vshrl.u32 v3, $0x3  }
0x8d: {  	v4 =	vmul.u32 $0x30, v4  }
0x8e: {  	v3 =	vand.u32 $0x7, v3  }
0x8f: {  	v3 =	vor.u32 v3, v4  }
0x90: {  	v4 =	vperm.xlane v3, v0;
	_ =	sdelay $0x1  }
0x91: {  	v4 =	vadd.s32 v1, v4;
	_ =	sdelay $0x3  }
0x92: {  	s15 =	simm.s32 $0x12180;
	v3 =	vperm.xlane v3, v2  }
0x93: {  	[tilespmem:s15], [sflag:$0x2] =	stream.indirect_vreg.gather [hbm4b:s3+s2], $0x80, v4, vm0, $0xb8;
	[tilespmem:$0x18180] =	vst v63  }
0x94: {  	s16 =	simm.s32 $0x12980;
	v3 =	vadd.s32 v1, v3  }
0x95: {  	[tilespmem:s16], [sflag:$0x2] =	stream.indirect_vreg.gather [hbm4b:s7+s2], $0x80, v4, vm0, $0xb8;
	[tilespmem:$0x18180] =	vst v63  }
0x96: {  	s17 =	simm.s32 $0x13180  }
0x97: {  	[tilespmem:s17], [sflag:$0x2] =	stream.indirect_vreg.gather [hbm4b:s8+s2], $0x80, v4, vm0, $0xb8;
	[tilespmem:$0x18180] =	vst v63  }
0x98: {  	s18 =	simm.s32 $0x13980  }
0x99: {  	[tilespmem:s18], [sflag:$0x2] =	stream.indirect_vreg.gather [hbm4b:s3+s2], $0x80, v3, vm0, $0xb8;
	[tilespmem:$0x18180] =	vst v63  }
0x9a: {  	s26 =	simm.s32 $0x14180  }
0x9b: {  	[tilespmem:s26], [sflag:$0x2] =	stream.indirect_vreg.gather [hbm4b:s7+s2], $0x80, v3, vm0, $0xb8;
	[tilespmem:$0x18180] =	vst v63  }
0x9c: {  	s14 =	simm.s32 $0x14980  }
0x9d: {  	[tilespmem:s14], [sflag:$0x2] =	stream.indirect_vreg.gather [hbm4b:s8+s2], $0x80, v3, vm0, $0xb8;
	[tilespmem:$0x18180] =	vst v63  }
0x9e: {  	v3 =	vld [tilespmem:$0xB0];
	_ =	sdelay $0x4  }
0x9f: {  	v4 =	vshrl.u32 v3, $0x3  }
0xa0: {  	v4 =	vmul.u32 $0x30, v4  }
0xa1: {  	v3 =	vand.u32 $0x7, v3  }
0xa2: {  	v3 =	vor.u32 v3, v4  }
0xa3: {  	v4 =	vperm.xlane v3, v0;
	_ =	sdelay $0x1  }
0xa4: {  	v4 =	vadd.s32 v1, v4;
	_ =	sdelay $0x3  }
0xa5: {  	s15 =	simm.s32 $0x15180;
	v3 =	vperm.xlane v3, v2  }
0xa6: {  	[tilespmem:s15], [sflag:$0x2] =	stream.indirect_vreg.gather [hbm4b:s3+s2], $0x80, v4, vm0, $0xb8;
	[tilespmem:$0x18180] =	vst v63  }
0xa7: {  	s16 =	simm.s32 $0x15980;
	v3 =	vadd.s32 v1, v3  }
0xa8: {  	[tilespmem:s16], [sflag:$0x2] =	stream.indirect_vreg.gather [hbm4b:s7+s2], $0x80, v4, vm0, $0xb8;
	[tilespmem:$0x18180] =	vst v63  }
0xa9: {  	_ = 	snop  }
0xaa: {  	[tilespmem:s19], [sflag:$0x2] =	stream.indirect_vreg.gather [hbm4b:s8+s2], $0x80, v4, vm0, $0xb8;
	[tilespmem:$0x18180] =	vst v63  }
0xab: {  	_ = 	snop  }
0xac: {  	[tilespmem:s20], [sflag:$0x2] =	stream.indirect_vreg.gather [hbm4b:s3+s2], $0x80, v3, vm0, $0xb8;
	[tilespmem:$0x18180] =	vst v63  }
0xad: {  	_ = 	snop  }
0xae: {  	[tilespmem:s21], [sflag:$0x2] =	stream.indirect_vreg.gather [hbm4b:s7+s2], $0x80, v3, vm0, $0xb8;
	[tilespmem:$0x18180] =	vst v63  }
0xaf: {  	_ = 	snop  }
0xb0: {  	[tilespmem:s22], [sflag:$0x2] =	stream.indirect_vreg.gather [hbm4b:s8+s2], $0x80, v3, vm0, $0xb8;
	[tilespmem:$0x18180] =	vst v63  }
0xb1: {  	_ =	swait.ge [sflag:s23], $0xC000  }
0xb2: {  	[sflag:s23] =	ssyncset.done $0x0  }
0xb3: {  	s17 =	simm.s32 $0x0;
	[sflag:s23] =	ssyncadd.s32 $0xFFFF4000  }
0xb4: {  	s18 =	simm.s32 $0x0;
	s14 =	smul.u32 $0x1800, s17;
	_ =	swait.ge [sflag:s24], $0xC000  }
0xb5: {  	s0 =	sand.u32 $0x300, s18;
	[sflag:s24] =	ssyncset.done $0x0  }
0xb6: {  	s16 =	sor.u32 s0, s14;
	[sflag:s24] =	ssyncadd.s32 $0xFFFF4000  }
0xb7: {  	v3 =	vld [tilespmem:s16+$0x180]  }
0xb8: {  	v4 =	vld [tilespmem:s16+$0xC180]  }
0xb9: {  	v5 =	vld [tilespmem:s16+$0x190]  }
0xba: {  	v6 =	vld [tilespmem:s16+$0xC190]  }
0xbb: {  	v8 =	vld [tilespmem:s16+$0x1A0]  }
0xbc: {  	v9 =	vld [tilespmem:s16+$0xC1A0]  }
0xbd: {  	v10 =	vld [tilespmem:s16+$0x1B0]  }
0xbe: {  	v11 =	vld [tilespmem:s16+$0xC1B0]  }
0xbf: {  	v12 =	vld [tilespmem:s16+$0x1C0]  }
0xc0: {  	v13 =	vld [tilespmem:s16+$0xC1C0]  }
0xc1: {  	v7 =	vmov s2;
	v14 =	vld [tilespmem:s16+$0x1D0]  }
0xc2: {  	v7 =	vand.u32 $0xFFFFFFFE, v7;
	v15 =	vld [tilespmem:s16+$0xC1D0]  }
0xc3: {  	v7 =	vbroadcast v7, $0x0;
	v16 =	vld [tilespmem:s16+$0x1E0]  }
0xc4: {  	v17 =	vld [tilespmem:s16+$0xC1E0]  }
0xc5: {  	v18 =	vld [tilespmem:s16+$0x1F0]  }
0xc6: {  	v19 =	vld [tilespmem:s16+$0xC1F0]  }
0xc7: {  	v20 =	vld [tilespmem:s16+$0x580]  }
0xc8: {  	v21 =	vld [tilespmem:s16+$0xC580]  }
0xc9: {  	v7 =	vld.idx.msk [tilespmem:v7+s12+$0x0], $0xffff  }
0xca: {  	v22 =	vld [tilespmem:s16+$0x590]  }
0xcb: {  	v23 =	vld [tilespmem:s16+$0xC590]  }
0xcc: {  	v24 =	vld [tilespmem:s16+$0x5A0]  }
0xcd: {  	s1 =	sand.u32 $0x380, s1;
	s15 =	simm.s32 $0x1;
	v30 =	vld [tilespmem:s16+$0xC5E0]  }
0xce: {  	v29 =	vmov s15;
	s15 =	sor.u32 s14, s1;
	v31 =	vld [tilespmem:s16+$0x5F0]  }
0xcf: {  	v41 =	vld [tilespmem:s15+$0x1B0]  }
0xd0: {  	v42 =	vld [tilespmem:s15+$0xC1B0]  }
0xd1: {  	v43 =	vld [tilespmem:s15+$0x1C0]  }
0xd2: {  	v45 =	vld [tilespmem:s15+$0xC1C0];
	v3 =	vadd.f32 v4, v3  }
0xd3: {  	v46 =	vld [tilespmem:s15+$0xC1D0];
	v5 =	vadd.f32 v6, v5  }
0xd4: {  	v4 =	vld [tilespmem:s16+$0xC5A0];
	v8 =	vadd.f32 v9, v8;
	v3 =	vmul.f32 v3, v7  }
0xd5: {  	v6 =	vld [tilespmem:s16+$0x5B0];
	v10 =	vadd.f32 v11, v10;
	v5 =	vmul.f32 v5, v7  }
0xd6: {  	v9 =	vld [tilespmem:s16+$0xC5B0];
	[tilespmem:s16+$0x180] =	vst v3;
	v3 =	vmul.f32 v8, v7;
	v8 =	vadd.f32 v13, v12  }
0xd7: {  	v11 =	vld [tilespmem:s16+$0x5C0];
	[tilespmem:s16+$0x190] =	vst v5;
	v5 =	vmul.f32 v10, v7;
	v10 =	vadd.f32 v15, v14  }
0xd8: {  	v12 =	vld [tilespmem:s16+$0xC5C0];
	[tilespmem:s16+$0x1A0] =	vst v3;
	v3 =	vmul.f32 v8, v7;
	v8 =	vadd.f32 v17, v16  }
0xd9: {  	v13 =	vld [tilespmem:s16+$0x5D0];
	[tilespmem:s16+$0x1B0] =	vst v5;
	v5 =	vmul.f32 v10, v7;
	v10 =	vadd.f32 v19, v18  }
0xda: {  	v14 =	vld [tilespmem:s16+$0xC5D0];
	v4 =	vadd.f32 v4, v24;
	[tilespmem:s16+$0x1C0] =	vst v3;
	v3 =	vmul.f32 v8, v7;
	v8 =	vadd.f32 v21, v20  }
0xdb: {  	v15 =	vld [tilespmem:s16+$0x5E0];
	[tilespmem:s16+$0x1D0] =	vst v5;
	v5 =	vmul.f32 v10, v7;
	v10 =	vadd.f32 v23, v22  }
0xdc: {  	v4 =	vmul.f32 v4, v7;
	[tilespmem:s16+$0x1E0] =	vst v3;
	v3 =	vmul.f32 v8, v7;
	v8 =	vld [tilespmem:s16+$0xC5F0]  }
0xdd: {  	v54 =	vld [tilespmem:s15+$0x580];
	v6 =	vadd.f32 v9, v6;
	[tilespmem:s16+$0x1F0] =	vst v5;
	v5 =	vmul.f32 v10, v7  }
0xde: {  	v56 =	vld [tilespmem:s15+$0xC580];
	v9 =	vadd.f32 v12, v11;
	[tilespmem:s16+$0x5A0] =	vst v4  }
0xdf: {  	v59 =	vld [tilespmem:s15+$0x590];
	[tilespmem:s16+$0x590] =	vst v5;
	v5 =	vmul.f32 v6, v7;
	v6 =	vadd.f32 v14, v13  }
0xe0: {  	v60 =	vld [tilespmem:s15+$0xC590];
	v4 =	vmul.f32 v9, v7;
	v9 =	vadd.f32 v30, v15;
	[tilespmem:s16+$0x580] =	vst v3  }
0xe1: {  	v62 =	vld [tilespmem:s15+$0x5A0];
	[tilespmem:s16+$0x5B0] =	vst v5;
	v5 =	vmul.f32 v6, v7;
	v6 =	vadd.f32 v8, v31  }
0xe2: {  	v63 =	vld [tilespmem:s15+$0xC5A0];
	[tilespmem:s16+$0x5C0] =	vst v4;
	v4 =	vmul.f32 v9, v7  }
0xe3: {  	v18 =	vadd.f32 v42, v41;
	v41 =	vld [tilespmem:s15+$0xC5E0];
	[tilespmem:s16+$0x5D0] =	vst v5;
	v5 =	vmul.f32 v6, v7  }
0xe4: {  	s26 =	sadd.s32 $0x800, s14;
	v42 =	vld [tilespmem:s15+$0x5F0];
	[tilespmem:s16+$0x5E0] =	vst v4  }
0xe5: {  	s17 =	sor.u32 s0, s26;
	v11 =	vld [tilespmem:s15+$0xC180];
	[tilespmem:s16+$0x5F0] =	vst v5  }
0xe6: {  	v5 =	vld [tilespmem:s17+$0x180]  }
0xe7: {  	v12 =	vld [tilespmem:s17+$0xC180]  }
0xe8: {  	v13 =	vld [tilespmem:s17+$0x190]  }
0xe9: {  	v14 =	vld [tilespmem:s17+$0xC190]  }
0xea: {  	v15 =	vld [tilespmem:s17+$0x1A0]  }
0xeb: {  	v32 =	vld [tilespmem:s17+$0xC1A0]  }
0xec: {  	v33 =	vld [tilespmem:s17+$0x1B0]  }
0xed: {  	v34 =	vld [tilespmem:s17+$0xC1B0]  }
0xee: {  	v35 =	vld [tilespmem:s17+$0x1C0]  }
0xef: {  	v36 =	vld [tilespmem:s17+$0xC1C0]  }
0xf0: {  	v37 =	vld [tilespmem:s17+$0x1D0]  }
0xf1: {  	v38 =	vld [tilespmem:s17+$0xC1D0]  }
0xf2: {  	v39 =	vld [tilespmem:s17+$0x1E0]  }
0xf3: {  	v40 =	vld [tilespmem:s17+$0xC1F0];
	v5 =	vadd.f32 v12, v5  }
0xf4: {  	v12 =	vld [tilespmem:s17+$0xC1E0];
	v13 =	vadd.f32 v14, v13  }
0xf5: {  	v14 =	vld [tilespmem:s17+$0x1F0];
	v15 =	vadd.f32 v32, v15;
	v5 =	vmul.f32 v5, v7  }
0xf6: {  	v10 =	vld [tilespmem:s15+$0x180];
	v17 =	vadd.f32 v34, v33;
	v13 =	vmul.f32 v13, v7  }
0xf7: {  	v3 =	vld.idx.msk [tilespmem:v29+s12+$0x0], $0xffff;
	[tilespmem:s17+$0x180] =	vst v5;
	v5 =	vmul.f32 v15, v7;
	v15 =	vadd.f32 v36, v35  }
0xf8: {  	v9 =	vld [tilespmem:s15+$0xC190];
	v44 =	vadd.f32 v38, v37;
	[tilespmem:s17+$0x190] =	vst v13;
	v13 =	vmul.f32 v17, v7  }
0xf9: {  	v8 =	vld [tilespmem:s15+$0x190];
	v12 =	vadd.f32 v12, v39;
	[tilespmem:s17+$0x1A0] =	vst v5;
	v5 =	vmul.f32 v15, v7  }
0xfa: {  	v4 =	vld [tilespmem:s15+$0xC1A0];
	v14 =	vadd.f32 v40, v14;
	[tilespmem:s17+$0x1B0] =	vst v13;
	v13 =	vmul.f32 v44, v7  }
0xfb: {  	v6 =	vld [tilespmem:s15+$0x1A0];
	[tilespmem:s17+$0x1C0] =	vst v5;
	v5 =	vmul.f32 v12, v7  }
0xfc: {  	v33 =	vld [tilespmem:s15+$0xC1F0];
	[tilespmem:s17+$0x1D0] =	vst v13;
	v13 =	vmul.f32 v14, v7  }
0xfd: {  	s16 =	sadd.s32 $0xC00, s14;
	v15 =	vld [tilespmem:s15+$0x1D0];
	[tilespmem:s17+$0x1E0] =	vst v5  }
0xfe: {  	s18 =	sor.u32 s0, s16;
	v12 =	vld [tilespmem:s15+$0x1E0];
	[tilespmem:s17+$0x1F0] =	vst v13  }
0xff: {  	v13 =	vld [tilespmem:s18+$0x180]  }
0x100: {  	v47 =	vld [tilespmem:s18+$0xC180]  }
0x101: {  	v48 =	vld [tilespmem:s18+$0x190]  }
0x102: {  	v49 =	vld [tilespmem:s18+$0xC190]  }
0x103: {  	v50 =	vld [tilespmem:s18+$0x1A0]  }
0x104: {  	v25 =	vld [tilespmem:s18+$0xC1A0]  }
0x105: {  	v26 =	vld [tilespmem:s18+$0x1B0]  }
0x106: {  	v27 =	vld [tilespmem:s18+$0xC1B0]  }
0x107: {  	v28 =	vld [tilespmem:s18+$0x1C0]  }
0x108: {  	v10 =	vadd.f32 v11, v10;
	v29 =	vld [tilespmem:s18+$0xC1C0]  }
0x109: {  	v8 =	vadd.f32 v9, v8;
	v30 =	vld [tilespmem:s18+$0x1D0]  }
0x10a: {  	v10 =	vmul.f32 v10, v3;
	v4 =	vadd.f32 v4, v6;
	v31 =	vld [tilespmem:s18+$0xC1D0]  }
0x10b: {  	v8 =	vmul.f32 v8, v3;
	v32 =	vld [tilespmem:s18+$0x1E0]  }
0x10c: {  	[tilespmem:s15+$0x180] =	vst v10;
	v4 =	vmul.f32 v4, v3;
	v52 =	vld [tilespmem:s18+$0x1F0];
	v13 =	vadd.f32 v47, v13  }
0x10d: {  	[tilespmem:s15+$0x190] =	vst v8;
	v8 =	vmul.f32 v18, v3;
	v53 =	vld [tilespmem:s18+$0xC1F0];
	v21 =	vadd.f32 v49, v48  }
0x10e: {  	[tilespmem:s15+$0x1A0] =	vst v4;
	v51 =	vld [tilespmem:s18+$0xC1E0];
	v26 =	vadd.f32 v27, v26;
	v13 =	vmul.f32 v13, v7  }
0x10f: {  	[tilespmem:s15+$0x1B0] =	vst v8;
	v14 =	vld [tilespmem:s15+$0xC1E0];
	v23 =	vadd.f32 v25, v50;
	v21 =	vmul.f32 v21, v7  }
0x110: {  	v34 =	vld [tilespmem:s15+$0x5B0];
	v58 =	vadd.f32 v31, v30;
	v57 =	vmul.f32 v26, v7;
	[tilespmem:s18+$0x180] =	vst v13  }
0x111: {  	v10 =	vadd.f32 v45, v43;
	v39 =	vld [tilespmem:s15+$0x5C0];
	v55 =	vadd.f32 v29, v28;
	v13 =	vmul.f32 v23, v7;
	[tilespmem:s18+$0x190] =	vst v21  }
0x112: {  	v40 =	vld [tilespmem:s15+$0xC5C0];
	v22 =	vadd.f32 v53, v52;
	v61 =	vmul.f32 v58, v7;
	[tilespmem:s18+$0x1B0] =	vst v57  }
0x113: {  	v4 =	vmul.f32 v10, v3;
	v5 =	vld [tilespmem:s15+$0x1F0];
	v17 =	vadd.f32 v51, v32;
	[tilespmem:s18+$0x1A0] =	vst v13;
	v13 =	vmul.f32 v55, v7  }
0x114: {  	v15 =	vadd.f32 v46, v15;
	v10 =	vadd.f32 v14, v12;
	v12 =	vld [tilespmem:s15+$0x5D0];
	v32 =	vmul.f32 v22, v7;
	[tilespmem:s18+$0x1D0] =	vst v61  }
0x115: {  	v14 =	vld [tilespmem:s15+$0xC5D0];
	[tilespmem:s18+$0x1C0] =	vst v13;
	v13 =	vmul.f32 v17, v7  }
0x116: {  	s17 =	sadd.s32 $0x1000, s14;
	v8 =	vmul.f32 v15, v3;
	v15 =	vld [tilespmem:s15+$0x5E0];
	[tilespmem:s18+$0x1F0] =	vst v32  }
0x117: {  	s28 =	sor.u32 s0, s17;
	[tilespmem:s18+$0x1E0] =	vst v13;
	v13 =	vld [tilespmem:s15+$0xC5B0]  }
0x118: {  	v21 =	vld [tilespmem:s28+$0x180]  }
0x119: {  	v35 =	vld [tilespmem:s28+$0xC180]  }
0x11a: {  	v36 =	vld [tilespmem:s28+$0x190]  }
0x11b: {  	v5 =	vadd.f32 v33, v5;
	v37 =	vld [tilespmem:s28+$0xC190]  }
0x11c: {  	[tilespmem:s15+$0x1C0] =	vst v4;
	v4 =	vmul.f32 v10, v3;
	v10 =	vadd.f32 v56, v54;
	v11 =	vld [tilespmem:s28+$0x1A0]  }
0x11d: {  	[tilespmem:s15+$0x1D0] =	vst v8;
	v5 =	vmul.f32 v5, v3;
	v9 =	vld [tilespmem:s28+$0xC1A0]  }
0x11e: {  	v8 =	vadd.f32 v60, v59;
	[tilespmem:s15+$0x1E0] =	vst v4;
	v4 =	vmul.f32 v10, v3;
	v10 =	vadd.f32 v63, v62;
	v6 =	vld [tilespmem:s28+$0x1B0]  }
0x11f: {  	v16 =	vadd.f32 v40, v39;
	[tilespmem:s15+$0x1F0] =	vst v5;
	v38 =	vld [tilespmem:s28+$0x1C0]  }
0x120: {  	v5 =	vmul.f32 v8, v3;
	[tilespmem:s15+$0x580] =	vst v4;
	v4 =	vmul.f32 v10, v3;
	v8 =	vadd.f32 v13, v34;
	v13 =	vld [tilespmem:s15+$0xC5F0]  }
0x121: {  	v12 =	vadd.f32 v14, v12;
	v10 =	vld [tilespmem:s28+$0xC1C0]  }
0x122: {  	v14 =	vmul.f32 v16, v3;
	v15 =	vadd.f32 v41, v15;
	[tilespmem:s15+$0x5A0] =	vst v4;
	v4 =	vld [tilespmem:s28+$0xC1D0]  }
0x123: {  	v12 =	vmul.f32 v12, v3;
	v43 =	vld [tilespmem:s28+$0xC1E0]  }
0x124: {  	[tilespmem:s15+$0x5C0] =	vst v14;
	v14 =	vmul.f32 v15, v3;
	v15 =	vld [tilespmem:s28+$0x1F0]  }
0x125: {  	[tilespmem:s15+$0x5D0] =	vst v12;
	v12 =	vld [tilespmem:s28+$0xC1F0];
	v13 =	vadd.f32 v13, v42  }
0x126: {  	[tilespmem:s15+$0x590] =	vst v5;
	v44 =	vld [tilespmem:s28+$0xC1B0];
	v5 =	vmul.f32 v8, v3  }
0x127: {  	[tilespmem:s15+$0x5E0] =	vst v14;
	v8 =	vld [tilespmem:s28+$0x1D0];
	v13 =	vmul.f32 v13, v3  }
0x128: {  	s18 =	sor.u32 s1, s26;
	[tilespmem:s15+$0x5B0] =	vst v5;
	v5 =	vld [tilespmem:s28+$0x1E0]  }
0x129: {  	v14 =	vld [tilespmem:s18+$0x1B0];
	[tilespmem:s15+$0x5F0] =	vst v13  }
0x12a: {  	v13 =	vld [tilespmem:s18+$0x180]  }
0x12b: {  	v45 =	vld [tilespmem:s18+$0xC180]  }
0x12c: {  	v46 =	vld [tilespmem:s18+$0x190]  }
0x12d: {  	v47 =	vadd.f32 v35, v21;
	v48 =	vld [tilespmem:s18+$0xC190]  }
0x12e: {  	v49 =	vadd.f32 v37, v36;
	v50 =	vld [tilespmem:s18+$0x1A0]  }
0x12f: {  	v9 =	vadd.f32 v9, v11;
	v20 =	vmul.f32 v47, v7;
	v11 =	vld [tilespmem:s18+$0xC1A0]  }
0x130: {  	v10 =	vadd.f32 v10, v38;
	v22 =	vmul.f32 v49, v7;
	v51 =	vld [tilespmem:s18+$0xC1B0]  }
0x131: {  	v9 =	vmul.f32 v9, v7;
	[tilespmem:s28+$0x180] =	vst v20;
	v4 =	vadd.f32 v4, v8;
	v8 =	vld [tilespmem:s18+$0x1C0]  }
0x132: {  	v6 =	vadd.f32 v44, v6;
	v10 =	vmul.f32 v10, v7;
	[tilespmem:s28+$0x190] =	vst v22;
	v52 =	vld [tilespmem:s18+$0xC1C0]  }
0x133: {  	[tilespmem:s28+$0x1A0] =	vst v9;
	v9 =	vadd.f32 v12, v15;
	v4 =	vmul.f32 v4, v7;
	v12 =	vld [tilespmem:s18+$0x1D0]  }
0x134: {  	v6 =	vmul.f32 v6, v7;
	[tilespmem:s28+$0x1C0] =	vst v10;
	v5 =	vadd.f32 v43, v5;
	v10 =	vld [tilespmem:s18+$0xC1D0]  }
0x135: {  	v15 =	vld [tilespmem:s18+$0xC1E0];
	[tilespmem:s28+$0x1D0] =	vst v4;
	v4 =	vmul.f32 v9, v7;
	v9 =	vadd.f32 v45, v13  }
0x136: {  	[tilespmem:s28+$0x1B0] =	vst v6;
	v5 =	vmul.f32 v5, v7;
	v13 =	vld [tilespmem:s18+$0x1E0]  }
0x137: {  	s15 =	sadd.s32 $0x1400, s14;
	[tilespmem:s28+$0x1F0] =	vst v4;
	v6 =	vadd.f32 v51, v14;
	v14 =	vld [tilespmem:s18+$0xC1F0];
	v4 =	vmul.f32 v9, v3;
	v9 =	vadd.f32 v11, v50  }
0x138: {  	s14 =	sor.u32 s0, s15;
	[tilespmem:s28+$0x1E0] =	vst v5;
	v5 =	vadd.f32 v48, v46;
	v11 =	vld [tilespmem:s18+$0x1F0]  }
0x139: {  	v37 =	vld [tilespmem:s14+$0x1F0];
	v8 =	vadd.f32 v52, v8;
	[tilespmem:s18+$0x180] =	vst v4;
	v4 =	vmul.f32 v9, v3  }
0x13a: {  	v38 =	vld [tilespmem:s14+$0xC1F0];
	v5 =	vmul.f32 v5, v3  }
0x13b: {  	v16 =	vld [tilespmem:s14+$0xC1A0];
	[tilespmem:s18+$0x1A0] =	vst v4;
	v4 =	vmul.f32 v8, v3;
	v8 =	vadd.f32 v15, v13  }
0x13c: {  	v18 =	vld [tilespmem:s14+$0x1B0];
	[tilespmem:s18+$0x190] =	vst v5;
	v5 =	vmul.f32 v6, v3;
	v9 =	vadd.f32 v10, v12  }
0x13d: {  	v24 =	vld [tilespmem:s14+$0xC1B0];
	[tilespmem:s18+$0x1C0] =	vst v4;
	v4 =	vmul.f32 v8, v3;
	v8 =	vadd.f32 v14, v11  }
0x13e: {  	v20 =	vld [tilespmem:s14+$0x1C0];
	[tilespmem:s18+$0x1B0] =	vst v5;
	v5 =	vmul.f32 v9, v3  }
0x13f: {  	v27 =	vld [tilespmem:s14+$0xC1C0];
	[tilespmem:s18+$0x1E0] =	vst v4;
	v4 =	vmul.f32 v8, v3  }
0x140: {  	s26 =	sor.u32 s1, s16;
	v25 =	vld [tilespmem:s14+$0x1D0];
	[tilespmem:s18+$0x1D0] =	vst v5  }
0x141: {  	v5 =	vld [tilespmem:s26+$0x1B0];
	[tilespmem:s18+$0x1F0] =	vst v4  }
0x142: {  	v4 =	vld [tilespmem:s26+$0x180]  }
0x143: {  	v8 =	vld [tilespmem:s26+$0xC180]  }
0x144: {  	v9 =	vld [tilespmem:s26+$0x190]  }
0x145: {  	v10 =	vld [tilespmem:s26+$0xC190]  }
0x146: {  	v11 =	vld [tilespmem:s26+$0x1A0]  }
0x147: {  	v53 =	vld [tilespmem:s26+$0xC1A0]  }
0x148: {  	v54 =	vld [tilespmem:s26+$0xC1B0]  }
0x149: {  	v55 =	vld [tilespmem:s26+$0x1C0]  }
0x14a: {  	v56 =	vld [tilespmem:s26+$0xC1C0]  }
0x14b: {  	v57 =	vld [tilespmem:s26+$0x1D0]  }
0x14c: {  	v58 =	vld [tilespmem:s26+$0xC1D0]  }
0x14d: {  	v4 =	vadd.f32 v8, v4;
	v8 =	vld [tilespmem:s26+$0x1E0]  }
0x14e: {  	v9 =	vadd.f32 v10, v9;
	v10 =	vld [tilespmem:s26+$0xC1E0]  }
0x14f: {  	v59 =	vld [tilespmem:s26+$0x1F0];
	v11 =	vadd.f32 v53, v11;
	v4 =	vmul.f32 v4, v3  }
0x150: {  	v60 =	vld [tilespmem:s26+$0xC1F0];
	v5 =	vadd.f32 v54, v5;
	v9 =	vmul.f32 v9, v3  }
0x151: {  	v30 =	vld [tilespmem:s14+$0xC1D0];
	[tilespmem:s26+$0x180] =	vst v4;
	v4 =	vmul.f32 v11, v3;
	v11 =	vadd.f32 v56, v55  }
0x152: {  	v6 =	vld [tilespmem:s14+$0x180];
	v5 =	vmul.f32 v5, v3;
	[tilespmem:s26+$0x190] =	vst v9  }
0x153: {  	v12 =	vld [tilespmem:s14+$0x190];
	v9 =	vadd.f32 v58, v57;
	v8 =	vadd.f32 v10, v8;
	[tilespmem:s26+$0x1A0] =	vst v4;
	v4 =	vmul.f32 v11, v3  }
0x154: {  	v13 =	vld [tilespmem:s14+$0xC180];
	[tilespmem:s26+$0x1B0] =	vst v5  }
0x155: {  	v15 =	vld [tilespmem:s14+$0xC190];
	v5 =	vmul.f32 v9, v3;
	v9 =	vadd.f32 v60, v59;
	[tilespmem:s26+$0x1C0] =	vst v4;
	v4 =	vmul.f32 v8, v3  }
0x156: {  	v14 =	vld [tilespmem:s14+$0x1A0]  }
0x157: {  	v8 =	vld [tilespmem:s14+$0x1E0];
	[tilespmem:s26+$0x1E0] =	vst v4;
	v4 =	vmul.f32 v9, v3  }
0x158: {  	s16 =	sor.u32 s1, s17;
	[tilespmem:s26+$0x1D0] =	vst v5;
	v9 =	vld [tilespmem:s14+$0xC1E0]  }
0x159: {  	v17 =	vld [tilespmem:s16+$0x1B0];
	[tilespmem:s26+$0x1F0] =	vst v4  }
0x15a: {  	v35 =	vld [tilespmem:s16+$0x180]  }
0x15b: {  	v36 =	vld [tilespmem:s16+$0xC180]  }
0x15c: {  	v33 =	vld [tilespmem:s16+$0x190]  }
0x15d: {  	v34 =	vld [tilespmem:s16+$0xC190]  }
0x15e: {  	v31 =	vld [tilespmem:s16+$0x1A0]  }
0x15f: {  	v32 =	vld [tilespmem:s16+$0xC1A0]  }
0x160: {  	v29 =	vld [tilespmem:s16+$0xC1B0]  }
0x161: {  	v26 =	vld [tilespmem:s16+$0x1C0]  }
0x162: {  	v28 =	vld [tilespmem:s16+$0xC1C0]  }
0x163: {  	v21 =	vld [tilespmem:s16+$0x1D0]  }
0x164: {  	v23 =	vld [tilespmem:s16+$0xC1D0]  }
0x165: {  	s26 =	simm.s32 $0x0;
	v19 =	vld [tilespmem:s16+$0x1E0]  }
0x166: {  	s17 =	simm.s32 $0x100;
	v22 =	vld [tilespmem:s16+$0xC1E0];
	s30 =	smul.u32 $0x1800, s26  }
0x167: {  	s31 =	sand.u32 $0x300, s17;
	v10 =	vld [tilespmem:s16+$0x1F0]  }
0x168: {  	v11 =	vld [tilespmem:s16+$0xC1F0];
	s17 =	sor.u32 s31, s30  }
0x169: {  	v4 =	vld [tilespmem:s17+$0x180]  }
0x16a: {  	v39 =	vld [tilespmem:s17+$0xC180]  }
0x16b: {  	v40 =	vld [tilespmem:s17+$0x190]  }
0x16c: {  	v41 =	vld [tilespmem:s17+$0xC190]  }
0x16d: {  	v42 =	vld [tilespmem:s17+$0x1A0]  }
0x16e: {  	v43 =	vld [tilespmem:s17+$0xC1A0]  }
0x16f: {  	v44 =	vld [tilespmem:s17+$0x1B0]  }
0x170: {  	v45 =	vld [tilespmem:s17+$0xC1B0]  }
0x171: {  	v46 =	vld [tilespmem:s17+$0x1C0]  }
0x172: {  	s18 =	simm.s32 $0x2;
	v47 =	vld [tilespmem:s17+$0xC1C0]  }
0x173: {  	v5 =	vmov s18;
	v48 =	vld [tilespmem:s17+$0x1D0]  }
0x174: {  	v5 =	vand.u32 $0xFFFFFFFE, v5;
	v49 =	vld [tilespmem:s17+$0xC1D0]  }
0x175: {  	v5 =	vbroadcast v5, $0x0;
	v50 =	vld [tilespmem:s17+$0x1E0]  }
0x176: {  	v51 =	vld [tilespmem:s17+$0xC1E0]  }
0x177: {  	v52 =	vld [tilespmem:s17+$0x1F0]  }
0x178: {  	v53 =	vld [tilespmem:s17+$0xC1F0]  }
0x179: {  	v54 =	vld [tilespmem:s17+$0x580]  }
0x17a: {  	v55 =	vld [tilespmem:s17+$0xC580]  }
0x17b: {  	v5 =	vld.idx.msk [tilespmem:v5+s12+$0x0], $0xffff  }
0x17c: {  	v56 =	vld [tilespmem:s17+$0x590]  }
0x17d: {  	v57 =	vld [tilespmem:s17+$0xC590]  }
0x17e: {  	v37 =	vadd.f32 v38, v37;
	v38 =	vld [tilespmem:s17+$0x5A0]  }
0x17f: {  	v4 =	vadd.f32 v39, v4;
	v39 =	vld [tilespmem:s17+$0xC5A0]  }
0x180: {  	v37 =	vmul.f32 v37, v7;
	v40 =	vadd.f32 v41, v40;
	v41 =	vld [tilespmem:s17+$0x5B0]  }
0x181: {  	v42 =	vadd.f32 v43, v42;
	v43 =	vld [tilespmem:s17+$0xC5B0];
	v62 =	vadd.f32 v45, v44;
	v4 =	vmul.f32 v4, v5  }
0x182: {  	[tilespmem:s14+$0x1F0] =	vst v37;
	v44 =	vld [tilespmem:s17+$0x5C0];
	v61 =	vmul.f32 v40, v5  }
0x183: {  	v63 =	vadd.f32 v47, v46;
	v45 =	vld [tilespmem:s17+$0xC5C0];
	v58 =	vmul.f32 v62, v5;
	[tilespmem:s17+$0x180] =	vst v4  }
0x184: {  	v59 =	vadd.f32 v49, v48;
	v46 =	vld [tilespmem:s17+$0x5D0];
	v4 =	vmul.f32 v42, v5;
	[tilespmem:s17+$0x190] =	vst v61  }
0x185: {  	v60 =	vadd.f32 v51, v50;
	v48 =	vld [tilespmem:s17+$0xC5D0];
	v42 =	vmul.f32 v63, v5;
	[tilespmem:s17+$0x1B0] =	vst v58  }
0x186: {  	v49 =	vld [tilespmem:s17+$0x5E0];
	v62 =	vadd.f32 v53, v52;
	v61 =	vmul.f32 v59, v5;
	[tilespmem:s17+$0x1A0] =	vst v4  }
0x187: {  	s29 =	simm.s32 $0x180;
	v54 =	vadd.f32 v55, v54;
	v50 =	vld [tilespmem:s17+$0xC5E0];
	v63 =	vmul.f32 v60, v5;
	[tilespmem:s17+$0x1C0] =	vst v42  }
0x188: {  	s28 =	sand.u32 $0x380, s29;
	v55 =	vmul.f32 v62, v5;
	v58 =	vadd.f32 v57, v56;
	v59 =	vld [tilespmem:s17+$0x5F0];
	[tilespmem:s17+$0x1D0] =	vst v61  }
0x189: {  	s0 =	sor.u32 s30, s28;
	v60 =	vmul.f32 v54, v5;
	v38 =	vadd.f32 v39, v38;
	[tilespmem:s17+$0x1E0] =	vst v63;
	v61 =	vld [tilespmem:s17+$0xC5F0]  }
0x18a: {  	v6 =	vadd.f32 v13, v6;
	v13 =	vld [tilespmem:s0+$0x1A0];
	v62 =	vadd.f32 v43, v41;
	[tilespmem:s17+$0x1F0] =	vst v55;
	v40 =	vmul.f32 v58, v5  }
0x18b: {  	v12 =	vadd.f32 v15, v12;
	s26 =	simm.s32 $0x3;
	v15 =	vld [tilespmem:s0+$0xC1A0];
	[tilespmem:s17+$0x580] =	vst v60;
	v63 =	vadd.f32 v45, v44;
	v38 =	vmul.f32 v38, v5  }
0x18c: {  	v52 =	vld [tilespmem:s0+$0x180];
	v53 =	vadd.f32 v48, v46;
	v4 =	vmov s26;
	v37 =	vmul.f32 v62, v5;
	[tilespmem:s17+$0x590] =	vst v40  }
0x18d: {  	v54 =	vld [tilespmem:s0+$0xC180];
	v55 =	vadd.f32 v50, v49;
	v41 =	vmul.f32 v63, v5;
	[tilespmem:s17+$0x5A0] =	vst v38  }
0x18e: {  	v56 =	vld [tilespmem:s0+$0x190];
	v40 =	vmul.f32 v53, v5;
	[tilespmem:s17+$0x5B0] =	vst v37;
	v57 =	vadd.f32 v61, v59  }
0x18f: {  	v58 =	vld [tilespmem:s0+$0xC190];
	v38 =	vmul.f32 v55, v5;
	[tilespmem:s17+$0x5C0] =	vst v41  }
0x190: {  	v60 =	vld [tilespmem:s0+$0xC1B0];
	[tilespmem:s17+$0x5D0] =	vst v40;
	v37 =	vmul.f32 v57, v5  }
0x191: {  	v14 =	vadd.f32 v16, v14;
	v6 =	vmul.f32 v6, v7;
	s18 =	sadd.s32 $0x800, s30;
	v4 =	vld.idx.msk [tilespmem:v4+s12+$0x0], $0xffff;
	[tilespmem:s17+$0x5E0] =	vst v38  }
0x192: {  	v18 =	vadd.f32 v24, v18;
	v12 =	vmul.f32 v12, v7;
	v59 =	vld [tilespmem:s0+$0x1B0];
	[tilespmem:s17+$0x5F0] =	vst v37;
	s17 =	sor.u32 s31, s18  }
0x193: {  	[tilespmem:s14+$0x180] =	vst v6;
	v6 =	vmul.f32 v14, v7;
	v14 =	vadd.f32 v27, v20;
	v61 =	vld [tilespmem:s17+$0x180]  }
0x194: {  	[tilespmem:s14+$0x190] =	vst v12;
	v12 =	vmul.f32 v18, v7;
	v62 =	vadd.f32 v30, v25;
	v63 =	vld [tilespmem:s17+$0xC180]  }
0x195: {  	[tilespmem:s14+$0x1A0] =	vst v6;
	v6 =	vmul.f32 v14, v7;
	v14 =	vadd.f32 v36, v35;
	v37 =	vld [tilespmem:s17+$0x190]  }
0x196: {  	[tilespmem:s14+$0x1B0] =	vst v12;
	v12 =	vmul.f32 v62, v7;
	v38 =	vadd.f32 v34, v33;
	v40 =	vld [tilespmem:s17+$0xC190]  }
0x197: {  	[tilespmem:s14+$0x1C0] =	vst v6;
	v6 =	vmul.f32 v14, v3;
	v14 =	vadd.f32 v32, v31;
	v41 =	vld [tilespmem:s17+$0x1A0]  }
0x198: {  	v17 =	vadd.f32 v29, v17;
	[tilespmem:s14+$0x1D0] =	vst v12;
	v12 =	vmul.f32 v38, v3;
	v45 =	vld [tilespmem:s17+$0xC1A0]  }
0x199: {  	[tilespmem:s16+$0x180] =	vst v6;
	v6 =	vmul.f32 v14, v3;
	v14 =	vadd.f32 v28, v26;
	v46 =	vld [tilespmem:s17+$0x1B0]  }
0x19a: {  	v47 =	vadd.f32 v23, v21;
	[tilespmem:s16+$0x190] =	vst v12;
	v12 =	vmul.f32 v17, v3;
	v48 =	vld [tilespmem:s17+$0xC1B0]  }
0x19b: {  	[tilespmem:s16+$0x1A0] =	vst v6;
	v6 =	vmul.f32 v14, v3;
	v14 =	vadd.f32 v22, v19;
	v49 =	vld [tilespmem:s17+$0x1C0]  }
0x19c: {  	v50 =	vadd.f32 v54, v52;
	v51 =	vld [tilespmem:s17+$0xC1C0];
	[tilespmem:s16+$0x1B0] =	vst v12;
	v12 =	vmul.f32 v47, v3  }
0x19d: {  	[tilespmem:s16+$0x1C0] =	vst v6;
	v6 =	vmul.f32 v14, v3;
	v14 =	vadd.f32 v58, v56;
	v52 =	vld [tilespmem:s17+$0x1D0]  }
0x19e: {  	v13 =	vadd.f32 v15, v13;
	v15 =	vld [tilespmem:s17+$0xC1D0];
	[tilespmem:s16+$0x1D0] =	vst v12;
	v12 =	vmul.f32 v50, v4  }
0x19f: {  	[tilespmem:s16+$0x1E0] =	vst v6;
	v6 =	vmul.f32 v14, v4;
	v14 =	vadd.f32 v60, v59;
	v53 =	vld [tilespmem:s17+$0x1E0]  }
0x1a0: {  	v54 =	vld [tilespmem:s17+$0xC1E0];
	[tilespmem:s0+$0x180] =	vst v12;
	v12 =	vmul.f32 v13, v4;
	v13 =	vadd.f32 v63, v61  }
0x1a1: {  	v56 =	vld [tilespmem:s17+$0x1F0];
	[tilespmem:s0+$0x190] =	vst v6;
	v14 =	vmul.f32 v14, v4;
	v55 =	vadd.f32 v40, v37  }
0x1a2: {  	v57 =	vld [tilespmem:s17+$0xC1F0];
	[tilespmem:s0+$0x1A0] =	vst v12;
	v12 =	vmul.f32 v13, v5;
	v13 =	vadd.f32 v45, v41  }
0x1a3: {  	v11 =	vadd.f32 v11, v10;
	v10 =	vld [tilespmem:s0+$0x1F0];
	[tilespmem:s0+$0x1B0] =	vst v14;
	v58 =	vadd.f32 v48, v46;
	v14 =	vmul.f32 v55, v5  }
0x1a4: {  	v59 =	vld [tilespmem:s0+$0x1C0];
	[tilespmem:s17+$0x180] =	vst v12;
	v12 =	vmul.f32 v13, v5;
	v13 =	vadd.f32 v51, v49  }
0x1a5: {  	v60 =	vld [tilespmem:s0+$0xC1C0];
	v15 =	vadd.f32 v15, v52;
	[tilespmem:s17+$0x190] =	vst v14;
	v14 =	vmul.f32 v58, v5  }
0x1a6: {  	v62 =	vld [tilespmem:s0+$0xC1D0];
	[tilespmem:s17+$0x1A0] =	vst v12;
	v12 =	vmul.f32 v13, v5;
	v13 =	vadd.f32 v54, v53  }
0x1a7: {  	v61 =	vld [tilespmem:s0+$0x1D0];
	[tilespmem:s17+$0x1B0] =	vst v14;
	v14 =	vmul.f32 v15, v5;
	v15 =	vadd.f32 v57, v56  }
0x1a8: {  	v8 =	vadd.f32 v9, v8;
	v63 =	vld [tilespmem:s0+$0x1E0];
	[tilespmem:s17+$0x1C0] =	vst v12;
	v9 =	vmul.f32 v13, v5  }
0x1a9: {  	s26 =	sor.u32 s1, s15;
	v13 =	vld [tilespmem:s0+$0xC1E0];
	[tilespmem:s17+$0x1D0] =	vst v14;
	v12 =	vmul.f32 v15, v5  }
0x1aa: {  	s1 =	sadd.s32 $0xC00, s30;
	v7 =	vmul.f32 v8, v7;
	v6 =	vld [tilespmem:s26+$0x1B0];
	v8 =	vadd.f32 v60, v59;
	[tilespmem:s17+$0x1E0] =	vst v9  }
0x1ab: {  	v9 =	vmul.f32 v11, v3;
	[tilespmem:s17+$0x1F0] =	vst v12;
	s17 =	sor.u32 s31, s1;
	v11 =	vld [tilespmem:s0+$0xC1F0]  }
0x1ac: {  	[tilespmem:s14+$0x1E0] =	vst v7;
	v14 =	vadd.f32 v62, v61;
	v12 =	vmul.f32 v8, v4;
	v7 =	vld [tilespmem:s17+$0x180]  }
0x1ad: {  	v8 =	vld [tilespmem:s17+$0x190];
	[tilespmem:s16+$0x1F0] =	vst v9  }
0x1ae: {  	s15 =	sor.u32 s28, s18;
	s14 =	sor.u32 s28, s1;
	s1 =	simm.s32 $0x4;
	v9 =	vld [tilespmem:s17+$0xC180];
	[tilespmem:s0+$0x1C0] =	vst v12;
	v12 =	vmul.f32 v14, v4;
	v13 =	vadd.f32 v13, v63  }
.LBB2_2:
0x1af: {  	p0 =	slt.u32 s1, $0x3E;
	v14 =	vld [tilespmem:s17+$0xC190]  }
0x1b0: {  	v15 =	vld [tilespmem:s17+$0x1A0];
	[tilespmem:s0+$0x1D0] =	vst v12;
	v12 =	vmul.f32 v13, v4;
	v10 =	vadd.f32 v11, v10  }
0x1b1: {  	v11 =	vld [tilespmem:s17+$0xC1A0]  }
0x1b2: {  	v13 =	vld [tilespmem:s17+$0x1B0];
	[tilespmem:s0+$0x1E0] =	vst v12;
	v10 =	vmul.f32 v10, v4  }
0x1b3: {  	v12 =	vld [tilespmem:s17+$0xC1B0]  }
0x1b4: {  	v16 =	vld [tilespmem:s17+$0x1C0];
	[tilespmem:s0+$0x1F0] =	vst v10  }
0x1b5: {  	v10 =	vld [tilespmem:s17+$0xC1C0]  }
0x1b6: {  	v17 =	vld [tilespmem:s17+$0x1D0]  }
0x1b7: {  	v18 =	vld [tilespmem:s17+$0xC1D0]  }
0x1b8: {  	v19 =	vld [tilespmem:s17+$0x1E0]  }
0x1b9: {  	v7 =	vadd.f32 v9, v7;
	v9 =	vld [tilespmem:s17+$0xC1E0]  }
0x1ba: {  	v8 =	vadd.f32 v14, v8;
	v14 =	vld [tilespmem:s17+$0x1F0]  }
0x1bb: {  	v7 =	vmul.f32 v7, v5;
	v11 =	vadd.f32 v11, v15;
	v15 =	vld [tilespmem:s17+$0xC1F0]  }
0x1bc: {  	v8 =	vmul.f32 v8, v5;
	v12 =	vadd.f32 v12, v13;
	v13 =	vld [tilespmem:s0+$0x580]  }
0x1bd: {  	v10 =	vadd.f32 v10, v16;
	[tilespmem:s17+$0x180] =	vst v7;
	v7 =	vmul.f32 v11, v5;
	v11 =	vld [tilespmem:s0+$0xC580]  }
0x1be: {  	[tilespmem:s17+$0x190] =	vst v8;
	v8 =	vmul.f32 v12, v5;
	v12 =	vadd.f32 v18, v17;
	v16 =	vld [tilespmem:s0+$0x590]  }
0x1bf: {  	v9 =	vadd.f32 v9, v19;
	[tilespmem:s17+$0x1A0] =	vst v7;
	v7 =	vmul.f32 v10, v5;
	v10 =	vld [tilespmem:s0+$0xC590]  }
0x1c0: {  	[tilespmem:s17+$0x1B0] =	vst v8;
	v8 =	vmul.f32 v12, v5;
	v12 =	vadd.f32 v15, v14;
	v14 =	vld [tilespmem:s0+$0x5A0]  }
0x1c1: {  	[tilespmem:s17+$0x1C0] =	vst v7;
	v7 =	vmul.f32 v9, v5;
	v9 =	vld [tilespmem:s0+$0xC5A0]  }
0x1c2: {  	s16 =	sadd.s32 $0x1000, s30;
	[tilespmem:s17+$0x1D0] =	vst v8;
	v8 =	vmul.f32 v12, v5;
	v11 =	vadd.f32 v11, v13;
	v12 =	vld [tilespmem:s0+$0x5B0]  }
0x1c3: {  	s18 =	sor.u32 s31, s16;
	s16 =	sor.u32 s28, s16;
	[tilespmem:s17+$0x1E0] =	vst v7;
	v7 =	vld [tilespmem:s0+$0xC5B0]  }
0x1c4: {  	[tilespmem:s17+$0x1F0] =	vst v8;
	v8 =	vld [tilespmem:s18+$0x180];
	v11 =	vmul.f32 v11, v4;
	v10 =	vadd.f32 v10, v16  }
0x1c5: {  	v13 =	vld [tilespmem:s18+$0xC180]  }
0x1c6: {  	v15 =	vld [tilespmem:s18+$0x190];
	[tilespmem:s0+$0x580] =	vst v11;
	v10 =	vmul.f32 v10, v4;
	v9 =	vadd.f32 v9, v14  }
0x1c7: {  	v11 =	vld [tilespmem:s18+$0xC190]  }
0x1c8: {  	v14 =	vld [tilespmem:s18+$0x1A0];
	[tilespmem:s0+$0x590] =	vst v10;
	v9 =	vmul.f32 v9, v4;
	v7 =	vadd.f32 v7, v12  }
0x1c9: {  	v10 =	vld [tilespmem:s18+$0xC1A0]  }
0x1ca: {  	v12 =	vld [tilespmem:s18+$0x1B0];
	[tilespmem:s0+$0x5A0] =	vst v9;
	v7 =	vmul.f32 v7, v4  }
0x1cb: {  	v9 =	vld [tilespmem:s18+$0x1C0]  }
0x1cc: {  	v16 =	vld [tilespmem:s18+$0xC1C0];
	[tilespmem:s0+$0x5B0] =	vst v7  }
0x1cd: {  	v7 =	vld [tilespmem:s18+$0x1D0]  }
0x1ce: {  	v17 =	vld [tilespmem:s18+$0xC1D0]  }
0x1cf: {  	v18 =	vld [tilespmem:s18+$0x1E0]  }
0x1d0: {  	v19 =	vld [tilespmem:s18+$0xC1E0]  }
0x1d1: {  	v8 =	vadd.f32 v13, v8;
	v13 =	vld [tilespmem:s18+$0x1F0]  }
0x1d2: {  	v11 =	vadd.f32 v11, v15;
	v15 =	vld [tilespmem:s18+$0xC1F0]  }
0x1d3: {  	v8 =	vmul.f32 v8, v5;
	v10 =	vadd.f32 v10, v14;
	v14 =	vld [tilespmem:s18+$0xC1B0]  }
0x1d4: {  	v11 =	vmul.f32 v11, v5;
	v9 =	vadd.f32 v16, v9;
	v16 =	vld [tilespmem:s0+$0x5C0]  }
0x1d5: {  	v7 =	vadd.f32 v17, v7;
	[tilespmem:s18+$0x180] =	vst v8;
	v8 =	vmul.f32 v10, v5;
	v10 =	vld [tilespmem:s0+$0xC5C0]  }
0x1d6: {  	v9 =	vmul.f32 v9, v5;
	[tilespmem:s18+$0x190] =	vst v11;
	v11 =	vadd.f32 v19, v18;
	v17 =	vld [tilespmem:s0+$0x5D0]  }
0x1d7: {  	v7 =	vmul.f32 v7, v5;
	[tilespmem:s18+$0x1A0] =	vst v8;
	v8 =	vadd.f32 v15, v13;
	v13 =	vld [tilespmem:s0+$0xC5D0]  }
0x1d8: {  	v12 =	vadd.f32 v14, v12;
	[tilespmem:s18+$0x1C0] =	vst v9;
	v9 =	vmul.f32 v11, v5;
	v11 =	vld [tilespmem:s0+$0x5E0]  }
0x1d9: {  	[tilespmem:s18+$0x1D0] =	vst v7;
	v7 =	vmul.f32 v8, v5;
	v8 =	vld [tilespmem:s0+$0xC5E0]  }
0x1da: {  	s17 =	sadd.s32 $0x1400, s30;
	v12 =	vmul.f32 v12, v5;
	[tilespmem:s18+$0x1E0] =	vst v9;
	v9 =	vadd.f32 v10, v16;
	v10 =	vld [tilespmem:s0+$0x5F0]  }
0x1db: {  	s30 =	sor.u32 s31, s17;
	s17 =	sor.u32 s28, s17;
	[tilespmem:s18+$0x1F0] =	vst v7;
	v7 =	vld [tilespmem:s0+$0xC5F0]  }
0x1dc: {  	[tilespmem:s18+$0x1B0] =	vst v12;
	v12 =	vld [tilespmem:s30+$0x1F0];
	v9 =	vmul.f32 v9, v4;
	v13 =	vadd.f32 v13, v17  }
0x1dd: {  	v14 =	vld [tilespmem:s30+$0xC1F0]  }
0x1de: {  	v15 =	vld [tilespmem:s30+$0x180];
	[tilespmem:s0+$0x5C0] =	vst v9;
	v9 =	vmul.f32 v13, v4;
	v8 =	vadd.f32 v8, v11  }
0x1df: {  	v11 =	vld [tilespmem:s30+$0xC180]  }
0x1e0: {  	v13 =	vld [tilespmem:s30+$0x190];
	[tilespmem:s0+$0x5D0] =	vst v9;
	v8 =	vmul.f32 v8, v4;
	v7 =	vadd.f32 v7, v10  }
0x1e1: {  	v9 =	vld [tilespmem:s30+$0xC190]  }
0x1e2: {  	v10 =	vld [tilespmem:s30+$0x1A0];
	v12 =	vadd.f32 v14, v12;
	[tilespmem:s0+$0x5E0] =	vst v8;
	v7 =	vmul.f32 v7, v4  }
0x1e3: {  	v8 =	vld [tilespmem:s15+$0x1B0]  }
0x1e4: {  	v11 =	vadd.f32 v11, v15;
	v14 =	vld [tilespmem:s30+$0xC1A0];
	v12 =	vmul.f32 v12, v5;
	[tilespmem:s0+$0x5F0] =	vst v7  }
0x1e5: {  	v7 =	vld [tilespmem:s15+$0x180]  }
0x1e6: {  	v11 =	vmul.f32 v11, v5;
	v9 =	vadd.f32 v9, v13;
	[tilespmem:s30+$0x1F0] =	vst v12;
	v12 =	vld [tilespmem:s15+$0xC180]  }
0x1e7: {  	v13 =	vld [tilespmem:s15+$0x190]  }
0x1e8: {  	[tilespmem:s30+$0x180] =	vst v11;
	v9 =	vmul.f32 v9, v5;
	v11 =	vld [tilespmem:s15+$0xC190]  }
0x1e9: {  	v10 =	vadd.f32 v14, v10;
	v14 =	vld [tilespmem:s15+$0x1A0]  }
0x1ea: {  	[tilespmem:s30+$0x190] =	vst v9;
	v9 =	vld [tilespmem:s15+$0xC1A0]  }
0x1eb: {  	v10 =	vmul.f32 v10, v5;
	v7 =	vadd.f32 v12, v7;
	v12 =	vld [tilespmem:s15+$0xC1B0]  }
0x1ec: {  	v15 =	vld [tilespmem:s15+$0x1C0]  }
0x1ed: {  	[tilespmem:s30+$0x1A0] =	vst v10;
	v7 =	vmul.f32 v7, v4;
	v10 =	vadd.f32 v11, v13;
	v11 =	vld [tilespmem:s15+$0xC1C0]  }
0x1ee: {  	v13 =	vld [tilespmem:s15+$0x1D0]  }
0x1ef: {  	[tilespmem:s15+$0x180] =	vst v7;
	v7 =	vmul.f32 v10, v4;
	v9 =	vadd.f32 v9, v14;
	v10 =	vld [tilespmem:s15+$0xC1D0]  }
0x1f0: {  	v8 =	vadd.f32 v12, v8;
	v12 =	vld [tilespmem:s15+$0x1E0]  }
0x1f1: {  	[tilespmem:s15+$0x190] =	vst v7;
	v7 =	vmul.f32 v9, v4;
	v9 =	vld [tilespmem:s15+$0xC1E0]  }
0x1f2: {  	v8 =	vmul.f32 v8, v4;
	v11 =	vadd.f32 v11, v15;
	v14 =	vld [tilespmem:s15+$0x1F0]  }
0x1f3: {  	[tilespmem:s15+$0x1A0] =	vst v7;
	v7 =	vld [tilespmem:s15+$0xC1F0]  }
0x1f4: {  	v15 =	vld [tilespmem:s30+$0x1B0];
	[tilespmem:s15+$0x1B0] =	vst v8;
	v8 =	vmul.f32 v11, v4;
	v10 =	vadd.f32 v10, v13  }
0x1f5: {  	v11 =	vld [tilespmem:s30+$0xC1B0]  }
0x1f6: {  	v13 =	vld [tilespmem:s30+$0x1C0];
	[tilespmem:s15+$0x1C0] =	vst v8;
	v8 =	vmul.f32 v10, v4;
	v9 =	vadd.f32 v9, v12  }
0x1f7: {  	v10 =	vld [tilespmem:s30+$0xC1C0]  }
0x1f8: {  	v12 =	vld [tilespmem:s30+$0x1D0];
	[tilespmem:s15+$0x1D0] =	vst v8;
	v8 =	vmul.f32 v9, v4;
	v7 =	vadd.f32 v7, v14  }
0x1f9: {  	v9 =	vld [tilespmem:s30+$0xC1D0]  }
0x1fa: {  	v11 =	vadd.f32 v11, v15;
	v14 =	vld [tilespmem:s30+$0x1E0];
	[tilespmem:s15+$0x1E0] =	vst v8;
	v7 =	vmul.f32 v7, v4  }
0x1fb: {  	v8 =	vld [tilespmem:s14+$0x1B0]  }
0x1fc: {  	v11 =	vmul.f32 v11, v5;
	v10 =	vadd.f32 v10, v13;
	v13 =	vld [tilespmem:s30+$0xC1E0];
	[tilespmem:s15+$0x1F0] =	vst v7  }
0x1fd: {  	v7 =	vld [tilespmem:s14+$0x180]  }
0x1fe: {  	[tilespmem:s30+$0x1B0] =	vst v11;
	v10 =	vmul.f32 v10, v5;
	v9 =	vadd.f32 v9, v12;
	v11 =	vld [tilespmem:s14+$0xC180]  }
0x1ff: {  	v12 =	vld [tilespmem:s14+$0x190]  }
0x200: {  	[tilespmem:s30+$0x1C0] =	vst v10;
	v9 =	vmul.f32 v9, v5;
	v10 =	vld [tilespmem:s14+$0xC190]  }
0x201: {  	v13 =	vadd.f32 v13, v14;
	v14 =	vld [tilespmem:s14+$0x1A0]  }
0x202: {  	[tilespmem:s30+$0x1D0] =	vst v9;
	v9 =	vld [tilespmem:s14+$0xC1A0]  }
0x203: {  	v5 =	vmul.f32 v13, v5;
	v7 =	vadd.f32 v11, v7;
	v11 =	vld [tilespmem:s14+$0xC1B0]  }
0x204: {  	v13 =	vld [tilespmem:s14+$0x1C0]  }
0x205: {  	[tilespmem:s30+$0x1E0] =	vst v5;
	v5 =	vmul.f32 v7, v4;
	v7 =	vadd.f32 v10, v12;
	v10 =	vld [tilespmem:s14+$0xC1C0]  }
0x206: {  	v12 =	vld [tilespmem:s14+$0x1D0]  }
0x207: {  	[tilespmem:s14+$0x180] =	vst v5;
	v5 =	vmul.f32 v7, v4;
	v7 =	vadd.f32 v9, v14;
	v9 =	vld [tilespmem:s14+$0xC1D0]  }
0x208: {  	v8 =	vadd.f32 v11, v8;
	v11 =	vld [tilespmem:s14+$0x1E0]  }
0x209: {  	[tilespmem:s14+$0x190] =	vst v5;
	v5 =	vmul.f32 v7, v4;
	v7 =	vld [tilespmem:s14+$0xC1E0]  }
0x20a: {  	v8 =	vmul.f32 v8, v4;
	v10 =	vadd.f32 v10, v13;
	v13 =	vld [tilespmem:s14+$0x1F0]  }
0x20b: {  	[tilespmem:s14+$0x1A0] =	vst v5;
	v5 =	vld [tilespmem:s14+$0xC1F0]  }
0x20c: {  	[tilespmem:s14+$0x1B0] =	vst v8;
	v8 =	vmul.f32 v10, v4;
	v9 =	vadd.f32 v9, v12;
	v10 =	vld [tilespmem:s26+$0x180]  }
0x20d: {  	v12 =	vld [tilespmem:s26+$0xC180]  }
0x20e: {  	[tilespmem:s14+$0x1C0] =	vst v8;
	v8 =	vmul.f32 v9, v4;
	v7 =	vadd.f32 v7, v11;
	v9 =	vld [tilespmem:s26+$0x190]  }
0x20f: {  	v11 =	vld [tilespmem:s26+$0xC190]  }
0x210: {  	[tilespmem:s14+$0x1D0] =	vst v8;
	v7 =	vmul.f32 v7, v4;
	v5 =	vadd.f32 v5, v13;
	v8 =	vld [tilespmem:s26+$0x1A0]  }
0x211: {  	v13 =	vld [tilespmem:s26+$0xC1A0]  }
0x212: {  	[tilespmem:s14+$0x1E0] =	vst v7;
	v5 =	vmul.f32 v5, v4;
	v7 =	vadd.f32 v12, v10;
	v10 =	vld [tilespmem:s26+$0xC1B0]  }
0x213: {  	v12 =	vld [tilespmem:s16+$0x1B0]  }
0x214: {  	[tilespmem:s14+$0x1F0] =	vst v5;
	v5 =	vmul.f32 v7, v3;
	v7 =	vadd.f32 v11, v9;
	v9 =	vld [tilespmem:s26+$0x1C0]  }
0x215: {  	v11 =	vld [tilespmem:s16+$0x180]  }
0x216: {  	v14 =	vld [tilespmem:s16+$0xC180];
	[tilespmem:s26+$0x180] =	vst v5;
	v5 =	vmul.f32 v7, v3;
	v7 =	vadd.f32 v13, v8  }
0x217: {  	v8 =	vld [tilespmem:s16+$0x190];
	v6 =	vadd.f32 v10, v6  }
0x218: {  	v10 =	vld [tilespmem:s16+$0xC190];
	[tilespmem:s26+$0x190] =	vst v5;
	v5 =	vmul.f32 v7, v3  }
0x219: {  	v7 =	vld [tilespmem:s16+$0x1A0];
	v6 =	vmul.f32 v6, v3  }
0x21a: {  	v13 =	vld [tilespmem:s16+$0xC1A0];
	[tilespmem:s26+$0x1A0] =	vst v5  }
0x21b: {  	v5 =	vadd.f32 v14, v11;
	v11 =	vld [tilespmem:s16+$0xC1B0];
	[tilespmem:s26+$0x1B0] =	vst v6  }
0x21c: {  	v6 =	vld [tilespmem:s16+$0x1C0]  }
0x21d: {  	v5 =	vmul.f32 v5, v4;
	v8 =	vadd.f32 v10, v8;
	v10 =	vld [tilespmem:s16+$0xC1C0]  }
0x21e: {  	v14 =	vld [tilespmem:s16+$0x1D0]  }
0x21f: {  	[tilespmem:s16+$0x180] =	vst v5;
	v5 =	vmul.f32 v8, v4;
	v7 =	vadd.f32 v13, v7;
	v8 =	vld [tilespmem:s16+$0xC1D0]  }
0x220: {  	v11 =	vadd.f32 v11, v12;
	v12 =	vld [tilespmem:s16+$0x1E0]  }
0x221: {  	[tilespmem:s16+$0x190] =	vst v5;
	v5 =	vmul.f32 v7, v4;
	v7 =	vld [tilespmem:s16+$0xC1E0]  }
0x222: {  	v11 =	vmul.f32 v11, v4;
	v6 =	vadd.f32 v10, v6;
	v10 =	vld [tilespmem:s16+$0x1F0]  }
0x223: {  	[tilespmem:s16+$0x1A0] =	vst v5;
	v5 =	vld [tilespmem:s16+$0xC1F0]  }
0x224: {  	[tilespmem:s16+$0x1B0] =	vst v11;
	v6 =	vmul.f32 v6, v4;
	v8 =	vadd.f32 v8, v14;
	v11 =	vld [tilespmem:s26+$0xC1C0]  }
0x225: {  	v13 =	vld [tilespmem:s26+$0x1D0]  }
0x226: {  	s0 =	sadd.s32 $0x1, s1;
	[tilespmem:s16+$0x1C0] =	vst v6;
	v6 =	vmul.f32 v8, v4;
	v7 =	vadd.f32 v7, v12;
	v8 =	vld [tilespmem:s26+$0xC1D0]  }
0x227: {  	v12 =	vmov s0;
	v14 =	vld [tilespmem:s26+$0x1E0]  }
0x228: {  	[tilespmem:s16+$0x1D0] =	vst v6;
	v6 =	vmul.f32 v7, v4;
	v5 =	vadd.f32 v5, v10;
	v7 =	vld [tilespmem:s26+$0xC1E0]  }
0x229: {  	s29 =	sadd.s32 $0x100, s29;
	s0 =	sshrl.u32 s1, $0x3;
	v9 =	vadd.f32 v11, v9;
	v10 =	vld [tilespmem:s26+$0x1F0]  }
0x22a: {  	s28 =	sand.u32 $0x380, s29;
	s30 =	smul.u32 $0x1800, s0;
	s0 =	sadd.s32 $0xFFFFFF80, s29;
	[tilespmem:s16+$0x1E0] =	vst v6;
	v5 =	vmul.f32 v5, v4;
	v11 =	vld [tilespmem:s26+$0xC1F0]  }
0x22b: {  	s31 =	sand.u32 $0x300, s0;
	v6 =	vld [tilespmem:s17+$0x1B0];
	v9 =	vmul.f32 v9, v3;
	v8 =	vadd.f32 v8, v13  }
0x22c: {  	s14 =	sor.u32 s31, s30;
	s0 =	sor.u32 s30, s28;
	v12 =	vld.idx.msk [tilespmem:v12+s12+$0x0], $0xffff;
	[tilespmem:s16+$0x1F0] =	vst v5  }
0x22d: {  	v13 =	vld [tilespmem:s14+$0x180];
	[tilespmem:s26+$0x1C0] =	vst v9;
	v5 =	vmul.f32 v8, v3;
	v7 =	vadd.f32 v7, v14  }
0x22e: {  	v8 =	vld [tilespmem:s14+$0xC180]  }
0x22f: {  	v9 =	vld [tilespmem:s14+$0x190];
	[tilespmem:s26+$0x1D0] =	vst v5;
	v5 =	vmul.f32 v7, v3;
	v7 =	vadd.f32 v11, v10  }
0x230: {  	v10 =	vld [tilespmem:s14+$0xC190]  }
0x231: {  	v11 =	vld [tilespmem:s14+$0x1A0];
	[tilespmem:s26+$0x1E0] =	vst v5;
	v5 =	vmul.f32 v7, v3;
	v3 =	vmov v4  }
0x232: {  	v4 =	vmov v12;
	v7 =	vld [tilespmem:s14+$0xC1A0]  }
0x233: {  	v12 =	vld [tilespmem:s14+$0x1B0];
	[tilespmem:s26+$0x1F0] =	vst v5;
	s26 =	smov.u32 s17  }
0x234: {  	v14 =	vld [tilespmem:s14+$0xC1B0]  }
0x235: {  	v15 =	vld [tilespmem:s14+$0x1C0]  }
0x236: {  	v16 =	vld [tilespmem:s14+$0xC1C0]  }
0x237: {  	v5 =	vmov s1;
	v17 =	vld [tilespmem:s14+$0x1D0]  }
0x238: {  	v5 =	vand.u32 $0xFFFFFFFE, v5;
	v18 =	vld [tilespmem:s14+$0xC1D0]  }
0x239: {  	v5 =	vbroadcast v5, $0x0;
	v19 =	vld [tilespmem:s14+$0x1E0]  }
0x23a: {  	v20 =	vld [tilespmem:s14+$0xC1E0]  }
0x23b: {  	v21 =	vld [tilespmem:s14+$0x1F0]  }
0x23c: {  	v22 =	vld [tilespmem:s14+$0xC1F0]  }
0x23d: {  	v23 =	vld [tilespmem:s14+$0x580]  }
0x23e: {  	v24 =	vld [tilespmem:s14+$0xC580]  }
0x23f: {  	v5 =	vld.idx.msk [tilespmem:v5+s12+$0x0], $0xffff  }
0x240: {  	v25 =	vld [tilespmem:s14+$0x590]  }
0x241: {  	v26 =	vld [tilespmem:s14+$0xC590]  }
0x242: {  	v27 =	vld [tilespmem:s14+$0x5A0]  }
0x243: {  	v8 =	vadd.f32 v8, v13;
	v13 =	vld [tilespmem:s14+$0xC5A0]  }
0x244: {  	v9 =	vadd.f32 v10, v9;
	v10 =	vld [tilespmem:s14+$0x5B0]  }
0x245: {  	v7 =	vadd.f32 v7, v11;
	v8 =	vmul.f32 v8, v5;
	v11 =	vld [tilespmem:s14+$0xC5B0]  }
0x246: {  	v12 =	vadd.f32 v14, v12;
	v9 =	vmul.f32 v9, v5;
	v14 =	vld [tilespmem:s14+$0x5C0]  }
0x247: {  	v7 =	vmul.f32 v7, v5;
	[tilespmem:s14+$0x180] =	vst v8;
	v8 =	vadd.f32 v16, v15;
	v15 =	vld [tilespmem:s14+$0xC5C0]  }
0x248: {  	[tilespmem:s14+$0x190] =	vst v9;
	v9 =	vmul.f32 v12, v5;
	v12 =	vadd.f32 v18, v17;
	v16 =	vld [tilespmem:s14+$0x5D0]  }
0x249: {  	[tilespmem:s14+$0x1A0] =	vst v7;
	v7 =	vmul.f32 v8, v5;
	v8 =	vadd.f32 v20, v19;
	v17 =	vld [tilespmem:s14+$0xC5D0]  }
0x24a: {  	[tilespmem:s14+$0x1B0] =	vst v9;
	v9 =	vmul.f32 v12, v5;
	v12 =	vadd.f32 v22, v21;
	v18 =	vld [tilespmem:s14+$0x5E0]  }
0x24b: {  	[tilespmem:s14+$0x1C0] =	vst v7;
	v7 =	vmul.f32 v8, v5;
	v8 =	vadd.f32 v24, v23;
	v19 =	vld [tilespmem:s14+$0xC5E0]  }
0x24c: {  	[tilespmem:s14+$0x1D0] =	vst v9;
	v9 =	vmul.f32 v12, v5;
	v12 =	vadd.f32 v26, v25;
	v20 =	vld [tilespmem:s14+$0x5F0]  }
0x24d: {  	[tilespmem:s14+$0x1E0] =	vst v7;
	v7 =	vmul.f32 v8, v5;
	v8 =	vadd.f32 v13, v27;
	v13 =	vld [tilespmem:s14+$0xC5F0]  }
0x24e: {  	v10 =	vadd.f32 v11, v10;
	[tilespmem:s14+$0x1F0] =	vst v9;
	v9 =	vmul.f32 v12, v5;
	v11 =	vld [tilespmem:s0+$0x180]  }
0x24f: {  	[tilespmem:s14+$0x580] =	vst v7;
	v7 =	vmul.f32 v8, v5;
	v8 =	vadd.f32 v15, v14;
	v12 =	vld [tilespmem:s0+$0xC180]  }
0x250: {  	[tilespmem:s14+$0x590] =	vst v9;
	v9 =	vmul.f32 v10, v5;
	v10 =	vadd.f32 v17, v16;
	v14 =	vld [tilespmem:s0+$0x190]  }
0x251: {  	[tilespmem:s14+$0x5A0] =	vst v7;
	v7 =	vmul.f32 v8, v5;
	v8 =	vadd.f32 v19, v18;
	v15 =	vld [tilespmem:s0+$0xC190]  }
0x252: {  	[tilespmem:s14+$0x5B0] =	vst v9;
	v9 =	vmul.f32 v10, v5;
	v10 =	vadd.f32 v13, v20;
	v13 =	vld [tilespmem:s0+$0x1A0]  }
0x253: {  	[tilespmem:s14+$0x5C0] =	vst v7;
	v7 =	vmul.f32 v8, v5;
	v8 =	vld [tilespmem:s0+$0xC1A0]  }
0x254: {  	s15 =	sadd.s32 $0x800, s30;
	[tilespmem:s14+$0x5D0] =	vst v9;
	v9 =	vmul.f32 v10, v5;
	v10 =	vadd.f32 v12, v11;
	v11 =	vld [tilespmem:s0+$0x1B0]  }
0x255: {  	s16 =	sor.u32 s31, s15;
	s15 =	sor.u32 s28, s15;
	[tilespmem:s14+$0x5E0] =	vst v7;
	v7 =	vld [tilespmem:s0+$0xC1B0]  }
0x256: {  	[tilespmem:s14+$0x5F0] =	vst v9;
	v9 =	vld [tilespmem:s16+$0x180];
	v10 =	vmul.f32 v10, v4;
	v12 =	vadd.f32 v15, v14  }
0x257: {  	v14 =	vld [tilespmem:s16+$0xC180]  }
0x258: {  	v15 =	vld [tilespmem:s16+$0x190];
	[tilespmem:s0+$0x180] =	vst v10;
	v10 =	vmul.f32 v12, v4;
	v8 =	vadd.f32 v8, v13  }
0x259: {  	v12 =	vld [tilespmem:s16+$0xC190]  }
0x25a: {  	v13 =	vld [tilespmem:s16+$0x1A0];
	[tilespmem:s0+$0x190] =	vst v10;
	v8 =	vmul.f32 v8, v4;
	v7 =	vadd.f32 v7, v11  }
0x25b: {  	v10 =	vld [tilespmem:s16+$0xC1A0]  }
0x25c: {  	v11 =	vld [tilespmem:s16+$0x1B0];
	[tilespmem:s0+$0x1A0] =	vst v8;
	v7 =	vmul.f32 v7, v4  }
0x25d: {  	v8 =	vld [tilespmem:s16+$0xC1B0]  }
0x25e: {  	v16 =	vld [tilespmem:s16+$0x1C0];
	[tilespmem:s0+$0x1B0] =	vst v7  }
0x25f: {  	v7 =	vld [tilespmem:s16+$0xC1C0]  }
0x260: {  	v17 =	vld [tilespmem:s16+$0x1D0]  }
0x261: {  	v18 =	vld [tilespmem:s16+$0xC1D0]  }
0x262: {  	v19 =	vld [tilespmem:s16+$0x1E0]  }
0x263: {  	v9 =	vadd.f32 v14, v9;
	v14 =	vld [tilespmem:s16+$0xC1E0]  }
0x264: {  	v12 =	vadd.f32 v12, v15;
	v15 =	vld [tilespmem:s16+$0x1F0]  }
0x265: {  	v9 =	vmul.f32 v9, v5;
	v10 =	vadd.f32 v10, v13;
	v13 =	vld [tilespmem:s16+$0xC1F0]  }
0x266: {  	v12 =	vmul.f32 v12, v5;
	v8 =	vadd.f32 v8, v11;
	v11 =	vld [tilespmem:s0+$0x1C0]  }
0x267: {  	v7 =	vadd.f32 v7, v16;
	[tilespmem:s16+$0x180] =	vst v9;
	v9 =	vmul.f32 v10, v5;
	v10 =	vld [tilespmem:s0+$0xC1C0]  }
0x268: {  	v8 =	vmul.f32 v8, v5;
	[tilespmem:s16+$0x190] =	vst v12;
	v12 =	vadd.f32 v18, v17;
	v16 =	vld [tilespmem:s0+$0x1D0]  }
0x269: {  	v7 =	vmul.f32 v7, v5;
	[tilespmem:s16+$0x1A0] =	vst v9;
	v9 =	vadd.f32 v14, v19;
	v14 =	vld [tilespmem:s0+$0xC1D0]  }
0x26a: {  	[tilespmem:s16+$0x1B0] =	vst v8;
	v8 =	vmul.f32 v12, v5;
	v12 =	vadd.f32 v13, v15;
	v13 =	vld [tilespmem:s0+$0x1E0]  }
0x26b: {  	[tilespmem:s16+$0x1C0] =	vst v7;
	v7 =	vmul.f32 v9, v5;
	v15 =	vld [tilespmem:s0+$0xC1E0]  }
.Ltmp0:
0x26c: {  	s14 =	sadd.s32 $0xC00, s30;
	[tilespmem:s16+$0x1D0] =	vst v8;
	v8 =	vmul.f32 v12, v5;
	v9 =	vadd.f32 v10, v11;
	v10 =	vld [tilespmem:s0+$0x1F0];
	(pc) =	sbr.rel @p0 .LBB2_2-.Ltmp0, $4  }
0x26d: {  	s17 =	sor.u32 s31, s14;
	s14 =	sor.u32 s28, s14;
	[tilespmem:s16+$0x1E0] =	vst v7;
	v11 =	vld [tilespmem:s0+$0xC1F0]  }
0x26e: {  	[tilespmem:s16+$0x1F0] =	vst v8;
	v7 =	vld [tilespmem:s17+$0x180];
	v12 =	vmul.f32 v9, v4;
	v14 =	vadd.f32 v14, v16  }
0x26f: {  	v9 =	vld [tilespmem:s17+$0xC180]  }
0x270: {  	s1 =	sadd.s32 $0x2, s1;
	v8 =	vld [tilespmem:s17+$0x190];
	[tilespmem:s0+$0x1C0] =	vst v12;
	v12 =	vmul.f32 v14, v4;
	v13 =	vadd.f32 v15, v13  }
0x271: {  	v14 =	vld [tilespmem:s17+$0xC190]  }
0x272: {  	v15 =	vld [tilespmem:s17+$0x1A0]  }
0x273: {  	v16 =	vld [tilespmem:s17+$0xC1A0]  }
0x274: {  	v17 =	vld [tilespmem:s17+$0x1B0]  }
0x275: {  	v18 =	vld [tilespmem:s17+$0xC1B0]  }
0x276: {  	v19 =	vld [tilespmem:s17+$0x1C0]  }
0x277: {  	v20 =	vld [tilespmem:s17+$0xC1C0]  }
0x278: {  	v21 =	vld [tilespmem:s17+$0x1D0]  }
0x279: {  	v22 =	vld [tilespmem:s17+$0xC1D0]  }
0x27a: {  	v63 =	vld [tilespmem:s17+$0x1E0]  }
0x27b: {  	v23 =	vld [tilespmem:s17+$0xC1E0]  }
0x27c: {  	v24 =	vld [tilespmem:s17+$0x1F0]  }
0x27d: {  	v26 =	vld [tilespmem:s17+$0xC1F0]  }
0x27e: {  	v28 =	vld [tilespmem:s0+$0x580]  }
0x27f: {  	v31 =	vld [tilespmem:s0+$0xC580]  }
0x280: {  	v34 =	vld [tilespmem:s0+$0x590]  }
0x281: {  	v36 =	vld [tilespmem:s0+$0xC590]  }
0x282: {  	v39 =	vld [tilespmem:s0+$0x5A0];
	v7 =	vadd.f32 v9, v7  }
0x283: {  	v41 =	vld [tilespmem:s0+$0xC5A0];
	v8 =	vadd.f32 v14, v8  }
0x284: {  	v43 =	vld [tilespmem:s0+$0x5B0];
	v7 =	vmul.f32 v7, v5;
	v25 =	vadd.f32 v16, v15  }
0x285: {  	v44 =	vld [tilespmem:s0+$0xC5B0];
	v27 =	vadd.f32 v18, v17;
	v8 =	vmul.f32 v8, v5  }
0x286: {  	v60 =	vld [tilespmem:s0+$0xC5C0];
	v30 =	vadd.f32 v20, v19;
	[tilespmem:s17+$0x180] =	vst v7;
	v29 =	vmul.f32 v25, v5  }
0x287: {  	v61 =	vld [tilespmem:s0+$0x5D0];
	v33 =	vadd.f32 v22, v21;
	v32 =	vmul.f32 v27, v5;
	[tilespmem:s17+$0x190] =	vst v8  }
0x288: {  	v62 =	vld [tilespmem:s0+$0xC5D0];
	v9 =	vadd.f32 v23, v63;
	v35 =	vmul.f32 v30, v5;
	[tilespmem:s17+$0x1A0] =	vst v29  }
0x289: {  	v38 =	vadd.f32 v26, v24;
	v23 =	vld [tilespmem:s0+$0x5C0];
	v37 =	vmul.f32 v33, v5;
	[tilespmem:s17+$0x1B0] =	vst v32  }
0x28a: {  	v63 =	vld [tilespmem:s0+$0x5E0];
	v40 =	vmul.f32 v9, v5;
	[tilespmem:s17+$0x1C0] =	vst v35  }
0x28b: {  	v42 =	vmul.f32 v38, v5;
	v25 =	vld [tilespmem:s0+$0xC5E0];
	[tilespmem:s17+$0x1D0] =	vst v37  }
0x28c: {  	s16 =	sadd.s32 $0x1000, s30;
	v27 =	vld [tilespmem:s0+$0x5F0];
	[tilespmem:s17+$0x1E0] =	vst v40  }
0x28d: {  	s18 =	sor.u32 s31, s16;
	[tilespmem:s17+$0x1F0] =	vst v42;
	v29 =	vld [tilespmem:s0+$0xC5F0]  }
0x28e: {  	v8 =	vld [tilespmem:s18+$0x180]  }
0x28f: {  	v45 =	vld [tilespmem:s18+$0xC180]  }
0x290: {  	v46 =	vld [tilespmem:s18+$0x190]  }
0x291: {  	v47 =	vld [tilespmem:s18+$0xC190]  }
0x292: {  	v10 =	vadd.f32 v11, v10;
	v48 =	vld [tilespmem:s18+$0x1A0]  }
0x293: {  	v13 =	vmul.f32 v13, v4;
	v15 =	vadd.f32 v31, v28;
	v49 =	vld [tilespmem:s18+$0xC1A0]  }
0x294: {  	[tilespmem:s0+$0x1D0] =	vst v12;
	v10 =	vmul.f32 v10, v4;
	v11 =	vadd.f32 v36, v34;
	v50 =	vld [tilespmem:s18+$0x1B0]  }
0x295: {  	[tilespmem:s0+$0x1E0] =	vst v13;
	v15 =	vmul.f32 v15, v4;
	v9 =	vadd.f32 v41, v39;
	v51 =	vld [tilespmem:s18+$0x1C0]  }
0x296: {  	[tilespmem:s0+$0x1F0] =	vst v10;
	v11 =	vmul.f32 v11, v4;
	v7 =	vadd.f32 v44, v43;
	v52 =	vld [tilespmem:s18+$0xC1C0]  }
0x297: {  	[tilespmem:s0+$0x580] =	vst v15;
	v9 =	vmul.f32 v9, v4;
	v32 =	vadd.f32 v62, v61;
	v53 =	vld [tilespmem:s18+$0x1D0]  }
0x298: {  	[tilespmem:s0+$0x590] =	vst v11;
	v7 =	vmul.f32 v7, v4;
	v57 =	vld [tilespmem:s18+$0x1F0];
	v30 =	vadd.f32 v60, v23  }
0x299: {  	v58 =	vld [tilespmem:s18+$0xC1F0];
	[tilespmem:s0+$0x5A0] =	vst v9;
	v35 =	vmul.f32 v32, v4;
	v34 =	vadd.f32 v25, v63  }
0x29a: {  	v54 =	vld [tilespmem:s18+$0xC1D0];
	[tilespmem:s0+$0x5B0] =	vst v7;
	v33 =	vmul.f32 v30, v4;
	v37 =	vadd.f32 v29, v27  }
0x29b: {  	v55 =	vld [tilespmem:s18+$0x1E0];
	[tilespmem:s0+$0x5D0] =	vst v35;
	v36 =	vmul.f32 v34, v4;
	v8 =	vadd.f32 v45, v8  }
0x29c: {  	v56 =	vld [tilespmem:s18+$0xC1E0];
	[tilespmem:s0+$0x5C0] =	vst v33;
	v38 =	vmul.f32 v37, v4  }
0x29d: {  	v59 =	vld [tilespmem:s18+$0xC1B0];
	[tilespmem:s0+$0x5E0] =	vst v36;
	v8 =	vmul.f32 v8, v5  }
0x29e: {  	v9 =	vadd.f32 v58, v57;
	v39 =	vld [tilespmem:s15+$0x1B0];
	[tilespmem:s0+$0x5F0] =	vst v38  }
0x29f: {  	[tilespmem:s18+$0x180] =	vst v8;
	v8 =	vld [tilespmem:s15+$0x180]  }
0x2a0: {  	v31 =	vmul.f32 v9, v5;
	v9 =	vld [tilespmem:s15+$0xC180]  }
0x2a1: {  	v40 =	vld [tilespmem:s15+$0x190]  }
0x2a2: {  	v41 =	vld [tilespmem:s15+$0xC190]  }
0x2a3: {  	v14 =	vadd.f32 v47, v46;
	v42 =	vld [tilespmem:s15+$0x1A0]  }
0x2a4: {  	v19 =	vadd.f32 v49, v48;
	v43 =	vld [tilespmem:s15+$0xC1A0]  }
0x2a5: {  	v16 =	vadd.f32 v52, v51;
	v14 =	vmul.f32 v14, v5;
	v44 =	vld [tilespmem:s15+$0xC1B0]  }
0x2a6: {  	v12 =	vadd.f32 v54, v53;
	v24 =	vmul.f32 v19, v5;
	v45 =	vld [tilespmem:s15+$0x1C0]  }
0x2a7: {  	v10 =	vadd.f32 v56, v55;
	v26 =	vmul.f32 v16, v5;
	[tilespmem:s18+$0x190] =	vst v14;
	v46 =	vld [tilespmem:s15+$0xC1C0]  }
0x2a8: {  	v28 =	vmul.f32 v12, v5;
	[tilespmem:s18+$0x1A0] =	vst v24;
	v47 =	vld [tilespmem:s15+$0x1D0]  }
0x2a9: {  	v7 =	vadd.f32 v59, v50;
	v10 =	vmul.f32 v10, v5;
	[tilespmem:s18+$0x1C0] =	vst v26;
	v48 =	vld [tilespmem:s15+$0xC1D0]  }
0x2aa: {  	[tilespmem:s18+$0x1D0] =	vst v28;
	v50 =	vld [tilespmem:s15+$0x1E0]  }
0x2ab: {  	v7 =	vmul.f32 v7, v5;
	[tilespmem:s18+$0x1E0] =	vst v10;
	v51 =	vld [tilespmem:s15+$0xC1E0]  }
0x2ac: {  	s29 =	sadd.s32 $0x1400, s30;
	[tilespmem:s18+$0x1F0] =	vst v31;
	v52 =	vld [tilespmem:s15+$0x1F0]  }
0x2ad: {  	s1 =	sor.u32 s31, s29;
	[tilespmem:s18+$0x1B0] =	vst v7;
	v54 =	vld [tilespmem:s15+$0xC1F0]  }
0x2ae: {  	v7 =	vld [tilespmem:s1+$0x1F0]  }
0x2af: {  	v11 =	vld [tilespmem:s1+$0x190]  }
0x2b0: {  	v13 =	vld [tilespmem:s1+$0x1A0]  }
0x2b1: {  	v15 =	vld [tilespmem:s1+$0xC1A0]  }
0x2b2: {  	v14 =	vld [tilespmem:s1+$0x1B0];
	v8 =	vadd.f32 v9, v8  }
0x2b3: {  	v17 =	vld [tilespmem:s1+$0xC1B0];
	v10 =	vadd.f32 v41, v40  }
0x2b4: {  	v16 =	vld [tilespmem:s1+$0x1C0];
	v49 =	vadd.f32 v43, v42;
	v9 =	vmul.f32 v8, v4  }
0x2b5: {  	v18 =	vld [tilespmem:s1+$0xC1C0];
	v53 =	vadd.f32 v44, v39;
	v10 =	vmul.f32 v10, v4  }
0x2b6: {  	v28 =	vld [tilespmem:s1+$0x1D0];
	v55 =	vadd.f32 v46, v45;
	v12 =	vmul.f32 v49, v4;
	[tilespmem:s15+$0x180] =	vst v9  }
0x2b7: {  	v29 =	vld [tilespmem:s1+$0xC1D0];
	v57 =	vadd.f32 v48, v47;
	v56 =	vmul.f32 v53, v4;
	[tilespmem:s15+$0x190] =	vst v10  }
0x2b8: {  	v59 =	vadd.f32 v51, v50;
	v43 =	vld [tilespmem:s26+$0x180];
	v58 =	vmul.f32 v55, v4;
	[tilespmem:s15+$0x1A0] =	vst v12  }
0x2b9: {  	v62 =	vadd.f32 v54, v52;
	v44 =	vld [tilespmem:s26+$0xC180];
	v60 =	vmul.f32 v57, v4;
	[tilespmem:s15+$0x1B0] =	vst v56  }
0x2ba: {  	v45 =	vld [tilespmem:s26+$0x190];
	v61 =	vmul.f32 v59, v4;
	[tilespmem:s15+$0x1C0] =	vst v58  }
0x2bb: {  	v47 =	vld [tilespmem:s26+$0xC190];
	v19 =	vmul.f32 v62, v4;
	[tilespmem:s15+$0x1D0] =	vst v60  }
0x2bc: {  	v50 =	vld [tilespmem:s26+$0xC1A0];
	[tilespmem:s15+$0x1E0] =	vst v61  }
0x2bd: {  	v63 =	vld [tilespmem:s14+$0x1B0];
	[tilespmem:s15+$0x1F0] =	vst v19  }
0x2be: {  	v19 =	vld [tilespmem:s14+$0x180]  }
0x2bf: {  	v30 =	vld [tilespmem:s14+$0xC180]  }
0x2c0: {  	v31 =	vld [tilespmem:s14+$0x190]  }
0x2c1: {  	v32 =	vld [tilespmem:s14+$0xC190]  }
0x2c2: {  	v24 =	vld [tilespmem:s14+$0x1A0]  }
0x2c3: {  	v25 =	vld [tilespmem:s14+$0xC1A0]  }
0x2c4: {  	v33 =	vld [tilespmem:s14+$0xC1B0]  }
0x2c5: {  	v26 =	vld [tilespmem:s14+$0x1C0]  }
0x2c6: {  	v27 =	vld [tilespmem:s14+$0xC1C0]  }
0x2c7: {  	v34 =	vld [tilespmem:s14+$0x1D0]  }
0x2c8: {  	v36 =	vld [tilespmem:s14+$0xC1D0]  }
0x2c9: {  	v37 =	vld [tilespmem:s14+$0x1E0]  }
0x2ca: {  	v39 =	vld [tilespmem:s14+$0xC1E0];
	v19 =	vadd.f32 v30, v19  }
0x2cb: {  	v41 =	vld [tilespmem:s14+$0xC1F0];
	v22 =	vadd.f32 v32, v31  }
0x2cc: {  	v24 =	vadd.f32 v25, v24;
	v30 =	vld [tilespmem:s14+$0x1F0];
	v19 =	vmul.f32 v19, v4  }
0x2cd: {  	v51 =	vld [tilespmem:s26+$0xC1B0];
	v42 =	vadd.f32 v27, v26;
	v35 =	vmul.f32 v22, v4  }
0x2ce: {  	v8 =	vld [tilespmem:s1+$0xC1F0];
	v40 =	vadd.f32 v33, v63;
	v38 =	vmul.f32 v24, v4;
	[tilespmem:s14+$0x180] =	vst v19  }
0x2cf: {  	v49 =	vld [tilespmem:s26+$0x1A0];
	v22 =	vadd.f32 v36, v34;
	v21 =	vmul.f32 v42, v4;
	[tilespmem:s14+$0x190] =	vst v35  }
0x2d0: {  	v9 =	vld [tilespmem:s1+$0x180];
	v24 =	vadd.f32 v39, v37;
	[tilespmem:s14+$0x1A0] =	vst v38;
	v19 =	vmul.f32 v40, v4  }
0x2d1: {  	v10 =	vld [tilespmem:s1+$0xC180];
	v46 =	vmul.f32 v22, v4;
	[tilespmem:s14+$0x1C0] =	vst v21;
	v20 =	vadd.f32 v41, v30  }
0x2d2: {  	v12 =	vld [tilespmem:s1+$0xC190];
	v48 =	vmul.f32 v24, v4;
	[tilespmem:s14+$0x1B0] =	vst v19  }
0x2d3: {  	v23 =	vadd.f32 v44, v43;
	v44 =	vld [tilespmem:s26+$0xC1C0];
	[tilespmem:s14+$0x1D0] =	vst v46;
	v20 =	vmul.f32 v20, v4  }
0x2d4: {  	s30 =	sor.u32 s28, s16;
	v6 =	vadd.f32 v51, v6;
	v51 =	vld [tilespmem:s26+$0xC1E0];
	[tilespmem:s14+$0x1E0] =	vst v48  }
0x2d5: {  	v52 =	vld [tilespmem:s30+$0x1B0];
	[tilespmem:s14+$0x1F0] =	vst v20  }
0x2d6: {  	v53 =	vld [tilespmem:s30+$0x180]  }
0x2d7: {  	v32 =	vld [tilespmem:s30+$0xC180]  }
0x2d8: {  	v33 =	vld [tilespmem:s30+$0x190]  }
0x2d9: {  	v34 =	vld [tilespmem:s30+$0xC190]  }
0x2da: {  	v35 =	vld [tilespmem:s30+$0x1A0]  }
0x2db: {  	v36 =	vld [tilespmem:s30+$0xC1A0]  }
0x2dc: {  	v37 =	vld [tilespmem:s30+$0xC1B0]  }
0x2dd: {  	v54 =	vld [tilespmem:s30+$0x1C0]  }
0x2de: {  	v55 =	vld [tilespmem:s30+$0xC1C0]  }
0x2df: {  	v56 =	vld [tilespmem:s30+$0x1D0]  }
0x2e0: {  	v57 =	vld [tilespmem:s30+$0xC1D0]  }
0x2e1: {  	v19 =	vadd.f32 v50, v49;
	v59 =	vld [tilespmem:s30+$0x1E0]  }
0x2e2: {  	v23 =	vmul.f32 v23, v3;
	v61 =	vld [tilespmem:s30+$0xC1E0];
	v58 =	vadd.f32 v32, v53  }
0x2e3: {  	v19 =	vmul.f32 v19, v3;
	v40 =	vld [tilespmem:s30+$0xC1F0];
	v60 =	vadd.f32 v34, v33  }
0x2e4: {  	[tilespmem:s26+$0x180] =	vst v23;
	v63 =	vadd.f32 v36, v35;
	v36 =	vld [tilespmem:s30+$0x1F0];
	v62 =	vmul.f32 v58, v4  }
0x2e5: {  	v31 =	vld [tilespmem:s1+$0x1E0];
	[tilespmem:s26+$0x1A0] =	vst v19;
	v39 =	vadd.f32 v37, v52;
	v38 =	vmul.f32 v60, v4  }
0x2e6: {  	v42 =	vld [tilespmem:s1+$0xC1E0];
	v41 =	vadd.f32 v55, v54;
	v23 =	vmul.f32 v63, v4;
	[tilespmem:s30+$0x180] =	vst v62  }
0x2e7: {  	v46 =	vld [tilespmem:s26+$0x1D0];
	v21 =	vadd.f32 v57, v56;
	v43 =	vmul.f32 v39, v4;
	[tilespmem:s30+$0x190] =	vst v38  }
0x2e8: {  	v22 =	vadd.f32 v47, v45;
	v48 =	vld [tilespmem:s26+$0xC1D0];
	v45 =	vadd.f32 v61, v59;
	v19 =	vmul.f32 v41, v4;
	[tilespmem:s30+$0x1A0] =	vst v23  }
0x2e9: {  	v49 =	vld [tilespmem:s26+$0x1E0];
	v47 =	vmul.f32 v21, v4;
	[tilespmem:s30+$0x1B0] =	vst v43;
	v50 =	vadd.f32 v40, v36  }
0x2ea: {  	v20 =	vld [tilespmem:s26+$0x1C0];
	[tilespmem:s30+$0x1C0] =	vst v19;
	v23 =	vmul.f32 v45, v4  }
0x2eb: {  	v52 =	vld [tilespmem:s26+$0x1F0];
	[tilespmem:s30+$0x1D0] =	vst v47;
	v53 =	vmul.f32 v50, v4  }
0x2ec: {  	s31 =	sor.u32 s28, s29;
	v54 =	vld [tilespmem:s26+$0xC1F0];
	[tilespmem:s30+$0x1E0] =	vst v23  }
0x2ed: {  	v7 =	vadd.f32 v8, v7;
	v26 =	vld [tilespmem:s31+$0x1B0];
	[tilespmem:s30+$0x1F0] =	vst v53  }
0x2ee: {  	v6 =	vmul.f32 v6, v3;
	v9 =	vadd.f32 v10, v9;
	v55 =	vld [tilespmem:s31+$0x180]  }
0x2ef: {  	v7 =	vmul.f32 v7, v5;
	v56 =	vld [tilespmem:s31+$0xC180]  }
0x2f0: {  	[tilespmem:s26+$0x1B0] =	vst v6;
	v9 =	vmul.f32 v9, v5;
	v6 =	vadd.f32 v51, v49;
	v57 =	vld [tilespmem:s31+$0x190]  }
0x2f1: {  	v11 =	vadd.f32 v12, v11;
	[tilespmem:s1+$0x1F0] =	vst v7;
	v22 =	vmul.f32 v22, v3;
	v58 =	vld [tilespmem:s31+$0xC190]  }
0x2f2: {  	v13 =	vadd.f32 v15, v13;
	[tilespmem:s1+$0x180] =	vst v9;
	v6 =	vmul.f32 v6, v3;
	v61 =	vld [tilespmem:s31+$0x1A0]  }
0x2f3: {  	[tilespmem:s26+$0x190] =	vst v22;
	v59 =	vmul.f32 v11, v5;
	v60 =	vadd.f32 v17, v14;
	v30 =	vld [tilespmem:s31+$0xC1A0]  }
0x2f4: {  	[tilespmem:s26+$0x1E0] =	vst v6;
	v63 =	vadd.f32 v18, v16;
	v62 =	vmul.f32 v13, v5;
	v34 =	vld [tilespmem:s31+$0xC1B0]  }
0x2f5: {  	v33 =	vadd.f32 v29, v28;
	[tilespmem:s1+$0x190] =	vst v59;
	v32 =	vmul.f32 v60, v5;
	v37 =	vld [tilespmem:s31+$0x1C0]  }
0x2f6: {  	v39 =	vadd.f32 v44, v20;
	v35 =	vmul.f32 v63, v5;
	[tilespmem:s1+$0x1A0] =	vst v62;
	v40 =	vld [tilespmem:s31+$0xC1C0]  }
0x2f7: {  	v38 =	vmul.f32 v33, v5;
	v36 =	vadd.f32 v42, v31;
	[tilespmem:s1+$0x1B0] =	vst v32;
	v43 =	vld [tilespmem:s31+$0x1D0]  }
0x2f8: {  	v44 =	vmul.f32 v39, v3;
	v42 =	vadd.f32 v48, v46;
	[tilespmem:s1+$0x1C0] =	vst v35;
	v45 =	vld [tilespmem:s31+$0xC1D0]  }
0x2f9: {  	v47 =	vadd.f32 v54, v52;
	[tilespmem:s1+$0x1D0] =	vst v38;
	v41 =	vmul.f32 v36, v5;
	v48 =	vld [tilespmem:s31+$0x1E0]  }
0x2fa: {  	[tilespmem:s26+$0x1C0] =	vst v44;
	v46 =	vmul.f32 v42, v3;
	v50 =	vld [tilespmem:s31+$0xC1E0];
	v49 =	vadd.f32 v56, v55  }
0x2fb: {  	v3 =	vmul.f32 v47, v3;
	[tilespmem:s1+$0x1E0] =	vst v41;
	v52 =	vld [tilespmem:s31+$0x1F0];
	v51 =	vadd.f32 v58, v57  }
0x2fc: {  	[tilespmem:s26+$0x1D0] =	vst v46;
	v54 =	vadd.f32 v30, v61;
	v55 =	vld [tilespmem:s31+$0xC1F0];
	v53 =	vmul.f32 v49, v4  }
0x2fd: {  	[tilespmem:s26+$0x1F0] =	vst v3;
	v56 =	vadd.f32 v34, v26;
	v3 =	vmul.f32 v51, v4  }
0x2fe: {  	v58 =	vadd.f32 v40, v37;
	v57 =	vmul.f32 v54, v4;
	[tilespmem:s31+$0x180] =	vst v53  }
0x2ff: {  	v59 =	vadd.f32 v45, v43;
	[tilespmem:s31+$0x190] =	vst v3;
	v3 =	vmul.f32 v56, v4  }
0x300: {  	v61 =	vadd.f32 v50, v48;
	v60 =	vmul.f32 v58, v4;
	[tilespmem:s31+$0x1A0] =	vst v57  }
0x301: {  	v62 =	vadd.f32 v55, v52;
	[tilespmem:s31+$0x1B0] =	vst v3;
	v3 =	vmul.f32 v59, v4  }
0x302: {  	v63 =	vmul.f32 v61, v4;
	[tilespmem:s31+$0x1C0] =	vst v60  }
0x303: {  	s25 =	sadd.s32 $0x1, s25;
	[tilespmem:s31+$0x1D0] =	vst v3;
	v3 =	vmul.f32 v62, v4  }
0x304: {  	p0 =	sne.s32 s25, s10;
	[tilespmem:s31+$0x1E0] =	vst v63  }
.Ltmp1:
0x305: {  	[tilespmem:s31+$0x1F0] =	vst v3;
	(pc) =	sbr.rel @p0 .LBB2_1-.Ltmp1, $4  }
0x306: {  	[hbm4b:s9+s2] =	stream.linear.scatter [tilespmem:s13], [sflag:$0x3], $0xC000, $0x38;
	[tilespmem:$0x18180] =	vst v63  }
0x307: {  	_ =	swait.ge [sflag:s11], $0xC000  }
0x308: {  	[sflag:s11] =	ssyncset.done $0x0  }
0x309: {  	[sflag:s11] =	ssyncadd.s32 $0xFFFF4000  }
0x30a: {  	_ =	sfence.sel $0x180000  }
0x30b: {  	[bflag:$0x0] =	sbarrier.arrive $0xFFFF  }
0x30c: {  	_ =	strace $0x9000004A  }
0x30d: {  	s0 =	stileid.u32;
	[bflag:$0x2] =	sbarrier.arrive $0xFFFF  }
0x30e: {  	p0 =	sne.s32 s0, $0x0;
	s0 =	rddreg [dreg:$0x2]  }
0x30f: {  	s0 =	sadd.s32 @!p0 $0x100000, s0  }
0x310: {  	[sflag:s0] =	ssyncadd.tile.s32 @!p0 $0x1;
	_ =	shalt  }
.Lfunc_end2:
_tile_overlayer_lowered:
.L_overlay_start_2:
0x311: {  	(tag) =	ssettag $0x2  }
0x312: {  	s0 =	rddreg [dreg:$0x0];
	s2 =	stileid.u32  }
0x313: {  	s1 =	rddreg [dreg:$0x1];
	p0 =	sne.s32 s2, $0x0  }
0x314: {  	s3 =	rddreg [dreg:$0x2];
	[bflag:$0x3] =	sbarrier.arrive $0xFFFF;
	s2 =	simm.s32 @!p0 $0x1C03  }
0x315: {  	[timem:s3], [sflag:s2] =	dma.local @!p0 [hbm:s0], s1  }
0x316: {  	s0 =	simm.s32 @!p0 $0x3  }
0x317: {  	_ =	swait.ge @!p0 [sflag:s0], s1  }
0x318: {  	s1 =	ssub.s32 @!p0 $0x0, s1;
	[sflag:s0] =	ssyncset.done @!p0 $0x0  }
0x319: {  	[sflag:s0] =	ssyncadd.s32 @!p0 s1  }
0x31a: {  	[bflag:$0x3] =	sbarrier.arrive $0xFFFF  }
0x31b: {  	_ =	shalt  }

</sc_bundles>
